<compile_context>
chip_gen: v7x
topology: tpu7x:2x2x1
jax: 0.10.2.dev20260603
libtpu: 0.0.44.dev20260713+nightly
codegen_flags: <defaults>
</compile_context>

<pallas_src>
import jax
import jax.numpy as jnp
from jax import lax
from jax.experimental import pallas as pl
from jax.experimental.pallas import tpu as pltpu
from jax.experimental.pallas import tpu_sc as plsc

B = 16384
H = 26
D = 32
N = B * H
V = 100000 * H
NC, NS, L = 2, 16, 16
NW = NC * NS
CHUNK = 1024
CPW = N // (NW * CHUNK)
NPW = CPW * CHUNK
GRAN = 128
NG = CHUNK // GRAN

TBLK = 16384
TGRID = (V + TBLK - 1) // TBLK
VPAD = TGRID * TBLK


def _tc_table_format(tbl_t):
    def body(i_ref, o_ref):
        x = i_ref[...]
        for q in range(TBLK // 512):
            sq = jnp.concatenate(
                [x[:, q * 512 + a * 128:q * 512 + (a + 1) * 128]
                 for a in range(4)], axis=0)
            o_ref[pl.ds(q * 128, 128), :] = sq.T

    return pl.pallas_call(
        body,
        grid=(TGRID,),
        in_specs=[pl.BlockSpec((D, TBLK), lambda i: (0, i))],
        out_specs=pl.BlockSpec((TBLK // 4, 128), lambda i: (i, 0)),
        out_shape=jax.ShapeDtypeStruct((VPAD * D // 128, 128), jnp.float32),
    )(tbl_t)


def _tc_out_format(flat):
    SLAB = B * D // 128

    def body(i_ref, o_ref):
        x = i_ref[...]
        for q in range(B // 512):
            t = x[q * 128:(q + 1) * 128, :].T
            for a in range(4):
                for dt in range(4):
                    o_ref[pl.ds((dt * 128 + 4 * q + a) * 8, 8), :] = (
                        t[32 * a + 8 * dt:32 * a + 8 * dt + 8, :])

    return pl.pallas_call(
        body,
        grid=(H,),
        in_specs=[pl.BlockSpec((SLAB, 128), lambda h: (h, 0))],
        out_specs=pl.BlockSpec((SLAB, 128), lambda h: (h, 0)),
        out_shape=jax.ShapeDtypeStruct((H * SLAB, 128), jnp.float32),
    )(flat)


def _sc_gather(ids_hm, offs_pad, table):
    mesh = plsc.VectorSubcoreMesh(core_axis_name="c", subcore_axis_name="s")

    @pl.kernel(
        mesh=mesh,
        out_type=jax.ShapeDtypeStruct((N, D), jnp.float32),
        scratch_types=[
            pltpu.VMEM((32,), jnp.int32),
            pltpu.VMEM((NPW,), jnp.int32),
            pltpu.VMEM((NPW,), jnp.int32),
            pltpu.VMEM((CHUNK, D), jnp.float32),
            pltpu.VMEM((CHUNK, D), jnp.float32),
            pltpu.SemaphoreType.DMA,
            pltpu.SemaphoreType.DMA,
        ],
        compiler_params=pltpu.CompilerParams(
            use_tc_tiling_on_sc=False, needs_layout_passes=False),
    )
    def body(ids_hbm, off_hbm, table_hbm, out_hbm,
             offs_v, ids_v, idx_v, rows0_v, rows1_v, sem_g, sem_out):
        wid = lax.axis_index("s") * NC + lax.axis_index("c")
        wbase = wid * NPW
        pltpu.sync_copy(off_hbm, offs_v)
        pltpu.sync_copy(ids_hbm.at[pl.ds(wbase, NPW)], ids_v)

        iot = jax.lax.iota(jnp.int32, L)
        pat = ((iot & 3) << 7) | (iot >> 2)

        @pl.loop(0, NPW // L)
        def _slots(tg):
            kl = tg * L
            src = ((kl & -512) + ((kl >> 2) & 127)) + pat
            raw = plsc.load_gather(ids_v, [src])
            h = (wbase + src) >> 14
            r = raw + plsc.load_gather(offs_v, [h])
            idx_v[pl.ds(kl, L)] = (r & -512) | ((r & 127) << 2) | ((r >> 7) & 3)

        def fire_drain_store(c, rows_v):
            handles = []
            for j in range(NG):
                sl = pl.ds(c * CHUNK + j * GRAN, GRAN)
                handles.append(pltpu.make_async_copy(
                    table_hbm.at[idx_v.at[sl]],
                    rows_v.at[pl.ds(j * GRAN, GRAN), :], sem_g))
            for hd in handles:
                hd.start()
            for hd in handles:
                hd.wait()
            st = pltpu.make_async_copy(
                rows_v, out_hbm.at[pl.ds(wbase + c * CHUNK, CHUNK)], sem_out)
            st.start()
            return st

        def wait_store(rows_v):
            pltpu.make_async_copy(
                out_hbm.at[pl.ds(wbase, CHUNK)], rows_v, sem_out).wait()

        fire_drain_store(0, rows0_v)
        fire_drain_store(1, rows1_v)

        @pl.loop(2, CPW - 1, step=2)
        def _chunk(c):
            wait_store(rows0_v)
            fire_drain_store(c, rows0_v)
            wait_store(rows1_v)
            fire_drain_store(c + 1, rows1_v)

        wait_store(rows0_v)
        fire_drain_store(CPW - 1, rows0_v)
        wait_store(rows1_v)
        wait_store(rows0_v)

    return body(ids_hm, offs_pad, table)


def kernel(input_ids, offsets, table):
    tbl_lin = _tc_table_format(table.T)
    tbl_rm = tbl_lin.reshape(VPAD, D)
    ids_hm = input_ids.T.reshape(N)
    offs_pad = jnp.pad(offsets, (0, 32 - H))
    rows = _sc_gather(ids_hm, offs_pad, tbl_rm)
    fmt = _tc_out_format(rows.reshape(N * D // 128, 128))
    return fmt.reshape(H, 4, B // 128, 8, 128).transpose(
        2, 4, 0, 1, 3).reshape(B, H, D)

# --- scband reference (transcript-rebuilt; emitter-appended) ---
"""Pipeline reference for scband-multi-head-embedding-26774826123652 (READ-ONLY COPY).

The authoritative reference and input builder live on the scoring server;
editing this copy changes nothing except your own understanding.
"""

import jax, jax.numpy as jnp
import numpy as np

HEAD_SIZES = [100000] * 26
D_HEAD = 32
BATCH = 16384


def setup_inputs(seed: int = 0) -> dict:
    key = jax.random.key(seed)
    k1, k2 = jax.random.split(key)
    input_ids = jax.random.randint(k1, (BATCH, len(HEAD_SIZES)), 0, 100000, dtype=jnp.int32)
    offsets = jnp.array(np.concatenate([[0], np.cumsum(np.array(HEAD_SIZES[:-1], dtype=np.int64))]), dtype=jnp.int32)
    total = int(sum(HEAD_SIZES))
    table = jax.random.normal(k2, (total, D_HEAD), dtype=jnp.float32)
    return {"input_ids": input_ids, "offsets": offsets, "table": table}


def reference(input_ids, offsets, table):
    # shifted ids: each head's ids offset into the shared table
    shifted = input_ids + offsets[None, :]
    # embedding lookup -> [B, n_heads, d_head]
    return jnp.take(table, shifted, axis=0)

if __name__ == "__main__":
    import jax
    _d = setup_inputs()
    print(jax.jit(kernel)(*tuple(_d.values())))

</pallas_src>

<mosaic_0001>
#map = affine_map<(d0, d1) -> (0)>
#map1 = affine_map<(d0, d1) -> (0, 0)>
module attributes {stable_mosaic.version = 14 : i64} {
  func.func @body(%arg0: i32, %arg1: i32, %arg2: memref<425984xi32, #tpu.memory_space<hbm>>, %arg3: memref<32xi32, #tpu.memory_space<hbm>>, %arg4: memref<2605056x32xf32, #tpu.memory_space<hbm>>, %arg5: memref<425984x32xf32, #tpu.memory_space<hbm>>, %arg6: memref<32xi32, #tpu.memory_space<vmem>>, %arg7: memref<13312xi32, #tpu.memory_space<vmem>>, %arg8: memref<13312xi32, #tpu.memory_space<vmem>>, %arg9: memref<1024x32xf32, #tpu.memory_space<vmem>>, %arg10: memref<1024x32xf32, #tpu.memory_space<vmem>>, %arg11: memref<!tpu.dma_semaphore, #tpu.memory_space<semaphore_mem>>, %arg12: memref<!tpu.dma_semaphore, #tpu.memory_space<semaphore_mem>>) attributes {dimension_semantics = [#tpu.dimension_semantics<core_parallel>, #tpu.dimension_semantics<subcore_parallel>], iteration_bounds = array<i64: 2, 16>, scalar_prefetch = 0 : i64, scratch_operands = 7 : i64, tpu.core_type = #tpu.core_type<sc_vector_subcore>, window_params = [{transform_indices = #map}, {transform_indices = #map}, {transform_indices = #map1}, {transform_indices = #map1}]} {
    %mul3A = arith.constant 2 : i32
    %mul3A_0 = arith.muli %arg1, %mul3A : i32
    %add3A = arith.addi %mul3A_0, %arg0 : i32
    %mul3A_1 = arith.constant 13312 : i32
    %mul3A_2 = arith.muli %add3A, %mul3A_1 : i32
    "tpu.region"() ({
      %run_scoped3A = tpu.sem_alloc : memref<!tpu.dma_semaphore, #tpu.memory_space<semaphore_mem>>
      tpu.enqueue_dma source(%arg3 : memref<32xi32, #tpu.memory_space<hbm>>) target(%arg6 : memref<32xi32, #tpu.memory_space<vmem>>) target_semaphore(%run_scoped3A : memref<!tpu.dma_semaphore, #tpu.memory_space<semaphore_mem>>)
      tpu.wait_dma2 semaphore(%run_scoped3A : memref<!tpu.dma_semaphore, #tpu.memory_space<semaphore_mem>>) src(%arg3 : memref<32xi32, #tpu.memory_space<hbm>>) dst(%arg6 : memref<32xi32, #tpu.memory_space<vmem>>)
      tpu.yield
    }) : () -> ()
    "tpu.region"() ({
      %run_scoped3A = tpu.sem_alloc : memref<!tpu.dma_semaphore, #tpu.memory_space<semaphore_mem>>
      %dma_start3A_430 = tpu.memref_slice %arg2[%mul3A_2] : memref<425984xi32, #tpu.memory_space<hbm>> -> memref<13312xi32, #tpu.memory_space<hbm>>
      %dma_start3A_431 = tpu.memref_slice %arg2[%mul3A_2] : memref<425984xi32, #tpu.memory_space<hbm>> -> memref<13312xi32, #tpu.memory_space<hbm>>
      tpu.enqueue_dma source(%dma_start3A_431 : memref<13312xi32, #tpu.memory_space<hbm>>) target(%arg7 : memref<13312xi32, #tpu.memory_space<vmem>>) target_semaphore(%run_scoped3A : memref<!tpu.dma_semaphore, #tpu.memory_space<semaphore_mem>>)
      %dma_wait3A_432 = tpu.memref_slice %arg2[%mul3A_2] : memref<425984xi32, #tpu.memory_space<hbm>> -> memref<13312xi32, #tpu.memory_space<hbm>>
      %dma_wait3A_433 = tpu.memref_slice %arg2[%mul3A_2] : memref<425984xi32, #tpu.memory_space<hbm>> -> memref<13312xi32, #tpu.memory_space<hbm>>
      tpu.wait_dma2 semaphore(%run_scoped3A : memref<!tpu.dma_semaphore, #tpu.memory_space<semaphore_mem>>) src(%dma_wait3A_433 : memref<13312xi32, #tpu.memory_space<hbm>>) dst(%arg7 : memref<13312xi32, #tpu.memory_space<vmem>>)
      tpu.yield
    }) : () -> ()
    %iota3A = tpu.iota {dimensions = array<i32: 0>} : vector<16xi32>
    %and3A = arith.constant 3 : i32
    %and3A_3 = vector.broadcast %and3A : i32 to vector<16xi32>
    %and3A_4 = arith.andi %iota3A, %and3A_3 : vector<16xi32>
    %shift_left3A = arith.constant 7 : i32
    %shift_left3A_5 = vector.broadcast %shift_left3A : i32 to vector<16xi32>
    %shift_left3A_6 = arith.shli %and3A_4, %shift_left3A_5 : vector<16xi32>
    %shift_right_arithmetic3A = arith.constant 2 : i32
    %shift_right_arithmetic3A_7 = vector.broadcast %shift_right_arithmetic3A : i32 to vector<16xi32>
    %shift_right_arithmetic3A_8 = arith.shrsi %iota3A, %shift_right_arithmetic3A_7 : vector<16xi32>
    %or3A = arith.ori %shift_left3A_6, %shift_right_arithmetic3A_8 : vector<16xi32>
    %scan3A = arith.constant 0 : i32
    %scan3A_9 = arith.constant 832 : i32
    %scan3A_10 = arith.addi %scan3A, %scan3A_9 : i32
    %scan3A_11 = arith.constant 1 : i32
    scf.for %scan3A_430 = %scan3A to %scan3A_10 step %scan3A_11  : i32 {
      %mul3A_431 = arith.constant 1 : i32
      %mul3A_432 = arith.muli %scan3A_430, %mul3A_431 : i32
      %add3A_433 = arith.constant 0 : i32
      %add3A_434 = arith.addi %add3A_433, %mul3A_432 : i32
      %mul3A_435 = arith.constant 16 : i32
      %mul3A_436 = arith.muli %add3A_434, %mul3A_435 : i32
      %and3A_437 = arith.constant -512 : i32
      %and3A_438 = arith.andi %mul3A_436, %and3A_437 : i32
      %shift_right_arithmetic3A_439 = arith.constant 2 : i32
      %shift_right_arithmetic3A_440 = arith.shrsi %mul3A_436, %shift_right_arithmetic3A_439 : i32
      %and3A_441 = arith.constant 127 : i32
      %and3A_442 = arith.andi %shift_right_arithmetic3A_440, %and3A_441 : i32
      %add3A_443 = arith.addi %and3A_438, %and3A_442 : i32
      %add3A_444 = vector.broadcast %add3A_443 : i32 to vector<16xi32>
      %add3A_445 = arith.addi %add3A_444, %or3A : vector<16xi32>
      %gather3A = tpu.vector_load_idx %arg7[%add3A_445] : memref<13312xi32, #tpu.memory_space<vmem>>[vector<16xi32>], vector<16xi32>,
      %add3A_446 = vector.broadcast %mul3A_2 : i32 to vector<16xi32>
      %add3A_447 = arith.addi %add3A_446, %add3A_445 : vector<16xi32>
      %shift_right_arithmetic3A_448 = arith.constant 14 : i32
      %shift_right_arithmetic3A_449 = vector.broadcast %shift_right_arithmetic3A_448 : i32 to vector<16xi32>
      %shift_right_arithmetic3A_450 = arith.shrsi %add3A_447, %shift_right_arithmetic3A_449 : vector<16xi32>
      %gather3A_451 = tpu.vector_load_idx %arg6[%shift_right_arithmetic3A_450] : memref<32xi32, #tpu.memory_space<vmem>>[vector<16xi32>], vector<16xi32>,
      %add3A_452 = arith.addi %gather3A, %gather3A_451 : vector<16xi32>
      %and3A_453 = arith.constant -512 : i32
      %and3A_454 = vector.broadcast %and3A_453 : i32 to vector<16xi32>
      %and3A_455 = arith.andi %add3A_452, %and3A_454 : vector<16xi32>
      %and3A_456 = arith.constant 127 : i32
      %and3A_457 = vector.broadcast %and3A_456 : i32 to vector<16xi32>
      %and3A_458 = arith.andi %add3A_452, %and3A_457 : vector<16xi32>
      %shift_left3A_459 = arith.constant 2 : i32
      %shift_left3A_460 = vector.broadcast %shift_left3A_459 : i32 to vector<16xi32>
      %shift_left3A_461 = arith.shli %and3A_458, %shift_left3A_460 : vector<16xi32>
      %or3A_462 = arith.ori %and3A_455, %shift_left3A_461 : vector<16xi32>
      %shift_right_arithmetic3A_463 = arith.constant 7 : i32
      %shift_right_arithmetic3A_464 = vector.broadcast %shift_right_arithmetic3A_463 : i32 to vector<16xi32>
      %shift_right_arithmetic3A_465 = arith.shrsi %add3A_452, %shift_right_arithmetic3A_464 : vector<16xi32>
      %and3A_466 = arith.constant 3 : i32
      %and3A_467 = vector.broadcast %and3A_466 : i32 to vector<16xi32>
      %and3A_468 = arith.andi %shift_right_arithmetic3A_465, %and3A_467 : vector<16xi32>
      %or3A_469 = arith.ori %or3A_462, %and3A_468 : vector<16xi32>
      %swap3A = arith.index_cast %mul3A_436 : i32 to index
      %swap3A_470 = tpu.vector_load %arg8[%swap3A] {strides = array<i32>} : memref<13312xi32, #tpu.memory_space<vmem>>, vector<16xi32>,
      tpu.vector_store %arg8[%swap3A], %or3A_469 {strides = array<i32>} : memref<13312xi32, #tpu.memory_space<vmem>>, vector<16xi32>,
    }
    %scan3A_12 = arith.constant 832 : i32
    %dma_start3A = arith.constant 0 : i32
    %dma_start3A_13 = arith.constant 0 : i32
    %dma_start3A_14 = tpu.memref_slice %arg9[%dma_start3A, %dma_start3A_13] : memref<1024x32xf32, #tpu.memory_space<vmem>> -> memref<128x32xf32, #tpu.memory_space<vmem>>
    %dma_start3A_15 = arith.constant 0 : i32
    %dma_start3A_16 = tpu.memref_slice %arg8[%dma_start3A_15] : memref<13312xi32, #tpu.memory_space<vmem>> -> memref<128xi32, #tpu.memory_space<vmem>>
    %dma_start3A_17 = arith.constant 0 : i32
    %dma_start3A_18 = arith.constant 0 : i32
    %dma_start3A_19 = tpu.memref_slice %arg4[%dma_start3A_17, %dma_start3A_18] : memref<2605056x32xf32, #tpu.memory_space<hbm>> -> memref<2605056x32xf32, #tpu.memory_space<hbm>>
    tpu.enqueue_indirect_dma source(%dma_start3A_19 : memref<2605056x32xf32, #tpu.memory_space<hbm>>) target(%dma_start3A_14 : memref<128x32xf32, #tpu.memory_space<vmem>>) offsets(%dma_start3A_16 : memref<128xi32, #tpu.memory_space<vmem>>) semaphore(%arg11 : memref<!tpu.dma_semaphore, #tpu.memory_space<semaphore_mem>>)
    %dma_start3A_20 = arith.constant 128 : i32
    %dma_start3A_21 = arith.constant 0 : i32
    %dma_start3A_22 = tpu.memref_slice %arg9[%dma_start3A_20, %dma_start3A_21] : memref<1024x32xf32, #tpu.memory_space<vmem>> -> memref<128x32xf32, #tpu.memory_space<vmem>>
    %dma_start3A_23 = arith.constant 128 : i32
    %dma_start3A_24 = tpu.memref_slice %arg8[%dma_start3A_23] : memref<13312xi32, #tpu.memory_space<vmem>> -> memref<128xi32, #tpu.memory_space<vmem>>
    %dma_start3A_25 = arith.constant 0 : i32
    %dma_start3A_26 = arith.constant 0 : i32
    %dma_start3A_27 = tpu.memref_slice %arg4[%dma_start3A_25, %dma_start3A_26] : memref<2605056x32xf32, #tpu.memory_space<hbm>> -> memref<2605056x32xf32, #tpu.memory_space<hbm>>
    tpu.enqueue_indirect_dma source(%dma_start3A_27 : memref<2605056x32xf32, #tpu.memory_space<hbm>>) target(%dma_start3A_22 : memref<128x32xf32, #tpu.memory_space<vmem>>) offsets(%dma_start3A_24 : memref<128xi32, #tpu.memory_space<vmem>>) semaphore(%arg11 : memref<!tpu.dma_semaphore, #tpu.memory_space<semaphore_mem>>)
    %dma_start3A_28 = arith.constant 256 : i32
    %dma_start3A_29 = arith.constant 0 : i32
    %dma_start3A_30 = tpu.memref_slice %arg9[%dma_start3A_28, %dma_start3A_29] : memref<1024x32xf32, #tpu.memory_space<vmem>> -> memref<128x32xf32, #tpu.memory_space<vmem>>
    %dma_start3A_31 = arith.constant 256 : i32
    %dma_start3A_32 = tpu.memref_slice %arg8[%dma_start3A_31] : memref<13312xi32, #tpu.memory_space<vmem>> -> memref<128xi32, #tpu.memory_space<vmem>>
    %dma_start3A_33 = arith.constant 0 : i32
    %dma_start3A_34 = arith.constant 0 : i32
    %dma_start3A_35 = tpu.memref_slice %arg4[%dma_start3A_33, %dma_start3A_34] : memref<2605056x32xf32, #tpu.memory_space<hbm>> -> memref<2605056x32xf32, #tpu.memory_space<hbm>>
    tpu.enqueue_indirect_dma source(%dma_start3A_35 : memref<2605056x32xf32, #tpu.memory_space<hbm>>) target(%dma_start3A_30 : memref<128x32xf32, #tpu.memory_space<vmem>>) offsets(%dma_start3A_32 : memref<128xi32, #tpu.memory_space<vmem>>) semaphore(%arg11 : memref<!tpu.dma_semaphore, #tpu.memory_space<semaphore_mem>>)
    %dma_start3A_36 = arith.constant 384 : i32
    %dma_start3A_37 = arith.constant 0 : i32
    %dma_start3A_38 = tpu.memref_slice %arg9[%dma_start3A_36, %dma_start3A_37] : memref<1024x32xf32, #tpu.memory_space<vmem>> -> memref<128x32xf32, #tpu.memory_space<vmem>>
    %dma_start3A_39 = arith.constant 384 : i32
    %dma_start3A_40 = tpu.memref_slice %arg8[%dma_start3A_39] : memref<13312xi32, #tpu.memory_space<vmem>> -> memref<128xi32, #tpu.memory_space<vmem>>
    %dma_start3A_41 = arith.constant 0 : i32
    %dma_start3A_42 = arith.constant 0 : i32
    %dma_start3A_43 = tpu.memref_slice %arg4[%dma_start3A_41, %dma_start3A_42] : memref<2605056x32xf32, #tpu.memory_space<hbm>> -> memref<2605056x32xf32, #tpu.memory_space<hbm>>
    tpu.enqueue_indirect_dma source(%dma_start3A_43 : memref<2605056x32xf32, #tpu.memory_space<hbm>>) target(%dma_start3A_38 : memref<128x32xf32, #tpu.memory_space<vmem>>) offsets(%dma_start3A_40 : memref<128xi32, #tpu.memory_space<vmem>>) semaphore(%arg11 : memref<!tpu.dma_semaphore, #tpu.memory_space<semaphore_mem>>)
    %dma_start3A_44 = arith.constant 512 : i32
    %dma_start3A_45 = arith.constant 0 : i32
    %dma_start3A_46 = tpu.memref_slice %arg9[%dma_start3A_44, %dma_start3A_45] : memref<1024x32xf32, #tpu.memory_space<vmem>> -> memref<128x32xf32, #tpu.memory_space<vmem>>
    %dma_start3A_47 = arith.constant 512 : i32
    %dma_start3A_48 = tpu.memref_slice %arg8[%dma_start3A_47] : memref<13312xi32, #tpu.memory_space<vmem>> -> memref<128xi32, #tpu.memory_space<vmem>>
    %dma_start3A_49 = arith.constant 0 : i32
    %dma_start3A_50 = arith.constant 0 : i32
    %dma_start3A_51 = tpu.memref_slice %arg4[%dma_start3A_49, %dma_start3A_50] : memref<2605056x32xf32, #tpu.memory_space<hbm>> -> memref<2605056x32xf32, #tpu.memory_space<hbm>>
    tpu.enqueue_indirect_dma source(%dma_start3A_51 : memref<2605056x32xf32, #tpu.memory_space<hbm>>) target(%dma_start3A_46 : memref<128x32xf32, #tpu.memory_space<vmem>>) offsets(%dma_start3A_48 : memref<128xi32, #tpu.memory_space<vmem>>) semaphore(%arg11 : memref<!tpu.dma_semaphore, #tpu.memory_space<semaphore_mem>>)
    %dma_start3A_52 = arith.constant 640 : i32
    %dma_start3A_53 = arith.constant 0 : i32
    %dma_start3A_54 = tpu.memref_slice %arg9[%dma_start3A_52, %dma_start3A_53] : memref<1024x32xf32, #tpu.memory_space<vmem>> -> memref<128x32xf32, #tpu.memory_space<vmem>>
    %dma_start3A_55 = arith.constant 640 : i32
    %dma_start3A_56 = tpu.memref_slice %arg8[%dma_start3A_55] : memref<13312xi32, #tpu.memory_space<vmem>> -> memref<128xi32, #tpu.memory_space<vmem>>
    %dma_start3A_57 = arith.constant 0 : i32
    %dma_start3A_58 = arith.constant 0 : i32
    %dma_start3A_59 = tpu.memref_slice %arg4[%dma_start3A_57, %dma_start3A_58] : memref<2605056x32xf32, #tpu.memory_space<hbm>> -> memref<2605056x32xf32, #tpu.memory_space<hbm>>
    tpu.enqueue_indirect_dma source(%dma_start3A_59 : memref<2605056x32xf32, #tpu.memory_space<hbm>>) target(%dma_start3A_54 : memref<128x32xf32, #tpu.memory_space<vmem>>) offsets(%dma_start3A_56 : memref<128xi32, #tpu.memory_space<vmem>>) semaphore(%arg11 : memref<!tpu.dma_semaphore, #tpu.memory_space<semaphore_mem>>)
    %dma_start3A_60 = arith.constant 768 : i32
    %dma_start3A_61 = arith.constant 0 : i32
    %dma_start3A_62 = tpu.memref_slice %arg9[%dma_start3A_60, %dma_start3A_61] : memref<1024x32xf32, #tpu.memory_space<vmem>> -> memref<128x32xf32, #tpu.memory_space<vmem>>
    %dma_start3A_63 = arith.constant 768 : i32
    %dma_start3A_64 = tpu.memref_slice %arg8[%dma_start3A_63] : memref<13312xi32, #tpu.memory_space<vmem>> -> memref<128xi32, #tpu.memory_space<vmem>>
    %dma_start3A_65 = arith.constant 0 : i32
    %dma_start3A_66 = arith.constant 0 : i32
    %dma_start3A_67 = tpu.memref_slice %arg4[%dma_start3A_65, %dma_start3A_66] : memref<2605056x32xf32, #tpu.memory_space<hbm>> -> memref<2605056x32xf32, #tpu.memory_space<hbm>>
    tpu.enqueue_indirect_dma source(%dma_start3A_67 : memref<2605056x32xf32, #tpu.memory_space<hbm>>) target(%dma_start3A_62 : memref<128x32xf32, #tpu.memory_space<vmem>>) offsets(%dma_start3A_64 : memref<128xi32, #tpu.memory_space<vmem>>) semaphore(%arg11 : memref<!tpu.dma_semaphore, #tpu.memory_space<semaphore_mem>>)
    %dma_start3A_68 = arith.constant 896 : i32
    %dma_start3A_69 = arith.constant 0 : i32
    %dma_start3A_70 = tpu.memref_slice %arg9[%dma_start3A_68, %dma_start3A_69] : memref<1024x32xf32, #tpu.memory_space<vmem>> -> memref<128x32xf32, #tpu.memory_space<vmem>>
    %dma_start3A_71 = arith.constant 896 : i32
    %dma_start3A_72 = tpu.memref_slice %arg8[%dma_start3A_71] : memref<13312xi32, #tpu.memory_space<vmem>> -> memref<128xi32, #tpu.memory_space<vmem>>
    %dma_start3A_73 = arith.constant 0 : i32
    %dma_start3A_74 = arith.constant 0 : i32
    %dma_start3A_75 = tpu.memref_slice %arg4[%dma_start3A_73, %dma_start3A_74] : memref<2605056x32xf32, #tpu.memory_space<hbm>> -> memref<2605056x32xf32, #tpu.memory_space<hbm>>
    tpu.enqueue_indirect_dma source(%dma_start3A_75 : memref<2605056x32xf32, #tpu.memory_space<hbm>>) target(%dma_start3A_70 : memref<128x32xf32, #tpu.memory_space<vmem>>) offsets(%dma_start3A_72 : memref<128xi32, #tpu.memory_space<vmem>>) semaphore(%arg11 : memref<!tpu.dma_semaphore, #tpu.memory_space<semaphore_mem>>)
    %dma_wait3A = arith.constant 0 : i32
    %dma_wait3A_76 = arith.constant 0 : i32
    %dma_wait3A_77 = tpu.memref_slice %arg9[%dma_wait3A, %dma_wait3A_76] : memref<1024x32xf32, #tpu.memory_space<vmem>> -> memref<128x32xf32, #tpu.memory_space<vmem>>
    %dma_wait3A_78 = arith.constant 0 : i32
    %dma_wait3A_79 = tpu.memref_slice %arg8[%dma_wait3A_78] : memref<13312xi32, #tpu.memory_space<vmem>> -> memref<128xi32, #tpu.memory_space<vmem>>
    %dma_wait3A_80 = arith.constant 0 : i32
    %dma_wait3A_81 = arith.constant 0 : i32
    %dma_wait3A_82 = tpu.memref_slice %arg4[%dma_wait3A_80, %dma_wait3A_81] : memref<2605056x32xf32, #tpu.memory_space<hbm>> -> memref<2605056x32xf32, #tpu.memory_space<hbm>>
    tpu.wait_indirect_dma semaphore(%arg11 : memref<!tpu.dma_semaphore, #tpu.memory_space<semaphore_mem>>) src(%dma_wait3A_82 : memref<2605056x32xf32, #tpu.memory_space<hbm>>) dst(%dma_wait3A_77 : memref<128x32xf32, #tpu.memory_space<vmem>>)
    %dma_wait3A_83 = arith.constant 128 : i32
    %dma_wait3A_84 = arith.constant 0 : i32
    %dma_wait3A_85 = tpu.memref_slice %arg9[%dma_wait3A_83, %dma_wait3A_84] : memref<1024x32xf32, #tpu.memory_space<vmem>> -> memref<128x32xf32, #tpu.memory_space<vmem>>
    %dma_wait3A_86 = arith.constant 128 : i32
    %dma_wait3A_87 = tpu.memref_slice %arg8[%dma_wait3A_86] : memref<13312xi32, #tpu.memory_space<vmem>> -> memref<128xi32, #tpu.memory_space<vmem>>
    %dma_wait3A_88 = arith.constant 0 : i32
    %dma_wait3A_89 = arith.constant 0 : i32
    %dma_wait3A_90 = tpu.memref_slice %arg4[%dma_wait3A_88, %dma_wait3A_89] : memref<2605056x32xf32, #tpu.memory_space<hbm>> -> memref<2605056x32xf32, #tpu.memory_space<hbm>>
    tpu.wait_indirect_dma semaphore(%arg11 : memref<!tpu.dma_semaphore, #tpu.memory_space<semaphore_mem>>) src(%dma_wait3A_90 : memref<2605056x32xf32, #tpu.memory_space<hbm>>) dst(%dma_wait3A_85 : memref<128x32xf32, #tpu.memory_space<vmem>>)
    %dma_wait3A_91 = arith.constant 256 : i32
    %dma_wait3A_92 = arith.constant 0 : i32
    %dma_wait3A_93 = tpu.memref_slice %arg9[%dma_wait3A_91, %dma_wait3A_92] : memref<1024x32xf32, #tpu.memory_space<vmem>> -> memref<128x32xf32, #tpu.memory_space<vmem>>
    %dma_wait3A_94 = arith.constant 256 : i32
    %dma_wait3A_95 = tpu.memref_slice %arg8[%dma_wait3A_94] : memref<13312xi32, #tpu.memory_space<vmem>> -> memref<128xi32, #tpu.memory_space<vmem>>
    %dma_wait3A_96 = arith.constant 0 : i32
    %dma_wait3A_97 = arith.constant 0 : i32
    %dma_wait3A_98 = tpu.memref_slice %arg4[%dma_wait3A_96, %dma_wait3A_97] : memref<2605056x32xf32, #tpu.memory_space<hbm>> -> memref<2605056x32xf32, #tpu.memory_space<hbm>>
    tpu.wait_indirect_dma semaphore(%arg11 : memref<!tpu.dma_semaphore, #tpu.memory_space<semaphore_mem>>) src(%dma_wait3A_98 : memref<2605056x32xf32, #tpu.memory_space<hbm>>) dst(%dma_wait3A_93 : memref<128x32xf32, #tpu.memory_space<vmem>>)
    %dma_wait3A_99 = arith.constant 384 : i32
    %dma_wait3A_100 = arith.constant 0 : i32
    %dma_wait3A_101 = tpu.memref_slice %arg9[%dma_wait3A_99, %dma_wait3A_100] : memref<1024x32xf32, #tpu.memory_space<vmem>> -> memref<128x32xf32, #tpu.memory_space<vmem>>
    %dma_wait3A_102 = arith.constant 384 : i32
    %dma_wait3A_103 = tpu.memref_slice %arg8[%dma_wait3A_102] : memref<13312xi32, #tpu.memory_space<vmem>> -> memref<128xi32, #tpu.memory_space<vmem>>
    %dma_wait3A_104 = arith.constant 0 : i32
    %dma_wait3A_105 = arith.constant 0 : i32
    %dma_wait3A_106 = tpu.memref_slice %arg4[%dma_wait3A_104, %dma_wait3A_105] : memref<2605056x32xf32, #tpu.memory_space<hbm>> -> memref<2605056x32xf32, #tpu.memory_space<hbm>>
    tpu.wait_indirect_dma semaphore(%arg11 : memref<!tpu.dma_semaphore, #tpu.memory_space<semaphore_mem>>) src(%dma_wait3A_106 : memref<2605056x32xf32, #tpu.memory_space<hbm>>) dst(%dma_wait3A_101 : memref<128x32xf32, #tpu.memory_space<vmem>>)
    %dma_wait3A_107 = arith.constant 512 : i32
    %dma_wait3A_108 = arith.constant 0 : i32
    %dma_wait3A_109 = tpu.memref_slice %arg9[%dma_wait3A_107, %dma_wait3A_108] : memref<1024x32xf32, #tpu.memory_space<vmem>> -> memref<128x32xf32, #tpu.memory_space<vmem>>
    %dma_wait3A_110 = arith.constant 512 : i32
    %dma_wait3A_111 = tpu.memref_slice %arg8[%dma_wait3A_110] : memref<13312xi32, #tpu.memory_space<vmem>> -> memref<128xi32, #tpu.memory_space<vmem>>
    %dma_wait3A_112 = arith.constant 0 : i32
    %dma_wait3A_113 = arith.constant 0 : i32
    %dma_wait3A_114 = tpu.memref_slice %arg4[%dma_wait3A_112, %dma_wait3A_113] : memref<2605056x32xf32, #tpu.memory_space<hbm>> -> memref<2605056x32xf32, #tpu.memory_space<hbm>>
    tpu.wait_indirect_dma semaphore(%arg11 : memref<!tpu.dma_semaphore, #tpu.memory_space<semaphore_mem>>) src(%dma_wait3A_114 : memref<2605056x32xf32, #tpu.memory_space<hbm>>) dst(%dma_wait3A_109 : memref<128x32xf32, #tpu.memory_space<vmem>>)
    %dma_wait3A_115 = arith.constant 640 : i32
    %dma_wait3A_116 = arith.constant 0 : i32
    %dma_wait3A_117 = tpu.memref_slice %arg9[%dma_wait3A_115, %dma_wait3A_116] : memref<1024x32xf32, #tpu.memory_space<vmem>> -> memref<128x32xf32, #tpu.memory_space<vmem>>
    %dma_wait3A_118 = arith.constant 640 : i32
    %dma_wait3A_119 = tpu.memref_slice %arg8[%dma_wait3A_118] : memref<13312xi32, #tpu.memory_space<vmem>> -> memref<128xi32, #tpu.memory_space<vmem>>
    %dma_wait3A_120 = arith.constant 0 : i32
    %dma_wait3A_121 = arith.constant 0 : i32
    %dma_wait3A_122 = tpu.memref_slice %arg4[%dma_wait3A_120, %dma_wait3A_121] : memref<2605056x32xf32, #tpu.memory_space<hbm>> -> memref<2605056x32xf32, #tpu.memory_space<hbm>>
    tpu.wait_indirect_dma semaphore(%arg11 : memref<!tpu.dma_semaphore, #tpu.memory_space<semaphore_mem>>) src(%dma_wait3A_122 : memref<2605056x32xf32, #tpu.memory_space<hbm>>) dst(%dma_wait3A_117 : memref<128x32xf32, #tpu.memory_space<vmem>>)
    %dma_wait3A_123 = arith.constant 768 : i32
    %dma_wait3A_124 = arith.constant 0 : i32
    %dma_wait3A_125 = tpu.memref_slice %arg9[%dma_wait3A_123, %dma_wait3A_124] : memref<1024x32xf32, #tpu.memory_space<vmem>> -> memref<128x32xf32, #tpu.memory_space<vmem>>
    %dma_wait3A_126 = arith.constant 768 : i32
    %dma_wait3A_127 = tpu.memref_slice %arg8[%dma_wait3A_126] : memref<13312xi32, #tpu.memory_space<vmem>> -> memref<128xi32, #tpu.memory_space<vmem>>
    %dma_wait3A_128 = arith.constant 0 : i32
    %dma_wait3A_129 = arith.constant 0 : i32
    %dma_wait3A_130 = tpu.memref_slice %arg4[%dma_wait3A_128, %dma_wait3A_129] : memref<2605056x32xf32, #tpu.memory_space<hbm>> -> memref<2605056x32xf32, #tpu.memory_space<hbm>>
    tpu.wait_indirect_dma semaphore(%arg11 : memref<!tpu.dma_semaphore, #tpu.memory_space<semaphore_mem>>) src(%dma_wait3A_130 : memref<2605056x32xf32, #tpu.memory_space<hbm>>) dst(%dma_wait3A_125 : memref<128x32xf32, #tpu.memory_space<vmem>>)
    %dma_wait3A_131 = arith.constant 896 : i32
    %dma_wait3A_132 = arith.constant 0 : i32
    %dma_wait3A_133 = tpu.memref_slice %arg9[%dma_wait3A_131, %dma_wait3A_132] : memref<1024x32xf32, #tpu.memory_space<vmem>> -> memref<128x32xf32, #tpu.memory_space<vmem>>
    %dma_wait3A_134 = arith.constant 896 : i32
    %dma_wait3A_135 = tpu.memref_slice %arg8[%dma_wait3A_134] : memref<13312xi32, #tpu.memory_space<vmem>> -> memref<128xi32, #tpu.memory_space<vmem>>
    %dma_wait3A_136 = arith.constant 0 : i32
    %dma_wait3A_137 = arith.constant 0 : i32
    %dma_wait3A_138 = tpu.memref_slice %arg4[%dma_wait3A_136, %dma_wait3A_137] : memref<2605056x32xf32, #tpu.memory_space<hbm>> -> memref<2605056x32xf32, #tpu.memory_space<hbm>>
    tpu.wait_indirect_dma semaphore(%arg11 : memref<!tpu.dma_semaphore, #tpu.memory_space<semaphore_mem>>) src(%dma_wait3A_138 : memref<2605056x32xf32, #tpu.memory_space<hbm>>) dst(%dma_wait3A_133 : memref<128x32xf32, #tpu.memory_space<vmem>>)
    %add3A_139 = arith.constant 0 : i32
    %add3A_140 = arith.addi %mul3A_2, %add3A_139 : i32
    %dma_start3A_141 = arith.constant 0 : i32
    %dma_start3A_142 = tpu.memref_slice %arg5[%add3A_140, %dma_start3A_141] : memref<425984x32xf32, #tpu.memory_space<hbm>> -> memref<1024x32xf32, #tpu.memory_space<hbm>>
    %dma_start3A_143 = arith.constant 0 : i32
    %dma_start3A_144 = tpu.memref_slice %arg5[%add3A_140, %dma_start3A_143] : memref<425984x32xf32, #tpu.memory_space<hbm>> -> memref<1024x32xf32, #tpu.memory_space<hbm>>
    tpu.enqueue_dma source(%arg9 : memref<1024x32xf32, #tpu.memory_space<vmem>>) target(%dma_start3A_144 : memref<1024x32xf32, #tpu.memory_space<hbm>>) target_semaphore(%arg12 : memref<!tpu.dma_semaphore, #tpu.memory_space<semaphore_mem>>)
    %dma_start3A_145 = arith.constant 0 : i32
    %dma_start3A_146 = arith.constant 0 : i32
    %dma_start3A_147 = tpu.memref_slice %arg10[%dma_start3A_145, %dma_start3A_146] : memref<1024x32xf32, #tpu.memory_space<vmem>> -> memref<128x32xf32, #tpu.memory_space<vmem>>
    %dma_start3A_148 = arith.constant 1024 : i32
    %dma_start3A_149 = tpu.memref_slice %arg8[%dma_start3A_148] : memref<13312xi32, #tpu.memory_space<vmem>> -> memref<128xi32, #tpu.memory_space<vmem>>
    %dma_start3A_150 = arith.constant 0 : i32
    %dma_start3A_151 = arith.constant 0 : i32
    %dma_start3A_152 = tpu.memref_slice %arg4[%dma_start3A_150, %dma_start3A_151] : memref<2605056x32xf32, #tpu.memory_space<hbm>> -> memref<2605056x32xf32, #tpu.memory_space<hbm>>
    tpu.enqueue_indirect_dma source(%dma_start3A_152 : memref<2605056x32xf32, #tpu.memory_space<hbm>>) target(%dma_start3A_147 : memref<128x32xf32, #tpu.memory_space<vmem>>) offsets(%dma_start3A_149 : memref<128xi32, #tpu.memory_space<vmem>>) semaphore(%arg11 : memref<!tpu.dma_semaphore, #tpu.memory_space<semaphore_mem>>)
    %dma_start3A_153 = arith.constant 128 : i32
    %dma_start3A_154 = arith.constant 0 : i32
    %dma_start3A_155 = tpu.memref_slice %arg10[%dma_start3A_153, %dma_start3A_154] : memref<1024x32xf32, #tpu.memory_space<vmem>> -> memref<128x32xf32, #tpu.memory_space<vmem>>
    %dma_start3A_156 = arith.constant 1152 : i32
    %dma_start3A_157 = tpu.memref_slice %arg8[%dma_start3A_156] : memref<13312xi32, #tpu.memory_space<vmem>> -> memref<128xi32, #tpu.memory_space<vmem>>
    %dma_start3A_158 = arith.constant 0 : i32
    %dma_start3A_159 = arith.constant 0 : i32
    %dma_start3A_160 = tpu.memref_slice %arg4[%dma_start3A_158, %dma_start3A_159] : memref<2605056x32xf32, #tpu.memory_space<hbm>> -> memref<2605056x32xf32, #tpu.memory_space<hbm>>
    tpu.enqueue_indirect_dma source(%dma_start3A_160 : memref<2605056x32xf32, #tpu.memory_space<hbm>>) target(%dma_start3A_155 : memref<128x32xf32, #tpu.memory_space<vmem>>) offsets(%dma_start3A_157 : memref<128xi32, #tpu.memory_space<vmem>>) semaphore(%arg11 : memref<!tpu.dma_semaphore, #tpu.memory_space<semaphore_mem>>)
    %dma_start3A_161 = arith.constant 256 : i32
    %dma_start3A_162 = arith.constant 0 : i32
    %dma_start3A_163 = tpu.memref_slice %arg10[%dma_start3A_161, %dma_start3A_162] : memref<1024x32xf32, #tpu.memory_space<vmem>> -> memref<128x32xf32, #tpu.memory_space<vmem>>
    %dma_start3A_164 = arith.constant 1280 : i32
    %dma_start3A_165 = tpu.memref_slice %arg8[%dma_start3A_164] : memref<13312xi32, #tpu.memory_space<vmem>> -> memref<128xi32, #tpu.memory_space<vmem>>
    %dma_start3A_166 = arith.constant 0 : i32
    %dma_start3A_167 = arith.constant 0 : i32
    %dma_start3A_168 = tpu.memref_slice %arg4[%dma_start3A_166, %dma_start3A_167] : memref<2605056x32xf32, #tpu.memory_space<hbm>> -> memref<2605056x32xf32, #tpu.memory_space<hbm>>
    tpu.enqueue_indirect_dma source(%dma_start3A_168 : memref<2605056x32xf32, #tpu.memory_space<hbm>>) target(%dma_start3A_163 : memref<128x32xf32, #tpu.memory_space<vmem>>) offsets(%dma_start3A_165 : memref<128xi32, #tpu.memory_space<vmem>>) semaphore(%arg11 : memref<!tpu.dma_semaphore, #tpu.memory_space<semaphore_mem>>)
    %dma_start3A_169 = arith.constant 384 : i32
    %dma_start3A_170 = arith.constant 0 : i32
    %dma_start3A_171 = tpu.memref_slice %arg10[%dma_start3A_169, %dma_start3A_170] : memref<1024x32xf32, #tpu.memory_space<vmem>> -> memref<128x32xf32, #tpu.memory_space<vmem>>
    %dma_start3A_172 = arith.constant 1408 : i32
    %dma_start3A_173 = tpu.memref_slice %arg8[%dma_start3A_172] : memref<13312xi32, #tpu.memory_space<vmem>> -> memref<128xi32, #tpu.memory_space<vmem>>
    %dma_start3A_174 = arith.constant 0 : i32
    %dma_start3A_175 = arith.constant 0 : i32
    %dma_start3A_176 = tpu.memref_slice %arg4[%dma_start3A_174, %dma_start3A_175] : memref<2605056x32xf32, #tpu.memory_space<hbm>> -> memref<2605056x32xf32, #tpu.memory_space<hbm>>
    tpu.enqueue_indirect_dma source(%dma_start3A_176 : memref<2605056x32xf32, #tpu.memory_space<hbm>>) target(%dma_start3A_171 : memref<128x32xf32, #tpu.memory_space<vmem>>) offsets(%dma_start3A_173 : memref<128xi32, #tpu.memory_space<vmem>>) semaphore(%arg11 : memref<!tpu.dma_semaphore, #tpu.memory_space<semaphore_mem>>)
    %dma_start3A_177 = arith.constant 512 : i32
    %dma_start3A_178 = arith.constant 0 : i32
    %dma_start3A_179 = tpu.memref_slice %arg10[%dma_start3A_177, %dma_start3A_178] : memref<1024x32xf32, #tpu.memory_space<vmem>> -> memref<128x32xf32, #tpu.memory_space<vmem>>
    %dma_start3A_180 = arith.constant 1536 : i32
    %dma_start3A_181 = tpu.memref_slice %arg8[%dma_start3A_180] : memref<13312xi32, #tpu.memory_space<vmem>> -> memref<128xi32, #tpu.memory_space<vmem>>
    %dma_start3A_182 = arith.constant 0 : i32
    %dma_start3A_183 = arith.constant 0 : i32
    %dma_start3A_184 = tpu.memref_slice %arg4[%dma_start3A_182, %dma_start3A_183] : memref<2605056x32xf32, #tpu.memory_space<hbm>> -> memref<2605056x32xf32, #tpu.memory_space<hbm>>
    tpu.enqueue_indirect_dma source(%dma_start3A_184 : memref<2605056x32xf32, #tpu.memory_space<hbm>>) target(%dma_start3A_179 : memref<128x32xf32, #tpu.memory_space<vmem>>) offsets(%dma_start3A_181 : memref<128xi32, #tpu.memory_space<vmem>>) semaphore(%arg11 : memref<!tpu.dma_semaphore, #tpu.memory_space<semaphore_mem>>)
    %dma_start3A_185 = arith.constant 640 : i32
    %dma_start3A_186 = arith.constant 0 : i32
    %dma_start3A_187 = tpu.memref_slice %arg10[%dma_start3A_185, %dma_start3A_186] : memref<1024x32xf32, #tpu.memory_space<vmem>> -> memref<128x32xf32, #tpu.memory_space<vmem>>
    %dma_start3A_188 = arith.constant 1664 : i32
    %dma_start3A_189 = tpu.memref_slice %arg8[%dma_start3A_188] : memref<13312xi32, #tpu.memory_space<vmem>> -> memref<128xi32, #tpu.memory_space<vmem>>
    %dma_start3A_190 = arith.constant 0 : i32
    %dma_start3A_191 = arith.constant 0 : i32
    %dma_start3A_192 = tpu.memref_slice %arg4[%dma_start3A_190, %dma_start3A_191] : memref<2605056x32xf32, #tpu.memory_space<hbm>> -> memref<2605056x32xf32, #tpu.memory_space<hbm>>
    tpu.enqueue_indirect_dma source(%dma_start3A_192 : memref<2605056x32xf32, #tpu.memory_space<hbm>>) target(%dma_start3A_187 : memref<128x32xf32, #tpu.memory_space<vmem>>) offsets(%dma_start3A_189 : memref<128xi32, #tpu.memory_space<vmem>>) semaphore(%arg11 : memref<!tpu.dma_semaphore, #tpu.memory_space<semaphore_mem>>)
    %dma_start3A_193 = arith.constant 768 : i32
    %dma_start3A_194 = arith.constant 0 : i32
    %dma_start3A_195 = tpu.memref_slice %arg10[%dma_start3A_193, %dma_start3A_194] : memref<1024x32xf32, #tpu.memory_space<vmem>> -> memref<128x32xf32, #tpu.memory_space<vmem>>
    %dma_start3A_196 = arith.constant 1792 : i32
    %dma_start3A_197 = tpu.memref_slice %arg8[%dma_start3A_196] : memref<13312xi32, #tpu.memory_space<vmem>> -> memref<128xi32, #tpu.memory_space<vmem>>
    %dma_start3A_198 = arith.constant 0 : i32
    %dma_start3A_199 = arith.constant 0 : i32
    %dma_start3A_200 = tpu.memref_slice %arg4[%dma_start3A_198, %dma_start3A_199] : memref<2605056x32xf32, #tpu.memory_space<hbm>> -> memref<2605056x32xf32, #tpu.memory_space<hbm>>
    tpu.enqueue_indirect_dma source(%dma_start3A_200 : memref<2605056x32xf32, #tpu.memory_space<hbm>>) target(%dma_start3A_195 : memref<128x32xf32, #tpu.memory_space<vmem>>) offsets(%dma_start3A_197 : memref<128xi32, #tpu.memory_space<vmem>>) semaphore(%arg11 : memref<!tpu.dma_semaphore, #tpu.memory_space<semaphore_mem>>)
    %dma_start3A_201 = arith.constant 896 : i32
    %dma_start3A_202 = arith.constant 0 : i32
    %dma_start3A_203 = tpu.memref_slice %arg10[%dma_start3A_201, %dma_start3A_202] : memref<1024x32xf32, #tpu.memory_space<vmem>> -> memref<128x32xf32, #tpu.memory_space<vmem>>
    %dma_start3A_204 = arith.constant 1920 : i32
    %dma_start3A_205 = tpu.memref_slice %arg8[%dma_start3A_204] : memref<13312xi32, #tpu.memory_space<vmem>> -> memref<128xi32, #tpu.memory_space<vmem>>
    %dma_start3A_206 = arith.constant 0 : i32
    %dma_start3A_207 = arith.constant 0 : i32
    %dma_start3A_208 = tpu.memref_slice %arg4[%dma_start3A_206, %dma_start3A_207] : memref<2605056x32xf32, #tpu.memory_space<hbm>> -> memref<2605056x32xf32, #tpu.memory_space<hbm>>
    tpu.enqueue_indirect_dma source(%dma_start3A_208 : memref<2605056x32xf32, #tpu.memory_space<hbm>>) target(%dma_start3A_203 : memref<128x32xf32, #tpu.memory_space<vmem>>) offsets(%dma_start3A_205 : memref<128xi32, #tpu.memory_space<vmem>>) semaphore(%arg11 : memref<!tpu.dma_semaphore, #tpu.memory_space<semaphore_mem>>)
    %dma_wait3A_209 = arith.constant 0 : i32
    %dma_wait3A_210 = arith.constant 0 : i32
    %dma_wait3A_211 = tpu.memref_slice %arg10[%dma_wait3A_209, %dma_wait3A_210] : memref<1024x32xf32, #tpu.memory_space<vmem>> -> memref<128x32xf32, #tpu.memory_space<vmem>>
    %dma_wait3A_212 = arith.constant 1024 : i32
    %dma_wait3A_213 = tpu.memref_slice %arg8[%dma_wait3A_212] : memref<13312xi32, #tpu.memory_space<vmem>> -> memref<128xi32, #tpu.memory_space<vmem>>
    %dma_wait3A_214 = arith.constant 0 : i32
    %dma_wait3A_215 = arith.constant 0 : i32
    %dma_wait3A_216 = tpu.memref_slice %arg4[%dma_wait3A_214, %dma_wait3A_215] : memref<2605056x32xf32, #tpu.memory_space<hbm>> -> memref<2605056x32xf32, #tpu.memory_space<hbm>>
    tpu.wait_indirect_dma semaphore(%arg11 : memref<!tpu.dma_semaphore, #tpu.memory_space<semaphore_mem>>) src(%dma_wait3A_216 : memref<2605056x32xf32, #tpu.memory_space<hbm>>) dst(%dma_wait3A_211 : memref<128x32xf32, #tpu.memory_space<vmem>>)
    %dma_wait3A_217 = arith.constant 128 : i32
    %dma_wait3A_218 = arith.constant 0 : i32
    %dma_wait3A_219 = tpu.memref_slice %arg10[%dma_wait3A_217, %dma_wait3A_218] : memref<1024x32xf32, #tpu.memory_space<vmem>> -> memref<128x32xf32, #tpu.memory_space<vmem>>
    %dma_wait3A_220 = arith.constant 1152 : i32
    %dma_wait3A_221 = tpu.memref_slice %arg8[%dma_wait3A_220] : memref<13312xi32, #tpu.memory_space<vmem>> -> memref<128xi32, #tpu.memory_space<vmem>>
    %dma_wait3A_222 = arith.constant 0 : i32
    %dma_wait3A_223 = arith.constant 0 : i32
    %dma_wait3A_224 = tpu.memref_slice %arg4[%dma_wait3A_222, %dma_wait3A_223] : memref<2605056x32xf32, #tpu.memory_space<hbm>> -> memref<2605056x32xf32, #tpu.memory_space<hbm>>
    tpu.wait_indirect_dma semaphore(%arg11 : memref<!tpu.dma_semaphore, #tpu.memory_space<semaphore_mem>>) src(%dma_wait3A_224 : memref<2605056x32xf32, #tpu.memory_space<hbm>>) dst(%dma_wait3A_219 : memref<128x32xf32, #tpu.memory_space<vmem>>)
    %dma_wait3A_225 = arith.constant 256 : i32
    %dma_wait3A_226 = arith.constant 0 : i32
    %dma_wait3A_227 = tpu.memref_slice %arg10[%dma_wait3A_225, %dma_wait3A_226] : memref<1024x32xf32, #tpu.memory_space<vmem>> -> memref<128x32xf32, #tpu.memory_space<vmem>>
    %dma_wait3A_228 = arith.constant 1280 : i32
    %dma_wait3A_229 = tpu.memref_slice %arg8[%dma_wait3A_228] : memref<13312xi32, #tpu.memory_space<vmem>> -> memref<128xi32, #tpu.memory_space<vmem>>
    %dma_wait3A_230 = arith.constant 0 : i32
    %dma_wait3A_231 = arith.constant 0 : i32
    %dma_wait3A_232 = tpu.memref_slice %arg4[%dma_wait3A_230, %dma_wait3A_231] : memref<2605056x32xf32, #tpu.memory_space<hbm>> -> memref<2605056x32xf32, #tpu.memory_space<hbm>>
    tpu.wait_indirect_dma semaphore(%arg11 : memref<!tpu.dma_semaphore, #tpu.memory_space<semaphore_mem>>) src(%dma_wait3A_232 : memref<2605056x32xf32, #tpu.memory_space<hbm>>) dst(%dma_wait3A_227 : memref<128x32xf32, #tpu.memory_space<vmem>>)
    %dma_wait3A_233 = arith.constant 384 : i32
    %dma_wait3A_234 = arith.constant 0 : i32
    %dma_wait3A_235 = tpu.memref_slice %arg10[%dma_wait3A_233, %dma_wait3A_234] : memref<1024x32xf32, #tpu.memory_space<vmem>> -> memref<128x32xf32, #tpu.memory_space<vmem>>
    %dma_wait3A_236 = arith.constant 1408 : i32
    %dma_wait3A_237 = tpu.memref_slice %arg8[%dma_wait3A_236] : memref<13312xi32, #tpu.memory_space<vmem>> -> memref<128xi32, #tpu.memory_space<vmem>>
    %dma_wait3A_238 = arith.constant 0 : i32
    %dma_wait3A_239 = arith.constant 0 : i32
    %dma_wait3A_240 = tpu.memref_slice %arg4[%dma_wait3A_238, %dma_wait3A_239] : memref<2605056x32xf32, #tpu.memory_space<hbm>> -> memref<2605056x32xf32, #tpu.memory_space<hbm>>
    tpu.wait_indirect_dma semaphore(%arg11 : memref<!tpu.dma_semaphore, #tpu.memory_space<semaphore_mem>>) src(%dma_wait3A_240 : memref<2605056x32xf32, #tpu.memory_space<hbm>>) dst(%dma_wait3A_235 : memref<128x32xf32, #tpu.memory_space<vmem>>)
    %dma_wait3A_241 = arith.constant 512 : i32
    %dma_wait3A_242 = arith.constant 0 : i32
    %dma_wait3A_243 = tpu.memref_slice %arg10[%dma_wait3A_241, %dma_wait3A_242] : memref<1024x32xf32, #tpu.memory_space<vmem>> -> memref<128x32xf32, #tpu.memory_space<vmem>>
    %dma_wait3A_244 = arith.constant 1536 : i32
    %dma_wait3A_245 = tpu.memref_slice %arg8[%dma_wait3A_244] : memref<13312xi32, #tpu.memory_space<vmem>> -> memref<128xi32, #tpu.memory_space<vmem>>
    %dma_wait3A_246 = arith.constant 0 : i32
    %dma_wait3A_247 = arith.constant 0 : i32
    %dma_wait3A_248 = tpu.memref_slice %arg4[%dma_wait3A_246, %dma_wait3A_247] : memref<2605056x32xf32, #tpu.memory_space<hbm>> -> memref<2605056x32xf32, #tpu.memory_space<hbm>>
    tpu.wait_indirect_dma semaphore(%arg11 : memref<!tpu.dma_semaphore, #tpu.memory_space<semaphore_mem>>) src(%dma_wait3A_248 : memref<2605056x32xf32, #tpu.memory_space<hbm>>) dst(%dma_wait3A_243 : memref<128x32xf32, #tpu.memory_space<vmem>>)
    %dma_wait3A_249 = arith.constant 640 : i32
    %dma_wait3A_250 = arith.constant 0 : i32
    %dma_wait3A_251 = tpu.memref_slice %arg10[%dma_wait3A_249, %dma_wait3A_250] : memref<1024x32xf32, #tpu.memory_space<vmem>> -> memref<128x32xf32, #tpu.memory_space<vmem>>
    %dma_wait3A_252 = arith.constant 1664 : i32
    %dma_wait3A_253 = tpu.memref_slice %arg8[%dma_wait3A_252] : memref<13312xi32, #tpu.memory_space<vmem>> -> memref<128xi32, #tpu.memory_space<vmem>>
    %dma_wait3A_254 = arith.constant 0 : i32
    %dma_wait3A_255 = arith.constant 0 : i32
    %dma_wait3A_256 = tpu.memref_slice %arg4[%dma_wait3A_254, %dma_wait3A_255] : memref<2605056x32xf32, #tpu.memory_space<hbm>> -> memref<2605056x32xf32, #tpu.memory_space<hbm>>
    tpu.wait_indirect_dma semaphore(%arg11 : memref<!tpu.dma_semaphore, #tpu.memory_space<semaphore_mem>>) src(%dma_wait3A_256 : memref<2605056x32xf32, #tpu.memory_space<hbm>>) dst(%dma_wait3A_251 : memref<128x32xf32, #tpu.memory_space<vmem>>)
    %dma_wait3A_257 = arith.constant 768 : i32
    %dma_wait3A_258 = arith.constant 0 : i32
    %dma_wait3A_259 = tpu.memref_slice %arg10[%dma_wait3A_257, %dma_wait3A_258] : memref<1024x32xf32, #tpu.memory_space<vmem>> -> memref<128x32xf32, #tpu.memory_space<vmem>>
    %dma_wait3A_260 = arith.constant 1792 : i32
    %dma_wait3A_261 = tpu.memref_slice %arg8[%dma_wait3A_260] : memref<13312xi32, #tpu.memory_space<vmem>> -> memref<128xi32, #tpu.memory_space<vmem>>
    %dma_wait3A_262 = arith.constant 0 : i32
    %dma_wait3A_263 = arith.constant 0 : i32
    %dma_wait3A_264 = tpu.memref_slice %arg4[%dma_wait3A_262, %dma_wait3A_263] : memref<2605056x32xf32, #tpu.memory_space<hbm>> -> memref<2605056x32xf32, #tpu.memory_space<hbm>>
    tpu.wait_indirect_dma semaphore(%arg11 : memref<!tpu.dma_semaphore, #tpu.memory_space<semaphore_mem>>) src(%dma_wait3A_264 : memref<2605056x32xf32, #tpu.memory_space<hbm>>) dst(%dma_wait3A_259 : memref<128x32xf32, #tpu.memory_space<vmem>>)
    %dma_wait3A_265 = arith.constant 896 : i32
    %dma_wait3A_266 = arith.constant 0 : i32
    %dma_wait3A_267 = tpu.memref_slice %arg10[%dma_wait3A_265, %dma_wait3A_266] : memref<1024x32xf32, #tpu.memory_space<vmem>> -> memref<128x32xf32, #tpu.memory_space<vmem>>
    %dma_wait3A_268 = arith.constant 1920 : i32
    %dma_wait3A_269 = tpu.memref_slice %arg8[%dma_wait3A_268] : memref<13312xi32, #tpu.memory_space<vmem>> -> memref<128xi32, #tpu.memory_space<vmem>>
    %dma_wait3A_270 = arith.constant 0 : i32
    %dma_wait3A_271 = arith.constant 0 : i32
    %dma_wait3A_272 = tpu.memref_slice %arg4[%dma_wait3A_270, %dma_wait3A_271] : memref<2605056x32xf32, #tpu.memory_space<hbm>> -> memref<2605056x32xf32, #tpu.memory_space<hbm>>
    tpu.wait_indirect_dma semaphore(%arg11 : memref<!tpu.dma_semaphore, #tpu.memory_space<semaphore_mem>>) src(%dma_wait3A_272 : memref<2605056x32xf32, #tpu.memory_space<hbm>>) dst(%dma_wait3A_267 : memref<128x32xf32, #tpu.memory_space<vmem>>)
    %add3A_273 = arith.constant 1024 : i32
    %add3A_274 = arith.addi %mul3A_2, %add3A_273 : i32
    %dma_start3A_275 = arith.constant 0 : i32
    %dma_start3A_276 = tpu.memref_slice %arg5[%add3A_274, %dma_start3A_275] : memref<425984x32xf32, #tpu.memory_space<hbm>> -> memref<1024x32xf32, #tpu.memory_space<hbm>>
    %dma_start3A_277 = arith.constant 0 : i32
    %dma_start3A_278 = tpu.memref_slice %arg5[%add3A_274, %dma_start3A_277] : memref<425984x32xf32, #tpu.memory_space<hbm>> -> memref<1024x32xf32, #tpu.memory_space<hbm>>
    tpu.enqueue_dma source(%arg10 : memref<1024x32xf32, #tpu.memory_space<vmem>>) target(%dma_start3A_278 : memref<1024x32xf32, #tpu.memory_space<hbm>>) target_semaphore(%arg12 : memref<!tpu.dma_semaphore, #tpu.memory_space<semaphore_mem>>)
    %scan3A_279 = arith.constant 0 : i32
    %scan3A_280 = arith.constant 5 : i32
    %scan3A_281 = arith.addi %scan3A_279, %scan3A_280 : i32
    %scan3A_282 = arith.constant 1 : i32
    scf.for %scan3A_430 = %scan3A_279 to %scan3A_281 step %scan3A_282  : i32 {
      %mul3A_431 = arith.constant 2 : i32
      %mul3A_432 = arith.muli %scan3A_430, %mul3A_431 : i32
      %add3A_433 = arith.constant 2 : i32
      %add3A_434 = arith.addi %add3A_433, %mul3A_432 : i32
      %dma_wait3A_435 = arith.constant 0 : i32
      %dma_wait3A_436 = tpu.memref_slice %arg5[%mul3A_2, %dma_wait3A_435] : memref<425984x32xf32, #tpu.memory_space<hbm>> -> memref<1024x32xf32, #tpu.memory_space<hbm>>
      %dma_wait3A_437 = arith.constant 0 : i32
      %dma_wait3A_438 = tpu.memref_slice %arg5[%mul3A_2, %dma_wait3A_437] : memref<425984x32xf32, #tpu.memory_space<hbm>> -> memref<1024x32xf32, #tpu.memory_space<hbm>>
      tpu.wait_dma2 semaphore(%arg12 : memref<!tpu.dma_semaphore, #tpu.memory_space<semaphore_mem>>) src(%dma_wait3A_438 : memref<1024x32xf32, #tpu.memory_space<hbm>>) dst(%arg9 : memref<1024x32xf32, #tpu.memory_space<vmem>>)
      %mul3A_439 = arith.constant 1024 : i32
      %mul3A_440 = arith.muli %add3A_434, %mul3A_439 : i32
      %add3A_441 = arith.constant 0 : i32
      %add3A_442 = arith.addi %mul3A_440, %add3A_441 : i32
      %mul3A_443 = arith.constant 1024 : i32
      %mul3A_444 = arith.muli %add3A_434, %mul3A_443 : i32
      %add3A_445 = arith.constant 128 : i32
      %add3A_446 = arith.addi %mul3A_444, %add3A_445 : i32
      %mul3A_447 = arith.constant 1024 : i32
      %mul3A_448 = arith.muli %add3A_434, %mul3A_447 : i32
      %add3A_449 = arith.constant 256 : i32
      %add3A_450 = arith.addi %mul3A_448, %add3A_449 : i32
      %mul3A_451 = arith.constant 1024 : i32
      %mul3A_452 = arith.muli %add3A_434, %mul3A_451 : i32
      %add3A_453 = arith.constant 384 : i32
      %add3A_454 = arith.addi %mul3A_452, %add3A_453 : i32
      %mul3A_455 = arith.constant 1024 : i32
      %mul3A_456 = arith.muli %add3A_434, %mul3A_455 : i32
      %add3A_457 = arith.constant 512 : i32
      %add3A_458 = arith.addi %mul3A_456, %add3A_457 : i32
      %mul3A_459 = arith.constant 1024 : i32
      %mul3A_460 = arith.muli %add3A_434, %mul3A_459 : i32
      %add3A_461 = arith.constant 640 : i32
      %add3A_462 = arith.addi %mul3A_460, %add3A_461 : i32
      %mul3A_463 = arith.constant 1024 : i32
      %mul3A_464 = arith.muli %add3A_434, %mul3A_463 : i32
      %add3A_465 = arith.constant 768 : i32
      %add3A_466 = arith.addi %mul3A_464, %add3A_465 : i32
      %mul3A_467 = arith.constant 1024 : i32
      %mul3A_468 = arith.muli %add3A_434, %mul3A_467 : i32
      %add3A_469 = arith.constant 896 : i32
      %add3A_470 = arith.addi %mul3A_468, %add3A_469 : i32
      %dma_start3A_471 = arith.constant 0 : i32
      %dma_start3A_472 = arith.constant 0 : i32
      %dma_start3A_473 = tpu.memref_slice %arg9[%dma_start3A_471, %dma_start3A_472] : memref<1024x32xf32, #tpu.memory_space<vmem>> -> memref<128x32xf32, #tpu.memory_space<vmem>>
      %dma_start3A_474 = tpu.memref_slice %arg8[%add3A_442] : memref<13312xi32, #tpu.memory_space<vmem>> -> memref<128xi32, #tpu.memory_space<vmem>>
      %dma_start3A_475 = arith.constant 0 : i32
      %dma_start3A_476 = arith.constant 0 : i32
      %dma_start3A_477 = tpu.memref_slice %arg4[%dma_start3A_475, %dma_start3A_476] : memref<2605056x32xf32, #tpu.memory_space<hbm>> -> memref<2605056x32xf32, #tpu.memory_space<hbm>>
      tpu.enqueue_indirect_dma source(%dma_start3A_477 : memref<2605056x32xf32, #tpu.memory_space<hbm>>) target(%dma_start3A_473 : memref<128x32xf32, #tpu.memory_space<vmem>>) offsets(%dma_start3A_474 : memref<128xi32, #tpu.memory_space<vmem>>) semaphore(%arg11 : memref<!tpu.dma_semaphore, #tpu.memory_space<semaphore_mem>>)
      %dma_start3A_478 = arith.constant 128 : i32
      %dma_start3A_479 = arith.constant 0 : i32
      %dma_start3A_480 = tpu.memref_slice %arg9[%dma_start3A_478, %dma_start3A_479] : memref<1024x32xf32, #tpu.memory_space<vmem>> -> memref<128x32xf32, #tpu.memory_space<vmem>>
      %dma_start3A_481 = tpu.memref_slice %arg8[%add3A_446] : memref<13312xi32, #tpu.memory_space<vmem>> -> memref<128xi32, #tpu.memory_space<vmem>>
      %dma_start3A_482 = arith.constant 0 : i32
      %dma_start3A_483 = arith.constant 0 : i32
      %dma_start3A_484 = tpu.memref_slice %arg4[%dma_start3A_482, %dma_start3A_483] : memref<2605056x32xf32, #tpu.memory_space<hbm>> -> memref<2605056x32xf32, #tpu.memory_space<hbm>>
      tpu.enqueue_indirect_dma source(%dma_start3A_484 : memref<2605056x32xf32, #tpu.memory_space<hbm>>) target(%dma_start3A_480 : memref<128x32xf32, #tpu.memory_space<vmem>>) offsets(%dma_start3A_481 : memref<128xi32, #tpu.memory_space<vmem>>) semaphore(%arg11 : memref<!tpu.dma_semaphore, #tpu.memory_space<semaphore_mem>>)
      %dma_start3A_485 = arith.constant 256 : i32
      %dma_start3A_486 = arith.constant 0 : i32
      %dma_start3A_487 = tpu.memref_slice %arg9[%dma_start3A_485, %dma_start3A_486] : memref<1024x32xf32, #tpu.memory_space<vmem>> -> memref<128x32xf32, #tpu.memory_space<vmem>>
      %dma_start3A_488 = tpu.memref_slice %arg8[%add3A_450] : memref<13312xi32, #tpu.memory_space<vmem>> -> memref<128xi32, #tpu.memory_space<vmem>>
      %dma_start3A_489 = arith.constant 0 : i32
      %dma_start3A_490 = arith.constant 0 : i32
      %dma_start3A_491 = tpu.memref_slice %arg4[%dma_start3A_489, %dma_start3A_490] : memref<2605056x32xf32, #tpu.memory_space<hbm>> -> memref<2605056x32xf32, #tpu.memory_space<hbm>>
      tpu.enqueue_indirect_dma source(%dma_start3A_491 : memref<2605056x32xf32, #tpu.memory_space<hbm>>) target(%dma_start3A_487 : memref<128x32xf32, #tpu.memory_space<vmem>>) offsets(%dma_start3A_488 : memref<128xi32, #tpu.memory_space<vmem>>) semaphore(%arg11 : memref<!tpu.dma_semaphore, #tpu.memory_space<semaphore_mem>>)
      %dma_start3A_492 = arith.constant 384 : i32
      %dma_start3A_493 = arith.constant 0 : i32
      %dma_start3A_494 = tpu.memref_slice %arg9[%dma_start3A_492, %dma_start3A_493] : memref<1024x32xf32, #tpu.memory_space<vmem>> -> memref<128x32xf32, #tpu.memory_space<vmem>>
      %dma_start3A_495 = tpu.memref_slice %arg8[%add3A_454] : memref<13312xi32, #tpu.memory_space<vmem>> -> memref<128xi32, #tpu.memory_space<vmem>>
      %dma_start3A_496 = arith.constant 0 : i32
      %dma_start3A_497 = arith.constant 0 : i32
      %dma_start3A_498 = tpu.memref_slice %arg4[%dma_start3A_496, %dma_start3A_497] : memref<2605056x32xf32, #tpu.memory_space<hbm>> -> memref<2605056x32xf32, #tpu.memory_space<hbm>>
      tpu.enqueue_indirect_dma source(%dma_start3A_498 : memref<2605056x32xf32, #tpu.memory_space<hbm>>) target(%dma_start3A_494 : memref<128x32xf32, #tpu.memory_space<vmem>>) offsets(%dma_start3A_495 : memref<128xi32, #tpu.memory_space<vmem>>) semaphore(%arg11 : memref<!tpu.dma_semaphore, #tpu.memory_space<semaphore_mem>>)
      %dma_start3A_499 = arith.constant 512 : i32
      %dma_start3A_500 = arith.constant 0 : i32
      %dma_start3A_501 = tpu.memref_slice %arg9[%dma_start3A_499, %dma_start3A_500] : memref<1024x32xf32, #tpu.memory_space<vmem>> -> memref<128x32xf32, #tpu.memory_space<vmem>>
      %dma_start3A_502 = tpu.memref_slice %arg8[%add3A_458] : memref<13312xi32, #tpu.memory_space<vmem>> -> memref<128xi32, #tpu.memory_space<vmem>>
      %dma_start3A_503 = arith.constant 0 : i32
      %dma_start3A_504 = arith.constant 0 : i32
      %dma_start3A_505 = tpu.memref_slice %arg4[%dma_start3A_503, %dma_start3A_504] : memref<2605056x32xf32, #tpu.memory_space<hbm>> -> memref<2605056x32xf32, #tpu.memory_space<hbm>>
      tpu.enqueue_indirect_dma source(%dma_start3A_505 : memref<2605056x32xf32, #tpu.memory_space<hbm>>) target(%dma_start3A_501 : memref<128x32xf32, #tpu.memory_space<vmem>>) offsets(%dma_start3A_502 : memref<128xi32, #tpu.memory_space<vmem>>) semaphore(%arg11 : memref<!tpu.dma_semaphore, #tpu.memory_space<semaphore_mem>>)
      %dma_start3A_506 = arith.constant 640 : i32
      %dma_start3A_507 = arith.constant 0 : i32
      %dma_start3A_508 = tpu.memref_slice %arg9[%dma_start3A_506, %dma_start3A_507] : memref<1024x32xf32, #tpu.memory_space<vmem>> -> memref<128x32xf32, #tpu.memory_space<vmem>>
      %dma_start3A_509 = tpu.memref_slice %arg8[%add3A_462] : memref<13312xi32, #tpu.memory_space<vmem>> -> memref<128xi32, #tpu.memory_space<vmem>>
      %dma_start3A_510 = arith.constant 0 : i32
      %dma_start3A_511 = arith.constant 0 : i32
      %dma_start3A_512 = tpu.memref_slice %arg4[%dma_start3A_510, %dma_start3A_511] : memref<2605056x32xf32, #tpu.memory_space<hbm>> -> memref<2605056x32xf32, #tpu.memory_space<hbm>>
      tpu.enqueue_indirect_dma source(%dma_start3A_512 : memref<2605056x32xf32, #tpu.memory_space<hbm>>) target(%dma_start3A_508 : memref<128x32xf32, #tpu.memory_space<vmem>>) offsets(%dma_start3A_509 : memref<128xi32, #tpu.memory_space<vmem>>) semaphore(%arg11 : memref<!tpu.dma_semaphore, #tpu.memory_space<semaphore_mem>>)
      %dma_start3A_513 = arith.constant 768 : i32
      %dma_start3A_514 = arith.constant 0 : i32
      %dma_start3A_515 = tpu.memref_slice %arg9[%dma_start3A_513, %dma_start3A_514] : memref<1024x32xf32, #tpu.memory_space<vmem>> -> memref<128x32xf32, #tpu.memory_space<vmem>>
      %dma_start3A_516 = tpu.memref_slice %arg8[%add3A_466] : memref<13312xi32, #tpu.memory_space<vmem>> -> memref<128xi32, #tpu.memory_space<vmem>>
      %dma_start3A_517 = arith.constant 0 : i32
      %dma_start3A_518 = arith.constant 0 : i32
      %dma_start3A_519 = tpu.memref_slice %arg4[%dma_start3A_517, %dma_start3A_518] : memref<2605056x32xf32, #tpu.memory_space<hbm>> -> memref<2605056x32xf32, #tpu.memory_space<hbm>>
      tpu.enqueue_indirect_dma source(%dma_start3A_519 : memref<2605056x32xf32, #tpu.memory_space<hbm>>) target(%dma_start3A_515 : memref<128x32xf32, #tpu.memory_space<vmem>>) offsets(%dma_start3A_516 : memref<128xi32, #tpu.memory_space<vmem>>) semaphore(%arg11 : memref<!tpu.dma_semaphore, #tpu.memory_space<semaphore_mem>>)
      %dma_start3A_520 = arith.constant 896 : i32
      %dma_start3A_521 = arith.constant 0 : i32
      %dma_start3A_522 = tpu.memref_slice %arg9[%dma_start3A_520, %dma_start3A_521] : memref<1024x32xf32, #tpu.memory_space<vmem>> -> memref<128x32xf32, #tpu.memory_space<vmem>>
      %dma_start3A_523 = tpu.memref_slice %arg8[%add3A_470] : memref<13312xi32, #tpu.memory_space<vmem>> -> memref<128xi32, #tpu.memory_space<vmem>>
      %dma_start3A_524 = arith.constant 0 : i32
      %dma_start3A_525 = arith.constant 0 : i32
      %dma_start3A_526 = tpu.memref_slice %arg4[%dma_start3A_524, %dma_start3A_525] : memref<2605056x32xf32, #tpu.memory_space<hbm>> -> memref<2605056x32xf32, #tpu.memory_space<hbm>>
      tpu.enqueue_indirect_dma source(%dma_start3A_526 : memref<2605056x32xf32, #tpu.memory_space<hbm>>) target(%dma_start3A_522 : memref<128x32xf32, #tpu.memory_space<vmem>>) offsets(%dma_start3A_523 : memref<128xi32, #tpu.memory_space<vmem>>) semaphore(%arg11 : memref<!tpu.dma_semaphore, #tpu.memory_space<semaphore_mem>>)
      %dma_wait3A_527 = arith.constant 0 : i32
      %dma_wait3A_528 = arith.constant 0 : i32
      %dma_wait3A_529 = tpu.memref_slice %arg9[%dma_wait3A_527, %dma_wait3A_528] : memref<1024x32xf32, #tpu.memory_space<vmem>> -> memref<128x32xf32, #tpu.memory_space<vmem>>
      %dma_wait3A_530 = tpu.memref_slice %arg8[%add3A_442] : memref<13312xi32, #tpu.memory_space<vmem>> -> memref<128xi32, #tpu.memory_space<vmem>>
      %dma_wait3A_531 = arith.constant 0 : i32
      %dma_wait3A_532 = arith.constant 0 : i32
      %dma_wait3A_533 = tpu.memref_slice %arg4[%dma_wait3A_531, %dma_wait3A_532] : memref<2605056x32xf32, #tpu.memory_space<hbm>> -> memref<2605056x32xf32, #tpu.memory_space<hbm>>
      tpu.wait_indirect_dma semaphore(%arg11 : memref<!tpu.dma_semaphore, #tpu.memory_space<semaphore_mem>>) src(%dma_wait3A_533 : memref<2605056x32xf32, #tpu.memory_space<hbm>>) dst(%dma_wait3A_529 : memref<128x32xf32, #tpu.memory_space<vmem>>)
      %dma_wait3A_534 = arith.constant 128 : i32
      %dma_wait3A_535 = arith.constant 0 : i32
      %dma_wait3A_536 = tpu.memref_slice %arg9[%dma_wait3A_534, %dma_wait3A_535] : memref<1024x32xf32, #tpu.memory_space<vmem>> -> memref<128x32xf32, #tpu.memory_space<vmem>>
      %dma_wait3A_537 = tpu.memref_slice %arg8[%add3A_446] : memref<13312xi32, #tpu.memory_space<vmem>> -> memref<128xi32, #tpu.memory_space<vmem>>
      %dma_wait3A_538 = arith.constant 0 : i32
      %dma_wait3A_539 = arith.constant 0 : i32
      %dma_wait3A_540 = tpu.memref_slice %arg4[%dma_wait3A_538, %dma_wait3A_539] : memref<2605056x32xf32, #tpu.memory_space<hbm>> -> memref<2605056x32xf32, #tpu.memory_space<hbm>>
      tpu.wait_indirect_dma semaphore(%arg11 : memref<!tpu.dma_semaphore, #tpu.memory_space<semaphore_mem>>) src(%dma_wait3A_540 : memref<2605056x32xf32, #tpu.memory_space<hbm>>) dst(%dma_wait3A_536 : memref<128x32xf32, #tpu.memory_space<vmem>>)
      %dma_wait3A_541 = arith.constant 256 : i32
      %dma_wait3A_542 = arith.constant 0 : i32
      %dma_wait3A_543 = tpu.memref_slice %arg9[%dma_wait3A_541, %dma_wait3A_542] : memref<1024x32xf32, #tpu.memory_space<vmem>> -> memref<128x32xf32, #tpu.memory_space<vmem>>
      %dma_wait3A_544 = tpu.memref_slice %arg8[%add3A_450] : memref<13312xi32, #tpu.memory_space<vmem>> -> memref<128xi32, #tpu.memory_space<vmem>>
      %dma_wait3A_545 = arith.constant 0 : i32
      %dma_wait3A_546 = arith.constant 0 : i32
      %dma_wait3A_547 = tpu.memref_slice %arg4[%dma_wait3A_545, %dma_wait3A_546] : memref<2605056x32xf32, #tpu.memory_space<hbm>> -> memref<2605056x32xf32, #tpu.memory_space<hbm>>
      tpu.wait_indirect_dma semaphore(%arg11 : memref<!tpu.dma_semaphore, #tpu.memory_space<semaphore_mem>>) src(%dma_wait3A_547 : memref<2605056x32xf32, #tpu.memory_space<hbm>>) dst(%dma_wait3A_543 : memref<128x32xf32, #tpu.memory_space<vmem>>)
      %dma_wait3A_548 = arith.constant 384 : i32
      %dma_wait3A_549 = arith.constant 0 : i32
      %dma_wait3A_550 = tpu.memref_slice %arg9[%dma_wait3A_548, %dma_wait3A_549] : memref<1024x32xf32, #tpu.memory_space<vmem>> -> memref<128x32xf32, #tpu.memory_space<vmem>>
      %dma_wait3A_551 = tpu.memref_slice %arg8[%add3A_454] : memref<13312xi32, #tpu.memory_space<vmem>> -> memref<128xi32, #tpu.memory_space<vmem>>
      %dma_wait3A_552 = arith.constant 0 : i32
      %dma_wait3A_553 = arith.constant 0 : i32
      %dma_wait3A_554 = tpu.memref_slice %arg4[%dma_wait3A_552, %dma_wait3A_553] : memref<2605056x32xf32, #tpu.memory_space<hbm>> -> memref<2605056x32xf32, #tpu.memory_space<hbm>>
      tpu.wait_indirect_dma semaphore(%arg11 : memref<!tpu.dma_semaphore, #tpu.memory_space<semaphore_mem>>) src(%dma_wait3A_554 : memref<2605056x32xf32, #tpu.memory_space<hbm>>) dst(%dma_wait3A_550 : memref<128x32xf32, #tpu.memory_space<vmem>>)
      %dma_wait3A_555 = arith.constant 512 : i32
      %dma_wait3A_556 = arith.constant 0 : i32
      %dma_wait3A_557 = tpu.memref_slice %arg9[%dma_wait3A_555, %dma_wait3A_556] : memref<1024x32xf32, #tpu.memory_space<vmem>> -> memref<128x32xf32, #tpu.memory_space<vmem>>
      %dma_wait3A_558 = tpu.memref_slice %arg8[%add3A_458] : memref<13312xi32, #tpu.memory_space<vmem>> -> memref<128xi32, #tpu.memory_space<vmem>>
      %dma_wait3A_559 = arith.constant 0 : i32
      %dma_wait3A_560 = arith.constant 0 : i32
      %dma_wait3A_561 = tpu.memref_slice %arg4[%dma_wait3A_559, %dma_wait3A_560] : memref<2605056x32xf32, #tpu.memory_space<hbm>> -> memref<2605056x32xf32, #tpu.memory_space<hbm>>
      tpu.wait_indirect_dma semaphore(%arg11 : memref<!tpu.dma_semaphore, #tpu.memory_space<semaphore_mem>>) src(%dma_wait3A_561 : memref<2605056x32xf32, #tpu.memory_space<hbm>>) dst(%dma_wait3A_557 : memref<128x32xf32, #tpu.memory_space<vmem>>)
      %dma_wait3A_562 = arith.constant 640 : i32
      %dma_wait3A_563 = arith.constant 0 : i32
      %dma_wait3A_564 = tpu.memref_slice %arg9[%dma_wait3A_562, %dma_wait3A_563] : memref<1024x32xf32, #tpu.memory_space<vmem>> -> memref<128x32xf32, #tpu.memory_space<vmem>>
      %dma_wait3A_565 = tpu.memref_slice %arg8[%add3A_462] : memref<13312xi32, #tpu.memory_space<vmem>> -> memref<128xi32, #tpu.memory_space<vmem>>
      %dma_wait3A_566 = arith.constant 0 : i32
      %dma_wait3A_567 = arith.constant 0 : i32
      %dma_wait3A_568 = tpu.memref_slice %arg4[%dma_wait3A_566, %dma_wait3A_567] : memref<2605056x32xf32, #tpu.memory_space<hbm>> -> memref<2605056x32xf32, #tpu.memory_space<hbm>>
      tpu.wait_indirect_dma semaphore(%arg11 : memref<!tpu.dma_semaphore, #tpu.memory_space<semaphore_mem>>) src(%dma_wait3A_568 : memref<2605056x32xf32, #tpu.memory_space<hbm>>) dst(%dma_wait3A_564 : memref<128x32xf32, #tpu.memory_space<vmem>>)
      %dma_wait3A_569 = arith.constant 768 : i32
      %dma_wait3A_570 = arith.constant 0 : i32
      %dma_wait3A_571 = tpu.memref_slice %arg9[%dma_wait3A_569, %dma_wait3A_570] : memref<1024x32xf32, #tpu.memory_space<vmem>> -> memref<128x32xf32, #tpu.memory_space<vmem>>
      %dma_wait3A_572 = tpu.memref_slice %arg8[%add3A_466] : memref<13312xi32, #tpu.memory_space<vmem>> -> memref<128xi32, #tpu.memory_space<vmem>>
      %dma_wait3A_573 = arith.constant 0 : i32
      %dma_wait3A_574 = arith.constant 0 : i32
      %dma_wait3A_575 = tpu.memref_slice %arg4[%dma_wait3A_573, %dma_wait3A_574] : memref<2605056x32xf32, #tpu.memory_space<hbm>> -> memref<2605056x32xf32, #tpu.memory_space<hbm>>
      tpu.wait_indirect_dma semaphore(%arg11 : memref<!tpu.dma_semaphore, #tpu.memory_space<semaphore_mem>>) src(%dma_wait3A_575 : memref<2605056x32xf32, #tpu.memory_space<hbm>>) dst(%dma_wait3A_571 : memref<128x32xf32, #tpu.memory_space<vmem>>)
      %dma_wait3A_576 = arith.constant 896 : i32
      %dma_wait3A_577 = arith.constant 0 : i32
      %dma_wait3A_578 = tpu.memref_slice %arg9[%dma_wait3A_576, %dma_wait3A_577] : memref<1024x32xf32, #tpu.memory_space<vmem>> -> memref<128x32xf32, #tpu.memory_space<vmem>>
      %dma_wait3A_579 = tpu.memref_slice %arg8[%add3A_470] : memref<13312xi32, #tpu.memory_space<vmem>> -> memref<128xi32, #tpu.memory_space<vmem>>
      %dma_wait3A_580 = arith.constant 0 : i32
      %dma_wait3A_581 = arith.constant 0 : i32
      %dma_wait3A_582 = tpu.memref_slice %arg4[%dma_wait3A_580, %dma_wait3A_581] : memref<2605056x32xf32, #tpu.memory_space<hbm>> -> memref<2605056x32xf32, #tpu.memory_space<hbm>>
      tpu.wait_indirect_dma semaphore(%arg11 : memref<!tpu.dma_semaphore, #tpu.memory_space<semaphore_mem>>) src(%dma_wait3A_582 : memref<2605056x32xf32, #tpu.memory_space<hbm>>) dst(%dma_wait3A_578 : memref<128x32xf32, #tpu.memory_space<vmem>>)
      %mul3A_583 = arith.constant 1024 : i32
      %mul3A_584 = arith.muli %add3A_434, %mul3A_583 : i32
      %add3A_585 = arith.addi %mul3A_2, %mul3A_584 : i32
      %dma_start3A_586 = arith.constant 0 : i32
      %dma_start3A_587 = tpu.memref_slice %arg5[%add3A_585, %dma_start3A_586] : memref<425984x32xf32, #tpu.memory_space<hbm>> -> memref<1024x32xf32, #tpu.memory_space<hbm>>
      %dma_start3A_588 = arith.constant 0 : i32
      %dma_start3A_589 = tpu.memref_slice %arg5[%add3A_585, %dma_start3A_588] : memref<425984x32xf32, #tpu.memory_space<hbm>> -> memref<1024x32xf32, #tpu.memory_space<hbm>>
      tpu.enqueue_dma source(%arg9 : memref<1024x32xf32, #tpu.memory_space<vmem>>) target(%dma_start3A_589 : memref<1024x32xf32, #tpu.memory_space<hbm>>) target_semaphore(%arg12 : memref<!tpu.dma_semaphore, #tpu.memory_space<semaphore_mem>>)
      %dma_wait3A_590 = arith.constant 0 : i32
      %dma_wait3A_591 = tpu.memref_slice %arg5[%mul3A_2, %dma_wait3A_590] : memref<425984x32xf32, #tpu.memory_space<hbm>> -> memref<1024x32xf32, #tpu.memory_space<hbm>>
      %dma_wait3A_592 = arith.constant 0 : i32
      %dma_wait3A_593 = tpu.memref_slice %arg5[%mul3A_2, %dma_wait3A_592] : memref<425984x32xf32, #tpu.memory_space<hbm>> -> memref<1024x32xf32, #tpu.memory_space<hbm>>
      tpu.wait_dma2 semaphore(%arg12 : memref<!tpu.dma_semaphore, #tpu.memory_space<semaphore_mem>>) src(%dma_wait3A_593 : memref<1024x32xf32, #tpu.memory_space<hbm>>) dst(%arg10 : memref<1024x32xf32, #tpu.memory_space<vmem>>)
      %add3A_594 = arith.constant 1 : i32
      %add3A_595 = arith.addi %add3A_434, %add3A_594 : i32
      %mul3A_596 = arith.constant 1024 : i32
      %mul3A_597 = arith.muli %add3A_595, %mul3A_596 : i32
      %add3A_598 = arith.constant 0 : i32
      %add3A_599 = arith.addi %mul3A_597, %add3A_598 : i32
      %mul3A_600 = arith.constant 1024 : i32
      %mul3A_601 = arith.muli %add3A_595, %mul3A_600 : i32
      %add3A_602 = arith.constant 128 : i32
      %add3A_603 = arith.addi %mul3A_601, %add3A_602 : i32
      %mul3A_604 = arith.constant 1024 : i32
      %mul3A_605 = arith.muli %add3A_595, %mul3A_604 : i32
      %add3A_606 = arith.constant 256 : i32
      %add3A_607 = arith.addi %mul3A_605, %add3A_606 : i32
      %mul3A_608 = arith.constant 1024 : i32
      %mul3A_609 = arith.muli %add3A_595, %mul3A_608 : i32
      %add3A_610 = arith.constant 384 : i32
      %add3A_611 = arith.addi %mul3A_609, %add3A_610 : i32
      %mul3A_612 = arith.constant 1024 : i32
      %mul3A_613 = arith.muli %add3A_595, %mul3A_612 : i32
      %add3A_614 = arith.constant 512 : i32
      %add3A_615 = arith.addi %mul3A_613, %add3A_614 : i32
      %mul3A_616 = arith.constant 1024 : i32
      %mul3A_617 = arith.muli %add3A_595, %mul3A_616 : i32
      %add3A_618 = arith.constant 640 : i32
      %add3A_619 = arith.addi %mul3A_617, %add3A_618 : i32
      %mul3A_620 = arith.constant 1024 : i32
      %mul3A_621 = arith.muli %add3A_595, %mul3A_620 : i32
      %add3A_622 = arith.constant 768 : i32
      %add3A_623 = arith.addi %mul3A_621, %add3A_622 : i32
      %mul3A_624 = arith.constant 1024 : i32
      %mul3A_625 = arith.muli %add3A_595, %mul3A_624 : i32
      %add3A_626 = arith.constant 896 : i32
      %add3A_627 = arith.addi %mul3A_625, %add3A_626 : i32
      %dma_start3A_628 = arith.constant 0 : i32
      %dma_start3A_629 = arith.constant 0 : i32
      %dma_start3A_630 = tpu.memref_slice %arg10[%dma_start3A_628, %dma_start3A_629] : memref<1024x32xf32, #tpu.memory_space<vmem>> -> memref<128x32xf32, #tpu.memory_space<vmem>>
      %dma_start3A_631 = tpu.memref_slice %arg8[%add3A_599] : memref<13312xi32, #tpu.memory_space<vmem>> -> memref<128xi32, #tpu.memory_space<vmem>>
      %dma_start3A_632 = arith.constant 0 : i32
      %dma_start3A_633 = arith.constant 0 : i32
      %dma_start3A_634 = tpu.memref_slice %arg4[%dma_start3A_632, %dma_start3A_633] : memref<2605056x32xf32, #tpu.memory_space<hbm>> -> memref<2605056x32xf32, #tpu.memory_space<hbm>>
      tpu.enqueue_indirect_dma source(%dma_start3A_634 : memref<2605056x32xf32, #tpu.memory_space<hbm>>) target(%dma_start3A_630 : memref<128x32xf32, #tpu.memory_space<vmem>>) offsets(%dma_start3A_631 : memref<128xi32, #tpu.memory_space<vmem>>) semaphore(%arg11 : memref<!tpu.dma_semaphore, #tpu.memory_space<semaphore_mem>>)
      %dma_start3A_635 = arith.constant 128 : i32
      %dma_start3A_636 = arith.constant 0 : i32
      %dma_start3A_637 = tpu.memref_slice %arg10[%dma_start3A_635, %dma_start3A_636] : memref<1024x32xf32, #tpu.memory_space<vmem>> -> memref<128x32xf32, #tpu.memory_space<vmem>>
      %dma_start3A_638 = tpu.memref_slice %arg8[%add3A_603] : memref<13312xi32, #tpu.memory_space<vmem>> -> memref<128xi32, #tpu.memory_space<vmem>>
      %dma_start3A_639 = arith.constant 0 : i32
      %dma_start3A_640 = arith.constant 0 : i32
      %dma_start3A_641 = tpu.memref_slice %arg4[%dma_start3A_639, %dma_start3A_640] : memref<2605056x32xf32, #tpu.memory_space<hbm>> -> memref<2605056x32xf32, #tpu.memory_space<hbm>>
      tpu.enqueue_indirect_dma source(%dma_start3A_641 : memref<2605056x32xf32, #tpu.memory_space<hbm>>) target(%dma_start3A_637 : memref<128x32xf32, #tpu.memory_space<vmem>>) offsets(%dma_start3A_638 : memref<128xi32, #tpu.memory_space<vmem>>) semaphore(%arg11 : memref<!tpu.dma_semaphore, #tpu.memory_space<semaphore_mem>>)
      %dma_start3A_642 = arith.constant 256 : i32
      %dma_start3A_643 = arith.constant 0 : i32
      %dma_start3A_644 = tpu.memref_slice %arg10[%dma_start3A_642, %dma_start3A_643] : memref<1024x32xf32, #tpu.memory_space<vmem>> -> memref<128x32xf32, #tpu.memory_space<vmem>>
      %dma_start3A_645 = tpu.memref_slice %arg8[%add3A_607] : memref<13312xi32, #tpu.memory_space<vmem>> -> memref<128xi32, #tpu.memory_space<vmem>>
      %dma_start3A_646 = arith.constant 0 : i32
      %dma_start3A_647 = arith.constant 0 : i32
      %dma_start3A_648 = tpu.memref_slice %arg4[%dma_start3A_646, %dma_start3A_647] : memref<2605056x32xf32, #tpu.memory_space<hbm>> -> memref<2605056x32xf32, #tpu.memory_space<hbm>>
      tpu.enqueue_indirect_dma source(%dma_start3A_648 : memref<2605056x32xf32, #tpu.memory_space<hbm>>) target(%dma_start3A_644 : memref<128x32xf32, #tpu.memory_space<vmem>>) offsets(%dma_start3A_645 : memref<128xi32, #tpu.memory_space<vmem>>) semaphore(%arg11 : memref<!tpu.dma_semaphore, #tpu.memory_space<semaphore_mem>>)
      %dma_start3A_649 = arith.constant 384 : i32
      %dma_start3A_650 = arith.constant 0 : i32
      %dma_start3A_651 = tpu.memref_slice %arg10[%dma_start3A_649, %dma_start3A_650] : memref<1024x32xf32, #tpu.memory_space<vmem>> -> memref<128x32xf32, #tpu.memory_space<vmem>>
      %dma_start3A_652 = tpu.memref_slice %arg8[%add3A_611] : memref<13312xi32, #tpu.memory_space<vmem>> -> memref<128xi32, #tpu.memory_space<vmem>>
      %dma_start3A_653 = arith.constant 0 : i32
      %dma_start3A_654 = arith.constant 0 : i32
      %dma_start3A_655 = tpu.memref_slice %arg4[%dma_start3A_653, %dma_start3A_654] : memref<2605056x32xf32, #tpu.memory_space<hbm>> -> memref<2605056x32xf32, #tpu.memory_space<hbm>>
      tpu.enqueue_indirect_dma source(%dma_start3A_655 : memref<2605056x32xf32, #tpu.memory_space<hbm>>) target(%dma_start3A_651 : memref<128x32xf32, #tpu.memory_space<vmem>>) offsets(%dma_start3A_652 : memref<128xi32, #tpu.memory_space<vmem>>) semaphore(%arg11 : memref<!tpu.dma_semaphore, #tpu.memory_space<semaphore_mem>>)
      %dma_start3A_656 = arith.constant 512 : i32
      %dma_start3A_657 = arith.constant 0 : i32
      %dma_start3A_658 = tpu.memref_slice %arg10[%dma_start3A_656, %dma_start3A_657] : memref<1024x32xf32, #tpu.memory_space<vmem>> -> memref<128x32xf32, #tpu.memory_space<vmem>>
      %dma_start3A_659 = tpu.memref_slice %arg8[%add3A_615] : memref<13312xi32, #tpu.memory_space<vmem>> -> memref<128xi32, #tpu.memory_space<vmem>>
      %dma_start3A_660 = arith.constant 0 : i32
      %dma_start3A_661 = arith.constant 0 : i32
      %dma_start3A_662 = tpu.memref_slice %arg4[%dma_start3A_660, %dma_start3A_661] : memref<2605056x32xf32, #tpu.memory_space<hbm>> -> memref<2605056x32xf32, #tpu.memory_space<hbm>>
      tpu.enqueue_indirect_dma source(%dma_start3A_662 : memref<2605056x32xf32, #tpu.memory_space<hbm>>) target(%dma_start3A_658 : memref<128x32xf32, #tpu.memory_space<vmem>>) offsets(%dma_start3A_659 : memref<128xi32, #tpu.memory_space<vmem>>) semaphore(%arg11 : memref<!tpu.dma_semaphore, #tpu.memory_space<semaphore_mem>>)
      %dma_start3A_663 = arith.constant 640 : i32
      %dma_start3A_664 = arith.constant 0 : i32
      %dma_start3A_665 = tpu.memref_slice %arg10[%dma_start3A_663, %dma_start3A_664] : memref<1024x32xf32, #tpu.memory_space<vmem>> -> memref<128x32xf32, #tpu.memory_space<vmem>>
      %dma_start3A_666 = tpu.memref_slice %arg8[%add3A_619] : memref<13312xi32, #tpu.memory_space<vmem>> -> memref<128xi32, #tpu.memory_space<vmem>>
      %dma_start3A_667 = arith.constant 0 : i32
      %dma_start3A_668 = arith.constant 0 : i32
      %dma_start3A_669 = tpu.memref_slice %arg4[%dma_start3A_667, %dma_start3A_668] : memref<2605056x32xf32, #tpu.memory_space<hbm>> -> memref<2605056x32xf32, #tpu.memory_space<hbm>>
      tpu.enqueue_indirect_dma source(%dma_start3A_669 : memref<2605056x32xf32, #tpu.memory_space<hbm>>) target(%dma_start3A_665 : memref<128x32xf32, #tpu.memory_space<vmem>>) offsets(%dma_start3A_666 : memref<128xi32, #tpu.memory_space<vmem>>) semaphore(%arg11 : memref<!tpu.dma_semaphore, #tpu.memory_space<semaphore_mem>>)
      %dma_start3A_670 = arith.constant 768 : i32
      %dma_start3A_671 = arith.constant 0 : i32
      %dma_start3A_672 = tpu.memref_slice %arg10[%dma_start3A_670, %dma_start3A_671] : memref<1024x32xf32, #tpu.memory_space<vmem>> -> memref<128x32xf32, #tpu.memory_space<vmem>>
      %dma_start3A_673 = tpu.memref_slice %arg8[%add3A_623] : memref<13312xi32, #tpu.memory_space<vmem>> -> memref<128xi32, #tpu.memory_space<vmem>>
      %dma_start3A_674 = arith.constant 0 : i32
      %dma_start3A_675 = arith.constant 0 : i32
      %dma_start3A_676 = tpu.memref_slice %arg4[%dma_start3A_674, %dma_start3A_675] : memref<2605056x32xf32, #tpu.memory_space<hbm>> -> memref<2605056x32xf32, #tpu.memory_space<hbm>>
      tpu.enqueue_indirect_dma source(%dma_start3A_676 : memref<2605056x32xf32, #tpu.memory_space<hbm>>) target(%dma_start3A_672 : memref<128x32xf32, #tpu.memory_space<vmem>>) offsets(%dma_start3A_673 : memref<128xi32, #tpu.memory_space<vmem>>) semaphore(%arg11 : memref<!tpu.dma_semaphore, #tpu.memory_space<semaphore_mem>>)
      %dma_start3A_677 = arith.constant 896 : i32
      %dma_start3A_678 = arith.constant 0 : i32
      %dma_start3A_679 = tpu.memref_slice %arg10[%dma_start3A_677, %dma_start3A_678] : memref<1024x32xf32, #tpu.memory_space<vmem>> -> memref<128x32xf32, #tpu.memory_space<vmem>>
      %dma_start3A_680 = tpu.memref_slice %arg8[%add3A_627] : memref<13312xi32, #tpu.memory_space<vmem>> -> memref<128xi32, #tpu.memory_space<vmem>>
      %dma_start3A_681 = arith.constant 0 : i32
      %dma_start3A_682 = arith.constant 0 : i32
      %dma_start3A_683 = tpu.memref_slice %arg4[%dma_start3A_681, %dma_start3A_682] : memref<2605056x32xf32, #tpu.memory_space<hbm>> -> memref<2605056x32xf32, #tpu.memory_space<hbm>>
      tpu.enqueue_indirect_dma source(%dma_start3A_683 : memref<2605056x32xf32, #tpu.memory_space<hbm>>) target(%dma_start3A_679 : memref<128x32xf32, #tpu.memory_space<vmem>>) offsets(%dma_start3A_680 : memref<128xi32, #tpu.memory_space<vmem>>) semaphore(%arg11 : memref<!tpu.dma_semaphore, #tpu.memory_space<semaphore_mem>>)
      %dma_wait3A_684 = arith.constant 0 : i32
      %dma_wait3A_685 = arith.constant 0 : i32
      %dma_wait3A_686 = tpu.memref_slice %arg10[%dma_wait3A_684, %dma_wait3A_685] : memref<1024x32xf32, #tpu.memory_space<vmem>> -> memref<128x32xf32, #tpu.memory_space<vmem>>
      %dma_wait3A_687 = tpu.memref_slice %arg8[%add3A_599] : memref<13312xi32, #tpu.memory_space<vmem>> -> memref<128xi32, #tpu.memory_space<vmem>>
      %dma_wait3A_688 = arith.constant 0 : i32
      %dma_wait3A_689 = arith.constant 0 : i32
      %dma_wait3A_690 = tpu.memref_slice %arg4[%dma_wait3A_688, %dma_wait3A_689] : memref<2605056x32xf32, #tpu.memory_space<hbm>> -> memref<2605056x32xf32, #tpu.memory_space<hbm>>
      tpu.wait_indirect_dma semaphore(%arg11 : memref<!tpu.dma_semaphore, #tpu.memory_space<semaphore_mem>>) src(%dma_wait3A_690 : memref<2605056x32xf32, #tpu.memory_space<hbm>>) dst(%dma_wait3A_686 : memref<128x32xf32, #tpu.memory_space<vmem>>)
      %dma_wait3A_691 = arith.constant 128 : i32
      %dma_wait3A_692 = arith.constant 0 : i32
      %dma_wait3A_693 = tpu.memref_slice %arg10[%dma_wait3A_691, %dma_wait3A_692] : memref<1024x32xf32, #tpu.memory_space<vmem>> -> memref<128x32xf32, #tpu.memory_space<vmem>>
      %dma_wait3A_694 = tpu.memref_slice %arg8[%add3A_603] : memref<13312xi32, #tpu.memory_space<vmem>> -> memref<128xi32, #tpu.memory_space<vmem>>
      %dma_wait3A_695 = arith.constant 0 : i32
      %dma_wait3A_696 = arith.constant 0 : i32
      %dma_wait3A_697 = tpu.memref_slice %arg4[%dma_wait3A_695, %dma_wait3A_696] : memref<2605056x32xf32, #tpu.memory_space<hbm>> -> memref<2605056x32xf32, #tpu.memory_space<hbm>>
      tpu.wait_indirect_dma semaphore(%arg11 : memref<!tpu.dma_semaphore, #tpu.memory_space<semaphore_mem>>) src(%dma_wait3A_697 : memref<2605056x32xf32, #tpu.memory_space<hbm>>) dst(%dma_wait3A_693 : memref<128x32xf32, #tpu.memory_space<vmem>>)
      %dma_wait3A_698 = arith.constant 256 : i32
      %dma_wait3A_699 = arith.constant 0 : i32
      %dma_wait3A_700 = tpu.memref_slice %arg10[%dma_wait3A_698, %dma_wait3A_699] : memref<1024x32xf32, #tpu.memory_space<vmem>> -> memref<128x32xf32, #tpu.memory_space<vmem>>
      %dma_wait3A_701 = tpu.memref_slice %arg8[%add3A_607] : memref<13312xi32, #tpu.memory_space<vmem>> -> memref<128xi32, #tpu.memory_space<vmem>>
      %dma_wait3A_702 = arith.constant 0 : i32
      %dma_wait3A_703 = arith.constant 0 : i32
      %dma_wait3A_704 = tpu.memref_slice %arg4[%dma_wait3A_702, %dma_wait3A_703] : memref<2605056x32xf32, #tpu.memory_space<hbm>> -> memref<2605056x32xf32, #tpu.memory_space<hbm>>
      tpu.wait_indirect_dma semaphore(%arg11 : memref<!tpu.dma_semaphore, #tpu.memory_space<semaphore_mem>>) src(%dma_wait3A_704 : memref<2605056x32xf32, #tpu.memory_space<hbm>>) dst(%dma_wait3A_700 : memref<128x32xf32, #tpu.memory_space<vmem>>)
      %dma_wait3A_705 = arith.constant 384 : i32
      %dma_wait3A_706 = arith.constant 0 : i32
      %dma_wait3A_707 = tpu.memref_slice %arg10[%dma_wait3A_705, %dma_wait3A_706] : memref<1024x32xf32, #tpu.memory_space<vmem>> -> memref<128x32xf32, #tpu.memory_space<vmem>>
      %dma_wait3A_708 = tpu.memref_slice %arg8[%add3A_611] : memref<13312xi32, #tpu.memory_space<vmem>> -> memref<128xi32, #tpu.memory_space<vmem>>
      %dma_wait3A_709 = arith.constant 0 : i32
      %dma_wait3A_710 = arith.constant 0 : i32
      %dma_wait3A_711 = tpu.memref_slice %arg4[%dma_wait3A_709, %dma_wait3A_710] : memref<2605056x32xf32, #tpu.memory_space<hbm>> -> memref<2605056x32xf32, #tpu.memory_space<hbm>>
      tpu.wait_indirect_dma semaphore(%arg11 : memref<!tpu.dma_semaphore, #tpu.memory_space<semaphore_mem>>) src(%dma_wait3A_711 : memref<2605056x32xf32, #tpu.memory_space<hbm>>) dst(%dma_wait3A_707 : memref<128x32xf32, #tpu.memory_space<vmem>>)
      %dma_wait3A_712 = arith.constant 512 : i32
      %dma_wait3A_713 = arith.constant 0 : i32
      %dma_wait3A_714 = tpu.memref_slice %arg10[%dma_wait3A_712, %dma_wait3A_713] : memref<1024x32xf32, #tpu.memory_space<vmem>> -> memref<128x32xf32, #tpu.memory_space<vmem>>
      %dma_wait3A_715 = tpu.memref_slice %arg8[%add3A_615] : memref<13312xi32, #tpu.memory_space<vmem>> -> memref<128xi32, #tpu.memory_space<vmem>>
      %dma_wait3A_716 = arith.constant 0 : i32
      %dma_wait3A_717 = arith.constant 0 : i32
      %dma_wait3A_718 = tpu.memref_slice %arg4[%dma_wait3A_716, %dma_wait3A_717] : memref<2605056x32xf32, #tpu.memory_space<hbm>> -> memref<2605056x32xf32, #tpu.memory_space<hbm>>
      tpu.wait_indirect_dma semaphore(%arg11 : memref<!tpu.dma_semaphore, #tpu.memory_space<semaphore_mem>>) src(%dma_wait3A_718 : memref<2605056x32xf32, #tpu.memory_space<hbm>>) dst(%dma_wait3A_714 : memref<128x32xf32, #tpu.memory_space<vmem>>)
      %dma_wait3A_719 = arith.constant 640 : i32
      %dma_wait3A_720 = arith.constant 0 : i32
      %dma_wait3A_721 = tpu.memref_slice %arg10[%dma_wait3A_719, %dma_wait3A_720] : memref<1024x32xf32, #tpu.memory_space<vmem>> -> memref<128x32xf32, #tpu.memory_space<vmem>>
      %dma_wait3A_722 = tpu.memref_slice %arg8[%add3A_619] : memref<13312xi32, #tpu.memory_space<vmem>> -> memref<128xi32, #tpu.memory_space<vmem>>
      %dma_wait3A_723 = arith.constant 0 : i32
      %dma_wait3A_724 = arith.constant 0 : i32
      %dma_wait3A_725 = tpu.memref_slice %arg4[%dma_wait3A_723, %dma_wait3A_724] : memref<2605056x32xf32, #tpu.memory_space<hbm>> -> memref<2605056x32xf32, #tpu.memory_space<hbm>>
      tpu.wait_indirect_dma semaphore(%arg11 : memref<!tpu.dma_semaphore, #tpu.memory_space<semaphore_mem>>) src(%dma_wait3A_725 : memref<2605056x32xf32, #tpu.memory_space<hbm>>) dst(%dma_wait3A_721 : memref<128x32xf32, #tpu.memory_space<vmem>>)
      %dma_wait3A_726 = arith.constant 768 : i32
      %dma_wait3A_727 = arith.constant 0 : i32
      %dma_wait3A_728 = tpu.memref_slice %arg10[%dma_wait3A_726, %dma_wait3A_727] : memref<1024x32xf32, #tpu.memory_space<vmem>> -> memref<128x32xf32, #tpu.memory_space<vmem>>
      %dma_wait3A_729 = tpu.memref_slice %arg8[%add3A_623] : memref<13312xi32, #tpu.memory_space<vmem>> -> memref<128xi32, #tpu.memory_space<vmem>>
      %dma_wait3A_730 = arith.constant 0 : i32
      %dma_wait3A_731 = arith.constant 0 : i32
      %dma_wait3A_732 = tpu.memref_slice %arg4[%dma_wait3A_730, %dma_wait3A_731] : memref<2605056x32xf32, #tpu.memory_space<hbm>> -> memref<2605056x32xf32, #tpu.memory_space<hbm>>
      tpu.wait_indirect_dma semaphore(%arg11 : memref<!tpu.dma_semaphore, #tpu.memory_space<semaphore_mem>>) src(%dma_wait3A_732 : memref<2605056x32xf32, #tpu.memory_space<hbm>>) dst(%dma_wait3A_728 : memref<128x32xf32, #tpu.memory_space<vmem>>)
      %dma_wait3A_733 = arith.constant 896 : i32
      %dma_wait3A_734 = arith.constant 0 : i32
      %dma_wait3A_735 = tpu.memref_slice %arg10[%dma_wait3A_733, %dma_wait3A_734] : memref<1024x32xf32, #tpu.memory_space<vmem>> -> memref<128x32xf32, #tpu.memory_space<vmem>>
      %dma_wait3A_736 = tpu.memref_slice %arg8[%add3A_627] : memref<13312xi32, #tpu.memory_space<vmem>> -> memref<128xi32, #tpu.memory_space<vmem>>
      %dma_wait3A_737 = arith.constant 0 : i32
      %dma_wait3A_738 = arith.constant 0 : i32
      %dma_wait3A_739 = tpu.memref_slice %arg4[%dma_wait3A_737, %dma_wait3A_738] : memref<2605056x32xf32, #tpu.memory_space<hbm>> -> memref<2605056x32xf32, #tpu.memory_space<hbm>>
      tpu.wait_indirect_dma semaphore(%arg11 : memref<!tpu.dma_semaphore, #tpu.memory_space<semaphore_mem>>) src(%dma_wait3A_739 : memref<2605056x32xf32, #tpu.memory_space<hbm>>) dst(%dma_wait3A_735 : memref<128x32xf32, #tpu.memory_space<vmem>>)
      %mul3A_740 = arith.constant 1024 : i32
      %mul3A_741 = arith.muli %add3A_595, %mul3A_740 : i32
      %add3A_742 = arith.addi %mul3A_2, %mul3A_741 : i32
      %dma_start3A_743 = arith.constant 0 : i32
      %dma_start3A_744 = tpu.memref_slice %arg5[%add3A_742, %dma_start3A_743] : memref<425984x32xf32, #tpu.memory_space<hbm>> -> memref<1024x32xf32, #tpu.memory_space<hbm>>
      %dma_start3A_745 = arith.constant 0 : i32
      %dma_start3A_746 = tpu.memref_slice %arg5[%add3A_742, %dma_start3A_745] : memref<425984x32xf32, #tpu.memory_space<hbm>> -> memref<1024x32xf32, #tpu.memory_space<hbm>>
      tpu.enqueue_dma source(%arg10 : memref<1024x32xf32, #tpu.memory_space<vmem>>) target(%dma_start3A_746 : memref<1024x32xf32, #tpu.memory_space<hbm>>) target_semaphore(%arg12 : memref<!tpu.dma_semaphore, #tpu.memory_space<semaphore_mem>>)
    }
    %scan3A_283 = arith.constant 5 : i32
    %dma_wait3A_284 = arith.constant 0 : i32
    %dma_wait3A_285 = tpu.memref_slice %arg5[%mul3A_2, %dma_wait3A_284] : memref<425984x32xf32, #tpu.memory_space<hbm>> -> memref<1024x32xf32, #tpu.memory_space<hbm>>
    %dma_wait3A_286 = arith.constant 0 : i32
    %dma_wait3A_287 = tpu.memref_slice %arg5[%mul3A_2, %dma_wait3A_286] : memref<425984x32xf32, #tpu.memory_space<hbm>> -> memref<1024x32xf32, #tpu.memory_space<hbm>>
    tpu.wait_dma2 semaphore(%arg12 : memref<!tpu.dma_semaphore, #tpu.memory_space<semaphore_mem>>) src(%dma_wait3A_287 : memref<1024x32xf32, #tpu.memory_space<hbm>>) dst(%arg9 : memref<1024x32xf32, #tpu.memory_space<vmem>>)
    %dma_start3A_288 = arith.constant 0 : i32
    %dma_start3A_289 = arith.constant 0 : i32
    %dma_start3A_290 = tpu.memref_slice %arg9[%dma_start3A_288, %dma_start3A_289] : memref<1024x32xf32, #tpu.memory_space<vmem>> -> memref<128x32xf32, #tpu.memory_space<vmem>>
    %dma_start3A_291 = arith.constant 12288 : i32
    %dma_start3A_292 = tpu.memref_slice %arg8[%dma_start3A_291] : memref<13312xi32, #tpu.memory_space<vmem>> -> memref<128xi32, #tpu.memory_space<vmem>>
    %dma_start3A_293 = arith.constant 0 : i32
    %dma_start3A_294 = arith.constant 0 : i32
    %dma_start3A_295 = tpu.memref_slice %arg4[%dma_start3A_293, %dma_start3A_294] : memref<2605056x32xf32, #tpu.memory_space<hbm>> -> memref<2605056x32xf32, #tpu.memory_space<hbm>>
    tpu.enqueue_indirect_dma source(%dma_start3A_295 : memref<2605056x32xf32, #tpu.memory_space<hbm>>) target(%dma_start3A_290 : memref<128x32xf32, #tpu.memory_space<vmem>>) offsets(%dma_start3A_292 : memref<128xi32, #tpu.memory_space<vmem>>) semaphore(%arg11 : memref<!tpu.dma_semaphore, #tpu.memory_space<semaphore_mem>>)
    %dma_start3A_296 = arith.constant 128 : i32
    %dma_start3A_297 = arith.constant 0 : i32
    %dma_start3A_298 = tpu.memref_slice %arg9[%dma_start3A_296, %dma_start3A_297] : memref<1024x32xf32, #tpu.memory_space<vmem>> -> memref<128x32xf32, #tpu.memory_space<vmem>>
    %dma_start3A_299 = arith.constant 12416 : i32
    %dma_start3A_300 = tpu.memref_slice %arg8[%dma_start3A_299] : memref<13312xi32, #tpu.memory_space<vmem>> -> memref<128xi32, #tpu.memory_space<vmem>>
    %dma_start3A_301 = arith.constant 0 : i32
    %dma_start3A_302 = arith.constant 0 : i32
    %dma_start3A_303 = tpu.memref_slice %arg4[%dma_start3A_301, %dma_start3A_302] : memref<2605056x32xf32, #tpu.memory_space<hbm>> -> memref<2605056x32xf32, #tpu.memory_space<hbm>>
    tpu.enqueue_indirect_dma source(%dma_start3A_303 : memref<2605056x32xf32, #tpu.memory_space<hbm>>) target(%dma_start3A_298 : memref<128x32xf32, #tpu.memory_space<vmem>>) offsets(%dma_start3A_300 : memref<128xi32, #tpu.memory_space<vmem>>) semaphore(%arg11 : memref<!tpu.dma_semaphore, #tpu.memory_space<semaphore_mem>>)
    %dma_start3A_304 = arith.constant 256 : i32
    %dma_start3A_305 = arith.constant 0 : i32
    %dma_start3A_306 = tpu.memref_slice %arg9[%dma_start3A_304, %dma_start3A_305] : memref<1024x32xf32, #tpu.memory_space<vmem>> -> memref<128x32xf32, #tpu.memory_space<vmem>>
    %dma_start3A_307 = arith.constant 12544 : i32
    %dma_start3A_308 = tpu.memref_slice %arg8[%dma_start3A_307] : memref<13312xi32, #tpu.memory_space<vmem>> -> memref<128xi32, #tpu.memory_space<vmem>>
    %dma_start3A_309 = arith.constant 0 : i32
    %dma_start3A_310 = arith.constant 0 : i32
    %dma_start3A_311 = tpu.memref_slice %arg4[%dma_start3A_309, %dma_start3A_310] : memref<2605056x32xf32, #tpu.memory_space<hbm>> -> memref<2605056x32xf32, #tpu.memory_space<hbm>>
    tpu.enqueue_indirect_dma source(%dma_start3A_311 : memref<2605056x32xf32, #tpu.memory_space<hbm>>) target(%dma_start3A_306 : memref<128x32xf32, #tpu.memory_space<vmem>>) offsets(%dma_start3A_308 : memref<128xi32, #tpu.memory_space<vmem>>) semaphore(%arg11 : memref<!tpu.dma_semaphore, #tpu.memory_space<semaphore_mem>>)
    %dma_start3A_312 = arith.constant 384 : i32
    %dma_start3A_313 = arith.constant 0 : i32
    %dma_start3A_314 = tpu.memref_slice %arg9[%dma_start3A_312, %dma_start3A_313] : memref<1024x32xf32, #tpu.memory_space<vmem>> -> memref<128x32xf32, #tpu.memory_space<vmem>>
    %dma_start3A_315 = arith.constant 12672 : i32
    %dma_start3A_316 = tpu.memref_slice %arg8[%dma_start3A_315] : memref<13312xi32, #tpu.memory_space<vmem>> -> memref<128xi32, #tpu.memory_space<vmem>>
    %dma_start3A_317 = arith.constant 0 : i32
    %dma_start3A_318 = arith.constant 0 : i32
    %dma_start3A_319 = tpu.memref_slice %arg4[%dma_start3A_317, %dma_start3A_318] : memref<2605056x32xf32, #tpu.memory_space<hbm>> -> memref<2605056x32xf32, #tpu.memory_space<hbm>>
    tpu.enqueue_indirect_dma source(%dma_start3A_319 : memref<2605056x32xf32, #tpu.memory_space<hbm>>) target(%dma_start3A_314 : memref<128x32xf32, #tpu.memory_space<vmem>>) offsets(%dma_start3A_316 : memref<128xi32, #tpu.memory_space<vmem>>) semaphore(%arg11 : memref<!tpu.dma_semaphore, #tpu.memory_space<semaphore_mem>>)
    %dma_start3A_320 = arith.constant 512 : i32
    %dma_start3A_321 = arith.constant 0 : i32
    %dma_start3A_322 = tpu.memref_slice %arg9[%dma_start3A_320, %dma_start3A_321] : memref<1024x32xf32, #tpu.memory_space<vmem>> -> memref<128x32xf32, #tpu.memory_space<vmem>>
    %dma_start3A_323 = arith.constant 12800 : i32
    %dma_start3A_324 = tpu.memref_slice %arg8[%dma_start3A_323] : memref<13312xi32, #tpu.memory_space<vmem>> -> memref<128xi32, #tpu.memory_space<vmem>>
    %dma_start3A_325 = arith.constant 0 : i32
    %dma_start3A_326 = arith.constant 0 : i32
    %dma_start3A_327 = tpu.memref_slice %arg4[%dma_start3A_325, %dma_start3A_326] : memref<2605056x32xf32, #tpu.memory_space<hbm>> -> memref<2605056x32xf32, #tpu.memory_space<hbm>>
    tpu.enqueue_indirect_dma source(%dma_start3A_327 : memref<2605056x32xf32, #tpu.memory_space<hbm>>) target(%dma_start3A_322 : memref<128x32xf32, #tpu.memory_space<vmem>>) offsets(%dma_start3A_324 : memref<128xi32, #tpu.memory_space<vmem>>) semaphore(%arg11 : memref<!tpu.dma_semaphore, #tpu.memory_space<semaphore_mem>>)
    %dma_start3A_328 = arith.constant 640 : i32
    %dma_start3A_329 = arith.constant 0 : i32
    %dma_start3A_330 = tpu.memref_slice %arg9[%dma_start3A_328, %dma_start3A_329] : memref<1024x32xf32, #tpu.memory_space<vmem>> -> memref<128x32xf32, #tpu.memory_space<vmem>>
    %dma_start3A_331 = arith.constant 12928 : i32
    %dma_start3A_332 = tpu.memref_slice %arg8[%dma_start3A_331] : memref<13312xi32, #tpu.memory_space<vmem>> -> memref<128xi32, #tpu.memory_space<vmem>>
    %dma_start3A_333 = arith.constant 0 : i32
    %dma_start3A_334 = arith.constant 0 : i32
    %dma_start3A_335 = tpu.memref_slice %arg4[%dma_start3A_333, %dma_start3A_334] : memref<2605056x32xf32, #tpu.memory_space<hbm>> -> memref<2605056x32xf32, #tpu.memory_space<hbm>>
    tpu.enqueue_indirect_dma source(%dma_start3A_335 : memref<2605056x32xf32, #tpu.memory_space<hbm>>) target(%dma_start3A_330 : memref<128x32xf32, #tpu.memory_space<vmem>>) offsets(%dma_start3A_332 : memref<128xi32, #tpu.memory_space<vmem>>) semaphore(%arg11 : memref<!tpu.dma_semaphore, #tpu.memory_space<semaphore_mem>>)
    %dma_start3A_336 = arith.constant 768 : i32
    %dma_start3A_337 = arith.constant 0 : i32
    %dma_start3A_338 = tpu.memref_slice %arg9[%dma_start3A_336, %dma_start3A_337] : memref<1024x32xf32, #tpu.memory_space<vmem>> -> memref<128x32xf32, #tpu.memory_space<vmem>>
    %dma_start3A_339 = arith.constant 13056 : i32
    %dma_start3A_340 = tpu.memref_slice %arg8[%dma_start3A_339] : memref<13312xi32, #tpu.memory_space<vmem>> -> memref<128xi32, #tpu.memory_space<vmem>>
    %dma_start3A_341 = arith.constant 0 : i32
    %dma_start3A_342 = arith.constant 0 : i32
    %dma_start3A_343 = tpu.memref_slice %arg4[%dma_start3A_341, %dma_start3A_342] : memref<2605056x32xf32, #tpu.memory_space<hbm>> -> memref<2605056x32xf32, #tpu.memory_space<hbm>>
    tpu.enqueue_indirect_dma source(%dma_start3A_343 : memref<2605056x32xf32, #tpu.memory_space<hbm>>) target(%dma_start3A_338 : memref<128x32xf32, #tpu.memory_space<vmem>>) offsets(%dma_start3A_340 : memref<128xi32, #tpu.memory_space<vmem>>) semaphore(%arg11 : memref<!tpu.dma_semaphore, #tpu.memory_space<semaphore_mem>>)
    %dma_start3A_344 = arith.constant 896 : i32
    %dma_start3A_345 = arith.constant 0 : i32
    %dma_start3A_346 = tpu.memref_slice %arg9[%dma_start3A_344, %dma_start3A_345] : memref<1024x32xf32, #tpu.memory_space<vmem>> -> memref<128x32xf32, #tpu.memory_space<vmem>>
    %dma_start3A_347 = arith.constant 13184 : i32
    %dma_start3A_348 = tpu.memref_slice %arg8[%dma_start3A_347] : memref<13312xi32, #tpu.memory_space<vmem>> -> memref<128xi32, #tpu.memory_space<vmem>>
    %dma_start3A_349 = arith.constant 0 : i32
    %dma_start3A_350 = arith.constant 0 : i32
    %dma_start3A_351 = tpu.memref_slice %arg4[%dma_start3A_349, %dma_start3A_350] : memref<2605056x32xf32, #tpu.memory_space<hbm>> -> memref<2605056x32xf32, #tpu.memory_space<hbm>>
    tpu.enqueue_indirect_dma source(%dma_start3A_351 : memref<2605056x32xf32, #tpu.memory_space<hbm>>) target(%dma_start3A_346 : memref<128x32xf32, #tpu.memory_space<vmem>>) offsets(%dma_start3A_348 : memref<128xi32, #tpu.memory_space<vmem>>) semaphore(%arg11 : memref<!tpu.dma_semaphore, #tpu.memory_space<semaphore_mem>>)
    %dma_wait3A_352 = arith.constant 0 : i32
    %dma_wait3A_353 = arith.constant 0 : i32
    %dma_wait3A_354 = tpu.memref_slice %arg9[%dma_wait3A_352, %dma_wait3A_353] : memref<1024x32xf32, #tpu.memory_space<vmem>> -> memref<128x32xf32, #tpu.memory_space<vmem>>
    %dma_wait3A_355 = arith.constant 12288 : i32
    %dma_wait3A_356 = tpu.memref_slice %arg8[%dma_wait3A_355] : memref<13312xi32, #tpu.memory_space<vmem>> -> memref<128xi32, #tpu.memory_space<vmem>>
    %dma_wait3A_357 = arith.constant 0 : i32
    %dma_wait3A_358 = arith.constant 0 : i32
    %dma_wait3A_359 = tpu.memref_slice %arg4[%dma_wait3A_357, %dma_wait3A_358] : memref<2605056x32xf32, #tpu.memory_space<hbm>> -> memref<2605056x32xf32, #tpu.memory_space<hbm>>
    tpu.wait_indirect_dma semaphore(%arg11 : memref<!tpu.dma_semaphore, #tpu.memory_space<semaphore_mem>>) src(%dma_wait3A_359 : memref<2605056x32xf32, #tpu.memory_space<hbm>>) dst(%dma_wait3A_354 : memref<128x32xf32, #tpu.memory_space<vmem>>)
    %dma_wait3A_360 = arith.constant 128 : i32
    %dma_wait3A_361 = arith.constant 0 : i32
    %dma_wait3A_362 = tpu.memref_slice %arg9[%dma_wait3A_360, %dma_wait3A_361] : memref<1024x32xf32, #tpu.memory_space<vmem>> -> memref<128x32xf32, #tpu.memory_space<vmem>>
    %dma_wait3A_363 = arith.constant 12416 : i32
    %dma_wait3A_364 = tpu.memref_slice %arg8[%dma_wait3A_363] : memref<13312xi32, #tpu.memory_space<vmem>> -> memref<128xi32, #tpu.memory_space<vmem>>
    %dma_wait3A_365 = arith.constant 0 : i32
    %dma_wait3A_366 = arith.constant 0 : i32
    %dma_wait3A_367 = tpu.memref_slice %arg4[%dma_wait3A_365, %dma_wait3A_366] : memref<2605056x32xf32, #tpu.memory_space<hbm>> -> memref<2605056x32xf32, #tpu.memory_space<hbm>>
    tpu.wait_indirect_dma semaphore(%arg11 : memref<!tpu.dma_semaphore, #tpu.memory_space<semaphore_mem>>) src(%dma_wait3A_367 : memref<2605056x32xf32, #tpu.memory_space<hbm>>) dst(%dma_wait3A_362 : memref<128x32xf32, #tpu.memory_space<vmem>>)
    %dma_wait3A_368 = arith.constant 256 : i32
    %dma_wait3A_369 = arith.constant 0 : i32
    %dma_wait3A_370 = tpu.memref_slice %arg9[%dma_wait3A_368, %dma_wait3A_369] : memref<1024x32xf32, #tpu.memory_space<vmem>> -> memref<128x32xf32, #tpu.memory_space<vmem>>
    %dma_wait3A_371 = arith.constant 12544 : i32
    %dma_wait3A_372 = tpu.memref_slice %arg8[%dma_wait3A_371] : memref<13312xi32, #tpu.memory_space<vmem>> -> memref<128xi32, #tpu.memory_space<vmem>>
    %dma_wait3A_373 = arith.constant 0 : i32
    %dma_wait3A_374 = arith.constant 0 : i32
    %dma_wait3A_375 = tpu.memref_slice %arg4[%dma_wait3A_373, %dma_wait3A_374] : memref<2605056x32xf32, #tpu.memory_space<hbm>> -> memref<2605056x32xf32, #tpu.memory_space<hbm>>
    tpu.wait_indirect_dma semaphore(%arg11 : memref<!tpu.dma_semaphore, #tpu.memory_space<semaphore_mem>>) src(%dma_wait3A_375 : memref<2605056x32xf32, #tpu.memory_space<hbm>>) dst(%dma_wait3A_370 : memref<128x32xf32, #tpu.memory_space<vmem>>)
    %dma_wait3A_376 = arith.constant 384 : i32
    %dma_wait3A_377 = arith.constant 0 : i32
    %dma_wait3A_378 = tpu.memref_slice %arg9[%dma_wait3A_376, %dma_wait3A_377] : memref<1024x32xf32, #tpu.memory_space<vmem>> -> memref<128x32xf32, #tpu.memory_space<vmem>>
    %dma_wait3A_379 = arith.constant 12672 : i32
    %dma_wait3A_380 = tpu.memref_slice %arg8[%dma_wait3A_379] : memref<13312xi32, #tpu.memory_space<vmem>> -> memref<128xi32, #tpu.memory_space<vmem>>
    %dma_wait3A_381 = arith.constant 0 : i32
    %dma_wait3A_382 = arith.constant 0 : i32
    %dma_wait3A_383 = tpu.memref_slice %arg4[%dma_wait3A_381, %dma_wait3A_382] : memref<2605056x32xf32, #tpu.memory_space<hbm>> -> memref<2605056x32xf32, #tpu.memory_space<hbm>>
    tpu.wait_indirect_dma semaphore(%arg11 : memref<!tpu.dma_semaphore, #tpu.memory_space<semaphore_mem>>) src(%dma_wait3A_383 : memref<2605056x32xf32, #tpu.memory_space<hbm>>) dst(%dma_wait3A_378 : memref<128x32xf32, #tpu.memory_space<vmem>>)
    %dma_wait3A_384 = arith.constant 512 : i32
    %dma_wait3A_385 = arith.constant 0 : i32
    %dma_wait3A_386 = tpu.memref_slice %arg9[%dma_wait3A_384, %dma_wait3A_385] : memref<1024x32xf32, #tpu.memory_space<vmem>> -> memref<128x32xf32, #tpu.memory_space<vmem>>
    %dma_wait3A_387 = arith.constant 12800 : i32
    %dma_wait3A_388 = tpu.memref_slice %arg8[%dma_wait3A_387] : memref<13312xi32, #tpu.memory_space<vmem>> -> memref<128xi32, #tpu.memory_space<vmem>>
    %dma_wait3A_389 = arith.constant 0 : i32
    %dma_wait3A_390 = arith.constant 0 : i32
    %dma_wait3A_391 = tpu.memref_slice %arg4[%dma_wait3A_389, %dma_wait3A_390] : memref<2605056x32xf32, #tpu.memory_space<hbm>> -> memref<2605056x32xf32, #tpu.memory_space<hbm>>
    tpu.wait_indirect_dma semaphore(%arg11 : memref<!tpu.dma_semaphore, #tpu.memory_space<semaphore_mem>>) src(%dma_wait3A_391 : memref<2605056x32xf32, #tpu.memory_space<hbm>>) dst(%dma_wait3A_386 : memref<128x32xf32, #tpu.memory_space<vmem>>)
    %dma_wait3A_392 = arith.constant 640 : i32
    %dma_wait3A_393 = arith.constant 0 : i32
    %dma_wait3A_394 = tpu.memref_slice %arg9[%dma_wait3A_392, %dma_wait3A_393] : memref<1024x32xf32, #tpu.memory_space<vmem>> -> memref<128x32xf32, #tpu.memory_space<vmem>>
    %dma_wait3A_395 = arith.constant 12928 : i32
    %dma_wait3A_396 = tpu.memref_slice %arg8[%dma_wait3A_395] : memref<13312xi32, #tpu.memory_space<vmem>> -> memref<128xi32, #tpu.memory_space<vmem>>
    %dma_wait3A_397 = arith.constant 0 : i32
    %dma_wait3A_398 = arith.constant 0 : i32
    %dma_wait3A_399 = tpu.memref_slice %arg4[%dma_wait3A_397, %dma_wait3A_398] : memref<2605056x32xf32, #tpu.memory_space<hbm>> -> memref<2605056x32xf32, #tpu.memory_space<hbm>>
    tpu.wait_indirect_dma semaphore(%arg11 : memref<!tpu.dma_semaphore, #tpu.memory_space<semaphore_mem>>) src(%dma_wait3A_399 : memref<2605056x32xf32, #tpu.memory_space<hbm>>) dst(%dma_wait3A_394 : memref<128x32xf32, #tpu.memory_space<vmem>>)
    %dma_wait3A_400 = arith.constant 768 : i32
    %dma_wait3A_401 = arith.constant 0 : i32
    %dma_wait3A_402 = tpu.memref_slice %arg9[%dma_wait3A_400, %dma_wait3A_401] : memref<1024x32xf32, #tpu.memory_space<vmem>> -> memref<128x32xf32, #tpu.memory_space<vmem>>
    %dma_wait3A_403 = arith.constant 13056 : i32
    %dma_wait3A_404 = tpu.memref_slice %arg8[%dma_wait3A_403] : memref<13312xi32, #tpu.memory_space<vmem>> -> memref<128xi32, #tpu.memory_space<vmem>>
    %dma_wait3A_405 = arith.constant 0 : i32
    %dma_wait3A_406 = arith.constant 0 : i32
    %dma_wait3A_407 = tpu.memref_slice %arg4[%dma_wait3A_405, %dma_wait3A_406] : memref<2605056x32xf32, #tpu.memory_space<hbm>> -> memref<2605056x32xf32, #tpu.memory_space<hbm>>
    tpu.wait_indirect_dma semaphore(%arg11 : memref<!tpu.dma_semaphore, #tpu.memory_space<semaphore_mem>>) src(%dma_wait3A_407 : memref<2605056x32xf32, #tpu.memory_space<hbm>>) dst(%dma_wait3A_402 : memref<128x32xf32, #tpu.memory_space<vmem>>)
    %dma_wait3A_408 = arith.constant 896 : i32
    %dma_wait3A_409 = arith.constant 0 : i32
    %dma_wait3A_410 = tpu.memref_slice %arg9[%dma_wait3A_408, %dma_wait3A_409] : memref<1024x32xf32, #tpu.memory_space<vmem>> -> memref<128x32xf32, #tpu.memory_space<vmem>>
    %dma_wait3A_411 = arith.constant 13184 : i32
    %dma_wait3A_412 = tpu.memref_slice %arg8[%dma_wait3A_411] : memref<13312xi32, #tpu.memory_space<vmem>> -> memref<128xi32, #tpu.memory_space<vmem>>
    %dma_wait3A_413 = arith.constant 0 : i32
    %dma_wait3A_414 = arith.constant 0 : i32
    %dma_wait3A_415 = tpu.memref_slice %arg4[%dma_wait3A_413, %dma_wait3A_414] : memref<2605056x32xf32, #tpu.memory_space<hbm>> -> memref<2605056x32xf32, #tpu.memory_space<hbm>>
    tpu.wait_indirect_dma semaphore(%arg11 : memref<!tpu.dma_semaphore, #tpu.memory_space<semaphore_mem>>) src(%dma_wait3A_415 : memref<2605056x32xf32, #tpu.memory_space<hbm>>) dst(%dma_wait3A_410 : memref<128x32xf32, #tpu.memory_space<vmem>>)
    %add3A_416 = arith.constant 12288 : i32
    %add3A_417 = arith.addi %mul3A_2, %add3A_416 : i32
    %dma_start3A_418 = arith.constant 0 : i32
    %dma_start3A_419 = tpu.memref_slice %arg5[%add3A_417, %dma_start3A_418] : memref<425984x32xf32, #tpu.memory_space<hbm>> -> memref<1024x32xf32, #tpu.memory_space<hbm>>
    %dma_start3A_420 = arith.constant 0 : i32
    %dma_start3A_421 = tpu.memref_slice %arg5[%add3A_417, %dma_start3A_420] : memref<425984x32xf32, #tpu.memory_space<hbm>> -> memref<1024x32xf32, #tpu.memory_space<hbm>>
    tpu.enqueue_dma source(%arg9 : memref<1024x32xf32, #tpu.memory_space<vmem>>) target(%dma_start3A_421 : memref<1024x32xf32, #tpu.memory_space<hbm>>) target_semaphore(%arg12 : memref<!tpu.dma_semaphore, #tpu.memory_space<semaphore_mem>>)
    %dma_wait3A_422 = arith.constant 0 : i32
    %dma_wait3A_423 = tpu.memref_slice %arg5[%mul3A_2, %dma_wait3A_422] : memref<425984x32xf32, #tpu.memory_space<hbm>> -> memref<1024x32xf32, #tpu.memory_space<hbm>>
    %dma_wait3A_424 = arith.constant 0 : i32
    %dma_wait3A_425 = tpu.memref_slice %arg5[%mul3A_2, %dma_wait3A_424] : memref<425984x32xf32, #tpu.memory_space<hbm>> -> memref<1024x32xf32, #tpu.memory_space<hbm>>
    tpu.wait_dma2 semaphore(%arg12 : memref<!tpu.dma_semaphore, #tpu.memory_space<semaphore_mem>>) src(%dma_wait3A_425 : memref<1024x32xf32, #tpu.memory_space<hbm>>) dst(%arg10 : memref<1024x32xf32, #tpu.memory_space<vmem>>)
    %dma_wait3A_426 = arith.constant 0 : i32
    %dma_wait3A_427 = tpu.memref_slice %arg5[%mul3A_2, %dma_wait3A_426] : memref<425984x32xf32, #tpu.memory_space<hbm>> -> memref<1024x32xf32, #tpu.memory_space<hbm>>
    %dma_wait3A_428 = arith.constant 0 : i32
    %dma_wait3A_429 = tpu.memref_slice %arg5[%mul3A_2, %dma_wait3A_428] : memref<425984x32xf32, #tpu.memory_space<hbm>> -> memref<1024x32xf32, #tpu.memory_space<hbm>>
    tpu.wait_dma2 semaphore(%arg12 : memref<!tpu.dma_semaphore, #tpu.memory_space<semaphore_mem>>) src(%dma_wait3A_429 : memref<1024x32xf32, #tpu.memory_space<hbm>>) dst(%arg9 : memref<1024x32xf32, #tpu.memory_space<vmem>>)
    return
  }
}

module attributes {stable_mosaic.version = 14 : i64} {
  func.func @body(%arg0: i32, %arg1: memref<32x16384xf32, #tpu.memory_space<vmem>>, %arg2: memref<4096x128xf32, #tpu.memory_space<vmem>>) attributes {dimension_semantics = [#tpu.dimension_semantics<arbitrary>], iteration_bounds = array<i64: 159>, scalar_prefetch = 0 : i64, scratch_operands = 0 : i64, tpu.core_type = #tpu.core_type<tc>, window_params = [{transform_indices = @transform_0, window_bounds = array<i64: 32, 16384>}, {transform_indices = @transform_1, window_bounds = array<i64: 4096, 128>}]} {
    %get3A = arith.constant 0 : index
    %get3A_0 = arith.constant 0 : index
    %get3A_1 = vector.load %arg1[%get3A, %get3A_0] : memref<32x16384xf32, #tpu.memory_space<vmem>>, vector<32x16384xf32>
    %slice3A = vector.extract_strided_slice %get3A_1 {offsets = [0, 0], sizes = [32, 128], strides = [1, 1]} : vector<32x16384xf32> to vector<32x128xf32>
    %slice3A_2 = vector.extract_strided_slice %get3A_1 {offsets = [0, 128], sizes = [32, 128], strides = [1, 1]} : vector<32x16384xf32> to vector<32x128xf32>
    %slice3A_3 = vector.extract_strided_slice %get3A_1 {offsets = [0, 256], sizes = [32, 128], strides = [1, 1]} : vector<32x16384xf32> to vector<32x128xf32>
    %slice3A_4 = vector.extract_strided_slice %get3A_1 {offsets = [0, 384], sizes = [32, 128], strides = [1, 1]} : vector<32x16384xf32> to vector<32x128xf32>
    %concatenate3A = tpu.concatenate %slice3A, %slice3A_2, %slice3A_3, %slice3A_4 in 0 : vector<32x128xf32>, vector<32x128xf32>, vector<32x128xf32>, vector<32x128xf32> -> vector<128x128xf32>
    %transpose3A = tpu.transpose %concatenate3A, [1, 0] : vector<128x128xf32> -> vector<128x128xf32>
    %swap3A = arith.constant 0 : index
    %swap3A_5 = arith.constant 0 : index
    %swap3A_6 = vector.load %arg2[%swap3A, %swap3A_5] : memref<4096x128xf32, #tpu.memory_space<vmem>>, vector<128x128xf32>
    tpu.vector_store %arg2[%swap3A, %swap3A_5], %transpose3A {strides = array<i32>} : memref<4096x128xf32, #tpu.memory_space<vmem>>, vector<128x128xf32>,
    %slice3A_7 = vector.extract_strided_slice %get3A_1 {offsets = [0, 512], sizes = [32, 128], strides = [1, 1]} : vector<32x16384xf32> to vector<32x128xf32>
    %slice3A_8 = vector.extract_strided_slice %get3A_1 {offsets = [0, 640], sizes = [32, 128], strides = [1, 1]} : vector<32x16384xf32> to vector<32x128xf32>
    %slice3A_9 = vector.extract_strided_slice %get3A_1 {offsets = [0, 768], sizes = [32, 128], strides = [1, 1]} : vector<32x16384xf32> to vector<32x128xf32>
    %slice3A_10 = vector.extract_strided_slice %get3A_1 {offsets = [0, 896], sizes = [32, 128], strides = [1, 1]} : vector<32x16384xf32> to vector<32x128xf32>
    %concatenate3A_11 = tpu.concatenate %slice3A_7, %slice3A_8, %slice3A_9, %slice3A_10 in 0 : vector<32x128xf32>, vector<32x128xf32>, vector<32x128xf32>, vector<32x128xf32> -> vector<128x128xf32>
    %transpose3A_12 = tpu.transpose %concatenate3A_11, [1, 0] : vector<128x128xf32> -> vector<128x128xf32>
    %swap3A_13 = arith.constant 128 : index
    %swap3A_14 = arith.constant 0 : index
    %swap3A_15 = vector.load %arg2[%swap3A_13, %swap3A_14] : memref<4096x128xf32, #tpu.memory_space<vmem>>, vector<128x128xf32>
    tpu.vector_store %arg2[%swap3A_13, %swap3A_14], %transpose3A_12 {strides = array<i32>} : memref<4096x128xf32, #tpu.memory_space<vmem>>, vector<128x128xf32>,
    %slice3A_16 = vector.extract_strided_slice %get3A_1 {offsets = [0, 1024], sizes = [32, 128], strides = [1, 1]} : vector<32x16384xf32> to vector<32x128xf32>
    %slice3A_17 = vector.extract_strided_slice %get3A_1 {offsets = [0, 1152], sizes = [32, 128], strides = [1, 1]} : vector<32x16384xf32> to vector<32x128xf32>
    %slice3A_18 = vector.extract_strided_slice %get3A_1 {offsets = [0, 1280], sizes = [32, 128], strides = [1, 1]} : vector<32x16384xf32> to vector<32x128xf32>
    %slice3A_19 = vector.extract_strided_slice %get3A_1 {offsets = [0, 1408], sizes = [32, 128], strides = [1, 1]} : vector<32x16384xf32> to vector<32x128xf32>
    %concatenate3A_20 = tpu.concatenate %slice3A_16, %slice3A_17, %slice3A_18, %slice3A_19 in 0 : vector<32x128xf32>, vector<32x128xf32>, vector<32x128xf32>, vector<32x128xf32> -> vector<128x128xf32>
    %transpose3A_21 = tpu.transpose %concatenate3A_20, [1, 0] : vector<128x128xf32> -> vector<128x128xf32>
    %swap3A_22 = arith.constant 256 : index
    %swap3A_23 = arith.constant 0 : index
    %swap3A_24 = vector.load %arg2[%swap3A_22, %swap3A_23] : memref<4096x128xf32, #tpu.memory_space<vmem>>, vector<128x128xf32>
    tpu.vector_store %arg2[%swap3A_22, %swap3A_23], %transpose3A_21 {strides = array<i32>} : memref<4096x128xf32, #tpu.memory_space<vmem>>, vector<128x128xf32>,
    %slice3A_25 = vector.extract_strided_slice %get3A_1 {offsets = [0, 1536], sizes = [32, 128], strides = [1, 1]} : vector<32x16384xf32> to vector<32x128xf32>
    %slice3A_26 = vector.extract_strided_slice %get3A_1 {offsets = [0, 1664], sizes = [32, 128], strides = [1, 1]} : vector<32x16384xf32> to vector<32x128xf32>
    %slice3A_27 = vector.extract_strided_slice %get3A_1 {offsets = [0, 1792], sizes = [32, 128], strides = [1, 1]} : vector<32x16384xf32> to vector<32x128xf32>
    %slice3A_28 = vector.extract_strided_slice %get3A_1 {offsets = [0, 1920], sizes = [32, 128], strides = [1, 1]} : vector<32x16384xf32> to vector<32x128xf32>
    %concatenate3A_29 = tpu.concatenate %slice3A_25, %slice3A_26, %slice3A_27, %slice3A_28 in 0 : vector<32x128xf32>, vector<32x128xf32>, vector<32x128xf32>, vector<32x128xf32> -> vector<128x128xf32>
    %transpose3A_30 = tpu.transpose %concatenate3A_29, [1, 0] : vector<128x128xf32> -> vector<128x128xf32>
    %swap3A_31 = arith.constant 384 : index
    %swap3A_32 = arith.constant 0 : index
    %swap3A_33 = vector.load %arg2[%swap3A_31, %swap3A_32] : memref<4096x128xf32, #tpu.memory_space<vmem>>, vector<128x128xf32>
    tpu.vector_store %arg2[%swap3A_31, %swap3A_32], %transpose3A_30 {strides = array<i32>} : memref<4096x128xf32, #tpu.memory_space<vmem>>, vector<128x128xf32>,
    %slice3A_34 = vector.extract_strided_slice %get3A_1 {offsets = [0, 2048], sizes = [32, 128], strides = [1, 1]} : vector<32x16384xf32> to vector<32x128xf32>
    %slice3A_35 = vector.extract_strided_slice %get3A_1 {offsets = [0, 2176], sizes = [32, 128], strides = [1, 1]} : vector<32x16384xf32> to vector<32x128xf32>
    %slice3A_36 = vector.extract_strided_slice %get3A_1 {offsets = [0, 2304], sizes = [32, 128], strides = [1, 1]} : vector<32x16384xf32> to vector<32x128xf32>
    %slice3A_37 = vector.extract_strided_slice %get3A_1 {offsets = [0, 2432], sizes = [32, 128], strides = [1, 1]} : vector<32x16384xf32> to vector<32x128xf32>
    %concatenate3A_38 = tpu.concatenate %slice3A_34, %slice3A_35, %slice3A_36, %slice3A_37 in 0 : vector<32x128xf32>, vector<32x128xf32>, vector<32x128xf32>, vector<32x128xf32> -> vector<128x128xf32>
    %transpose3A_39 = tpu.transpose %concatenate3A_38, [1, 0] : vector<128x128xf32> -> vector<128x128xf32>
    %swap3A_40 = arith.constant 512 : index
    %swap3A_41 = arith.constant 0 : index
    %swap3A_42 = vector.load %arg2[%swap3A_40, %swap3A_41] : memref<4096x128xf32, #tpu.memory_space<vmem>>, vector<128x128xf32>
    tpu.vector_store %arg2[%swap3A_40, %swap3A_41], %transpose3A_39 {strides = array<i32>} : memref<4096x128xf32, #tpu.memory_space<vmem>>, vector<128x128xf32>,
    %slice3A_43 = vector.extract_strided_slice %get3A_1 {offsets = [0, 2560], sizes = [32, 128], strides = [1, 1]} : vector<32x16384xf32> to vector<32x128xf32>
    %slice3A_44 = vector.extract_strided_slice %get3A_1 {offsets = [0, 2688], sizes = [32, 128], strides = [1, 1]} : vector<32x16384xf32> to vector<32x128xf32>
    %slice3A_45 = vector.extract_strided_slice %get3A_1 {offsets = [0, 2816], sizes = [32, 128], strides = [1, 1]} : vector<32x16384xf32> to vector<32x128xf32>
    %slice3A_46 = vector.extract_strided_slice %get3A_1 {offsets = [0, 2944], sizes = [32, 128], strides = [1, 1]} : vector<32x16384xf32> to vector<32x128xf32>
    %concatenate3A_47 = tpu.concatenate %slice3A_43, %slice3A_44, %slice3A_45, %slice3A_46 in 0 : vector<32x128xf32>, vector<32x128xf32>, vector<32x128xf32>, vector<32x128xf32> -> vector<128x128xf32>
    %transpose3A_48 = tpu.transpose %concatenate3A_47, [1, 0] : vector<128x128xf32> -> vector<128x128xf32>
    %swap3A_49 = arith.constant 640 : index
    %swap3A_50 = arith.constant 0 : index
    %swap3A_51 = vector.load %arg2[%swap3A_49, %swap3A_50] : memref<4096x128xf32, #tpu.memory_space<vmem>>, vector<128x128xf32>
    tpu.vector_store %arg2[%swap3A_49, %swap3A_50], %transpose3A_48 {strides = array<i32>} : memref<4096x128xf32, #tpu.memory_space<vmem>>, vector<128x128xf32>,
    %slice3A_52 = vector.extract_strided_slice %get3A_1 {offsets = [0, 3072], sizes = [32, 128], strides = [1, 1]} : vector<32x16384xf32> to vector<32x128xf32>
    %slice3A_53 = vector.extract_strided_slice %get3A_1 {offsets = [0, 3200], sizes = [32, 128], strides = [1, 1]} : vector<32x16384xf32> to vector<32x128xf32>
    %slice3A_54 = vector.extract_strided_slice %get3A_1 {offsets = [0, 3328], sizes = [32, 128], strides = [1, 1]} : vector<32x16384xf32> to vector<32x128xf32>
    %slice3A_55 = vector.extract_strided_slice %get3A_1 {offsets = [0, 3456], sizes = [32, 128], strides = [1, 1]} : vector<32x16384xf32> to vector<32x128xf32>
    %concatenate3A_56 = tpu.concatenate %slice3A_52, %slice3A_53, %slice3A_54, %slice3A_55 in 0 : vector<32x128xf32>, vector<32x128xf32>, vector<32x128xf32>, vector<32x128xf32> -> vector<128x128xf32>
    %transpose3A_57 = tpu.transpose %concatenate3A_56, [1, 0] : vector<128x128xf32> -> vector<128x128xf32>
    %swap3A_58 = arith.constant 768 : index
    %swap3A_59 = arith.constant 0 : index
    %swap3A_60 = vector.load %arg2[%swap3A_58, %swap3A_59] : memref<4096x128xf32, #tpu.memory_space<vmem>>, vector<128x128xf32>
    tpu.vector_store %arg2[%swap3A_58, %swap3A_59], %transpose3A_57 {strides = array<i32>} : memref<4096x128xf32, #tpu.memory_space<vmem>>, vector<128x128xf32>,
    %slice3A_61 = vector.extract_strided_slice %get3A_1 {offsets = [0, 3584], sizes = [32, 128], strides = [1, 1]} : vector<32x16384xf32> to vector<32x128xf32>
    %slice3A_62 = vector.extract_strided_slice %get3A_1 {offsets = [0, 3712], sizes = [32, 128], strides = [1, 1]} : vector<32x16384xf32> to vector<32x128xf32>
    %slice3A_63 = vector.extract_strided_slice %get3A_1 {offsets = [0, 3840], sizes = [32, 128], strides = [1, 1]} : vector<32x16384xf32> to vector<32x128xf32>
    %slice3A_64 = vector.extract_strided_slice %get3A_1 {offsets = [0, 3968], sizes = [32, 128], strides = [1, 1]} : vector<32x16384xf32> to vector<32x128xf32>
    %concatenate3A_65 = tpu.concatenate %slice3A_61, %slice3A_62, %slice3A_63, %slice3A_64 in 0 : vector<32x128xf32>, vector<32x128xf32>, vector<32x128xf32>, vector<32x128xf32> -> vector<128x128xf32>
    %transpose3A_66 = tpu.transpose %concatenate3A_65, [1, 0] : vector<128x128xf32> -> vector<128x128xf32>
    %swap3A_67 = arith.constant 896 : index
    %swap3A_68 = arith.constant 0 : index
    %swap3A_69 = vector.load %arg2[%swap3A_67, %swap3A_68] : memref<4096x128xf32, #tpu.memory_space<vmem>>, vector<128x128xf32>
    tpu.vector_store %arg2[%swap3A_67, %swap3A_68], %transpose3A_66 {strides = array<i32>} : memref<4096x128xf32, #tpu.memory_space<vmem>>, vector<128x128xf32>,
    %slice3A_70 = vector.extract_strided_slice %get3A_1 {offsets = [0, 4096], sizes = [32, 128], strides = [1, 1]} : vector<32x16384xf32> to vector<32x128xf32>
    %slice3A_71 = vector.extract_strided_slice %get3A_1 {offsets = [0, 4224], sizes = [32, 128], strides = [1, 1]} : vector<32x16384xf32> to vector<32x128xf32>
    %slice3A_72 = vector.extract_strided_slice %get3A_1 {offsets = [0, 4352], sizes = [32, 128], strides = [1, 1]} : vector<32x16384xf32> to vector<32x128xf32>
    %slice3A_73 = vector.extract_strided_slice %get3A_1 {offsets = [0, 4480], sizes = [32, 128], strides = [1, 1]} : vector<32x16384xf32> to vector<32x128xf32>
    %concatenate3A_74 = tpu.concatenate %slice3A_70, %slice3A_71, %slice3A_72, %slice3A_73 in 0 : vector<32x128xf32>, vector<32x128xf32>, vector<32x128xf32>, vector<32x128xf32> -> vector<128x128xf32>
    %transpose3A_75 = tpu.transpose %concatenate3A_74, [1, 0] : vector<128x128xf32> -> vector<128x128xf32>
    %swap3A_76 = arith.constant 1024 : index
    %swap3A_77 = arith.constant 0 : index
    %swap3A_78 = vector.load %arg2[%swap3A_76, %swap3A_77] : memref<4096x128xf32, #tpu.memory_space<vmem>>, vector<128x128xf32>
    tpu.vector_store %arg2[%swap3A_76, %swap3A_77], %transpose3A_75 {strides = array<i32>} : memref<4096x128xf32, #tpu.memory_space<vmem>>, vector<128x128xf32>,
    %slice3A_79 = vector.extract_strided_slice %get3A_1 {offsets = [0, 4608], sizes = [32, 128], strides = [1, 1]} : vector<32x16384xf32> to vector<32x128xf32>
    %slice3A_80 = vector.extract_strided_slice %get3A_1 {offsets = [0, 4736], sizes = [32, 128], strides = [1, 1]} : vector<32x16384xf32> to vector<32x128xf32>
    %slice3A_81 = vector.extract_strided_slice %get3A_1 {offsets = [0, 4864], sizes = [32, 128], strides = [1, 1]} : vector<32x16384xf32> to vector<32x128xf32>
    %slice3A_82 = vector.extract_strided_slice %get3A_1 {offsets = [0, 4992], sizes = [32, 128], strides = [1, 1]} : vector<32x16384xf32> to vector<32x128xf32>
    %concatenate3A_83 = tpu.concatenate %slice3A_79, %slice3A_80, %slice3A_81, %slice3A_82 in 0 : vector<32x128xf32>, vector<32x128xf32>, vector<32x128xf32>, vector<32x128xf32> -> vector<128x128xf32>
    %transpose3A_84 = tpu.transpose %concatenate3A_83, [1, 0] : vector<128x128xf32> -> vector<128x128xf32>
    %swap3A_85 = arith.constant 1152 : index
    %swap3A_86 = arith.constant 0 : index
    %swap3A_87 = vector.load %arg2[%swap3A_85, %swap3A_86] : memref<4096x128xf32, #tpu.memory_space<vmem>>, vector<128x128xf32>
    tpu.vector_store %arg2[%swap3A_85, %swap3A_86], %transpose3A_84 {strides = array<i32>} : memref<4096x128xf32, #tpu.memory_space<vmem>>, vector<128x128xf32>,
    %slice3A_88 = vector.extract_strided_slice %get3A_1 {offsets = [0, 5120], sizes = [32, 128], strides = [1, 1]} : vector<32x16384xf32> to vector<32x128xf32>
    %slice3A_89 = vector.extract_strided_slice %get3A_1 {offsets = [0, 5248], sizes = [32, 128], strides = [1, 1]} : vector<32x16384xf32> to vector<32x128xf32>
    %slice3A_90 = vector.extract_strided_slice %get3A_1 {offsets = [0, 5376], sizes = [32, 128], strides = [1, 1]} : vector<32x16384xf32> to vector<32x128xf32>
    %slice3A_91 = vector.extract_strided_slice %get3A_1 {offsets = [0, 5504], sizes = [32, 128], strides = [1, 1]} : vector<32x16384xf32> to vector<32x128xf32>
    %concatenate3A_92 = tpu.concatenate %slice3A_88, %slice3A_89, %slice3A_90, %slice3A_91 in 0 : vector<32x128xf32>, vector<32x128xf32>, vector<32x128xf32>, vector<32x128xf32> -> vector<128x128xf32>
    %transpose3A_93 = tpu.transpose %concatenate3A_92, [1, 0] : vector<128x128xf32> -> vector<128x128xf32>
    %swap3A_94 = arith.constant 1280 : index
    %swap3A_95 = arith.constant 0 : index
    %swap3A_96 = vector.load %arg2[%swap3A_94, %swap3A_95] : memref<4096x128xf32, #tpu.memory_space<vmem>>, vector<128x128xf32>
    tpu.vector_store %arg2[%swap3A_94, %swap3A_95], %transpose3A_93 {strides = array<i32>} : memref<4096x128xf32, #tpu.memory_space<vmem>>, vector<128x128xf32>,
    %slice3A_97 = vector.extract_strided_slice %get3A_1 {offsets = [0, 5632], sizes = [32, 128], strides = [1, 1]} : vector<32x16384xf32> to vector<32x128xf32>
    %slice3A_98 = vector.extract_strided_slice %get3A_1 {offsets = [0, 5760], sizes = [32, 128], strides = [1, 1]} : vector<32x16384xf32> to vector<32x128xf32>
    %slice3A_99 = vector.extract_strided_slice %get3A_1 {offsets = [0, 5888], sizes = [32, 128], strides = [1, 1]} : vector<32x16384xf32> to vector<32x128xf32>
    %slice3A_100 = vector.extract_strided_slice %get3A_1 {offsets = [0, 6016], sizes = [32, 128], strides = [1, 1]} : vector<32x16384xf32> to vector<32x128xf32>
    %concatenate3A_101 = tpu.concatenate %slice3A_97, %slice3A_98, %slice3A_99, %slice3A_100 in 0 : vector<32x128xf32>, vector<32x128xf32>, vector<32x128xf32>, vector<32x128xf32> -> vector<128x128xf32>
    %transpose3A_102 = tpu.transpose %concatenate3A_101, [1, 0] : vector<128x128xf32> -> vector<128x128xf32>
    %swap3A_103 = arith.constant 1408 : index
    %swap3A_104 = arith.constant 0 : index
    %swap3A_105 = vector.load %arg2[%swap3A_103, %swap3A_104] : memref<4096x128xf32, #tpu.memory_space<vmem>>, vector<128x128xf32>
    tpu.vector_store %arg2[%swap3A_103, %swap3A_104], %transpose3A_102 {strides = array<i32>} : memref<4096x128xf32, #tpu.memory_space<vmem>>, vector<128x128xf32>,
    %slice3A_106 = vector.extract_strided_slice %get3A_1 {offsets = [0, 6144], sizes = [32, 128], strides = [1, 1]} : vector<32x16384xf32> to vector<32x128xf32>
    %slice3A_107 = vector.extract_strided_slice %get3A_1 {offsets = [0, 6272], sizes = [32, 128], strides = [1, 1]} : vector<32x16384xf32> to vector<32x128xf32>
    %slice3A_108 = vector.extract_strided_slice %get3A_1 {offsets = [0, 6400], sizes = [32, 128], strides = [1, 1]} : vector<32x16384xf32> to vector<32x128xf32>
    %slice3A_109 = vector.extract_strided_slice %get3A_1 {offsets = [0, 6528], sizes = [32, 128], strides = [1, 1]} : vector<32x16384xf32> to vector<32x128xf32>
    %concatenate3A_110 = tpu.concatenate %slice3A_106, %slice3A_107, %slice3A_108, %slice3A_109 in 0 : vector<32x128xf32>, vector<32x128xf32>, vector<32x128xf32>, vector<32x128xf32> -> vector<128x128xf32>
    %transpose3A_111 = tpu.transpose %concatenate3A_110, [1, 0] : vector<128x128xf32> -> vector<128x128xf32>
    %swap3A_112 = arith.constant 1536 : index
    %swap3A_113 = arith.constant 0 : index
    %swap3A_114 = vector.load %arg2[%swap3A_112, %swap3A_113] : memref<4096x128xf32, #tpu.memory_space<vmem>>, vector<128x128xf32>
    tpu.vector_store %arg2[%swap3A_112, %swap3A_113], %transpose3A_111 {strides = array<i32>} : memref<4096x128xf32, #tpu.memory_space<vmem>>, vector<128x128xf32>,
    %slice3A_115 = vector.extract_strided_slice %get3A_1 {offsets = [0, 6656], sizes = [32, 128], strides = [1, 1]} : vector<32x16384xf32> to vector<32x128xf32>
    %slice3A_116 = vector.extract_strided_slice %get3A_1 {offsets = [0, 6784], sizes = [32, 128], strides = [1, 1]} : vector<32x16384xf32> to vector<32x128xf32>
    %slice3A_117 = vector.extract_strided_slice %get3A_1 {offsets = [0, 6912], sizes = [32, 128], strides = [1, 1]} : vector<32x16384xf32> to vector<32x128xf32>
    %slice3A_118 = vector.extract_strided_slice %get3A_1 {offsets = [0, 7040], sizes = [32, 128], strides = [1, 1]} : vector<32x16384xf32> to vector<32x128xf32>
    %concatenate3A_119 = tpu.concatenate %slice3A_115, %slice3A_116, %slice3A_117, %slice3A_118 in 0 : vector<32x128xf32>, vector<32x128xf32>, vector<32x128xf32>, vector<32x128xf32> -> vector<128x128xf32>
    %transpose3A_120 = tpu.transpose %concatenate3A_119, [1, 0] : vector<128x128xf32> -> vector<128x128xf32>
    %swap3A_121 = arith.constant 1664 : index
    %swap3A_122 = arith.constant 0 : index
    %swap3A_123 = vector.load %arg2[%swap3A_121, %swap3A_122] : memref<4096x128xf32, #tpu.memory_space<vmem>>, vector<128x128xf32>
    tpu.vector_store %arg2[%swap3A_121, %swap3A_122], %transpose3A_120 {strides = array<i32>} : memref<4096x128xf32, #tpu.memory_space<vmem>>, vector<128x128xf32>,
    %slice3A_124 = vector.extract_strided_slice %get3A_1 {offsets = [0, 7168], sizes = [32, 128], strides = [1, 1]} : vector<32x16384xf32> to vector<32x128xf32>
    %slice3A_125 = vector.extract_strided_slice %get3A_1 {offsets = [0, 7296], sizes = [32, 128], strides = [1, 1]} : vector<32x16384xf32> to vector<32x128xf32>
    %slice3A_126 = vector.extract_strided_slice %get3A_1 {offsets = [0, 7424], sizes = [32, 128], strides = [1, 1]} : vector<32x16384xf32> to vector<32x128xf32>
    %slice3A_127 = vector.extract_strided_slice %get3A_1 {offsets = [0, 7552], sizes = [32, 128], strides = [1, 1]} : vector<32x16384xf32> to vector<32x128xf32>
    %concatenate3A_128 = tpu.concatenate %slice3A_124, %slice3A_125, %slice3A_126, %slice3A_127 in 0 : vector<32x128xf32>, vector<32x128xf32>, vector<32x128xf32>, vector<32x128xf32> -> vector<128x128xf32>
    %transpose3A_129 = tpu.transpose %concatenate3A_128, [1, 0] : vector<128x128xf32> -> vector<128x128xf32>
    %swap3A_130 = arith.constant 1792 : index
    %swap3A_131 = arith.constant 0 : index
    %swap3A_132 = vector.load %arg2[%swap3A_130, %swap3A_131] : memref<4096x128xf32, #tpu.memory_space<vmem>>, vector<128x128xf32>
    tpu.vector_store %arg2[%swap3A_130, %swap3A_131], %transpose3A_129 {strides = array<i32>} : memref<4096x128xf32, #tpu.memory_space<vmem>>, vector<128x128xf32>,
    %slice3A_133 = vector.extract_strided_slice %get3A_1 {offsets = [0, 7680], sizes = [32, 128], strides = [1, 1]} : vector<32x16384xf32> to vector<32x128xf32>
    %slice3A_134 = vector.extract_strided_slice %get3A_1 {offsets = [0, 7808], sizes = [32, 128], strides = [1, 1]} : vector<32x16384xf32> to vector<32x128xf32>
    %slice3A_135 = vector.extract_strided_slice %get3A_1 {offsets = [0, 7936], sizes = [32, 128], strides = [1, 1]} : vector<32x16384xf32> to vector<32x128xf32>
    %slice3A_136 = vector.extract_strided_slice %get3A_1 {offsets = [0, 8064], sizes = [32, 128], strides = [1, 1]} : vector<32x16384xf32> to vector<32x128xf32>
    %concatenate3A_137 = tpu.concatenate %slice3A_133, %slice3A_134, %slice3A_135, %slice3A_136 in 0 : vector<32x128xf32>, vector<32x128xf32>, vector<32x128xf32>, vector<32x128xf32> -> vector<128x128xf32>
    %transpose3A_138 = tpu.transpose %concatenate3A_137, [1, 0] : vector<128x128xf32> -> vector<128x128xf32>
    %swap3A_139 = arith.constant 1920 : index
    %swap3A_140 = arith.constant 0 : index
    %swap3A_141 = vector.load %arg2[%swap3A_139, %swap3A_140] : memref<4096x128xf32, #tpu.memory_space<vmem>>, vector<128x128xf32>
    tpu.vector_store %arg2[%swap3A_139, %swap3A_140], %transpose3A_138 {strides = array<i32>} : memref<4096x128xf32, #tpu.memory_space<vmem>>, vector<128x128xf32>,
    %slice3A_142 = vector.extract_strided_slice %get3A_1 {offsets = [0, 8192], sizes = [32, 128], strides = [1, 1]} : vector<32x16384xf32> to vector<32x128xf32>
    %slice3A_143 = vector.extract_strided_slice %get3A_1 {offsets = [0, 8320], sizes = [32, 128], strides = [1, 1]} : vector<32x16384xf32> to vector<32x128xf32>
    %slice3A_144 = vector.extract_strided_slice %get3A_1 {offsets = [0, 8448], sizes = [32, 128], strides = [1, 1]} : vector<32x16384xf32> to vector<32x128xf32>
    %slice3A_145 = vector.extract_strided_slice %get3A_1 {offsets = [0, 8576], sizes = [32, 128], strides = [1, 1]} : vector<32x16384xf32> to vector<32x128xf32>
    %concatenate3A_146 = tpu.concatenate %slice3A_142, %slice3A_143, %slice3A_144, %slice3A_145 in 0 : vector<32x128xf32>, vector<32x128xf32>, vector<32x128xf32>, vector<32x128xf32> -> vector<128x128xf32>
    %transpose3A_147 = tpu.transpose %concatenate3A_146, [1, 0] : vector<128x128xf32> -> vector<128x128xf32>
    %swap3A_148 = arith.constant 2048 : index
    %swap3A_149 = arith.constant 0 : index
    %swap3A_150 = vector.load %arg2[%swap3A_148, %swap3A_149] : memref<4096x128xf32, #tpu.memory_space<vmem>>, vector<128x128xf32>
    tpu.vector_store %arg2[%swap3A_148, %swap3A_149], %transpose3A_147 {strides = array<i32>} : memref<4096x128xf32, #tpu.memory_space<vmem>>, vector<128x128xf32>,
    %slice3A_151 = vector.extract_strided_slice %get3A_1 {offsets = [0, 8704], sizes = [32, 128], strides = [1, 1]} : vector<32x16384xf32> to vector<32x128xf32>
    %slice3A_152 = vector.extract_strided_slice %get3A_1 {offsets = [0, 8832], sizes = [32, 128], strides = [1, 1]} : vector<32x16384xf32> to vector<32x128xf32>
    %slice3A_153 = vector.extract_strided_slice %get3A_1 {offsets = [0, 8960], sizes = [32, 128], strides = [1, 1]} : vector<32x16384xf32> to vector<32x128xf32>
    %slice3A_154 = vector.extract_strided_slice %get3A_1 {offsets = [0, 9088], sizes = [32, 128], strides = [1, 1]} : vector<32x16384xf32> to vector<32x128xf32>
    %concatenate3A_155 = tpu.concatenate %slice3A_151, %slice3A_152, %slice3A_153, %slice3A_154 in 0 : vector<32x128xf32>, vector<32x128xf32>, vector<32x128xf32>, vector<32x128xf32> -> vector<128x128xf32>
    %transpose3A_156 = tpu.transpose %concatenate3A_155, [1, 0] : vector<128x128xf32> -> vector<128x128xf32>
    %swap3A_157 = arith.constant 2176 : index
    %swap3A_158 = arith.constant 0 : index
    %swap3A_159 = vector.load %arg2[%swap3A_157, %swap3A_158] : memref<4096x128xf32, #tpu.memory_space<vmem>>, vector<128x128xf32>
    tpu.vector_store %arg2[%swap3A_157, %swap3A_158], %transpose3A_156 {strides = array<i32>} : memref<4096x128xf32, #tpu.memory_space<vmem>>, vector<128x128xf32>,
    %slice3A_160 = vector.extract_strided_slice %get3A_1 {offsets = [0, 9216], sizes = [32, 128], strides = [1, 1]} : vector<32x16384xf32> to vector<32x128xf32>
    %slice3A_161 = vector.extract_strided_slice %get3A_1 {offsets = [0, 9344], sizes = [32, 128], strides = [1, 1]} : vector<32x16384xf32> to vector<32x128xf32>
    %slice3A_162 = vector.extract_strided_slice %get3A_1 {offsets = [0, 9472], sizes = [32, 128], strides = [1, 1]} : vector<32x16384xf32> to vector<32x128xf32>
    %slice3A_163 = vector.extract_strided_slice %get3A_1 {offsets = [0, 9600], sizes = [32, 128], strides = [1, 1]} : vector<32x16384xf32> to vector<32x128xf32>
    %concatenate3A_164 = tpu.concatenate %slice3A_160, %slice3A_161, %slice3A_162, %slice3A_163 in 0 : vector<32x128xf32>, vector<32x128xf32>, vector<32x128xf32>, vector<32x128xf32> -> vector<128x128xf32>
    %transpose3A_165 = tpu.transpose %concatenate3A_164, [1, 0] : vector<128x128xf32> -> vector<128x128xf32>
    %swap3A_166 = arith.constant 2304 : index
    %swap3A_167 = arith.constant 0 : index
    %swap3A_168 = vector.load %arg2[%swap3A_166, %swap3A_167] : memref<4096x128xf32, #tpu.memory_space<vmem>>, vector<128x128xf32>
    tpu.vector_store %arg2[%swap3A_166, %swap3A_167], %transpose3A_165 {strides = array<i32>} : memref<4096x128xf32, #tpu.memory_space<vmem>>, vector<128x128xf32>,
    %slice3A_169 = vector.extract_strided_slice %get3A_1 {offsets = [0, 9728], sizes = [32, 128], strides = [1, 1]} : vector<32x16384xf32> to vector<32x128xf32>
    %slice3A_170 = vector.extract_strided_slice %get3A_1 {offsets = [0, 9856], sizes = [32, 128], strides = [1, 1]} : vector<32x16384xf32> to vector<32x128xf32>
    %slice3A_171 = vector.extract_strided_slice %get3A_1 {offsets = [0, 9984], sizes = [32, 128], strides = [1, 1]} : vector<32x16384xf32> to vector<32x128xf32>
    %slice3A_172 = vector.extract_strided_slice %get3A_1 {offsets = [0, 10112], sizes = [32, 128], strides = [1, 1]} : vector<32x16384xf32> to vector<32x128xf32>
    %concatenate3A_173 = tpu.concatenate %slice3A_169, %slice3A_170, %slice3A_171, %slice3A_172 in 0 : vector<32x128xf32>, vector<32x128xf32>, vector<32x128xf32>, vector<32x128xf32> -> vector<128x128xf32>
    %transpose3A_174 = tpu.transpose %concatenate3A_173, [1, 0] : vector<128x128xf32> -> vector<128x128xf32>
    %swap3A_175 = arith.constant 2432 : index
    %swap3A_176 = arith.constant 0 : index
    %swap3A_177 = vector.load %arg2[%swap3A_175, %swap3A_176] : memref<4096x128xf32, #tpu.memory_space<vmem>>, vector<128x128xf32>
    tpu.vector_store %arg2[%swap3A_175, %swap3A_176], %transpose3A_174 {strides = array<i32>} : memref<4096x128xf32, #tpu.memory_space<vmem>>, vector<128x128xf32>,
    %slice3A_178 = vector.extract_strided_slice %get3A_1 {offsets = [0, 10240], sizes = [32, 128], strides = [1, 1]} : vector<32x16384xf32> to vector<32x128xf32>
    %slice3A_179 = vector.extract_strided_slice %get3A_1 {offsets = [0, 10368], sizes = [32, 128], strides = [1, 1]} : vector<32x16384xf32> to vector<32x128xf32>
    %slice3A_180 = vector.extract_strided_slice %get3A_1 {offsets = [0, 10496], sizes = [32, 128], strides = [1, 1]} : vector<32x16384xf32> to vector<32x128xf32>
    %slice3A_181 = vector.extract_strided_slice %get3A_1 {offsets = [0, 10624], sizes = [32, 128], strides = [1, 1]} : vector<32x16384xf32> to vector<32x128xf32>
    %concatenate3A_182 = tpu.concatenate %slice3A_178, %slice3A_179, %slice3A_180, %slice3A_181 in 0 : vector<32x128xf32>, vector<32x128xf32>, vector<32x128xf32>, vector<32x128xf32> -> vector<128x128xf32>
    %transpose3A_183 = tpu.transpose %concatenate3A_182, [1, 0] : vector<128x128xf32> -> vector<128x128xf32>
    %swap3A_184 = arith.constant 2560 : index
    %swap3A_185 = arith.constant 0 : index
    %swap3A_186 = vector.load %arg2[%swap3A_184, %swap3A_185] : memref<4096x128xf32, #tpu.memory_space<vmem>>, vector<128x128xf32>
    tpu.vector_store %arg2[%swap3A_184, %swap3A_185], %transpose3A_183 {strides = array<i32>} : memref<4096x128xf32, #tpu.memory_space<vmem>>, vector<128x128xf32>,
    %slice3A_187 = vector.extract_strided_slice %get3A_1 {offsets = [0, 10752], sizes = [32, 128], strides = [1, 1]} : vector<32x16384xf32> to vector<32x128xf32>
    %slice3A_188 = vector.extract_strided_slice %get3A_1 {offsets = [0, 10880], sizes = [32, 128], strides = [1, 1]} : vector<32x16384xf32> to vector<32x128xf32>
    %slice3A_189 = vector.extract_strided_slice %get3A_1 {offsets = [0, 11008], sizes = [32, 128], strides = [1, 1]} : vector<32x16384xf32> to vector<32x128xf32>
    %slice3A_190 = vector.extract_strided_slice %get3A_1 {offsets = [0, 11136], sizes = [32, 128], strides = [1, 1]} : vector<32x16384xf32> to vector<32x128xf32>
    %concatenate3A_191 = tpu.concatenate %slice3A_187, %slice3A_188, %slice3A_189, %slice3A_190 in 0 : vector<32x128xf32>, vector<32x128xf32>, vector<32x128xf32>, vector<32x128xf32> -> vector<128x128xf32>
    %transpose3A_192 = tpu.transpose %concatenate3A_191, [1, 0] : vector<128x128xf32> -> vector<128x128xf32>
    %swap3A_193 = arith.constant 2688 : index
    %swap3A_194 = arith.constant 0 : index
    %swap3A_195 = vector.load %arg2[%swap3A_193, %swap3A_194] : memref<4096x128xf32, #tpu.memory_space<vmem>>, vector<128x128xf32>
    tpu.vector_store %arg2[%swap3A_193, %swap3A_194], %transpose3A_192 {strides = array<i32>} : memref<4096x128xf32, #tpu.memory_space<vmem>>, vector<128x128xf32>,
    %slice3A_196 = vector.extract_strided_slice %get3A_1 {offsets = [0, 11264], sizes = [32, 128], strides = [1, 1]} : vector<32x16384xf32> to vector<32x128xf32>
    %slice3A_197 = vector.extract_strided_slice %get3A_1 {offsets = [0, 11392], sizes = [32, 128], strides = [1, 1]} : vector<32x16384xf32> to vector<32x128xf32>
    %slice3A_198 = vector.extract_strided_slice %get3A_1 {offsets = [0, 11520], sizes = [32, 128], strides = [1, 1]} : vector<32x16384xf32> to vector<32x128xf32>
    %slice3A_199 = vector.extract_strided_slice %get3A_1 {offsets = [0, 11648], sizes = [32, 128], strides = [1, 1]} : vector<32x16384xf32> to vector<32x128xf32>
    %concatenate3A_200 = tpu.concatenate %slice3A_196, %slice3A_197, %slice3A_198, %slice3A_199 in 0 : vector<32x128xf32>, vector<32x128xf32>, vector<32x128xf32>, vector<32x128xf32> -> vector<128x128xf32>
    %transpose3A_201 = tpu.transpose %concatenate3A_200, [1, 0] : vector<128x128xf32> -> vector<128x128xf32>
    %swap3A_202 = arith.constant 2816 : index
    %swap3A_203 = arith.constant 0 : index
    %swap3A_204 = vector.load %arg2[%swap3A_202, %swap3A_203] : memref<4096x128xf32, #tpu.memory_space<vmem>>, vector<128x128xf32>
    tpu.vector_store %arg2[%swap3A_202, %swap3A_203], %transpose3A_201 {strides = array<i32>} : memref<4096x128xf32, #tpu.memory_space<vmem>>, vector<128x128xf32>,
    %slice3A_205 = vector.extract_strided_slice %get3A_1 {offsets = [0, 11776], sizes = [32, 128], strides = [1, 1]} : vector<32x16384xf32> to vector<32x128xf32>
    %slice3A_206 = vector.extract_strided_slice %get3A_1 {offsets = [0, 11904], sizes = [32, 128], strides = [1, 1]} : vector<32x16384xf32> to vector<32x128xf32>
    %slice3A_207 = vector.extract_strided_slice %get3A_1 {offsets = [0, 12032], sizes = [32, 128], strides = [1, 1]} : vector<32x16384xf32> to vector<32x128xf32>
    %slice3A_208 = vector.extract_strided_slice %get3A_1 {offsets = [0, 12160], sizes = [32, 128], strides = [1, 1]} : vector<32x16384xf32> to vector<32x128xf32>
    %concatenate3A_209 = tpu.concatenate %slice3A_205, %slice3A_206, %slice3A_207, %slice3A_208 in 0 : vector<32x128xf32>, vector<32x128xf32>, vector<32x128xf32>, vector<32x128xf32> -> vector<128x128xf32>
    %transpose3A_210 = tpu.transpose %concatenate3A_209, [1, 0] : vector<128x128xf32> -> vector<128x128xf32>
    %swap3A_211 = arith.constant 2944 : index
    %swap3A_212 = arith.constant 0 : index
    %swap3A_213 = vector.load %arg2[%swap3A_211, %swap3A_212] : memref<4096x128xf32, #tpu.memory_space<vmem>>, vector<128x128xf32>
    tpu.vector_store %arg2[%swap3A_211, %swap3A_212], %transpose3A_210 {strides = array<i32>} : memref<4096x128xf32, #tpu.memory_space<vmem>>, vector<128x128xf32>,
    %slice3A_214 = vector.extract_strided_slice %get3A_1 {offsets = [0, 12288], sizes = [32, 128], strides = [1, 1]} : vector<32x16384xf32> to vector<32x128xf32>
    %slice3A_215 = vector.extract_strided_slice %get3A_1 {offsets = [0, 12416], sizes = [32, 128], strides = [1, 1]} : vector<32x16384xf32> to vector<32x128xf32>
    %slice3A_216 = vector.extract_strided_slice %get3A_1 {offsets = [0, 12544], sizes = [32, 128], strides = [1, 1]} : vector<32x16384xf32> to vector<32x128xf32>
    %slice3A_217 = vector.extract_strided_slice %get3A_1 {offsets = [0, 12672], sizes = [32, 128], strides = [1, 1]} : vector<32x16384xf32> to vector<32x128xf32>
    %concatenate3A_218 = tpu.concatenate %slice3A_214, %slice3A_215, %slice3A_216, %slice3A_217 in 0 : vector<32x128xf32>, vector<32x128xf32>, vector<32x128xf32>, vector<32x128xf32> -> vector<128x128xf32>
    %transpose3A_219 = tpu.transpose %concatenate3A_218, [1, 0] : vector<128x128xf32> -> vector<128x128xf32>
    %swap3A_220 = arith.constant 3072 : index
    %swap3A_221 = arith.constant 0 : index
    %swap3A_222 = vector.load %arg2[%swap3A_220, %swap3A_221] : memref<4096x128xf32, #tpu.memory_space<vmem>>, vector<128x128xf32>
    tpu.vector_store %arg2[%swap3A_220, %swap3A_221], %transpose3A_219 {strides = array<i32>} : memref<4096x128xf32, #tpu.memory_space<vmem>>, vector<128x128xf32>,
    %slice3A_223 = vector.extract_strided_slice %get3A_1 {offsets = [0, 12800], sizes = [32, 128], strides = [1, 1]} : vector<32x16384xf32> to vector<32x128xf32>
    %slice3A_224 = vector.extract_strided_slice %get3A_1 {offsets = [0, 12928], sizes = [32, 128], strides = [1, 1]} : vector<32x16384xf32> to vector<32x128xf32>
    %slice3A_225 = vector.extract_strided_slice %get3A_1 {offsets = [0, 13056], sizes = [32, 128], strides = [1, 1]} : vector<32x16384xf32> to vector<32x128xf32>
    %slice3A_226 = vector.extract_strided_slice %get3A_1 {offsets = [0, 13184], sizes = [32, 128], strides = [1, 1]} : vector<32x16384xf32> to vector<32x128xf32>
    %concatenate3A_227 = tpu.concatenate %slice3A_223, %slice3A_224, %slice3A_225, %slice3A_226 in 0 : vector<32x128xf32>, vector<32x128xf32>, vector<32x128xf32>, vector<32x128xf32> -> vector<128x128xf32>
    %transpose3A_228 = tpu.transpose %concatenate3A_227, [1, 0] : vector<128x128xf32> -> vector<128x128xf32>
    %swap3A_229 = arith.constant 3200 : index
    %swap3A_230 = arith.constant 0 : index
    %swap3A_231 = vector.load %arg2[%swap3A_229, %swap3A_230] : memref<4096x128xf32, #tpu.memory_space<vmem>>, vector<128x128xf32>
    tpu.vector_store %arg2[%swap3A_229, %swap3A_230], %transpose3A_228 {strides = array<i32>} : memref<4096x128xf32, #tpu.memory_space<vmem>>, vector<128x128xf32>,
    %slice3A_232 = vector.extract_strided_slice %get3A_1 {offsets = [0, 13312], sizes = [32, 128], strides = [1, 1]} : vector<32x16384xf32> to vector<32x128xf32>
    %slice3A_233 = vector.extract_strided_slice %get3A_1 {offsets = [0, 13440], sizes = [32, 128], strides = [1, 1]} : vector<32x16384xf32> to vector<32x128xf32>
    %slice3A_234 = vector.extract_strided_slice %get3A_1 {offsets = [0, 13568], sizes = [32, 128], strides = [1, 1]} : vector<32x16384xf32> to vector<32x128xf32>
    %slice3A_235 = vector.extract_strided_slice %get3A_1 {offsets = [0, 13696], sizes = [32, 128], strides = [1, 1]} : vector<32x16384xf32> to vector<32x128xf32>
    %concatenate3A_236 = tpu.concatenate %slice3A_232, %slice3A_233, %slice3A_234, %slice3A_235 in 0 : vector<32x128xf32>, vector<32x128xf32>, vector<32x128xf32>, vector<32x128xf32> -> vector<128x128xf32>
    %transpose3A_237 = tpu.transpose %concatenate3A_236, [1, 0] : vector<128x128xf32> -> vector<128x128xf32>
    %swap3A_238 = arith.constant 3328 : index
    %swap3A_239 = arith.constant 0 : index
    %swap3A_240 = vector.load %arg2[%swap3A_238, %swap3A_239] : memref<4096x128xf32, #tpu.memory_space<vmem>>, vector<128x128xf32>
    tpu.vector_store %arg2[%swap3A_238, %swap3A_239], %transpose3A_237 {strides = array<i32>} : memref<4096x128xf32, #tpu.memory_space<vmem>>, vector<128x128xf32>,
    %slice3A_241 = vector.extract_strided_slice %get3A_1 {offsets = [0, 13824], sizes = [32, 128], strides = [1, 1]} : vector<32x16384xf32> to vector<32x128xf32>
    %slice3A_242 = vector.extract_strided_slice %get3A_1 {offsets = [0, 13952], sizes = [32, 128], strides = [1, 1]} : vector<32x16384xf32> to vector<32x128xf32>
    %slice3A_243 = vector.extract_strided_slice %get3A_1 {offsets = [0, 14080], sizes = [32, 128], strides = [1, 1]} : vector<32x16384xf32> to vector<32x128xf32>
    %slice3A_244 = vector.extract_strided_slice %get3A_1 {offsets = [0, 14208], sizes = [32, 128], strides = [1, 1]} : vector<32x16384xf32> to vector<32x128xf32>
    %concatenate3A_245 = tpu.concatenate %slice3A_241, %slice3A_242, %slice3A_243, %slice3A_244 in 0 : vector<32x128xf32>, vector<32x128xf32>, vector<32x128xf32>, vector<32x128xf32> -> vector<128x128xf32>
    %transpose3A_246 = tpu.transpose %concatenate3A_245, [1, 0] : vector<128x128xf32> -> vector<128x128xf32>
    %swap3A_247 = arith.constant 3456 : index
    %swap3A_248 = arith.constant 0 : index
    %swap3A_249 = vector.load %arg2[%swap3A_247, %swap3A_248] : memref<4096x128xf32, #tpu.memory_space<vmem>>, vector<128x128xf32>
    tpu.vector_store %arg2[%swap3A_247, %swap3A_248], %transpose3A_246 {strides = array<i32>} : memref<4096x128xf32, #tpu.memory_space<vmem>>, vector<128x128xf32>,
    %slice3A_250 = vector.extract_strided_slice %get3A_1 {offsets = [0, 14336], sizes = [32, 128], strides = [1, 1]} : vector<32x16384xf32> to vector<32x128xf32>
    %slice3A_251 = vector.extract_strided_slice %get3A_1 {offsets = [0, 14464], sizes = [32, 128], strides = [1, 1]} : vector<32x16384xf32> to vector<32x128xf32>
    %slice3A_252 = vector.extract_strided_slice %get3A_1 {offsets = [0, 14592], sizes = [32, 128], strides = [1, 1]} : vector<32x16384xf32> to vector<32x128xf32>
    %slice3A_253 = vector.extract_strided_slice %get3A_1 {offsets = [0, 14720], sizes = [32, 128], strides = [1, 1]} : vector<32x16384xf32> to vector<32x128xf32>
    %concatenate3A_254 = tpu.concatenate %slice3A_250, %slice3A_251, %slice3A_252, %slice3A_253 in 0 : vector<32x128xf32>, vector<32x128xf32>, vector<32x128xf32>, vector<32x128xf32> -> vector<128x128xf32>
    %transpose3A_255 = tpu.transpose %concatenate3A_254, [1, 0] : vector<128x128xf32> -> vector<128x128xf32>
    %swap3A_256 = arith.constant 3584 : index
    %swap3A_257 = arith.constant 0 : index
    %swap3A_258 = vector.load %arg2[%swap3A_256, %swap3A_257] : memref<4096x128xf32, #tpu.memory_space<vmem>>, vector<128x128xf32>
    tpu.vector_store %arg2[%swap3A_256, %swap3A_257], %transpose3A_255 {strides = array<i32>} : memref<4096x128xf32, #tpu.memory_space<vmem>>, vector<128x128xf32>,
    %slice3A_259 = vector.extract_strided_slice %get3A_1 {offsets = [0, 14848], sizes = [32, 128], strides = [1, 1]} : vector<32x16384xf32> to vector<32x128xf32>
    %slice3A_260 = vector.extract_strided_slice %get3A_1 {offsets = [0, 14976], sizes = [32, 128], strides = [1, 1]} : vector<32x16384xf32> to vector<32x128xf32>
    %slice3A_261 = vector.extract_strided_slice %get3A_1 {offsets = [0, 15104], sizes = [32, 128], strides = [1, 1]} : vector<32x16384xf32> to vector<32x128xf32>
    %slice3A_262 = vector.extract_strided_slice %get3A_1 {offsets = [0, 15232], sizes = [32, 128], strides = [1, 1]} : vector<32x16384xf32> to vector<32x128xf32>
    %concatenate3A_263 = tpu.concatenate %slice3A_259, %slice3A_260, %slice3A_261, %slice3A_262 in 0 : vector<32x128xf32>, vector<32x128xf32>, vector<32x128xf32>, vector<32x128xf32> -> vector<128x128xf32>
    %transpose3A_264 = tpu.transpose %concatenate3A_263, [1, 0] : vector<128x128xf32> -> vector<128x128xf32>
    %swap3A_265 = arith.constant 3712 : index
    %swap3A_266 = arith.constant 0 : index
    %swap3A_267 = vector.load %arg2[%swap3A_265, %swap3A_266] : memref<4096x128xf32, #tpu.memory_space<vmem>>, vector<128x128xf32>
    tpu.vector_store %arg2[%swap3A_265, %swap3A_266], %transpose3A_264 {strides = array<i32>} : memref<4096x128xf32, #tpu.memory_space<vmem>>, vector<128x128xf32>,
    %slice3A_268 = vector.extract_strided_slice %get3A_1 {offsets = [0, 15360], sizes = [32, 128], strides = [1, 1]} : vector<32x16384xf32> to vector<32x128xf32>
    %slice3A_269 = vector.extract_strided_slice %get3A_1 {offsets = [0, 15488], sizes = [32, 128], strides = [1, 1]} : vector<32x16384xf32> to vector<32x128xf32>
    %slice3A_270 = vector.extract_strided_slice %get3A_1 {offsets = [0, 15616], sizes = [32, 128], strides = [1, 1]} : vector<32x16384xf32> to vector<32x128xf32>
    %slice3A_271 = vector.extract_strided_slice %get3A_1 {offsets = [0, 15744], sizes = [32, 128], strides = [1, 1]} : vector<32x16384xf32> to vector<32x128xf32>
    %concatenate3A_272 = tpu.concatenate %slice3A_268, %slice3A_269, %slice3A_270, %slice3A_271 in 0 : vector<32x128xf32>, vector<32x128xf32>, vector<32x128xf32>, vector<32x128xf32> -> vector<128x128xf32>
    %transpose3A_273 = tpu.transpose %concatenate3A_272, [1, 0] : vector<128x128xf32> -> vector<128x128xf32>
    %swap3A_274 = arith.constant 3840 : index
    %swap3A_275 = arith.constant 0 : index
    %swap3A_276 = vector.load %arg2[%swap3A_274, %swap3A_275] : memref<4096x128xf32, #tpu.memory_space<vmem>>, vector<128x128xf32>
    tpu.vector_store %arg2[%swap3A_274, %swap3A_275], %transpose3A_273 {strides = array<i32>} : memref<4096x128xf32, #tpu.memory_space<vmem>>, vector<128x128xf32>,
    %slice3A_277 = vector.extract_strided_slice %get3A_1 {offsets = [0, 15872], sizes = [32, 128], strides = [1, 1]} : vector<32x16384xf32> to vector<32x128xf32>
    %slice3A_278 = vector.extract_strided_slice %get3A_1 {offsets = [0, 16000], sizes = [32, 128], strides = [1, 1]} : vector<32x16384xf32> to vector<32x128xf32>
    %slice3A_279 = vector.extract_strided_slice %get3A_1 {offsets = [0, 16128], sizes = [32, 128], strides = [1, 1]} : vector<32x16384xf32> to vector<32x128xf32>
    %slice3A_280 = vector.extract_strided_slice %get3A_1 {offsets = [0, 16256], sizes = [32, 128], strides = [1, 1]} : vector<32x16384xf32> to vector<32x128xf32>
    %concatenate3A_281 = tpu.concatenate %slice3A_277, %slice3A_278, %slice3A_279, %slice3A_280 in 0 : vector<32x128xf32>, vector<32x128xf32>, vector<32x128xf32>, vector<32x128xf32> -> vector<128x128xf32>
    %transpose3A_282 = tpu.transpose %concatenate3A_281, [1, 0] : vector<128x128xf32> -> vector<128x128xf32>
    %swap3A_283 = arith.constant 3968 : index
    %swap3A_284 = arith.constant 0 : index
    %swap3A_285 = vector.load %arg2[%swap3A_283, %swap3A_284] : memref<4096x128xf32, #tpu.memory_space<vmem>>, vector<128x128xf32>
    tpu.vector_store %arg2[%swap3A_283, %swap3A_284], %transpose3A_282 {strides = array<i32>} : memref<4096x128xf32, #tpu.memory_space<vmem>>, vector<128x128xf32>,
    return
  }
  func.func @transform_0(%arg0: i32) -> (i32, i32) {
    %c0_i32 = arith.constant 0 : i32
    %c0_i32_0 = arith.constant 0 : i32
    return %c0_i32, %arg0 : i32, i32
  }
  func.func @transform_1(%arg0: i32) -> (i32, i32) {
    %c0_i32 = arith.constant 0 : i32
    %c0_i32_0 = arith.constant 0 : i32
    return %arg0, %c0_i32 : i32, i32
  }
}

module attributes {stable_mosaic.version = 14 : i64} {
  func.func @body(%arg0: i32, %arg1: memref<4096x128xf32, #tpu.memory_space<vmem>>, %arg2: memref<4096x128xf32, #tpu.memory_space<vmem>>) attributes {dimension_semantics = [#tpu.dimension_semantics<arbitrary>], iteration_bounds = array<i64: 26>, scalar_prefetch = 0 : i64, scratch_operands = 0 : i64, tpu.core_type = #tpu.core_type<tc>, window_params = [{transform_indices = @transform_0, window_bounds = array<i64: 4096, 128>}, {transform_indices = @transform_1, window_bounds = array<i64: 4096, 128>}]} {
    %get3A = arith.constant 0 : index
    %get3A_0 = arith.constant 0 : index
    %get3A_1 = vector.load %arg1[%get3A, %get3A_0] : memref<4096x128xf32, #tpu.memory_space<vmem>>, vector<4096x128xf32>
    %slice3A = vector.extract_strided_slice %get3A_1 {offsets = [0, 0], sizes = [128, 128], strides = [1, 1]} : vector<4096x128xf32> to vector<128x128xf32>
    %transpose3A = tpu.transpose %slice3A, [1, 0] : vector<128x128xf32> -> vector<128x128xf32>
    %slice3A_2 = vector.extract_strided_slice %transpose3A {offsets = [0, 0], sizes = [8, 128], strides = [1, 1]} : vector<128x128xf32> to vector<8x128xf32>
    %swap3A = arith.constant 0 : index
    %swap3A_3 = arith.constant 0 : index
    %swap3A_4 = vector.load %arg2[%swap3A, %swap3A_3] : memref<4096x128xf32, #tpu.memory_space<vmem>>, vector<8x128xf32>
    tpu.vector_store %arg2[%swap3A, %swap3A_3], %slice3A_2 {strides = array<i32>} : memref<4096x128xf32, #tpu.memory_space<vmem>>, vector<8x128xf32>,
    %slice3A_5 = vector.extract_strided_slice %transpose3A {offsets = [8, 0], sizes = [8, 128], strides = [1, 1]} : vector<128x128xf32> to vector<8x128xf32>
    %swap3A_6 = arith.constant 1024 : index
    %swap3A_7 = arith.constant 0 : index
    %swap3A_8 = vector.load %arg2[%swap3A_6, %swap3A_7] : memref<4096x128xf32, #tpu.memory_space<vmem>>, vector<8x128xf32>
    tpu.vector_store %arg2[%swap3A_6, %swap3A_7], %slice3A_5 {strides = array<i32>} : memref<4096x128xf32, #tpu.memory_space<vmem>>, vector<8x128xf32>,
    %slice3A_9 = vector.extract_strided_slice %transpose3A {offsets = [16, 0], sizes = [8, 128], strides = [1, 1]} : vector<128x128xf32> to vector<8x128xf32>
    %swap3A_10 = arith.constant 2048 : index
    %swap3A_11 = arith.constant 0 : index
    %swap3A_12 = vector.load %arg2[%swap3A_10, %swap3A_11] : memref<4096x128xf32, #tpu.memory_space<vmem>>, vector<8x128xf32>
    tpu.vector_store %arg2[%swap3A_10, %swap3A_11], %slice3A_9 {strides = array<i32>} : memref<4096x128xf32, #tpu.memory_space<vmem>>, vector<8x128xf32>,
    %slice3A_13 = vector.extract_strided_slice %transpose3A {offsets = [24, 0], sizes = [8, 128], strides = [1, 1]} : vector<128x128xf32> to vector<8x128xf32>
    %swap3A_14 = arith.constant 3072 : index
    %swap3A_15 = arith.constant 0 : index
    %swap3A_16 = vector.load %arg2[%swap3A_14, %swap3A_15] : memref<4096x128xf32, #tpu.memory_space<vmem>>, vector<8x128xf32>
    tpu.vector_store %arg2[%swap3A_14, %swap3A_15], %slice3A_13 {strides = array<i32>} : memref<4096x128xf32, #tpu.memory_space<vmem>>, vector<8x128xf32>,
    %slice3A_17 = vector.extract_strided_slice %transpose3A {offsets = [32, 0], sizes = [8, 128], strides = [1, 1]} : vector<128x128xf32> to vector<8x128xf32>
    %swap3A_18 = arith.constant 8 : index
    %swap3A_19 = arith.constant 0 : index
    %swap3A_20 = vector.load %arg2[%swap3A_18, %swap3A_19] : memref<4096x128xf32, #tpu.memory_space<vmem>>, vector<8x128xf32>
    tpu.vector_store %arg2[%swap3A_18, %swap3A_19], %slice3A_17 {strides = array<i32>} : memref<4096x128xf32, #tpu.memory_space<vmem>>, vector<8x128xf32>,
    %slice3A_21 = vector.extract_strided_slice %transpose3A {offsets = [40, 0], sizes = [8, 128], strides = [1, 1]} : vector<128x128xf32> to vector<8x128xf32>
    %swap3A_22 = arith.constant 1032 : index
    %swap3A_23 = arith.constant 0 : index
    %swap3A_24 = vector.load %arg2[%swap3A_22, %swap3A_23] : memref<4096x128xf32, #tpu.memory_space<vmem>>, vector<8x128xf32>
    tpu.vector_store %arg2[%swap3A_22, %swap3A_23], %slice3A_21 {strides = array<i32>} : memref<4096x128xf32, #tpu.memory_space<vmem>>, vector<8x128xf32>,
    %slice3A_25 = vector.extract_strided_slice %transpose3A {offsets = [48, 0], sizes = [8, 128], strides = [1, 1]} : vector<128x128xf32> to vector<8x128xf32>
    %swap3A_26 = arith.constant 2056 : index
    %swap3A_27 = arith.constant 0 : index
    %swap3A_28 = vector.load %arg2[%swap3A_26, %swap3A_27] : memref<4096x128xf32, #tpu.memory_space<vmem>>, vector<8x128xf32>
    tpu.vector_store %arg2[%swap3A_26, %swap3A_27], %slice3A_25 {strides = array<i32>} : memref<4096x128xf32, #tpu.memory_space<vmem>>, vector<8x128xf32>,
    %slice3A_29 = vector.extract_strided_slice %transpose3A {offsets = [56, 0], sizes = [8, 128], strides = [1, 1]} : vector<128x128xf32> to vector<8x128xf32>
    %swap3A_30 = arith.constant 3080 : index
    %swap3A_31 = arith.constant 0 : index
    %swap3A_32 = vector.load %arg2[%swap3A_30, %swap3A_31] : memref<4096x128xf32, #tpu.memory_space<vmem>>, vector<8x128xf32>
    tpu.vector_store %arg2[%swap3A_30, %swap3A_31], %slice3A_29 {strides = array<i32>} : memref<4096x128xf32, #tpu.memory_space<vmem>>, vector<8x128xf32>,
    %slice3A_33 = vector.extract_strided_slice %transpose3A {offsets = [64, 0], sizes = [8, 128], strides = [1, 1]} : vector<128x128xf32> to vector<8x128xf32>
    %swap3A_34 = arith.constant 16 : index
    %swap3A_35 = arith.constant 0 : index
    %swap3A_36 = vector.load %arg2[%swap3A_34, %swap3A_35] : memref<4096x128xf32, #tpu.memory_space<vmem>>, vector<8x128xf32>
    tpu.vector_store %arg2[%swap3A_34, %swap3A_35], %slice3A_33 {strides = array<i32>} : memref<4096x128xf32, #tpu.memory_space<vmem>>, vector<8x128xf32>,
    %slice3A_37 = vector.extract_strided_slice %transpose3A {offsets = [72, 0], sizes = [8, 128], strides = [1, 1]} : vector<128x128xf32> to vector<8x128xf32>
    %swap3A_38 = arith.constant 1040 : index
    %swap3A_39 = arith.constant 0 : index
    %swap3A_40 = vector.load %arg2[%swap3A_38, %swap3A_39] : memref<4096x128xf32, #tpu.memory_space<vmem>>, vector<8x128xf32>
    tpu.vector_store %arg2[%swap3A_38, %swap3A_39], %slice3A_37 {strides = array<i32>} : memref<4096x128xf32, #tpu.memory_space<vmem>>, vector<8x128xf32>,
    %slice3A_41 = vector.extract_strided_slice %transpose3A {offsets = [80, 0], sizes = [8, 128], strides = [1, 1]} : vector<128x128xf32> to vector<8x128xf32>
    %swap3A_42 = arith.constant 2064 : index
    %swap3A_43 = arith.constant 0 : index
    %swap3A_44 = vector.load %arg2[%swap3A_42, %swap3A_43] : memref<4096x128xf32, #tpu.memory_space<vmem>>, vector<8x128xf32>
    tpu.vector_store %arg2[%swap3A_42, %swap3A_43], %slice3A_41 {strides = array<i32>} : memref<4096x128xf32, #tpu.memory_space<vmem>>, vector<8x128xf32>,
    %slice3A_45 = vector.extract_strided_slice %transpose3A {offsets = [88, 0], sizes = [8, 128], strides = [1, 1]} : vector<128x128xf32> to vector<8x128xf32>
    %swap3A_46 = arith.constant 3088 : index
    %swap3A_47 = arith.constant 0 : index
    %swap3A_48 = vector.load %arg2[%swap3A_46, %swap3A_47] : memref<4096x128xf32, #tpu.memory_space<vmem>>, vector<8x128xf32>
    tpu.vector_store %arg2[%swap3A_46, %swap3A_47], %slice3A_45 {strides = array<i32>} : memref<4096x128xf32, #tpu.memory_space<vmem>>, vector<8x128xf32>,
    %slice3A_49 = vector.extract_strided_slice %transpose3A {offsets = [96, 0], sizes = [8, 128], strides = [1, 1]} : vector<128x128xf32> to vector<8x128xf32>
    %swap3A_50 = arith.constant 24 : index
    %swap3A_51 = arith.constant 0 : index
    %swap3A_52 = vector.load %arg2[%swap3A_50, %swap3A_51] : memref<4096x128xf32, #tpu.memory_space<vmem>>, vector<8x128xf32>
    tpu.vector_store %arg2[%swap3A_50, %swap3A_51], %slice3A_49 {strides = array<i32>} : memref<4096x128xf32, #tpu.memory_space<vmem>>, vector<8x128xf32>,
    %slice3A_53 = vector.extract_strided_slice %transpose3A {offsets = [104, 0], sizes = [8, 128], strides = [1, 1]} : vector<128x128xf32> to vector<8x128xf32>
    %swap3A_54 = arith.constant 1048 : index
    %swap3A_55 = arith.constant 0 : index
    %swap3A_56 = vector.load %arg2[%swap3A_54, %swap3A_55] : memref<4096x128xf32, #tpu.memory_space<vmem>>, vector<8x128xf32>
    tpu.vector_store %arg2[%swap3A_54, %swap3A_55], %slice3A_53 {strides = array<i32>} : memref<4096x128xf32, #tpu.memory_space<vmem>>, vector<8x128xf32>,
    %slice3A_57 = vector.extract_strided_slice %transpose3A {offsets = [112, 0], sizes = [8, 128], strides = [1, 1]} : vector<128x128xf32> to vector<8x128xf32>
    %swap3A_58 = arith.constant 2072 : index
    %swap3A_59 = arith.constant 0 : index
    %swap3A_60 = vector.load %arg2[%swap3A_58, %swap3A_59] : memref<4096x128xf32, #tpu.memory_space<vmem>>, vector<8x128xf32>
    tpu.vector_store %arg2[%swap3A_58, %swap3A_59], %slice3A_57 {strides = array<i32>} : memref<4096x128xf32, #tpu.memory_space<vmem>>, vector<8x128xf32>,
    %slice3A_61 = vector.extract_strided_slice %transpose3A {offsets = [120, 0], sizes = [8, 128], strides = [1, 1]} : vector<128x128xf32> to vector<8x128xf32>
    %swap3A_62 = arith.constant 3096 : index
    %swap3A_63 = arith.constant 0 : index
    %swap3A_64 = vector.load %arg2[%swap3A_62, %swap3A_63] : memref<4096x128xf32, #tpu.memory_space<vmem>>, vector<8x128xf32>
    tpu.vector_store %arg2[%swap3A_62, %swap3A_63], %slice3A_61 {strides = array<i32>} : memref<4096x128xf32, #tpu.memory_space<vmem>>, vector<8x128xf32>,
    %slice3A_65 = vector.extract_strided_slice %get3A_1 {offsets = [128, 0], sizes = [128, 128], strides = [1, 1]} : vector<4096x128xf32> to vector<128x128xf32>
    %transpose3A_66 = tpu.transpose %slice3A_65, [1, 0] : vector<128x128xf32> -> vector<128x128xf32>
    %slice3A_67 = vector.extract_strided_slice %transpose3A_66 {offsets = [0, 0], sizes = [8, 128], strides = [1, 1]} : vector<128x128xf32> to vector<8x128xf32>
    %swap3A_68 = arith.constant 32 : index
    %swap3A_69 = arith.constant 0 : index
    %swap3A_70 = vector.load %arg2[%swap3A_68, %swap3A_69] : memref<4096x128xf32, #tpu.memory_space<vmem>>, vector<8x128xf32>
    tpu.vector_store %arg2[%swap3A_68, %swap3A_69], %slice3A_67 {strides = array<i32>} : memref<4096x128xf32, #tpu.memory_space<vmem>>, vector<8x128xf32>,
    %slice3A_71 = vector.extract_strided_slice %transpose3A_66 {offsets = [8, 0], sizes = [8, 128], strides = [1, 1]} : vector<128x128xf32> to vector<8x128xf32>
    %swap3A_72 = arith.constant 1056 : index
    %swap3A_73 = arith.constant 0 : index
    %swap3A_74 = vector.load %arg2[%swap3A_72, %swap3A_73] : memref<4096x128xf32, #tpu.memory_space<vmem>>, vector<8x128xf32>
    tpu.vector_store %arg2[%swap3A_72, %swap3A_73], %slice3A_71 {strides = array<i32>} : memref<4096x128xf32, #tpu.memory_space<vmem>>, vector<8x128xf32>,
    %slice3A_75 = vector.extract_strided_slice %transpose3A_66 {offsets = [16, 0], sizes = [8, 128], strides = [1, 1]} : vector<128x128xf32> to vector<8x128xf32>
    %swap3A_76 = arith.constant 2080 : index
    %swap3A_77 = arith.constant 0 : index
    %swap3A_78 = vector.load %arg2[%swap3A_76, %swap3A_77] : memref<4096x128xf32, #tpu.memory_space<vmem>>, vector<8x128xf32>
    tpu.vector_store %arg2[%swap3A_76, %swap3A_77], %slice3A_75 {strides = array<i32>} : memref<4096x128xf32, #tpu.memory_space<vmem>>, vector<8x128xf32>,
    %slice3A_79 = vector.extract_strided_slice %transpose3A_66 {offsets = [24, 0], sizes = [8, 128], strides = [1, 1]} : vector<128x128xf32> to vector<8x128xf32>
    %swap3A_80 = arith.constant 3104 : index
    %swap3A_81 = arith.constant 0 : index
    %swap3A_82 = vector.load %arg2[%swap3A_80, %swap3A_81] : memref<4096x128xf32, #tpu.memory_space<vmem>>, vector<8x128xf32>
    tpu.vector_store %arg2[%swap3A_80, %swap3A_81], %slice3A_79 {strides = array<i32>} : memref<4096x128xf32, #tpu.memory_space<vmem>>, vector<8x128xf32>,
    %slice3A_83 = vector.extract_strided_slice %transpose3A_66 {offsets = [32, 0], sizes = [8, 128], strides = [1, 1]} : vector<128x128xf32> to vector<8x128xf32>
    %swap3A_84 = arith.constant 40 : index
    %swap3A_85 = arith.constant 0 : index
    %swap3A_86 = vector.load %arg2[%swap3A_84, %swap3A_85] : memref<4096x128xf32, #tpu.memory_space<vmem>>, vector<8x128xf32>
    tpu.vector_store %arg2[%swap3A_84, %swap3A_85], %slice3A_83 {strides = array<i32>} : memref<4096x128xf32, #tpu.memory_space<vmem>>, vector<8x128xf32>,
    %slice3A_87 = vector.extract_strided_slice %transpose3A_66 {offsets = [40, 0], sizes = [8, 128], strides = [1, 1]} : vector<128x128xf32> to vector<8x128xf32>
    %swap3A_88 = arith.constant 1064 : index
    %swap3A_89 = arith.constant 0 : index
    %swap3A_90 = vector.load %arg2[%swap3A_88, %swap3A_89] : memref<4096x128xf32, #tpu.memory_space<vmem>>, vector<8x128xf32>
    tpu.vector_store %arg2[%swap3A_88, %swap3A_89], %slice3A_87 {strides = array<i32>} : memref<4096x128xf32, #tpu.memory_space<vmem>>, vector<8x128xf32>,
    %slice3A_91 = vector.extract_strided_slice %transpose3A_66 {offsets = [48, 0], sizes = [8, 128], strides = [1, 1]} : vector<128x128xf32> to vector<8x128xf32>
    %swap3A_92 = arith.constant 2088 : index
    %swap3A_93 = arith.constant 0 : index
    %swap3A_94 = vector.load %arg2[%swap3A_92, %swap3A_93] : memref<4096x128xf32, #tpu.memory_space<vmem>>, vector<8x128xf32>
    tpu.vector_store %arg2[%swap3A_92, %swap3A_93], %slice3A_91 {strides = array<i32>} : memref<4096x128xf32, #tpu.memory_space<vmem>>, vector<8x128xf32>,
    %slice3A_95 = vector.extract_strided_slice %transpose3A_66 {offsets = [56, 0], sizes = [8, 128], strides = [1, 1]} : vector<128x128xf32> to vector<8x128xf32>
    %swap3A_96 = arith.constant 3112 : index
    %swap3A_97 = arith.constant 0 : index
    %swap3A_98 = vector.load %arg2[%swap3A_96, %swap3A_97] : memref<4096x128xf32, #tpu.memory_space<vmem>>, vector<8x128xf32>
    tpu.vector_store %arg2[%swap3A_96, %swap3A_97], %slice3A_95 {strides = array<i32>} : memref<4096x128xf32, #tpu.memory_space<vmem>>, vector<8x128xf32>,
    %slice3A_99 = vector.extract_strided_slice %transpose3A_66 {offsets = [64, 0], sizes = [8, 128], strides = [1, 1]} : vector<128x128xf32> to vector<8x128xf32>
    %swap3A_100 = arith.constant 48 : index
    %swap3A_101 = arith.constant 0 : index
    %swap3A_102 = vector.load %arg2[%swap3A_100, %swap3A_101] : memref<4096x128xf32, #tpu.memory_space<vmem>>, vector<8x128xf32>
    tpu.vector_store %arg2[%swap3A_100, %swap3A_101], %slice3A_99 {strides = array<i32>} : memref<4096x128xf32, #tpu.memory_space<vmem>>, vector<8x128xf32>,
    %slice3A_103 = vector.extract_strided_slice %transpose3A_66 {offsets = [72, 0], sizes = [8, 128], strides = [1, 1]} : vector<128x128xf32> to vector<8x128xf32>
    %swap3A_104 = arith.constant 1072 : index
    %swap3A_105 = arith.constant 0 : index
    %swap3A_106 = vector.load %arg2[%swap3A_104, %swap3A_105] : memref<4096x128xf32, #tpu.memory_space<vmem>>, vector<8x128xf32>
    tpu.vector_store %arg2[%swap3A_104, %swap3A_105], %slice3A_103 {strides = array<i32>} : memref<4096x128xf32, #tpu.memory_space<vmem>>, vector<8x128xf32>,
    %slice3A_107 = vector.extract_strided_slice %transpose3A_66 {offsets = [80, 0], sizes = [8, 128], strides = [1, 1]} : vector<128x128xf32> to vector<8x128xf32>
    %swap3A_108 = arith.constant 2096 : index
    %swap3A_109 = arith.constant 0 : index
    %swap3A_110 = vector.load %arg2[%swap3A_108, %swap3A_109] : memref<4096x128xf32, #tpu.memory_space<vmem>>, vector<8x128xf32>
    tpu.vector_store %arg2[%swap3A_108, %swap3A_109], %slice3A_107 {strides = array<i32>} : memref<4096x128xf32, #tpu.memory_space<vmem>>, vector<8x128xf32>,
    %slice3A_111 = vector.extract_strided_slice %transpose3A_66 {offsets = [88, 0], sizes = [8, 128], strides = [1, 1]} : vector<128x128xf32> to vector<8x128xf32>
    %swap3A_112 = arith.constant 3120 : index
    %swap3A_113 = arith.constant 0 : index
    %swap3A_114 = vector.load %arg2[%swap3A_112, %swap3A_113] : memref<4096x128xf32, #tpu.memory_space<vmem>>, vector<8x128xf32>
    tpu.vector_store %arg2[%swap3A_112, %swap3A_113], %slice3A_111 {strides = array<i32>} : memref<4096x128xf32, #tpu.memory_space<vmem>>, vector<8x128xf32>,
    %slice3A_115 = vector.extract_strided_slice %transpose3A_66 {offsets = [96, 0], sizes = [8, 128], strides = [1, 1]} : vector<128x128xf32> to vector<8x128xf32>
    %swap3A_116 = arith.constant 56 : index
    %swap3A_117 = arith.constant 0 : index
    %swap3A_118 = vector.load %arg2[%swap3A_116, %swap3A_117] : memref<4096x128xf32, #tpu.memory_space<vmem>>, vector<8x128xf32>
    tpu.vector_store %arg2[%swap3A_116, %swap3A_117], %slice3A_115 {strides = array<i32>} : memref<4096x128xf32, #tpu.memory_space<vmem>>, vector<8x128xf32>,
    %slice3A_119 = vector.extract_strided_slice %transpose3A_66 {offsets = [104, 0], sizes = [8, 128], strides = [1, 1]} : vector<128x128xf32> to vector<8x128xf32>
    %swap3A_120 = arith.constant 1080 : index
    %swap3A_121 = arith.constant 0 : index
    %swap3A_122 = vector.load %arg2[%swap3A_120, %swap3A_121] : memref<4096x128xf32, #tpu.memory_space<vmem>>, vector<8x128xf32>
    tpu.vector_store %arg2[%swap3A_120, %swap3A_121], %slice3A_119 {strides = array<i32>} : memref<4096x128xf32, #tpu.memory_space<vmem>>, vector<8x128xf32>,
    %slice3A_123 = vector.extract_strided_slice %transpose3A_66 {offsets = [112, 0], sizes = [8, 128], strides = [1, 1]} : vector<128x128xf32> to vector<8x128xf32>
    %swap3A_124 = arith.constant 2104 : index
    %swap3A_125 = arith.constant 0 : index
    %swap3A_126 = vector.load %arg2[%swap3A_124, %swap3A_125] : memref<4096x128xf32, #tpu.memory_space<vmem>>, vector<8x128xf32>
    tpu.vector_store %arg2[%swap3A_124, %swap3A_125], %slice3A_123 {strides = array<i32>} : memref<4096x128xf32, #tpu.memory_space<vmem>>, vector<8x128xf32>,
    %slice3A_127 = vector.extract_strided_slice %transpose3A_66 {offsets = [120, 0], sizes = [8, 128], strides = [1, 1]} : vector<128x128xf32> to vector<8x128xf32>
    %swap3A_128 = arith.constant 3128 : index
    %swap3A_129 = arith.constant 0 : index
    %swap3A_130 = vector.load %arg2[%swap3A_128, %swap3A_129] : memref<4096x128xf32, #tpu.memory_space<vmem>>, vector<8x128xf32>
    tpu.vector_store %arg2[%swap3A_128, %swap3A_129], %slice3A_127 {strides = array<i32>} : memref<4096x128xf32, #tpu.memory_space<vmem>>, vector<8x128xf32>,
    %slice3A_131 = vector.extract_strided_slice %get3A_1 {offsets = [256, 0], sizes = [128, 128], strides = [1, 1]} : vector<4096x128xf32> to vector<128x128xf32>
    %transpose3A_132 = tpu.transpose %slice3A_131, [1, 0] : vector<128x128xf32> -> vector<128x128xf32>
    %slice3A_133 = vector.extract_strided_slice %transpose3A_132 {offsets = [0, 0], sizes = [8, 128], strides = [1, 1]} : vector<128x128xf32> to vector<8x128xf32>
    %swap3A_134 = arith.constant 64 : index
    %swap3A_135 = arith.constant 0 : index
    %swap3A_136 = vector.load %arg2[%swap3A_134, %swap3A_135] : memref<4096x128xf32, #tpu.memory_space<vmem>>, vector<8x128xf32>
    tpu.vector_store %arg2[%swap3A_134, %swap3A_135], %slice3A_133 {strides = array<i32>} : memref<4096x128xf32, #tpu.memory_space<vmem>>, vector<8x128xf32>,
    %slice3A_137 = vector.extract_strided_slice %transpose3A_132 {offsets = [8, 0], sizes = [8, 128], strides = [1, 1]} : vector<128x128xf32> to vector<8x128xf32>
    %swap3A_138 = arith.constant 1088 : index
    %swap3A_139 = arith.constant 0 : index
    %swap3A_140 = vector.load %arg2[%swap3A_138, %swap3A_139] : memref<4096x128xf32, #tpu.memory_space<vmem>>, vector<8x128xf32>
    tpu.vector_store %arg2[%swap3A_138, %swap3A_139], %slice3A_137 {strides = array<i32>} : memref<4096x128xf32, #tpu.memory_space<vmem>>, vector<8x128xf32>,
    %slice3A_141 = vector.extract_strided_slice %transpose3A_132 {offsets = [16, 0], sizes = [8, 128], strides = [1, 1]} : vector<128x128xf32> to vector<8x128xf32>
    %swap3A_142 = arith.constant 2112 : index
    %swap3A_143 = arith.constant 0 : index
    %swap3A_144 = vector.load %arg2[%swap3A_142, %swap3A_143] : memref<4096x128xf32, #tpu.memory_space<vmem>>, vector<8x128xf32>
    tpu.vector_store %arg2[%swap3A_142, %swap3A_143], %slice3A_141 {strides = array<i32>} : memref<4096x128xf32, #tpu.memory_space<vmem>>, vector<8x128xf32>,
    %slice3A_145 = vector.extract_strided_slice %transpose3A_132 {offsets = [24, 0], sizes = [8, 128], strides = [1, 1]} : vector<128x128xf32> to vector<8x128xf32>
    %swap3A_146 = arith.constant 3136 : index
    %swap3A_147 = arith.constant 0 : index
    %swap3A_148 = vector.load %arg2[%swap3A_146, %swap3A_147] : memref<4096x128xf32, #tpu.memory_space<vmem>>, vector<8x128xf32>
    tpu.vector_store %arg2[%swap3A_146, %swap3A_147], %slice3A_145 {strides = array<i32>} : memref<4096x128xf32, #tpu.memory_space<vmem>>, vector<8x128xf32>,
    %slice3A_149 = vector.extract_strided_slice %transpose3A_132 {offsets = [32, 0], sizes = [8, 128], strides = [1, 1]} : vector<128x128xf32> to vector<8x128xf32>
    %swap3A_150 = arith.constant 72 : index
    %swap3A_151 = arith.constant 0 : index
    %swap3A_152 = vector.load %arg2[%swap3A_150, %swap3A_151] : memref<4096x128xf32, #tpu.memory_space<vmem>>, vector<8x128xf32>
    tpu.vector_store %arg2[%swap3A_150, %swap3A_151], %slice3A_149 {strides = array<i32>} : memref<4096x128xf32, #tpu.memory_space<vmem>>, vector<8x128xf32>,
    %slice3A_153 = vector.extract_strided_slice %transpose3A_132 {offsets = [40, 0], sizes = [8, 128], strides = [1, 1]} : vector<128x128xf32> to vector<8x128xf32>
    %swap3A_154 = arith.constant 1096 : index
    %swap3A_155 = arith.constant 0 : index
    %swap3A_156 = vector.load %arg2[%swap3A_154, %swap3A_155] : memref<4096x128xf32, #tpu.memory_space<vmem>>, vector<8x128xf32>
    tpu.vector_store %arg2[%swap3A_154, %swap3A_155], %slice3A_153 {strides = array<i32>} : memref<4096x128xf32, #tpu.memory_space<vmem>>, vector<8x128xf32>,
    %slice3A_157 = vector.extract_strided_slice %transpose3A_132 {offsets = [48, 0], sizes = [8, 128], strides = [1, 1]} : vector<128x128xf32> to vector<8x128xf32>
    %swap3A_158 = arith.constant 2120 : index
    %swap3A_159 = arith.constant 0 : index
    %swap3A_160 = vector.load %arg2[%swap3A_158, %swap3A_159] : memref<4096x128xf32, #tpu.memory_space<vmem>>, vector<8x128xf32>
    tpu.vector_store %arg2[%swap3A_158, %swap3A_159], %slice3A_157 {strides = array<i32>} : memref<4096x128xf32, #tpu.memory_space<vmem>>, vector<8x128xf32>,
    %slice3A_161 = vector.extract_strided_slice %transpose3A_132 {offsets = [56, 0], sizes = [8, 128], strides = [1, 1]} : vector<128x128xf32> to vector<8x128xf32>
    %swap3A_162 = arith.constant 3144 : index
    %swap3A_163 = arith.constant 0 : index
    %swap3A_164 = vector.load %arg2[%swap3A_162, %swap3A_163] : memref<4096x128xf32, #tpu.memory_space<vmem>>, vector<8x128xf32>
    tpu.vector_store %arg2[%swap3A_162, %swap3A_163], %slice3A_161 {strides = array<i32>} : memref<4096x128xf32, #tpu.memory_space<vmem>>, vector<8x128xf32>,
    %slice3A_165 = vector.extract_strided_slice %transpose3A_132 {offsets = [64, 0], sizes = [8, 128], strides = [1, 1]} : vector<128x128xf32> to vector<8x128xf32>
    %swap3A_166 = arith.constant 80 : index
    %swap3A_167 = arith.constant 0 : index
    %swap3A_168 = vector.load %arg2[%swap3A_166, %swap3A_167] : memref<4096x128xf32, #tpu.memory_space<vmem>>, vector<8x128xf32>
    tpu.vector_store %arg2[%swap3A_166, %swap3A_167], %slice3A_165 {strides = array<i32>} : memref<4096x128xf32, #tpu.memory_space<vmem>>, vector<8x128xf32>,
    %slice3A_169 = vector.extract_strided_slice %transpose3A_132 {offsets = [72, 0], sizes = [8, 128], strides = [1, 1]} : vector<128x128xf32> to vector<8x128xf32>
    %swap3A_170 = arith.constant 1104 : index
    %swap3A_171 = arith.constant 0 : index
    %swap3A_172 = vector.load %arg2[%swap3A_170, %swap3A_171] : memref<4096x128xf32, #tpu.memory_space<vmem>>, vector<8x128xf32>
    tpu.vector_store %arg2[%swap3A_170, %swap3A_171], %slice3A_169 {strides = array<i32>} : memref<4096x128xf32, #tpu.memory_space<vmem>>, vector<8x128xf32>,
    %slice3A_173 = vector.extract_strided_slice %transpose3A_132 {offsets = [80, 0], sizes = [8, 128], strides = [1, 1]} : vector<128x128xf32> to vector<8x128xf32>
    %swap3A_174 = arith.constant 2128 : index
    %swap3A_175 = arith.constant 0 : index
    %swap3A_176 = vector.load %arg2[%swap3A_174, %swap3A_175] : memref<4096x128xf32, #tpu.memory_space<vmem>>, vector<8x128xf32>
    tpu.vector_store %arg2[%swap3A_174, %swap3A_175], %slice3A_173 {strides = array<i32>} : memref<4096x128xf32, #tpu.memory_space<vmem>>, vector<8x128xf32>,
    %slice3A_177 = vector.extract_strided_slice %transpose3A_132 {offsets = [88, 0], sizes = [8, 128], strides = [1, 1]} : vector<128x128xf32> to vector<8x128xf32>
    %swap3A_178 = arith.constant 3152 : index
    %swap3A_179 = arith.constant 0 : index
    %swap3A_180 = vector.load %arg2[%swap3A_178, %swap3A_179] : memref<4096x128xf32, #tpu.memory_space<vmem>>, vector<8x128xf32>
    tpu.vector_store %arg2[%swap3A_178, %swap3A_179], %slice3A_177 {strides = array<i32>} : memref<4096x128xf32, #tpu.memory_space<vmem>>, vector<8x128xf32>,
    %slice3A_181 = vector.extract_strided_slice %transpose3A_132 {offsets = [96, 0], sizes = [8, 128], strides = [1, 1]} : vector<128x128xf32> to vector<8x128xf32>
    %swap3A_182 = arith.constant 88 : index
    %swap3A_183 = arith.constant 0 : index
    %swap3A_184 = vector.load %arg2[%swap3A_182, %swap3A_183] : memref<4096x128xf32, #tpu.memory_space<vmem>>, vector<8x128xf32>
    tpu.vector_store %arg2[%swap3A_182, %swap3A_183], %slice3A_181 {strides = array<i32>} : memref<4096x128xf32, #tpu.memory_space<vmem>>, vector<8x128xf32>,
    %slice3A_185 = vector.extract_strided_slice %transpose3A_132 {offsets = [104, 0], sizes = [8, 128], strides = [1, 1]} : vector<128x128xf32> to vector<8x128xf32>
    %swap3A_186 = arith.constant 1112 : index
    %swap3A_187 = arith.constant 0 : index
    %swap3A_188 = vector.load %arg2[%swap3A_186, %swap3A_187] : memref<4096x128xf32, #tpu.memory_space<vmem>>, vector<8x128xf32>
    tpu.vector_store %arg2[%swap3A_186, %swap3A_187], %slice3A_185 {strides = array<i32>} : memref<4096x128xf32, #tpu.memory_space<vmem>>, vector<8x128xf32>,
    %slice3A_189 = vector.extract_strided_slice %transpose3A_132 {offsets = [112, 0], sizes = [8, 128], strides = [1, 1]} : vector<128x128xf32> to vector<8x128xf32>
    %swap3A_190 = arith.constant 2136 : index
    %swap3A_191 = arith.constant 0 : index
    %swap3A_192 = vector.load %arg2[%swap3A_190, %swap3A_191] : memref<4096x128xf32, #tpu.memory_space<vmem>>, vector<8x128xf32>
    tpu.vector_store %arg2[%swap3A_190, %swap3A_191], %slice3A_189 {strides = array<i32>} : memref<4096x128xf32, #tpu.memory_space<vmem>>, vector<8x128xf32>,
    %slice3A_193 = vector.extract_strided_slice %transpose3A_132 {offsets = [120, 0], sizes = [8, 128], strides = [1, 1]} : vector<128x128xf32> to vector<8x128xf32>
    %swap3A_194 = arith.constant 3160 : index
    %swap3A_195 = arith.constant 0 : index
    %swap3A_196 = vector.load %arg2[%swap3A_194, %swap3A_195] : memref<4096x128xf32, #tpu.memory_space<vmem>>, vector<8x128xf32>
    tpu.vector_store %arg2[%swap3A_194, %swap3A_195], %slice3A_193 {strides = array<i32>} : memref<4096x128xf32, #tpu.memory_space<vmem>>, vector<8x128xf32>,
    %slice3A_197 = vector.extract_strided_slice %get3A_1 {offsets = [384, 0], sizes = [128, 128], strides = [1, 1]} : vector<4096x128xf32> to vector<128x128xf32>
    %transpose3A_198 = tpu.transpose %slice3A_197, [1, 0] : vector<128x128xf32> -> vector<128x128xf32>
    %slice3A_199 = vector.extract_strided_slice %transpose3A_198 {offsets = [0, 0], sizes = [8, 128], strides = [1, 1]} : vector<128x128xf32> to vector<8x128xf32>
    %swap3A_200 = arith.constant 96 : index
    %swap3A_201 = arith.constant 0 : index
    %swap3A_202 = vector.load %arg2[%swap3A_200, %swap3A_201] : memref<4096x128xf32, #tpu.memory_space<vmem>>, vector<8x128xf32>
    tpu.vector_store %arg2[%swap3A_200, %swap3A_201], %slice3A_199 {strides = array<i32>} : memref<4096x128xf32, #tpu.memory_space<vmem>>, vector<8x128xf32>,
    %slice3A_203 = vector.extract_strided_slice %transpose3A_198 {offsets = [8, 0], sizes = [8, 128], strides = [1, 1]} : vector<128x128xf32> to vector<8x128xf32>
    %swap3A_204 = arith.constant 1120 : index
    %swap3A_205 = arith.constant 0 : index
    %swap3A_206 = vector.load %arg2[%swap3A_204, %swap3A_205] : memref<4096x128xf32, #tpu.memory_space<vmem>>, vector<8x128xf32>
    tpu.vector_store %arg2[%swap3A_204, %swap3A_205], %slice3A_203 {strides = array<i32>} : memref<4096x128xf32, #tpu.memory_space<vmem>>, vector<8x128xf32>,
    %slice3A_207 = vector.extract_strided_slice %transpose3A_198 {offsets = [16, 0], sizes = [8, 128], strides = [1, 1]} : vector<128x128xf32> to vector<8x128xf32>
    %swap3A_208 = arith.constant 2144 : index
    %swap3A_209 = arith.constant 0 : index
    %swap3A_210 = vector.load %arg2[%swap3A_208, %swap3A_209] : memref<4096x128xf32, #tpu.memory_space<vmem>>, vector<8x128xf32>
    tpu.vector_store %arg2[%swap3A_208, %swap3A_209], %slice3A_207 {strides = array<i32>} : memref<4096x128xf32, #tpu.memory_space<vmem>>, vector<8x128xf32>,
    %slice3A_211 = vector.extract_strided_slice %transpose3A_198 {offsets = [24, 0], sizes = [8, 128], strides = [1, 1]} : vector<128x128xf32> to vector<8x128xf32>
    %swap3A_212 = arith.constant 3168 : index
    %swap3A_213 = arith.constant 0 : index
    %swap3A_214 = vector.load %arg2[%swap3A_212, %swap3A_213] : memref<4096x128xf32, #tpu.memory_space<vmem>>, vector<8x128xf32>
    tpu.vector_store %arg2[%swap3A_212, %swap3A_213], %slice3A_211 {strides = array<i32>} : memref<4096x128xf32, #tpu.memory_space<vmem>>, vector<8x128xf32>,
    %slice3A_215 = vector.extract_strided_slice %transpose3A_198 {offsets = [32, 0], sizes = [8, 128], strides = [1, 1]} : vector<128x128xf32> to vector<8x128xf32>
    %swap3A_216 = arith.constant 104 : index
    %swap3A_217 = arith.constant 0 : index
    %swap3A_218 = vector.load %arg2[%swap3A_216, %swap3A_217] : memref<4096x128xf32, #tpu.memory_space<vmem>>, vector<8x128xf32>
    tpu.vector_store %arg2[%swap3A_216, %swap3A_217], %slice3A_215 {strides = array<i32>} : memref<4096x128xf32, #tpu.memory_space<vmem>>, vector<8x128xf32>,
    %slice3A_219 = vector.extract_strided_slice %transpose3A_198 {offsets = [40, 0], sizes = [8, 128], strides = [1, 1]} : vector<128x128xf32> to vector<8x128xf32>
    %swap3A_220 = arith.constant 1128 : index
    %swap3A_221 = arith.constant 0 : index
    %swap3A_222 = vector.load %arg2[%swap3A_220, %swap3A_221] : memref<4096x128xf32, #tpu.memory_space<vmem>>, vector<8x128xf32>
    tpu.vector_store %arg2[%swap3A_220, %swap3A_221], %slice3A_219 {strides = array<i32>} : memref<4096x128xf32, #tpu.memory_space<vmem>>, vector<8x128xf32>,
    %slice3A_223 = vector.extract_strided_slice %transpose3A_198 {offsets = [48, 0], sizes = [8, 128], strides = [1, 1]} : vector<128x128xf32> to vector<8x128xf32>
    %swap3A_224 = arith.constant 2152 : index
    %swap3A_225 = arith.constant 0 : index
    %swap3A_226 = vector.load %arg2[%swap3A_224, %swap3A_225] : memref<4096x128xf32, #tpu.memory_space<vmem>>, vector<8x128xf32>
    tpu.vector_store %arg2[%swap3A_224, %swap3A_225], %slice3A_223 {strides = array<i32>} : memref<4096x128xf32, #tpu.memory_space<vmem>>, vector<8x128xf32>,
    %slice3A_227 = vector.extract_strided_slice %transpose3A_198 {offsets = [56, 0], sizes = [8, 128], strides = [1, 1]} : vector<128x128xf32> to vector<8x128xf32>
    %swap3A_228 = arith.constant 3176 : index
    %swap3A_229 = arith.constant 0 : index
    %swap3A_230 = vector.load %arg2[%swap3A_228, %swap3A_229] : memref<4096x128xf32, #tpu.memory_space<vmem>>, vector<8x128xf32>
    tpu.vector_store %arg2[%swap3A_228, %swap3A_229], %slice3A_227 {strides = array<i32>} : memref<4096x128xf32, #tpu.memory_space<vmem>>, vector<8x128xf32>,
    %slice3A_231 = vector.extract_strided_slice %transpose3A_198 {offsets = [64, 0], sizes = [8, 128], strides = [1, 1]} : vector<128x128xf32> to vector<8x128xf32>
    %swap3A_232 = arith.constant 112 : index
    %swap3A_233 = arith.constant 0 : index
    %swap3A_234 = vector.load %arg2[%swap3A_232, %swap3A_233] : memref<4096x128xf32, #tpu.memory_space<vmem>>, vector<8x128xf32>
    tpu.vector_store %arg2[%swap3A_232, %swap3A_233], %slice3A_231 {strides = array<i32>} : memref<4096x128xf32, #tpu.memory_space<vmem>>, vector<8x128xf32>,
    %slice3A_235 = vector.extract_strided_slice %transpose3A_198 {offsets = [72, 0], sizes = [8, 128], strides = [1, 1]} : vector<128x128xf32> to vector<8x128xf32>
    %swap3A_236 = arith.constant 1136 : index
    %swap3A_237 = arith.constant 0 : index
    %swap3A_238 = vector.load %arg2[%swap3A_236, %swap3A_237] : memref<4096x128xf32, #tpu.memory_space<vmem>>, vector<8x128xf32>
    tpu.vector_store %arg2[%swap3A_236, %swap3A_237], %slice3A_235 {strides = array<i32>} : memref<4096x128xf32, #tpu.memory_space<vmem>>, vector<8x128xf32>,
    %slice3A_239 = vector.extract_strided_slice %transpose3A_198 {offsets = [80, 0], sizes = [8, 128], strides = [1, 1]} : vector<128x128xf32> to vector<8x128xf32>
    %swap3A_240 = arith.constant 2160 : index
    %swap3A_241 = arith.constant 0 : index
    %swap3A_242 = vector.load %arg2[%swap3A_240, %swap3A_241] : memref<4096x128xf32, #tpu.memory_space<vmem>>, vector<8x128xf32>
    tpu.vector_store %arg2[%swap3A_240, %swap3A_241], %slice3A_239 {strides = array<i32>} : memref<4096x128xf32, #tpu.memory_space<vmem>>, vector<8x128xf32>,
    %slice3A_243 = vector.extract_strided_slice %transpose3A_198 {offsets = [88, 0], sizes = [8, 128], strides = [1, 1]} : vector<128x128xf32> to vector<8x128xf32>
    %swap3A_244 = arith.constant 3184 : index
    %swap3A_245 = arith.constant 0 : index
    %swap3A_246 = vector.load %arg2[%swap3A_244, %swap3A_245] : memref<4096x128xf32, #tpu.memory_space<vmem>>, vector<8x128xf32>
    tpu.vector_store %arg2[%swap3A_244, %swap3A_245], %slice3A_243 {strides = array<i32>} : memref<4096x128xf32, #tpu.memory_space<vmem>>, vector<8x128xf32>,
    %slice3A_247 = vector.extract_strided_slice %transpose3A_198 {offsets = [96, 0], sizes = [8, 128], strides = [1, 1]} : vector<128x128xf32> to vector<8x128xf32>
    %swap3A_248 = arith.constant 120 : index
    %swap3A_249 = arith.constant 0 : index
    %swap3A_250 = vector.load %arg2[%swap3A_248, %swap3A_249] : memref<4096x128xf32, #tpu.memory_space<vmem>>, vector<8x128xf32>
    tpu.vector_store %arg2[%swap3A_248, %swap3A_249], %slice3A_247 {strides = array<i32>} : memref<4096x128xf32, #tpu.memory_space<vmem>>, vector<8x128xf32>,
    %slice3A_251 = vector.extract_strided_slice %transpose3A_198 {offsets = [104, 0], sizes = [8, 128], strides = [1, 1]} : vector<128x128xf32> to vector<8x128xf32>
    %swap3A_252 = arith.constant 1144 : index
    %swap3A_253 = arith.constant 0 : index
    %swap3A_254 = vector.load %arg2[%swap3A_252, %swap3A_253] : memref<4096x128xf32, #tpu.memory_space<vmem>>, vector<8x128xf32>
    tpu.vector_store %arg2[%swap3A_252, %swap3A_253], %slice3A_251 {strides = array<i32>} : memref<4096x128xf32, #tpu.memory_space<vmem>>, vector<8x128xf32>,
    %slice3A_255 = vector.extract_strided_slice %transpose3A_198 {offsets = [112, 0], sizes = [8, 128], strides = [1, 1]} : vector<128x128xf32> to vector<8x128xf32>
    %swap3A_256 = arith.constant 2168 : index
    %swap3A_257 = arith.constant 0 : index
    %swap3A_258 = vector.load %arg2[%swap3A_256, %swap3A_257] : memref<4096x128xf32, #tpu.memory_space<vmem>>, vector<8x128xf32>
    tpu.vector_store %arg2[%swap3A_256, %swap3A_257], %slice3A_255 {strides = array<i32>} : memref<4096x128xf32, #tpu.memory_space<vmem>>, vector<8x128xf32>,
    %slice3A_259 = vector.extract_strided_slice %transpose3A_198 {offsets = [120, 0], sizes = [8, 128], strides = [1, 1]} : vector<128x128xf32> to vector<8x128xf32>
    %swap3A_260 = arith.constant 3192 : index
    %swap3A_261 = arith.constant 0 : index
    %swap3A_262 = vector.load %arg2[%swap3A_260, %swap3A_261] : memref<4096x128xf32, #tpu.memory_space<vmem>>, vector<8x128xf32>
    tpu.vector_store %arg2[%swap3A_260, %swap3A_261], %slice3A_259 {strides = array<i32>} : memref<4096x128xf32, #tpu.memory_space<vmem>>, vector<8x128xf32>,
    %slice3A_263 = vector.extract_strided_slice %get3A_1 {offsets = [512, 0], sizes = [128, 128], strides = [1, 1]} : vector<4096x128xf32> to vector<128x128xf32>
    %transpose3A_264 = tpu.transpose %slice3A_263, [1, 0] : vector<128x128xf32> -> vector<128x128xf32>
    %slice3A_265 = vector.extract_strided_slice %transpose3A_264 {offsets = [0, 0], sizes = [8, 128], strides = [1, 1]} : vector<128x128xf32> to vector<8x128xf32>
    %swap3A_266 = arith.constant 128 : index
    %swap3A_267 = arith.constant 0 : index
    %swap3A_268 = vector.load %arg2[%swap3A_266, %swap3A_267] : memref<4096x128xf32, #tpu.memory_space<vmem>>, vector<8x128xf32>
    tpu.vector_store %arg2[%swap3A_266, %swap3A_267], %slice3A_265 {strides = array<i32>} : memref<4096x128xf32, #tpu.memory_space<vmem>>, vector<8x128xf32>,
    %slice3A_269 = vector.extract_strided_slice %transpose3A_264 {offsets = [8, 0], sizes = [8, 128], strides = [1, 1]} : vector<128x128xf32> to vector<8x128xf32>
    %swap3A_270 = arith.constant 1152 : index
    %swap3A_271 = arith.constant 0 : index
    %swap3A_272 = vector.load %arg2[%swap3A_270, %swap3A_271] : memref<4096x128xf32, #tpu.memory_space<vmem>>, vector<8x128xf32>
    tpu.vector_store %arg2[%swap3A_270, %swap3A_271], %slice3A_269 {strides = array<i32>} : memref<4096x128xf32, #tpu.memory_space<vmem>>, vector<8x128xf32>,
    %slice3A_273 = vector.extract_strided_slice %transpose3A_264 {offsets = [16, 0], sizes = [8, 128], strides = [1, 1]} : vector<128x128xf32> to vector<8x128xf32>
    %swap3A_274 = arith.constant 2176 : index
    %swap3A_275 = arith.constant 0 : index
    %swap3A_276 = vector.load %arg2[%swap3A_274, %swap3A_275] : memref<4096x128xf32, #tpu.memory_space<vmem>>, vector<8x128xf32>
    tpu.vector_store %arg2[%swap3A_274, %swap3A_275], %slice3A_273 {strides = array<i32>} : memref<4096x128xf32, #tpu.memory_space<vmem>>, vector<8x128xf32>,
    %slice3A_277 = vector.extract_strided_slice %transpose3A_264 {offsets = [24, 0], sizes = [8, 128], strides = [1, 1]} : vector<128x128xf32> to vector<8x128xf32>
    %swap3A_278 = arith.constant 3200 : index
    %swap3A_279 = arith.constant 0 : index
    %swap3A_280 = vector.load %arg2[%swap3A_278, %swap3A_279] : memref<4096x128xf32, #tpu.memory_space<vmem>>, vector<8x128xf32>
    tpu.vector_store %arg2[%swap3A_278, %swap3A_279], %slice3A_277 {strides = array<i32>} : memref<4096x128xf32, #tpu.memory_space<vmem>>, vector<8x128xf32>,
    %slice3A_281 = vector.extract_strided_slice %transpose3A_264 {offsets = [32, 0], sizes = [8, 128], strides = [1, 1]} : vector<128x128xf32> to vector<8x128xf32>
    %swap3A_282 = arith.constant 136 : index
    %swap3A_283 = arith.constant 0 : index
    %swap3A_284 = vector.load %arg2[%swap3A_282, %swap3A_283] : memref<4096x128xf32, #tpu.memory_space<vmem>>, vector<8x128xf32>
    tpu.vector_store %arg2[%swap3A_282, %swap3A_283], %slice3A_281 {strides = array<i32>} : memref<4096x128xf32, #tpu.memory_space<vmem>>, vector<8x128xf32>,
    %slice3A_285 = vector.extract_strided_slice %transpose3A_264 {offsets = [40, 0], sizes = [8, 128], strides = [1, 1]} : vector<128x128xf32> to vector<8x128xf32>
    %swap3A_286 = arith.constant 1160 : index
    %swap3A_287 = arith.constant 0 : index
    %swap3A_288 = vector.load %arg2[%swap3A_286, %swap3A_287] : memref<4096x128xf32, #tpu.memory_space<vmem>>, vector<8x128xf32>
    tpu.vector_store %arg2[%swap3A_286, %swap3A_287], %slice3A_285 {strides = array<i32>} : memref<4096x128xf32, #tpu.memory_space<vmem>>, vector<8x128xf32>,
    %slice3A_289 = vector.extract_strided_slice %transpose3A_264 {offsets = [48, 0], sizes = [8, 128], strides = [1, 1]} : vector<128x128xf32> to vector<8x128xf32>
    %swap3A_290 = arith.constant 2184 : index
    %swap3A_291 = arith.constant 0 : index
    %swap3A_292 = vector.load %arg2[%swap3A_290, %swap3A_291] : memref<4096x128xf32, #tpu.memory_space<vmem>>, vector<8x128xf32>
    tpu.vector_store %arg2[%swap3A_290, %swap3A_291], %slice3A_289 {strides = array<i32>} : memref<4096x128xf32, #tpu.memory_space<vmem>>, vector<8x128xf32>,
    %slice3A_293 = vector.extract_strided_slice %transpose3A_264 {offsets = [56, 0], sizes = [8, 128], strides = [1, 1]} : vector<128x128xf32> to vector<8x128xf32>
    %swap3A_294 = arith.constant 3208 : index
    %swap3A_295 = arith.constant 0 : index
    %swap3A_296 = vector.load %arg2[%swap3A_294, %swap3A_295] : memref<4096x128xf32, #tpu.memory_space<vmem>>, vector<8x128xf32>
    tpu.vector_store %arg2[%swap3A_294, %swap3A_295], %slice3A_293 {strides = array<i32>} : memref<4096x128xf32, #tpu.memory_space<vmem>>, vector<8x128xf32>,
    %slice3A_297 = vector.extract_strided_slice %transpose3A_264 {offsets = [64, 0], sizes = [8, 128], strides = [1, 1]} : vector<128x128xf32> to vector<8x128xf32>
    %swap3A_298 = arith.constant 144 : index
    %swap3A_299 = arith.constant 0 : index
    %swap3A_300 = vector.load %arg2[%swap3A_298, %swap3A_299] : memref<4096x128xf32, #tpu.memory_space<vmem>>, vector<8x128xf32>
    tpu.vector_store %arg2[%swap3A_298, %swap3A_299], %slice3A_297 {strides = array<i32>} : memref<4096x128xf32, #tpu.memory_space<vmem>>, vector<8x128xf32>,
    %slice3A_301 = vector.extract_strided_slice %transpose3A_264 {offsets = [72, 0], sizes = [8, 128], strides = [1, 1]} : vector<128x128xf32> to vector<8x128xf32>
    %swap3A_302 = arith.constant 1168 : index
    %swap3A_303 = arith.constant 0 : index
    %swap3A_304 = vector.load %arg2[%swap3A_302, %swap3A_303] : memref<4096x128xf32, #tpu.memory_space<vmem>>, vector<8x128xf32>
    tpu.vector_store %arg2[%swap3A_302, %swap3A_303], %slice3A_301 {strides = array<i32>} : memref<4096x128xf32, #tpu.memory_space<vmem>>, vector<8x128xf32>,
    %slice3A_305 = vector.extract_strided_slice %transpose3A_264 {offsets = [80, 0], sizes = [8, 128], strides = [1, 1]} : vector<128x128xf32> to vector<8x128xf32>
    %swap3A_306 = arith.constant 2192 : index
    %swap3A_307 = arith.constant 0 : index
    %swap3A_308 = vector.load %arg2[%swap3A_306, %swap3A_307] : memref<4096x128xf32, #tpu.memory_space<vmem>>, vector<8x128xf32>
    tpu.vector_store %arg2[%swap3A_306, %swap3A_307], %slice3A_305 {strides = array<i32>} : memref<4096x128xf32, #tpu.memory_space<vmem>>, vector<8x128xf32>,
    %slice3A_309 = vector.extract_strided_slice %transpose3A_264 {offsets = [88, 0], sizes = [8, 128], strides = [1, 1]} : vector<128x128xf32> to vector<8x128xf32>
    %swap3A_310 = arith.constant 3216 : index
    %swap3A_311 = arith.constant 0 : index
    %swap3A_312 = vector.load %arg2[%swap3A_310, %swap3A_311] : memref<4096x128xf32, #tpu.memory_space<vmem>>, vector<8x128xf32>
    tpu.vector_store %arg2[%swap3A_310, %swap3A_311], %slice3A_309 {strides = array<i32>} : memref<4096x128xf32, #tpu.memory_space<vmem>>, vector<8x128xf32>,
    %slice3A_313 = vector.extract_strided_slice %transpose3A_264 {offsets = [96, 0], sizes = [8, 128], strides = [1, 1]} : vector<128x128xf32> to vector<8x128xf32>
    %swap3A_314 = arith.constant 152 : index
    %swap3A_315 = arith.constant 0 : index
    %swap3A_316 = vector.load %arg2[%swap3A_314, %swap3A_315] : memref<4096x128xf32, #tpu.memory_space<vmem>>, vector<8x128xf32>
    tpu.vector_store %arg2[%swap3A_314, %swap3A_315], %slice3A_313 {strides = array<i32>} : memref<4096x128xf32, #tpu.memory_space<vmem>>, vector<8x128xf32>,
    %slice3A_317 = vector.extract_strided_slice %transpose3A_264 {offsets = [104, 0], sizes = [8, 128], strides = [1, 1]} : vector<128x128xf32> to vector<8x128xf32>
    %swap3A_318 = arith.constant 1176 : index
    %swap3A_319 = arith.constant 0 : index
    %swap3A_320 = vector.load %arg2[%swap3A_318, %swap3A_319] : memref<4096x128xf32, #tpu.memory_space<vmem>>, vector<8x128xf32>
    tpu.vector_store %arg2[%swap3A_318, %swap3A_319], %slice3A_317 {strides = array<i32>} : memref<4096x128xf32, #tpu.memory_space<vmem>>, vector<8x128xf32>,
    %slice3A_321 = vector.extract_strided_slice %transpose3A_264 {offsets = [112, 0], sizes = [8, 128], strides = [1, 1]} : vector<128x128xf32> to vector<8x128xf32>
    %swap3A_322 = arith.constant 2200 : index
    %swap3A_323 = arith.constant 0 : index
    %swap3A_324 = vector.load %arg2[%swap3A_322, %swap3A_323] : memref<4096x128xf32, #tpu.memory_space<vmem>>, vector<8x128xf32>
    tpu.vector_store %arg2[%swap3A_322, %swap3A_323], %slice3A_321 {strides = array<i32>} : memref<4096x128xf32, #tpu.memory_space<vmem>>, vector<8x128xf32>,
    %slice3A_325 = vector.extract_strided_slice %transpose3A_264 {offsets = [120, 0], sizes = [8, 128], strides = [1, 1]} : vector<128x128xf32> to vector<8x128xf32>
    %swap3A_326 = arith.constant 3224 : index
    %swap3A_327 = arith.constant 0 : index
    %swap3A_328 = vector.load %arg2[%swap3A_326, %swap3A_327] : memref<4096x128xf32, #tpu.memory_space<vmem>>, vector<8x128xf32>
    tpu.vector_store %arg2[%swap3A_326, %swap3A_327], %slice3A_325 {strides = array<i32>} : memref<4096x128xf32, #tpu.memory_space<vmem>>, vector<8x128xf32>,
    %slice3A_329 = vector.extract_strided_slice %get3A_1 {offsets = [640, 0], sizes = [128, 128], strides = [1, 1]} : vector<4096x128xf32> to vector<128x128xf32>
    %transpose3A_330 = tpu.transpose %slice3A_329, [1, 0] : vector<128x128xf32> -> vector<128x128xf32>
    %slice3A_331 = vector.extract_strided_slice %transpose3A_330 {offsets = [0, 0], sizes = [8, 128], strides = [1, 1]} : vector<128x128xf32> to vector<8x128xf32>
    %swap3A_332 = arith.constant 160 : index
    %swap3A_333 = arith.constant 0 : index
    %swap3A_334 = vector.load %arg2[%swap3A_332, %swap3A_333] : memref<4096x128xf32, #tpu.memory_space<vmem>>, vector<8x128xf32>
    tpu.vector_store %arg2[%swap3A_332, %swap3A_333], %slice3A_331 {strides = array<i32>} : memref<4096x128xf32, #tpu.memory_space<vmem>>, vector<8x128xf32>,
    %slice3A_335 = vector.extract_strided_slice %transpose3A_330 {offsets = [8, 0], sizes = [8, 128], strides = [1, 1]} : vector<128x128xf32> to vector<8x128xf32>
    %swap3A_336 = arith.constant 1184 : index
    %swap3A_337 = arith.constant 0 : index
    %swap3A_338 = vector.load %arg2[%swap3A_336, %swap3A_337] : memref<4096x128xf32, #tpu.memory_space<vmem>>, vector<8x128xf32>
    tpu.vector_store %arg2[%swap3A_336, %swap3A_337], %slice3A_335 {strides = array<i32>} : memref<4096x128xf32, #tpu.memory_space<vmem>>, vector<8x128xf32>,
    %slice3A_339 = vector.extract_strided_slice %transpose3A_330 {offsets = [16, 0], sizes = [8, 128], strides = [1, 1]} : vector<128x128xf32> to vector<8x128xf32>
    %swap3A_340 = arith.constant 2208 : index
    %swap3A_341 = arith.constant 0 : index
    %swap3A_342 = vector.load %arg2[%swap3A_340, %swap3A_341] : memref<4096x128xf32, #tpu.memory_space<vmem>>, vector<8x128xf32>
    tpu.vector_store %arg2[%swap3A_340, %swap3A_341], %slice3A_339 {strides = array<i32>} : memref<4096x128xf32, #tpu.memory_space<vmem>>, vector<8x128xf32>,
    %slice3A_343 = vector.extract_strided_slice %transpose3A_330 {offsets = [24, 0], sizes = [8, 128], strides = [1, 1]} : vector<128x128xf32> to vector<8x128xf32>
    %swap3A_344 = arith.constant 3232 : index
    %swap3A_345 = arith.constant 0 : index
    %swap3A_346 = vector.load %arg2[%swap3A_344, %swap3A_345] : memref<4096x128xf32, #tpu.memory_space<vmem>>, vector<8x128xf32>
    tpu.vector_store %arg2[%swap3A_344, %swap3A_345], %slice3A_343 {strides = array<i32>} : memref<4096x128xf32, #tpu.memory_space<vmem>>, vector<8x128xf32>,
    %slice3A_347 = vector.extract_strided_slice %transpose3A_330 {offsets = [32, 0], sizes = [8, 128], strides = [1, 1]} : vector<128x128xf32> to vector<8x128xf32>
    %swap3A_348 = arith.constant 168 : index
    %swap3A_349 = arith.constant 0 : index
    %swap3A_350 = vector.load %arg2[%swap3A_348, %swap3A_349] : memref<4096x128xf32, #tpu.memory_space<vmem>>, vector<8x128xf32>
    tpu.vector_store %arg2[%swap3A_348, %swap3A_349], %slice3A_347 {strides = array<i32>} : memref<4096x128xf32, #tpu.memory_space<vmem>>, vector<8x128xf32>,
    %slice3A_351 = vector.extract_strided_slice %transpose3A_330 {offsets = [40, 0], sizes = [8, 128], strides = [1, 1]} : vector<128x128xf32> to vector<8x128xf32>
    %swap3A_352 = arith.constant 1192 : index
    %swap3A_353 = arith.constant 0 : index
    %swap3A_354 = vector.load %arg2[%swap3A_352, %swap3A_353] : memref<4096x128xf32, #tpu.memory_space<vmem>>, vector<8x128xf32>
    tpu.vector_store %arg2[%swap3A_352, %swap3A_353], %slice3A_351 {strides = array<i32>} : memref<4096x128xf32, #tpu.memory_space<vmem>>, vector<8x128xf32>,
    %slice3A_355 = vector.extract_strided_slice %transpose3A_330 {offsets = [48, 0], sizes = [8, 128], strides = [1, 1]} : vector<128x128xf32> to vector<8x128xf32>
    %swap3A_356 = arith.constant 2216 : index
    %swap3A_357 = arith.constant 0 : index
    %swap3A_358 = vector.load %arg2[%swap3A_356, %swap3A_357] : memref<4096x128xf32, #tpu.memory_space<vmem>>, vector<8x128xf32>
    tpu.vector_store %arg2[%swap3A_356, %swap3A_357], %slice3A_355 {strides = array<i32>} : memref<4096x128xf32, #tpu.memory_space<vmem>>, vector<8x128xf32>,
    %slice3A_359 = vector.extract_strided_slice %transpose3A_330 {offsets = [56, 0], sizes = [8, 128], strides = [1, 1]} : vector<128x128xf32> to vector<8x128xf32>
    %swap3A_360 = arith.constant 3240 : index
    %swap3A_361 = arith.constant 0 : index
    %swap3A_362 = vector.load %arg2[%swap3A_360, %swap3A_361] : memref<4096x128xf32, #tpu.memory_space<vmem>>, vector<8x128xf32>
    tpu.vector_store %arg2[%swap3A_360, %swap3A_361], %slice3A_359 {strides = array<i32>} : memref<4096x128xf32, #tpu.memory_space<vmem>>, vector<8x128xf32>,
    %slice3A_363 = vector.extract_strided_slice %transpose3A_330 {offsets = [64, 0], sizes = [8, 128], strides = [1, 1]} : vector<128x128xf32> to vector<8x128xf32>
    %swap3A_364 = arith.constant 176 : index
    %swap3A_365 = arith.constant 0 : index
    %swap3A_366 = vector.load %arg2[%swap3A_364, %swap3A_365] : memref<4096x128xf32, #tpu.memory_space<vmem>>, vector<8x128xf32>
    tpu.vector_store %arg2[%swap3A_364, %swap3A_365], %slice3A_363 {strides = array<i32>} : memref<4096x128xf32, #tpu.memory_space<vmem>>, vector<8x128xf32>,
    %slice3A_367 = vector.extract_strided_slice %transpose3A_330 {offsets = [72, 0], sizes = [8, 128], strides = [1, 1]} : vector<128x128xf32> to vector<8x128xf32>
    %swap3A_368 = arith.constant 1200 : index
    %swap3A_369 = arith.constant 0 : index
    %swap3A_370 = vector.load %arg2[%swap3A_368, %swap3A_369] : memref<4096x128xf32, #tpu.memory_space<vmem>>, vector<8x128xf32>
    tpu.vector_store %arg2[%swap3A_368, %swap3A_369], %slice3A_367 {strides = array<i32>} : memref<4096x128xf32, #tpu.memory_space<vmem>>, vector<8x128xf32>,
    %slice3A_371 = vector.extract_strided_slice %transpose3A_330 {offsets = [80, 0], sizes = [8, 128], strides = [1, 1]} : vector<128x128xf32> to vector<8x128xf32>
    %swap3A_372 = arith.constant 2224 : index
    %swap3A_373 = arith.constant 0 : index
    %swap3A_374 = vector.load %arg2[%swap3A_372, %swap3A_373] : memref<4096x128xf32, #tpu.memory_space<vmem>>, vector<8x128xf32>
    tpu.vector_store %arg2[%swap3A_372, %swap3A_373], %slice3A_371 {strides = array<i32>} : memref<4096x128xf32, #tpu.memory_space<vmem>>, vector<8x128xf32>,
    %slice3A_375 = vector.extract_strided_slice %transpose3A_330 {offsets = [88, 0], sizes = [8, 128], strides = [1, 1]} : vector<128x128xf32> to vector<8x128xf32>
    %swap3A_376 = arith.constant 3248 : index
    %swap3A_377 = arith.constant 0 : index
    %swap3A_378 = vector.load %arg2[%swap3A_376, %swap3A_377] : memref<4096x128xf32, #tpu.memory_space<vmem>>, vector<8x128xf32>
    tpu.vector_store %arg2[%swap3A_376, %swap3A_377], %slice3A_375 {strides = array<i32>} : memref<4096x128xf32, #tpu.memory_space<vmem>>, vector<8x128xf32>,
    %slice3A_379 = vector.extract_strided_slice %transpose3A_330 {offsets = [96, 0], sizes = [8, 128], strides = [1, 1]} : vector<128x128xf32> to vector<8x128xf32>
    %swap3A_380 = arith.constant 184 : index
    %swap3A_381 = arith.constant 0 : index
    %swap3A_382 = vector.load %arg2[%swap3A_380, %swap3A_381] : memref<4096x128xf32, #tpu.memory_space<vmem>>, vector<8x128xf32>
    tpu.vector_store %arg2[%swap3A_380, %swap3A_381], %slice3A_379 {strides = array<i32>} : memref<4096x128xf32, #tpu.memory_space<vmem>>, vector<8x128xf32>,
    %slice3A_383 = vector.extract_strided_slice %transpose3A_330 {offsets = [104, 0], sizes = [8, 128], strides = [1, 1]} : vector<128x128xf32> to vector<8x128xf32>
    %swap3A_384 = arith.constant 1208 : index
    %swap3A_385 = arith.constant 0 : index
    %swap3A_386 = vector.load %arg2[%swap3A_384, %swap3A_385] : memref<4096x128xf32, #tpu.memory_space<vmem>>, vector<8x128xf32>
    tpu.vector_store %arg2[%swap3A_384, %swap3A_385], %slice3A_383 {strides = array<i32>} : memref<4096x128xf32, #tpu.memory_space<vmem>>, vector<8x128xf32>,
    %slice3A_387 = vector.extract_strided_slice %transpose3A_330 {offsets = [112, 0], sizes = [8, 128], strides = [1, 1]} : vector<128x128xf32> to vector<8x128xf32>
    %swap3A_388 = arith.constant 2232 : index
    %swap3A_389 = arith.constant 0 : index
    %swap3A_390 = vector.load %arg2[%swap3A_388, %swap3A_389] : memref<4096x128xf32, #tpu.memory_space<vmem>>, vector<8x128xf32>
    tpu.vector_store %arg2[%swap3A_388, %swap3A_389], %slice3A_387 {strides = array<i32>} : memref<4096x128xf32, #tpu.memory_space<vmem>>, vector<8x128xf32>,
    %slice3A_391 = vector.extract_strided_slice %transpose3A_330 {offsets = [120, 0], sizes = [8, 128], strides = [1, 1]} : vector<128x128xf32> to vector<8x128xf32>
    %swap3A_392 = arith.constant 3256 : index
    %swap3A_393 = arith.constant 0 : index
    %swap3A_394 = vector.load %arg2[%swap3A_392, %swap3A_393] : memref<4096x128xf32, #tpu.memory_space<vmem>>, vector<8x128xf32>
    tpu.vector_store %arg2[%swap3A_392, %swap3A_393], %slice3A_391 {strides = array<i32>} : memref<4096x128xf32, #tpu.memory_space<vmem>>, vector<8x128xf32>,
    %slice3A_395 = vector.extract_strided_slice %get3A_1 {offsets = [768, 0], sizes = [128, 128], strides = [1, 1]} : vector<4096x128xf32> to vector<128x128xf32>
    %transpose3A_396 = tpu.transpose %slice3A_395, [1, 0] : vector<128x128xf32> -> vector<128x128xf32>
    %slice3A_397 = vector.extract_strided_slice %transpose3A_396 {offsets = [0, 0], sizes = [8, 128], strides = [1, 1]} : vector<128x128xf32> to vector<8x128xf32>
    %swap3A_398 = arith.constant 192 : index
    %swap3A_399 = arith.constant 0 : index
    %swap3A_400 = vector.load %arg2[%swap3A_398, %swap3A_399] : memref<4096x128xf32, #tpu.memory_space<vmem>>, vector<8x128xf32>
    tpu.vector_store %arg2[%swap3A_398, %swap3A_399], %slice3A_397 {strides = array<i32>} : memref<4096x128xf32, #tpu.memory_space<vmem>>, vector<8x128xf32>,
    %slice3A_401 = vector.extract_strided_slice %transpose3A_396 {offsets = [8, 0], sizes = [8, 128], strides = [1, 1]} : vector<128x128xf32> to vector<8x128xf32>
    %swap3A_402 = arith.constant 1216 : index
    %swap3A_403 = arith.constant 0 : index
    %swap3A_404 = vector.load %arg2[%swap3A_402, %swap3A_403] : memref<4096x128xf32, #tpu.memory_space<vmem>>, vector<8x128xf32>
    tpu.vector_store %arg2[%swap3A_402, %swap3A_403], %slice3A_401 {strides = array<i32>} : memref<4096x128xf32, #tpu.memory_space<vmem>>, vector<8x128xf32>,
    %slice3A_405 = vector.extract_strided_slice %transpose3A_396 {offsets = [16, 0], sizes = [8, 128], strides = [1, 1]} : vector<128x128xf32> to vector<8x128xf32>
    %swap3A_406 = arith.constant 2240 : index
    %swap3A_407 = arith.constant 0 : index
    %swap3A_408 = vector.load %arg2[%swap3A_406, %swap3A_407] : memref<4096x128xf32, #tpu.memory_space<vmem>>, vector<8x128xf32>
    tpu.vector_store %arg2[%swap3A_406, %swap3A_407], %slice3A_405 {strides = array<i32>} : memref<4096x128xf32, #tpu.memory_space<vmem>>, vector<8x128xf32>,
    %slice3A_409 = vector.extract_strided_slice %transpose3A_396 {offsets = [24, 0], sizes = [8, 128], strides = [1, 1]} : vector<128x128xf32> to vector<8x128xf32>
    %swap3A_410 = arith.constant 3264 : index
    %swap3A_411 = arith.constant 0 : index
    %swap3A_412 = vector.load %arg2[%swap3A_410, %swap3A_411] : memref<4096x128xf32, #tpu.memory_space<vmem>>, vector<8x128xf32>
    tpu.vector_store %arg2[%swap3A_410, %swap3A_411], %slice3A_409 {strides = array<i32>} : memref<4096x128xf32, #tpu.memory_space<vmem>>, vector<8x128xf32>,
    %slice3A_413 = vector.extract_strided_slice %transpose3A_396 {offsets = [32, 0], sizes = [8, 128], strides = [1, 1]} : vector<128x128xf32> to vector<8x128xf32>
    %swap3A_414 = arith.constant 200 : index
    %swap3A_415 = arith.constant 0 : index
    %swap3A_416 = vector.load %arg2[%swap3A_414, %swap3A_415] : memref<4096x128xf32, #tpu.memory_space<vmem>>, vector<8x128xf32>
    tpu.vector_store %arg2[%swap3A_414, %swap3A_415], %slice3A_413 {strides = array<i32>} : memref<4096x128xf32, #tpu.memory_space<vmem>>, vector<8x128xf32>,
    %slice3A_417 = vector.extract_strided_slice %transpose3A_396 {offsets = [40, 0], sizes = [8, 128], strides = [1, 1]} : vector<128x128xf32> to vector<8x128xf32>
    %swap3A_418 = arith.constant 1224 : index
    %swap3A_419 = arith.constant 0 : index
    %swap3A_420 = vector.load %arg2[%swap3A_418, %swap3A_419] : memref<4096x128xf32, #tpu.memory_space<vmem>>, vector<8x128xf32>
    tpu.vector_store %arg2[%swap3A_418, %swap3A_419], %slice3A_417 {strides = array<i32>} : memref<4096x128xf32, #tpu.memory_space<vmem>>, vector<8x128xf32>,
    %slice3A_421 = vector.extract_strided_slice %transpose3A_396 {offsets = [48, 0], sizes = [8, 128], strides = [1, 1]} : vector<128x128xf32> to vector<8x128xf32>
    %swap3A_422 = arith.constant 2248 : index
    %swap3A_423 = arith.constant 0 : index
    %swap3A_424 = vector.load %arg2[%swap3A_422, %swap3A_423] : memref<4096x128xf32, #tpu.memory_space<vmem>>, vector<8x128xf32>
    tpu.vector_store %arg2[%swap3A_422, %swap3A_423], %slice3A_421 {strides = array<i32>} : memref<4096x128xf32, #tpu.memory_space<vmem>>, vector<8x128xf32>,
    %slice3A_425 = vector.extract_strided_slice %transpose3A_396 {offsets = [56, 0], sizes = [8, 128], strides = [1, 1]} : vector<128x128xf32> to vector<8x128xf32>
    %swap3A_426 = arith.constant 3272 : index
    %swap3A_427 = arith.constant 0 : index
    %swap3A_428 = vector.load %arg2[%swap3A_426, %swap3A_427] : memref<4096x128xf32, #tpu.memory_space<vmem>>, vector<8x128xf32>
    tpu.vector_store %arg2[%swap3A_426, %swap3A_427], %slice3A_425 {strides = array<i32>} : memref<4096x128xf32, #tpu.memory_space<vmem>>, vector<8x128xf32>,
    %slice3A_429 = vector.extract_strided_slice %transpose3A_396 {offsets = [64, 0], sizes = [8, 128], strides = [1, 1]} : vector<128x128xf32> to vector<8x128xf32>
    %swap3A_430 = arith.constant 208 : index
    %swap3A_431 = arith.constant 0 : index
    %swap3A_432 = vector.load %arg2[%swap3A_430, %swap3A_431] : memref<4096x128xf32, #tpu.memory_space<vmem>>, vector<8x128xf32>
    tpu.vector_store %arg2[%swap3A_430, %swap3A_431], %slice3A_429 {strides = array<i32>} : memref<4096x128xf32, #tpu.memory_space<vmem>>, vector<8x128xf32>,
    %slice3A_433 = vector.extract_strided_slice %transpose3A_396 {offsets = [72, 0], sizes = [8, 128], strides = [1, 1]} : vector<128x128xf32> to vector<8x128xf32>
    %swap3A_434 = arith.constant 1232 : index
    %swap3A_435 = arith.constant 0 : index
    %swap3A_436 = vector.load %arg2[%swap3A_434, %swap3A_435] : memref<4096x128xf32, #tpu.memory_space<vmem>>, vector<8x128xf32>
    tpu.vector_store %arg2[%swap3A_434, %swap3A_435], %slice3A_433 {strides = array<i32>} : memref<4096x128xf32, #tpu.memory_space<vmem>>, vector<8x128xf32>,
    %slice3A_437 = vector.extract_strided_slice %transpose3A_396 {offsets = [80, 0], sizes = [8, 128], strides = [1, 1]} : vector<128x128xf32> to vector<8x128xf32>
    %swap3A_438 = arith.constant 2256 : index
    %swap3A_439 = arith.constant 0 : index
    %swap3A_440 = vector.load %arg2[%swap3A_438, %swap3A_439] : memref<4096x128xf32, #tpu.memory_space<vmem>>, vector<8x128xf32>
    tpu.vector_store %arg2[%swap3A_438, %swap3A_439], %slice3A_437 {strides = array<i32>} : memref<4096x128xf32, #tpu.memory_space<vmem>>, vector<8x128xf32>,
    %slice3A_441 = vector.extract_strided_slice %transpose3A_396 {offsets = [88, 0], sizes = [8, 128], strides = [1, 1]} : vector<128x128xf32> to vector<8x128xf32>
    %swap3A_442 = arith.constant 3280 : index
    %swap3A_443 = arith.constant 0 : index
    %swap3A_444 = vector.load %arg2[%swap3A_442, %swap3A_443] : memref<4096x128xf32, #tpu.memory_space<vmem>>, vector<8x128xf32>
    tpu.vector_store %arg2[%swap3A_442, %swap3A_443], %slice3A_441 {strides = array<i32>} : memref<4096x128xf32, #tpu.memory_space<vmem>>, vector<8x128xf32>,
    %slice3A_445 = vector.extract_strided_slice %transpose3A_396 {offsets = [96, 0], sizes = [8, 128], strides = [1, 1]} : vector<128x128xf32> to vector<8x128xf32>
    %swap3A_446 = arith.constant 216 : index
    %swap3A_447 = arith.constant 0 : index
    %swap3A_448 = vector.load %arg2[%swap3A_446, %swap3A_447] : memref<4096x128xf32, #tpu.memory_space<vmem>>, vector<8x128xf32>
    tpu.vector_store %arg2[%swap3A_446, %swap3A_447], %slice3A_445 {strides = array<i32>} : memref<4096x128xf32, #tpu.memory_space<vmem>>, vector<8x128xf32>,
    %slice3A_449 = vector.extract_strided_slice %transpose3A_396 {offsets = [104, 0], sizes = [8, 128], strides = [1, 1]} : vector<128x128xf32> to vector<8x128xf32>
    %swap3A_450 = arith.constant 1240 : index
    %swap3A_451 = arith.constant 0 : index
    %swap3A_452 = vector.load %arg2[%swap3A_450, %swap3A_451] : memref<4096x128xf32, #tpu.memory_space<vmem>>, vector<8x128xf32>
    tpu.vector_store %arg2[%swap3A_450, %swap3A_451], %slice3A_449 {strides = array<i32>} : memref<4096x128xf32, #tpu.memory_space<vmem>>, vector<8x128xf32>,
    %slice3A_453 = vector.extract_strided_slice %transpose3A_396 {offsets = [112, 0], sizes = [8, 128], strides = [1, 1]} : vector<128x128xf32> to vector<8x128xf32>
    %swap3A_454 = arith.constant 2264 : index
    %swap3A_455 = arith.constant 0 : index
    %swap3A_456 = vector.load %arg2[%swap3A_454, %swap3A_455] : memref<4096x128xf32, #tpu.memory_space<vmem>>, vector<8x128xf32>
    tpu.vector_store %arg2[%swap3A_454, %swap3A_455], %slice3A_453 {strides = array<i32>} : memref<4096x128xf32, #tpu.memory_space<vmem>>, vector<8x128xf32>,
    %slice3A_457 = vector.extract_strided_slice %transpose3A_396 {offsets = [120, 0], sizes = [8, 128], strides = [1, 1]} : vector<128x128xf32> to vector<8x128xf32>
    %swap3A_458 = arith.constant 3288 : index
    %swap3A_459 = arith.constant 0 : index
    %swap3A_460 = vector.load %arg2[%swap3A_458, %swap3A_459] : memref<4096x128xf32, #tpu.memory_space<vmem>>, vector<8x128xf32>
    tpu.vector_store %arg2[%swap3A_458, %swap3A_459], %slice3A_457 {strides = array<i32>} : memref<4096x128xf32, #tpu.memory_space<vmem>>, vector<8x128xf32>,
    %slice3A_461 = vector.extract_strided_slice %get3A_1 {offsets = [896, 0], sizes = [128, 128], strides = [1, 1]} : vector<4096x128xf32> to vector<128x128xf32>
    %transpose3A_462 = tpu.transpose %slice3A_461, [1, 0] : vector<128x128xf32> -> vector<128x128xf32>
    %slice3A_463 = vector.extract_strided_slice %transpose3A_462 {offsets = [0, 0], sizes = [8, 128], strides = [1, 1]} : vector<128x128xf32> to vector<8x128xf32>
    %swap3A_464 = arith.constant 224 : index
    %swap3A_465 = arith.constant 0 : index
    %swap3A_466 = vector.load %arg2[%swap3A_464, %swap3A_465] : memref<4096x128xf32, #tpu.memory_space<vmem>>, vector<8x128xf32>
    tpu.vector_store %arg2[%swap3A_464, %swap3A_465], %slice3A_463 {strides = array<i32>} : memref<4096x128xf32, #tpu.memory_space<vmem>>, vector<8x128xf32>,
    %slice3A_467 = vector.extract_strided_slice %transpose3A_462 {offsets = [8, 0], sizes = [8, 128], strides = [1, 1]} : vector<128x128xf32> to vector<8x128xf32>
    %swap3A_468 = arith.constant 1248 : index
    %swap3A_469 = arith.constant 0 : index
    %swap3A_470 = vector.load %arg2[%swap3A_468, %swap3A_469] : memref<4096x128xf32, #tpu.memory_space<vmem>>, vector<8x128xf32>
    tpu.vector_store %arg2[%swap3A_468, %swap3A_469], %slice3A_467 {strides = array<i32>} : memref<4096x128xf32, #tpu.memory_space<vmem>>, vector<8x128xf32>,
    %slice3A_471 = vector.extract_strided_slice %transpose3A_462 {offsets = [16, 0], sizes = [8, 128], strides = [1, 1]} : vector<128x128xf32> to vector<8x128xf32>
    %swap3A_472 = arith.constant 2272 : index
    %swap3A_473 = arith.constant 0 : index
    %swap3A_474 = vector.load %arg2[%swap3A_472, %swap3A_473] : memref<4096x128xf32, #tpu.memory_space<vmem>>, vector<8x128xf32>
    tpu.vector_store %arg2[%swap3A_472, %swap3A_473], %slice3A_471 {strides = array<i32>} : memref<4096x128xf32, #tpu.memory_space<vmem>>, vector<8x128xf32>,
    %slice3A_475 = vector.extract_strided_slice %transpose3A_462 {offsets = [24, 0], sizes = [8, 128], strides = [1, 1]} : vector<128x128xf32> to vector<8x128xf32>
    %swap3A_476 = arith.constant 3296 : index
    %swap3A_477 = arith.constant 0 : index
    %swap3A_478 = vector.load %arg2[%swap3A_476, %swap3A_477] : memref<4096x128xf32, #tpu.memory_space<vmem>>, vector<8x128xf32>
    tpu.vector_store %arg2[%swap3A_476, %swap3A_477], %slice3A_475 {strides = array<i32>} : memref<4096x128xf32, #tpu.memory_space<vmem>>, vector<8x128xf32>,
    %slice3A_479 = vector.extract_strided_slice %transpose3A_462 {offsets = [32, 0], sizes = [8, 128], strides = [1, 1]} : vector<128x128xf32> to vector<8x128xf32>
    %swap3A_480 = arith.constant 232 : index
    %swap3A_481 = arith.constant 0 : index
    %swap3A_482 = vector.load %arg2[%swap3A_480, %swap3A_481] : memref<4096x128xf32, #tpu.memory_space<vmem>>, vector<8x128xf32>
    tpu.vector_store %arg2[%swap3A_480, %swap3A_481], %slice3A_479 {strides = array<i32>} : memref<4096x128xf32, #tpu.memory_space<vmem>>, vector<8x128xf32>,
    %slice3A_483 = vector.extract_strided_slice %transpose3A_462 {offsets = [40, 0], sizes = [8, 128], strides = [1, 1]} : vector<128x128xf32> to vector<8x128xf32>
    %swap3A_484 = arith.constant 1256 : index
    %swap3A_485 = arith.constant 0 : index
    %swap3A_486 = vector.load %arg2[%swap3A_484, %swap3A_485] : memref<4096x128xf32, #tpu.memory_space<vmem>>, vector<8x128xf32>
    tpu.vector_store %arg2[%swap3A_484, %swap3A_485], %slice3A_483 {strides = array<i32>} : memref<4096x128xf32, #tpu.memory_space<vmem>>, vector<8x128xf32>,
    %slice3A_487 = vector.extract_strided_slice %transpose3A_462 {offsets = [48, 0], sizes = [8, 128], strides = [1, 1]} : vector<128x128xf32> to vector<8x128xf32>
    %swap3A_488 = arith.constant 2280 : index
    %swap3A_489 = arith.constant 0 : index
    %swap3A_490 = vector.load %arg2[%swap3A_488, %swap3A_489] : memref<4096x128xf32, #tpu.memory_space<vmem>>, vector<8x128xf32>
    tpu.vector_store %arg2[%swap3A_488, %swap3A_489], %slice3A_487 {strides = array<i32>} : memref<4096x128xf32, #tpu.memory_space<vmem>>, vector<8x128xf32>,
    %slice3A_491 = vector.extract_strided_slice %transpose3A_462 {offsets = [56, 0], sizes = [8, 128], strides = [1, 1]} : vector<128x128xf32> to vector<8x128xf32>
    %swap3A_492 = arith.constant 3304 : index
    %swap3A_493 = arith.constant 0 : index
    %swap3A_494 = vector.load %arg2[%swap3A_492, %swap3A_493] : memref<4096x128xf32, #tpu.memory_space<vmem>>, vector<8x128xf32>
    tpu.vector_store %arg2[%swap3A_492, %swap3A_493], %slice3A_491 {strides = array<i32>} : memref<4096x128xf32, #tpu.memory_space<vmem>>, vector<8x128xf32>,
    %slice3A_495 = vector.extract_strided_slice %transpose3A_462 {offsets = [64, 0], sizes = [8, 128], strides = [1, 1]} : vector<128x128xf32> to vector<8x128xf32>
    %swap3A_496 = arith.constant 240 : index
    %swap3A_497 = arith.constant 0 : index
    %swap3A_498 = vector.load %arg2[%swap3A_496, %swap3A_497] : memref<4096x128xf32, #tpu.memory_space<vmem>>, vector<8x128xf32>
    tpu.vector_store %arg2[%swap3A_496, %swap3A_497], %slice3A_495 {strides = array<i32>} : memref<4096x128xf32, #tpu.memory_space<vmem>>, vector<8x128xf32>,
    %slice3A_499 = vector.extract_strided_slice %transpose3A_462 {offsets = [72, 0], sizes = [8, 128], strides = [1, 1]} : vector<128x128xf32> to vector<8x128xf32>
    %swap3A_500 = arith.constant 1264 : index
    %swap3A_501 = arith.constant 0 : index
    %swap3A_502 = vector.load %arg2[%swap3A_500, %swap3A_501] : memref<4096x128xf32, #tpu.memory_space<vmem>>, vector<8x128xf32>
    tpu.vector_store %arg2[%swap3A_500, %swap3A_501], %slice3A_499 {strides = array<i32>} : memref<4096x128xf32, #tpu.memory_space<vmem>>, vector<8x128xf32>,
    %slice3A_503 = vector.extract_strided_slice %transpose3A_462 {offsets = [80, 0], sizes = [8, 128], strides = [1, 1]} : vector<128x128xf32> to vector<8x128xf32>
    %swap3A_504 = arith.constant 2288 : index
    %swap3A_505 = arith.constant 0 : index
    %swap3A_506 = vector.load %arg2[%swap3A_504, %swap3A_505] : memref<4096x128xf32, #tpu.memory_space<vmem>>, vector<8x128xf32>
    tpu.vector_store %arg2[%swap3A_504, %swap3A_505], %slice3A_503 {strides = array<i32>} : memref<4096x128xf32, #tpu.memory_space<vmem>>, vector<8x128xf32>,
    %slice3A_507 = vector.extract_strided_slice %transpose3A_462 {offsets = [88, 0], sizes = [8, 128], strides = [1, 1]} : vector<128x128xf32> to vector<8x128xf32>
    %swap3A_508 = arith.constant 3312 : index
    %swap3A_509 = arith.constant 0 : index
    %swap3A_510 = vector.load %arg2[%swap3A_508, %swap3A_509] : memref<4096x128xf32, #tpu.memory_space<vmem>>, vector<8x128xf32>
    tpu.vector_store %arg2[%swap3A_508, %swap3A_509], %slice3A_507 {strides = array<i32>} : memref<4096x128xf32, #tpu.memory_space<vmem>>, vector<8x128xf32>,
    %slice3A_511 = vector.extract_strided_slice %transpose3A_462 {offsets = [96, 0], sizes = [8, 128], strides = [1, 1]} : vector<128x128xf32> to vector<8x128xf32>
    %swap3A_512 = arith.constant 248 : index
    %swap3A_513 = arith.constant 0 : index
    %swap3A_514 = vector.load %arg2[%swap3A_512, %swap3A_513] : memref<4096x128xf32, #tpu.memory_space<vmem>>, vector<8x128xf32>
    tpu.vector_store %arg2[%swap3A_512, %swap3A_513], %slice3A_511 {strides = array<i32>} : memref<4096x128xf32, #tpu.memory_space<vmem>>, vector<8x128xf32>,
    %slice3A_515 = vector.extract_strided_slice %transpose3A_462 {offsets = [104, 0], sizes = [8, 128], strides = [1, 1]} : vector<128x128xf32> to vector<8x128xf32>
    %swap3A_516 = arith.constant 1272 : index
    %swap3A_517 = arith.constant 0 : index
    %swap3A_518 = vector.load %arg2[%swap3A_516, %swap3A_517] : memref<4096x128xf32, #tpu.memory_space<vmem>>, vector<8x128xf32>
    tpu.vector_store %arg2[%swap3A_516, %swap3A_517], %slice3A_515 {strides = array<i32>} : memref<4096x128xf32, #tpu.memory_space<vmem>>, vector<8x128xf32>,
    %slice3A_519 = vector.extract_strided_slice %transpose3A_462 {offsets = [112, 0], sizes = [8, 128], strides = [1, 1]} : vector<128x128xf32> to vector<8x128xf32>
    %swap3A_520 = arith.constant 2296 : index
    %swap3A_521 = arith.constant 0 : index
    %swap3A_522 = vector.load %arg2[%swap3A_520, %swap3A_521] : memref<4096x128xf32, #tpu.memory_space<vmem>>, vector<8x128xf32>
    tpu.vector_store %arg2[%swap3A_520, %swap3A_521], %slice3A_519 {strides = array<i32>} : memref<4096x128xf32, #tpu.memory_space<vmem>>, vector<8x128xf32>,
    %slice3A_523 = vector.extract_strided_slice %transpose3A_462 {offsets = [120, 0], sizes = [8, 128], strides = [1, 1]} : vector<128x128xf32> to vector<8x128xf32>
    %swap3A_524 = arith.constant 3320 : index
    %swap3A_525 = arith.constant 0 : index
    %swap3A_526 = vector.load %arg2[%swap3A_524, %swap3A_525] : memref<4096x128xf32, #tpu.memory_space<vmem>>, vector<8x128xf32>
    tpu.vector_store %arg2[%swap3A_524, %swap3A_525], %slice3A_523 {strides = array<i32>} : memref<4096x128xf32, #tpu.memory_space<vmem>>, vector<8x128xf32>,
    %slice3A_527 = vector.extract_strided_slice %get3A_1 {offsets = [1024, 0], sizes = [128, 128], strides = [1, 1]} : vector<4096x128xf32> to vector<128x128xf32>
    %transpose3A_528 = tpu.transpose %slice3A_527, [1, 0] : vector<128x128xf32> -> vector<128x128xf32>
    %slice3A_529 = vector.extract_strided_slice %transpose3A_528 {offsets = [0, 0], sizes = [8, 128], strides = [1, 1]} : vector<128x128xf32> to vector<8x128xf32>
    %swap3A_530 = arith.constant 256 : index
    %swap3A_531 = arith.constant 0 : index
    %swap3A_532 = vector.load %arg2[%swap3A_530, %swap3A_531] : memref<4096x128xf32, #tpu.memory_space<vmem>>, vector<8x128xf32>
    tpu.vector_store %arg2[%swap3A_530, %swap3A_531], %slice3A_529 {strides = array<i32>} : memref<4096x128xf32, #tpu.memory_space<vmem>>, vector<8x128xf32>,
    %slice3A_533 = vector.extract_strided_slice %transpose3A_528 {offsets = [8, 0], sizes = [8, 128], strides = [1, 1]} : vector<128x128xf32> to vector<8x128xf32>
    %swap3A_534 = arith.constant 1280 : index
    %swap3A_535 = arith.constant 0 : index
    %swap3A_536 = vector.load %arg2[%swap3A_534, %swap3A_535] : memref<4096x128xf32, #tpu.memory_space<vmem>>, vector<8x128xf32>
    tpu.vector_store %arg2[%swap3A_534, %swap3A_535], %slice3A_533 {strides = array<i32>} : memref<4096x128xf32, #tpu.memory_space<vmem>>, vector<8x128xf32>,
    %slice3A_537 = vector.extract_strided_slice %transpose3A_528 {offsets = [16, 0], sizes = [8, 128], strides = [1, 1]} : vector<128x128xf32> to vector<8x128xf32>
    %swap3A_538 = arith.constant 2304 : index
    %swap3A_539 = arith.constant 0 : index
    %swap3A_540 = vector.load %arg2[%swap3A_538, %swap3A_539] : memref<4096x128xf32, #tpu.memory_space<vmem>>, vector<8x128xf32>
    tpu.vector_store %arg2[%swap3A_538, %swap3A_539], %slice3A_537 {strides = array<i32>} : memref<4096x128xf32, #tpu.memory_space<vmem>>, vector<8x128xf32>,
    %slice3A_541 = vector.extract_strided_slice %transpose3A_528 {offsets = [24, 0], sizes = [8, 128], strides = [1, 1]} : vector<128x128xf32> to vector<8x128xf32>
    %swap3A_542 = arith.constant 3328 : index
    %swap3A_543 = arith.constant 0 : index
    %swap3A_544 = vector.load %arg2[%swap3A_542, %swap3A_543] : memref<4096x128xf32, #tpu.memory_space<vmem>>, vector<8x128xf32>
    tpu.vector_store %arg2[%swap3A_542, %swap3A_543], %slice3A_541 {strides = array<i32>} : memref<4096x128xf32, #tpu.memory_space<vmem>>, vector<8x128xf32>,
    %slice3A_545 = vector.extract_strided_slice %transpose3A_528 {offsets = [32, 0], sizes = [8, 128], strides = [1, 1]} : vector<128x128xf32> to vector<8x128xf32>
    %swap3A_546 = arith.constant 264 : index
    %swap3A_547 = arith.constant 0 : index
    %swap3A_548 = vector.load %arg2[%swap3A_546, %swap3A_547] : memref<4096x128xf32, #tpu.memory_space<vmem>>, vector<8x128xf32>
    tpu.vector_store %arg2[%swap3A_546, %swap3A_547], %slice3A_545 {strides = array<i32>} : memref<4096x128xf32, #tpu.memory_space<vmem>>, vector<8x128xf32>,
    %slice3A_549 = vector.extract_strided_slice %transpose3A_528 {offsets = [40, 0], sizes = [8, 128], strides = [1, 1]} : vector<128x128xf32> to vector<8x128xf32>
    %swap3A_550 = arith.constant 1288 : index
    %swap3A_551 = arith.constant 0 : index
    %swap3A_552 = vector.load %arg2[%swap3A_550, %swap3A_551] : memref<4096x128xf32, #tpu.memory_space<vmem>>, vector<8x128xf32>
    tpu.vector_store %arg2[%swap3A_550, %swap3A_551], %slice3A_549 {strides = array<i32>} : memref<4096x128xf32, #tpu.memory_space<vmem>>, vector<8x128xf32>,
    %slice3A_553 = vector.extract_strided_slice %transpose3A_528 {offsets = [48, 0], sizes = [8, 128], strides = [1, 1]} : vector<128x128xf32> to vector<8x128xf32>
    %swap3A_554 = arith.constant 2312 : index
    %swap3A_555 = arith.constant 0 : index
    %swap3A_556 = vector.load %arg2[%swap3A_554, %swap3A_555] : memref<4096x128xf32, #tpu.memory_space<vmem>>, vector<8x128xf32>
    tpu.vector_store %arg2[%swap3A_554, %swap3A_555], %slice3A_553 {strides = array<i32>} : memref<4096x128xf32, #tpu.memory_space<vmem>>, vector<8x128xf32>,
    %slice3A_557 = vector.extract_strided_slice %transpose3A_528 {offsets = [56, 0], sizes = [8, 128], strides = [1, 1]} : vector<128x128xf32> to vector<8x128xf32>
    %swap3A_558 = arith.constant 3336 : index
    %swap3A_559 = arith.constant 0 : index
    %swap3A_560 = vector.load %arg2[%swap3A_558, %swap3A_559] : memref<4096x128xf32, #tpu.memory_space<vmem>>, vector<8x128xf32>
    tpu.vector_store %arg2[%swap3A_558, %swap3A_559], %slice3A_557 {strides = array<i32>} : memref<4096x128xf32, #tpu.memory_space<vmem>>, vector<8x128xf32>,
    %slice3A_561 = vector.extract_strided_slice %transpose3A_528 {offsets = [64, 0], sizes = [8, 128], strides = [1, 1]} : vector<128x128xf32> to vector<8x128xf32>
    %swap3A_562 = arith.constant 272 : index
    %swap3A_563 = arith.constant 0 : index
    %swap3A_564 = vector.load %arg2[%swap3A_562, %swap3A_563] : memref<4096x128xf32, #tpu.memory_space<vmem>>, vector<8x128xf32>
    tpu.vector_store %arg2[%swap3A_562, %swap3A_563], %slice3A_561 {strides = array<i32>} : memref<4096x128xf32, #tpu.memory_space<vmem>>, vector<8x128xf32>,
    %slice3A_565 = vector.extract_strided_slice %transpose3A_528 {offsets = [72, 0], sizes = [8, 128], strides = [1, 1]} : vector<128x128xf32> to vector<8x128xf32>
    %swap3A_566 = arith.constant 1296 : index
    %swap3A_567 = arith.constant 0 : index
    %swap3A_568 = vector.load %arg2[%swap3A_566, %swap3A_567] : memref<4096x128xf32, #tpu.memory_space<vmem>>, vector<8x128xf32>
    tpu.vector_store %arg2[%swap3A_566, %swap3A_567], %slice3A_565 {strides = array<i32>} : memref<4096x128xf32, #tpu.memory_space<vmem>>, vector<8x128xf32>,
    %slice3A_569 = vector.extract_strided_slice %transpose3A_528 {offsets = [80, 0], sizes = [8, 128], strides = [1, 1]} : vector<128x128xf32> to vector<8x128xf32>
    %swap3A_570 = arith.constant 2320 : index
    %swap3A_571 = arith.constant 0 : index
    %swap3A_572 = vector.load %arg2[%swap3A_570, %swap3A_571] : memref<4096x128xf32, #tpu.memory_space<vmem>>, vector<8x128xf32>
    tpu.vector_store %arg2[%swap3A_570, %swap3A_571], %slice3A_569 {strides = array<i32>} : memref<4096x128xf32, #tpu.memory_space<vmem>>, vector<8x128xf32>,
    %slice3A_573 = vector.extract_strided_slice %transpose3A_528 {offsets = [88, 0], sizes = [8, 128], strides = [1, 1]} : vector<128x128xf32> to vector<8x128xf32>
    %swap3A_574 = arith.constant 3344 : index
    %swap3A_575 = arith.constant 0 : index
    %swap3A_576 = vector.load %arg2[%swap3A_574, %swap3A_575] : memref<4096x128xf32, #tpu.memory_space<vmem>>, vector<8x128xf32>
    tpu.vector_store %arg2[%swap3A_574, %swap3A_575], %slice3A_573 {strides = array<i32>} : memref<4096x128xf32, #tpu.memory_space<vmem>>, vector<8x128xf32>,
    %slice3A_577 = vector.extract_strided_slice %transpose3A_528 {offsets = [96, 0], sizes = [8, 128], strides = [1, 1]} : vector<128x128xf32> to vector<8x128xf32>
    %swap3A_578 = arith.constant 280 : index
    %swap3A_579 = arith.constant 0 : index
    %swap3A_580 = vector.load %arg2[%swap3A_578, %swap3A_579] : memref<4096x128xf32, #tpu.memory_space<vmem>>, vector<8x128xf32>
    tpu.vector_store %arg2[%swap3A_578, %swap3A_579], %slice3A_577 {strides = array<i32>} : memref<4096x128xf32, #tpu.memory_space<vmem>>, vector<8x128xf32>,
    %slice3A_581 = vector.extract_strided_slice %transpose3A_528 {offsets = [104, 0], sizes = [8, 128], strides = [1, 1]} : vector<128x128xf32> to vector<8x128xf32>
    %swap3A_582 = arith.constant 1304 : index
    %swap3A_583 = arith.constant 0 : index
    %swap3A_584 = vector.load %arg2[%swap3A_582, %swap3A_583] : memref<4096x128xf32, #tpu.memory_space<vmem>>, vector<8x128xf32>
    tpu.vector_store %arg2[%swap3A_582, %swap3A_583], %slice3A_581 {strides = array<i32>} : memref<4096x128xf32, #tpu.memory_space<vmem>>, vector<8x128xf32>,
    %slice3A_585 = vector.extract_strided_slice %transpose3A_528 {offsets = [112, 0], sizes = [8, 128], strides = [1, 1]} : vector<128x128xf32> to vector<8x128xf32>
    %swap3A_586 = arith.constant 2328 : index
    %swap3A_587 = arith.constant 0 : index
    %swap3A_588 = vector.load %arg2[%swap3A_586, %swap3A_587] : memref<4096x128xf32, #tpu.memory_space<vmem>>, vector<8x128xf32>
    tpu.vector_store %arg2[%swap3A_586, %swap3A_587], %slice3A_585 {strides = array<i32>} : memref<4096x128xf32, #tpu.memory_space<vmem>>, vector<8x128xf32>,
    %slice3A_589 = vector.extract_strided_slice %transpose3A_528 {offsets = [120, 0], sizes = [8, 128], strides = [1, 1]} : vector<128x128xf32> to vector<8x128xf32>
    %swap3A_590 = arith.constant 3352 : index
    %swap3A_591 = arith.constant 0 : index
    %swap3A_592 = vector.load %arg2[%swap3A_590, %swap3A_591] : memref<4096x128xf32, #tpu.memory_space<vmem>>, vector<8x128xf32>
    tpu.vector_store %arg2[%swap3A_590, %swap3A_591], %slice3A_589 {strides = array<i32>} : memref<4096x128xf32, #tpu.memory_space<vmem>>, vector<8x128xf32>,
    %slice3A_593 = vector.extract_strided_slice %get3A_1 {offsets = [1152, 0], sizes = [128, 128], strides = [1, 1]} : vector<4096x128xf32> to vector<128x128xf32>
    %transpose3A_594 = tpu.transpose %slice3A_593, [1, 0] : vector<128x128xf32> -> vector<128x128xf32>
    %slice3A_595 = vector.extract_strided_slice %transpose3A_594 {offsets = [0, 0], sizes = [8, 128], strides = [1, 1]} : vector<128x128xf32> to vector<8x128xf32>
    %swap3A_596 = arith.constant 288 : index
    %swap3A_597 = arith.constant 0 : index
    %swap3A_598 = vector.load %arg2[%swap3A_596, %swap3A_597] : memref<4096x128xf32, #tpu.memory_space<vmem>>, vector<8x128xf32>
    tpu.vector_store %arg2[%swap3A_596, %swap3A_597], %slice3A_595 {strides = array<i32>} : memref<4096x128xf32, #tpu.memory_space<vmem>>, vector<8x128xf32>,
    %slice3A_599 = vector.extract_strided_slice %transpose3A_594 {offsets = [8, 0], sizes = [8, 128], strides = [1, 1]} : vector<128x128xf32> to vector<8x128xf32>
    %swap3A_600 = arith.constant 1312 : index
    %swap3A_601 = arith.constant 0 : index
    %swap3A_602 = vector.load %arg2[%swap3A_600, %swap3A_601] : memref<4096x128xf32, #tpu.memory_space<vmem>>, vector<8x128xf32>
    tpu.vector_store %arg2[%swap3A_600, %swap3A_601], %slice3A_599 {strides = array<i32>} : memref<4096x128xf32, #tpu.memory_space<vmem>>, vector<8x128xf32>,
    %slice3A_603 = vector.extract_strided_slice %transpose3A_594 {offsets = [16, 0], sizes = [8, 128], strides = [1, 1]} : vector<128x128xf32> to vector<8x128xf32>
    %swap3A_604 = arith.constant 2336 : index
    %swap3A_605 = arith.constant 0 : index
    %swap3A_606 = vector.load %arg2[%swap3A_604, %swap3A_605] : memref<4096x128xf32, #tpu.memory_space<vmem>>, vector<8x128xf32>
    tpu.vector_store %arg2[%swap3A_604, %swap3A_605], %slice3A_603 {strides = array<i32>} : memref<4096x128xf32, #tpu.memory_space<vmem>>, vector<8x128xf32>,
    %slice3A_607 = vector.extract_strided_slice %transpose3A_594 {offsets = [24, 0], sizes = [8, 128], strides = [1, 1]} : vector<128x128xf32> to vector<8x128xf32>
    %swap3A_608 = arith.constant 3360 : index
    %swap3A_609 = arith.constant 0 : index
    %swap3A_610 = vector.load %arg2[%swap3A_608, %swap3A_609] : memref<4096x128xf32, #tpu.memory_space<vmem>>, vector<8x128xf32>
    tpu.vector_store %arg2[%swap3A_608, %swap3A_609], %slice3A_607 {strides = array<i32>} : memref<4096x128xf32, #tpu.memory_space<vmem>>, vector<8x128xf32>,
    %slice3A_611 = vector.extract_strided_slice %transpose3A_594 {offsets = [32, 0], sizes = [8, 128], strides = [1, 1]} : vector<128x128xf32> to vector<8x128xf32>
    %swap3A_612 = arith.constant 296 : index
    %swap3A_613 = arith.constant 0 : index
    %swap3A_614 = vector.load %arg2[%swap3A_612, %swap3A_613] : memref<4096x128xf32, #tpu.memory_space<vmem>>, vector<8x128xf32>
    tpu.vector_store %arg2[%swap3A_612, %swap3A_613], %slice3A_611 {strides = array<i32>} : memref<4096x128xf32, #tpu.memory_space<vmem>>, vector<8x128xf32>,
    %slice3A_615 = vector.extract_strided_slice %transpose3A_594 {offsets = [40, 0], sizes = [8, 128], strides = [1, 1]} : vector<128x128xf32> to vector<8x128xf32>
    %swap3A_616 = arith.constant 1320 : index
    %swap3A_617 = arith.constant 0 : index
    %swap3A_618 = vector.load %arg2[%swap3A_616, %swap3A_617] : memref<4096x128xf32, #tpu.memory_space<vmem>>, vector<8x128xf32>
    tpu.vector_store %arg2[%swap3A_616, %swap3A_617], %slice3A_615 {strides = array<i32>} : memref<4096x128xf32, #tpu.memory_space<vmem>>, vector<8x128xf32>,
    %slice3A_619 = vector.extract_strided_slice %transpose3A_594 {offsets = [48, 0], sizes = [8, 128], strides = [1, 1]} : vector<128x128xf32> to vector<8x128xf32>
    %swap3A_620 = arith.constant 2344 : index
    %swap3A_621 = arith.constant 0 : index
    %swap3A_622 = vector.load %arg2[%swap3A_620, %swap3A_621] : memref<4096x128xf32, #tpu.memory_space<vmem>>, vector<8x128xf32>
    tpu.vector_store %arg2[%swap3A_620, %swap3A_621], %slice3A_619 {strides = array<i32>} : memref<4096x128xf32, #tpu.memory_space<vmem>>, vector<8x128xf32>,
    %slice3A_623 = vector.extract_strided_slice %transpose3A_594 {offsets = [56, 0], sizes = [8, 128], strides = [1, 1]} : vector<128x128xf32> to vector<8x128xf32>
    %swap3A_624 = arith.constant 3368 : index
    %swap3A_625 = arith.constant 0 : index
    %swap3A_626 = vector.load %arg2[%swap3A_624, %swap3A_625] : memref<4096x128xf32, #tpu.memory_space<vmem>>, vector<8x128xf32>
    tpu.vector_store %arg2[%swap3A_624, %swap3A_625], %slice3A_623 {strides = array<i32>} : memref<4096x128xf32, #tpu.memory_space<vmem>>, vector<8x128xf32>,
    %slice3A_627 = vector.extract_strided_slice %transpose3A_594 {offsets = [64, 0], sizes = [8, 128], strides = [1, 1]} : vector<128x128xf32> to vector<8x128xf32>
    %swap3A_628 = arith.constant 304 : index
    %swap3A_629 = arith.constant 0 : index
    %swap3A_630 = vector.load %arg2[%swap3A_628, %swap3A_629] : memref<4096x128xf32, #tpu.memory_space<vmem>>, vector<8x128xf32>
    tpu.vector_store %arg2[%swap3A_628, %swap3A_629], %slice3A_627 {strides = array<i32>} : memref<4096x128xf32, #tpu.memory_space<vmem>>, vector<8x128xf32>,
    %slice3A_631 = vector.extract_strided_slice %transpose3A_594 {offsets = [72, 0], sizes = [8, 128], strides = [1, 1]} : vector<128x128xf32> to vector<8x128xf32>
    %swap3A_632 = arith.constant 1328 : index
    %swap3A_633 = arith.constant 0 : index
    %swap3A_634 = vector.load %arg2[%swap3A_632, %swap3A_633] : memref<4096x128xf32, #tpu.memory_space<vmem>>, vector<8x128xf32>
    tpu.vector_store %arg2[%swap3A_632, %swap3A_633], %slice3A_631 {strides = array<i32>} : memref<4096x128xf32, #tpu.memory_space<vmem>>, vector<8x128xf32>,
    %slice3A_635 = vector.extract_strided_slice %transpose3A_594 {offsets = [80, 0], sizes = [8, 128], strides = [1, 1]} : vector<128x128xf32> to vector<8x128xf32>
    %swap3A_636 = arith.constant 2352 : index
    %swap3A_637 = arith.constant 0 : index
    %swap3A_638 = vector.load %arg2[%swap3A_636, %swap3A_637] : memref<4096x128xf32, #tpu.memory_space<vmem>>, vector<8x128xf32>
    tpu.vector_store %arg2[%swap3A_636, %swap3A_637], %slice3A_635 {strides = array<i32>} : memref<4096x128xf32, #tpu.memory_space<vmem>>, vector<8x128xf32>,
    %slice3A_639 = vector.extract_strided_slice %transpose3A_594 {offsets = [88, 0], sizes = [8, 128], strides = [1, 1]} : vector<128x128xf32> to vector<8x128xf32>
    %swap3A_640 = arith.constant 3376 : index
    %swap3A_641 = arith.constant 0 : index
    %swap3A_642 = vector.load %arg2[%swap3A_640, %swap3A_641] : memref<4096x128xf32, #tpu.memory_space<vmem>>, vector<8x128xf32>
    tpu.vector_store %arg2[%swap3A_640, %swap3A_641], %slice3A_639 {strides = array<i32>} : memref<4096x128xf32, #tpu.memory_space<vmem>>, vector<8x128xf32>,
    %slice3A_643 = vector.extract_strided_slice %transpose3A_594 {offsets = [96, 0], sizes = [8, 128], strides = [1, 1]} : vector<128x128xf32> to vector<8x128xf32>
    %swap3A_644 = arith.constant 312 : index
    %swap3A_645 = arith.constant 0 : index
    %swap3A_646 = vector.load %arg2[%swap3A_644, %swap3A_645] : memref<4096x128xf32, #tpu.memory_space<vmem>>, vector<8x128xf32>
    tpu.vector_store %arg2[%swap3A_644, %swap3A_645], %slice3A_643 {strides = array<i32>} : memref<4096x128xf32, #tpu.memory_space<vmem>>, vector<8x128xf32>,
    %slice3A_647 = vector.extract_strided_slice %transpose3A_594 {offsets = [104, 0], sizes = [8, 128], strides = [1, 1]} : vector<128x128xf32> to vector<8x128xf32>
    %swap3A_648 = arith.constant 1336 : index
    %swap3A_649 = arith.constant 0 : index
    %swap3A_650 = vector.load %arg2[%swap3A_648, %swap3A_649] : memref<4096x128xf32, #tpu.memory_space<vmem>>, vector<8x128xf32>
    tpu.vector_store %arg2[%swap3A_648, %swap3A_649], %slice3A_647 {strides = array<i32>} : memref<4096x128xf32, #tpu.memory_space<vmem>>, vector<8x128xf32>,
    %slice3A_651 = vector.extract_strided_slice %transpose3A_594 {offsets = [112, 0], sizes = [8, 128], strides = [1, 1]} : vector<128x128xf32> to vector<8x128xf32>
    %swap3A_652 = arith.constant 2360 : index
    %swap3A_653 = arith.constant 0 : index
    %swap3A_654 = vector.load %arg2[%swap3A_652, %swap3A_653] : memref<4096x128xf32, #tpu.memory_space<vmem>>, vector<8x128xf32>
    tpu.vector_store %arg2[%swap3A_652, %swap3A_653], %slice3A_651 {strides = array<i32>} : memref<4096x128xf32, #tpu.memory_space<vmem>>, vector<8x128xf32>,
    %slice3A_655 = vector.extract_strided_slice %transpose3A_594 {offsets = [120, 0], sizes = [8, 128], strides = [1, 1]} : vector<128x128xf32> to vector<8x128xf32>
    %swap3A_656 = arith.constant 3384 : index
    %swap3A_657 = arith.constant 0 : index
    %swap3A_658 = vector.load %arg2[%swap3A_656, %swap3A_657] : memref<4096x128xf32, #tpu.memory_space<vmem>>, vector<8x128xf32>
    tpu.vector_store %arg2[%swap3A_656, %swap3A_657], %slice3A_655 {strides = array<i32>} : memref<4096x128xf32, #tpu.memory_space<vmem>>, vector<8x128xf32>,
    %slice3A_659 = vector.extract_strided_slice %get3A_1 {offsets = [1280, 0], sizes = [128, 128], strides = [1, 1]} : vector<4096x128xf32> to vector<128x128xf32>
    %transpose3A_660 = tpu.transpose %slice3A_659, [1, 0] : vector<128x128xf32> -> vector<128x128xf32>
    %slice3A_661 = vector.extract_strided_slice %transpose3A_660 {offsets = [0, 0], sizes = [8, 128], strides = [1, 1]} : vector<128x128xf32> to vector<8x128xf32>
    %swap3A_662 = arith.constant 320 : index
    %swap3A_663 = arith.constant 0 : index
    %swap3A_664 = vector.load %arg2[%swap3A_662, %swap3A_663] : memref<4096x128xf32, #tpu.memory_space<vmem>>, vector<8x128xf32>
    tpu.vector_store %arg2[%swap3A_662, %swap3A_663], %slice3A_661 {strides = array<i32>} : memref<4096x128xf32, #tpu.memory_space<vmem>>, vector<8x128xf32>,
    %slice3A_665 = vector.extract_strided_slice %transpose3A_660 {offsets = [8, 0], sizes = [8, 128], strides = [1, 1]} : vector<128x128xf32> to vector<8x128xf32>
    %swap3A_666 = arith.constant 1344 : index
    %swap3A_667 = arith.constant 0 : index
    %swap3A_668 = vector.load %arg2[%swap3A_666, %swap3A_667] : memref<4096x128xf32, #tpu.memory_space<vmem>>, vector<8x128xf32>
    tpu.vector_store %arg2[%swap3A_666, %swap3A_667], %slice3A_665 {strides = array<i32>} : memref<4096x128xf32, #tpu.memory_space<vmem>>, vector<8x128xf32>,
    %slice3A_669 = vector.extract_strided_slice %transpose3A_660 {offsets = [16, 0], sizes = [8, 128], strides = [1, 1]} : vector<128x128xf32> to vector<8x128xf32>
    %swap3A_670 = arith.constant 2368 : index
    %swap3A_671 = arith.constant 0 : index
    %swap3A_672 = vector.load %arg2[%swap3A_670, %swap3A_671] : memref<4096x128xf32, #tpu.memory_space<vmem>>, vector<8x128xf32>
    tpu.vector_store %arg2[%swap3A_670, %swap3A_671], %slice3A_669 {strides = array<i32>} : memref<4096x128xf32, #tpu.memory_space<vmem>>, vector<8x128xf32>,
    %slice3A_673 = vector.extract_strided_slice %transpose3A_660 {offsets = [24, 0], sizes = [8, 128], strides = [1, 1]} : vector<128x128xf32> to vector<8x128xf32>
    %swap3A_674 = arith.constant 3392 : index
    %swap3A_675 = arith.constant 0 : index
    %swap3A_676 = vector.load %arg2[%swap3A_674, %swap3A_675] : memref<4096x128xf32, #tpu.memory_space<vmem>>, vector<8x128xf32>
    tpu.vector_store %arg2[%swap3A_674, %swap3A_675], %slice3A_673 {strides = array<i32>} : memref<4096x128xf32, #tpu.memory_space<vmem>>, vector<8x128xf32>,
    %slice3A_677 = vector.extract_strided_slice %transpose3A_660 {offsets = [32, 0], sizes = [8, 128], strides = [1, 1]} : vector<128x128xf32> to vector<8x128xf32>
    %swap3A_678 = arith.constant 328 : index
    %swap3A_679 = arith.constant 0 : index
    %swap3A_680 = vector.load %arg2[%swap3A_678, %swap3A_679] : memref<4096x128xf32, #tpu.memory_space<vmem>>, vector<8x128xf32>
    tpu.vector_store %arg2[%swap3A_678, %swap3A_679], %slice3A_677 {strides = array<i32>} : memref<4096x128xf32, #tpu.memory_space<vmem>>, vector<8x128xf32>,
    %slice3A_681 = vector.extract_strided_slice %transpose3A_660 {offsets = [40, 0], sizes = [8, 128], strides = [1, 1]} : vector<128x128xf32> to vector<8x128xf32>
    %swap3A_682 = arith.constant 1352 : index
    %swap3A_683 = arith.constant 0 : index
    %swap3A_684 = vector.load %arg2[%swap3A_682, %swap3A_683] : memref<4096x128xf32, #tpu.memory_space<vmem>>, vector<8x128xf32>
    tpu.vector_store %arg2[%swap3A_682, %swap3A_683], %slice3A_681 {strides = array<i32>} : memref<4096x128xf32, #tpu.memory_space<vmem>>, vector<8x128xf32>,
    %slice3A_685 = vector.extract_strided_slice %transpose3A_660 {offsets = [48, 0], sizes = [8, 128], strides = [1, 1]} : vector<128x128xf32> to vector<8x128xf32>
    %swap3A_686 = arith.constant 2376 : index
    %swap3A_687 = arith.constant 0 : index
    %swap3A_688 = vector.load %arg2[%swap3A_686, %swap3A_687] : memref<4096x128xf32, #tpu.memory_space<vmem>>, vector<8x128xf32>
    tpu.vector_store %arg2[%swap3A_686, %swap3A_687], %slice3A_685 {strides = array<i32>} : memref<4096x128xf32, #tpu.memory_space<vmem>>, vector<8x128xf32>,
    %slice3A_689 = vector.extract_strided_slice %transpose3A_660 {offsets = [56, 0], sizes = [8, 128], strides = [1, 1]} : vector<128x128xf32> to vector<8x128xf32>
    %swap3A_690 = arith.constant 3400 : index
    %swap3A_691 = arith.constant 0 : index
    %swap3A_692 = vector.load %arg2[%swap3A_690, %swap3A_691] : memref<4096x128xf32, #tpu.memory_space<vmem>>, vector<8x128xf32>
    tpu.vector_store %arg2[%swap3A_690, %swap3A_691], %slice3A_689 {strides = array<i32>} : memref<4096x128xf32, #tpu.memory_space<vmem>>, vector<8x128xf32>,
    %slice3A_693 = vector.extract_strided_slice %transpose3A_660 {offsets = [64, 0], sizes = [8, 128], strides = [1, 1]} : vector<128x128xf32> to vector<8x128xf32>
    %swap3A_694 = arith.constant 336 : index
    %swap3A_695 = arith.constant 0 : index
    %swap3A_696 = vector.load %arg2[%swap3A_694, %swap3A_695] : memref<4096x128xf32, #tpu.memory_space<vmem>>, vector<8x128xf32>
    tpu.vector_store %arg2[%swap3A_694, %swap3A_695], %slice3A_693 {strides = array<i32>} : memref<4096x128xf32, #tpu.memory_space<vmem>>, vector<8x128xf32>,
    %slice3A_697 = vector.extract_strided_slice %transpose3A_660 {offsets = [72, 0], sizes = [8, 128], strides = [1, 1]} : vector<128x128xf32> to vector<8x128xf32>
    %swap3A_698 = arith.constant 1360 : index
    %swap3A_699 = arith.constant 0 : index
    %swap3A_700 = vector.load %arg2[%swap3A_698, %swap3A_699] : memref<4096x128xf32, #tpu.memory_space<vmem>>, vector<8x128xf32>
    tpu.vector_store %arg2[%swap3A_698, %swap3A_699], %slice3A_697 {strides = array<i32>} : memref<4096x128xf32, #tpu.memory_space<vmem>>, vector<8x128xf32>,
    %slice3A_701 = vector.extract_strided_slice %transpose3A_660 {offsets = [80, 0], sizes = [8, 128], strides = [1, 1]} : vector<128x128xf32> to vector<8x128xf32>
    %swap3A_702 = arith.constant 2384 : index
    %swap3A_703 = arith.constant 0 : index
    %swap3A_704 = vector.load %arg2[%swap3A_702, %swap3A_703] : memref<4096x128xf32, #tpu.memory_space<vmem>>, vector<8x128xf32>
    tpu.vector_store %arg2[%swap3A_702, %swap3A_703], %slice3A_701 {strides = array<i32>} : memref<4096x128xf32, #tpu.memory_space<vmem>>, vector<8x128xf32>,
    %slice3A_705 = vector.extract_strided_slice %transpose3A_660 {offsets = [88, 0], sizes = [8, 128], strides = [1, 1]} : vector<128x128xf32> to vector<8x128xf32>
    %swap3A_706 = arith.constant 3408 : index
    %swap3A_707 = arith.constant 0 : index
    %swap3A_708 = vector.load %arg2[%swap3A_706, %swap3A_707] : memref<4096x128xf32, #tpu.memory_space<vmem>>, vector<8x128xf32>
    tpu.vector_store %arg2[%swap3A_706, %swap3A_707], %slice3A_705 {strides = array<i32>} : memref<4096x128xf32, #tpu.memory_space<vmem>>, vector<8x128xf32>,
    %slice3A_709 = vector.extract_strided_slice %transpose3A_660 {offsets = [96, 0], sizes = [8, 128], strides = [1, 1]} : vector<128x128xf32> to vector<8x128xf32>
    %swap3A_710 = arith.constant 344 : index
    %swap3A_711 = arith.constant 0 : index
    %swap3A_712 = vector.load %arg2[%swap3A_710, %swap3A_711] : memref<4096x128xf32, #tpu.memory_space<vmem>>, vector<8x128xf32>
    tpu.vector_store %arg2[%swap3A_710, %swap3A_711], %slice3A_709 {strides = array<i32>} : memref<4096x128xf32, #tpu.memory_space<vmem>>, vector<8x128xf32>,
    %slice3A_713 = vector.extract_strided_slice %transpose3A_660 {offsets = [104, 0], sizes = [8, 128], strides = [1, 1]} : vector<128x128xf32> to vector<8x128xf32>
    %swap3A_714 = arith.constant 1368 : index
    %swap3A_715 = arith.constant 0 : index
    %swap3A_716 = vector.load %arg2[%swap3A_714, %swap3A_715] : memref<4096x128xf32, #tpu.memory_space<vmem>>, vector<8x128xf32>
    tpu.vector_store %arg2[%swap3A_714, %swap3A_715], %slice3A_713 {strides = array<i32>} : memref<4096x128xf32, #tpu.memory_space<vmem>>, vector<8x128xf32>,
    %slice3A_717 = vector.extract_strided_slice %transpose3A_660 {offsets = [112, 0], sizes = [8, 128], strides = [1, 1]} : vector<128x128xf32> to vector<8x128xf32>
    %swap3A_718 = arith.constant 2392 : index
    %swap3A_719 = arith.constant 0 : index
    %swap3A_720 = vector.load %arg2[%swap3A_718, %swap3A_719] : memref<4096x128xf32, #tpu.memory_space<vmem>>, vector<8x128xf32>
    tpu.vector_store %arg2[%swap3A_718, %swap3A_719], %slice3A_717 {strides = array<i32>} : memref<4096x128xf32, #tpu.memory_space<vmem>>, vector<8x128xf32>,
    %slice3A_721 = vector.extract_strided_slice %transpose3A_660 {offsets = [120, 0], sizes = [8, 128], strides = [1, 1]} : vector<128x128xf32> to vector<8x128xf32>
    %swap3A_722 = arith.constant 3416 : index
    %swap3A_723 = arith.constant 0 : index
    %swap3A_724 = vector.load %arg2[%swap3A_722, %swap3A_723] : memref<4096x128xf32, #tpu.memory_space<vmem>>, vector<8x128xf32>
    tpu.vector_store %arg2[%swap3A_722, %swap3A_723], %slice3A_721 {strides = array<i32>} : memref<4096x128xf32, #tpu.memory_space<vmem>>, vector<8x128xf32>,
    %slice3A_725 = vector.extract_strided_slice %get3A_1 {offsets = [1408, 0], sizes = [128, 128], strides = [1, 1]} : vector<4096x128xf32> to vector<128x128xf32>
    %transpose3A_726 = tpu.transpose %slice3A_725, [1, 0] : vector<128x128xf32> -> vector<128x128xf32>
    %slice3A_727 = vector.extract_strided_slice %transpose3A_726 {offsets = [0, 0], sizes = [8, 128], strides = [1, 1]} : vector<128x128xf32> to vector<8x128xf32>
    %swap3A_728 = arith.constant 352 : index
    %swap3A_729 = arith.constant 0 : index
    %swap3A_730 = vector.load %arg2[%swap3A_728, %swap3A_729] : memref<4096x128xf32, #tpu.memory_space<vmem>>, vector<8x128xf32>
    tpu.vector_store %arg2[%swap3A_728, %swap3A_729], %slice3A_727 {strides = array<i32>} : memref<4096x128xf32, #tpu.memory_space<vmem>>, vector<8x128xf32>,
    %slice3A_731 = vector.extract_strided_slice %transpose3A_726 {offsets = [8, 0], sizes = [8, 128], strides = [1, 1]} : vector<128x128xf32> to vector<8x128xf32>
    %swap3A_732 = arith.constant 1376 : index
    %swap3A_733 = arith.constant 0 : index
    %swap3A_734 = vector.load %arg2[%swap3A_732, %swap3A_733] : memref<4096x128xf32, #tpu.memory_space<vmem>>, vector<8x128xf32>
    tpu.vector_store %arg2[%swap3A_732, %swap3A_733], %slice3A_731 {strides = array<i32>} : memref<4096x128xf32, #tpu.memory_space<vmem>>, vector<8x128xf32>,
    %slice3A_735 = vector.extract_strided_slice %transpose3A_726 {offsets = [16, 0], sizes = [8, 128], strides = [1, 1]} : vector<128x128xf32> to vector<8x128xf32>
    %swap3A_736 = arith.constant 2400 : index
    %swap3A_737 = arith.constant 0 : index
    %swap3A_738 = vector.load %arg2[%swap3A_736, %swap3A_737] : memref<4096x128xf32, #tpu.memory_space<vmem>>, vector<8x128xf32>
    tpu.vector_store %arg2[%swap3A_736, %swap3A_737], %slice3A_735 {strides = array<i32>} : memref<4096x128xf32, #tpu.memory_space<vmem>>, vector<8x128xf32>,
    %slice3A_739 = vector.extract_strided_slice %transpose3A_726 {offsets = [24, 0], sizes = [8, 128], strides = [1, 1]} : vector<128x128xf32> to vector<8x128xf32>
    %swap3A_740 = arith.constant 3424 : index
    %swap3A_741 = arith.constant 0 : index
    %swap3A_742 = vector.load %arg2[%swap3A_740, %swap3A_741] : memref<4096x128xf32, #tpu.memory_space<vmem>>, vector<8x128xf32>
    tpu.vector_store %arg2[%swap3A_740, %swap3A_741], %slice3A_739 {strides = array<i32>} : memref<4096x128xf32, #tpu.memory_space<vmem>>, vector<8x128xf32>,
    %slice3A_743 = vector.extract_strided_slice %transpose3A_726 {offsets = [32, 0], sizes = [8, 128], strides = [1, 1]} : vector<128x128xf32> to vector<8x128xf32>
    %swap3A_744 = arith.constant 360 : index
    %swap3A_745 = arith.constant 0 : index
    %swap3A_746 = vector.load %arg2[%swap3A_744, %swap3A_745] : memref<4096x128xf32, #tpu.memory_space<vmem>>, vector<8x128xf32>
    tpu.vector_store %arg2[%swap3A_744, %swap3A_745], %slice3A_743 {strides = array<i32>} : memref<4096x128xf32, #tpu.memory_space<vmem>>, vector<8x128xf32>,
    %slice3A_747 = vector.extract_strided_slice %transpose3A_726 {offsets = [40, 0], sizes = [8, 128], strides = [1, 1]} : vector<128x128xf32> to vector<8x128xf32>
    %swap3A_748 = arith.constant 1384 : index
    %swap3A_749 = arith.constant 0 : index
    %swap3A_750 = vector.load %arg2[%swap3A_748, %swap3A_749] : memref<4096x128xf32, #tpu.memory_space<vmem>>, vector<8x128xf32>
    tpu.vector_store %arg2[%swap3A_748, %swap3A_749], %slice3A_747 {strides = array<i32>} : memref<4096x128xf32, #tpu.memory_space<vmem>>, vector<8x128xf32>,
    %slice3A_751 = vector.extract_strided_slice %transpose3A_726 {offsets = [48, 0], sizes = [8, 128], strides = [1, 1]} : vector<128x128xf32> to vector<8x128xf32>
    %swap3A_752 = arith.constant 2408 : index
    %swap3A_753 = arith.constant 0 : index
    %swap3A_754 = vector.load %arg2[%swap3A_752, %swap3A_753] : memref<4096x128xf32, #tpu.memory_space<vmem>>, vector<8x128xf32>
    tpu.vector_store %arg2[%swap3A_752, %swap3A_753], %slice3A_751 {strides = array<i32>} : memref<4096x128xf32, #tpu.memory_space<vmem>>, vector<8x128xf32>,
    %slice3A_755 = vector.extract_strided_slice %transpose3A_726 {offsets = [56, 0], sizes = [8, 128], strides = [1, 1]} : vector<128x128xf32> to vector<8x128xf32>
    %swap3A_756 = arith.constant 3432 : index
    %swap3A_757 = arith.constant 0 : index
    %swap3A_758 = vector.load %arg2[%swap3A_756, %swap3A_757] : memref<4096x128xf32, #tpu.memory_space<vmem>>, vector<8x128xf32>
    tpu.vector_store %arg2[%swap3A_756, %swap3A_757], %slice3A_755 {strides = array<i32>} : memref<4096x128xf32, #tpu.memory_space<vmem>>, vector<8x128xf32>,
    %slice3A_759 = vector.extract_strided_slice %transpose3A_726 {offsets = [64, 0], sizes = [8, 128], strides = [1, 1]} : vector<128x128xf32> to vector<8x128xf32>
    %swap3A_760 = arith.constant 368 : index
    %swap3A_761 = arith.constant 0 : index
    %swap3A_762 = vector.load %arg2[%swap3A_760, %swap3A_761] : memref<4096x128xf32, #tpu.memory_space<vmem>>, vector<8x128xf32>
    tpu.vector_store %arg2[%swap3A_760, %swap3A_761], %slice3A_759 {strides = array<i32>} : memref<4096x128xf32, #tpu.memory_space<vmem>>, vector<8x128xf32>,
    %slice3A_763 = vector.extract_strided_slice %transpose3A_726 {offsets = [72, 0], sizes = [8, 128], strides = [1, 1]} : vector<128x128xf32> to vector<8x128xf32>
    %swap3A_764 = arith.constant 1392 : index
    %swap3A_765 = arith.constant 0 : index
    %swap3A_766 = vector.load %arg2[%swap3A_764, %swap3A_765] : memref<4096x128xf32, #tpu.memory_space<vmem>>, vector<8x128xf32>
    tpu.vector_store %arg2[%swap3A_764, %swap3A_765], %slice3A_763 {strides = array<i32>} : memref<4096x128xf32, #tpu.memory_space<vmem>>, vector<8x128xf32>,
    %slice3A_767 = vector.extract_strided_slice %transpose3A_726 {offsets = [80, 0], sizes = [8, 128], strides = [1, 1]} : vector<128x128xf32> to vector<8x128xf32>
    %swap3A_768 = arith.constant 2416 : index
    %swap3A_769 = arith.constant 0 : index
    %swap3A_770 = vector.load %arg2[%swap3A_768, %swap3A_769] : memref<4096x128xf32, #tpu.memory_space<vmem>>, vector<8x128xf32>
    tpu.vector_store %arg2[%swap3A_768, %swap3A_769], %slice3A_767 {strides = array<i32>} : memref<4096x128xf32, #tpu.memory_space<vmem>>, vector<8x128xf32>,
    %slice3A_771 = vector.extract_strided_slice %transpose3A_726 {offsets = [88, 0], sizes = [8, 128], strides = [1, 1]} : vector<128x128xf32> to vector<8x128xf32>
    %swap3A_772 = arith.constant 3440 : index
    %swap3A_773 = arith.constant 0 : index
    %swap3A_774 = vector.load %arg2[%swap3A_772, %swap3A_773] : memref<4096x128xf32, #tpu.memory_space<vmem>>, vector<8x128xf32>
    tpu.vector_store %arg2[%swap3A_772, %swap3A_773], %slice3A_771 {strides = array<i32>} : memref<4096x128xf32, #tpu.memory_space<vmem>>, vector<8x128xf32>,
    %slice3A_775 = vector.extract_strided_slice %transpose3A_726 {offsets = [96, 0], sizes = [8, 128], strides = [1, 1]} : vector<128x128xf32> to vector<8x128xf32>
    %swap3A_776 = arith.constant 376 : index
    %swap3A_777 = arith.constant 0 : index
    %swap3A_778 = vector.load %arg2[%swap3A_776, %swap3A_777] : memref<4096x128xf32, #tpu.memory_space<vmem>>, vector<8x128xf32>
    tpu.vector_store %arg2[%swap3A_776, %swap3A_777], %slice3A_775 {strides = array<i32>} : memref<4096x128xf32, #tpu.memory_space<vmem>>, vector<8x128xf32>,
    %slice3A_779 = vector.extract_strided_slice %transpose3A_726 {offsets = [104, 0], sizes = [8, 128], strides = [1, 1]} : vector<128x128xf32> to vector<8x128xf32>
    %swap3A_780 = arith.constant 1400 : index
    %swap3A_781 = arith.constant 0 : index
    %swap3A_782 = vector.load %arg2[%swap3A_780, %swap3A_781] : memref<4096x128xf32, #tpu.memory_space<vmem>>, vector<8x128xf32>
    tpu.vector_store %arg2[%swap3A_780, %swap3A_781], %slice3A_779 {strides = array<i32>} : memref<4096x128xf32, #tpu.memory_space<vmem>>, vector<8x128xf32>,
    %slice3A_783 = vector.extract_strided_slice %transpose3A_726 {offsets = [112, 0], sizes = [8, 128], strides = [1, 1]} : vector<128x128xf32> to vector<8x128xf32>
    %swap3A_784 = arith.constant 2424 : index
    %swap3A_785 = arith.constant 0 : index
    %swap3A_786 = vector.load %arg2[%swap3A_784, %swap3A_785] : memref<4096x128xf32, #tpu.memory_space<vmem>>, vector<8x128xf32>
    tpu.vector_store %arg2[%swap3A_784, %swap3A_785], %slice3A_783 {strides = array<i32>} : memref<4096x128xf32, #tpu.memory_space<vmem>>, vector<8x128xf32>,
    %slice3A_787 = vector.extract_strided_slice %transpose3A_726 {offsets = [120, 0], sizes = [8, 128], strides = [1, 1]} : vector<128x128xf32> to vector<8x128xf32>
    %swap3A_788 = arith.constant 3448 : index
    %swap3A_789 = arith.constant 0 : index
    %swap3A_790 = vector.load %arg2[%swap3A_788, %swap3A_789] : memref<4096x128xf32, #tpu.memory_space<vmem>>, vector<8x128xf32>
    tpu.vector_store %arg2[%swap3A_788, %swap3A_789], %slice3A_787 {strides = array<i32>} : memref<4096x128xf32, #tpu.memory_space<vmem>>, vector<8x128xf32>,
    %slice3A_791 = vector.extract_strided_slice %get3A_1 {offsets = [1536, 0], sizes = [128, 128], strides = [1, 1]} : vector<4096x128xf32> to vector<128x128xf32>
    %transpose3A_792 = tpu.transpose %slice3A_791, [1, 0] : vector<128x128xf32> -> vector<128x128xf32>
    %slice3A_793 = vector.extract_strided_slice %transpose3A_792 {offsets = [0, 0], sizes = [8, 128], strides = [1, 1]} : vector<128x128xf32> to vector<8x128xf32>
    %swap3A_794 = arith.constant 384 : index
    %swap3A_795 = arith.constant 0 : index
    %swap3A_796 = vector.load %arg2[%swap3A_794, %swap3A_795] : memref<4096x128xf32, #tpu.memory_space<vmem>>, vector<8x128xf32>
    tpu.vector_store %arg2[%swap3A_794, %swap3A_795], %slice3A_793 {strides = array<i32>} : memref<4096x128xf32, #tpu.memory_space<vmem>>, vector<8x128xf32>,
    %slice3A_797 = vector.extract_strided_slice %transpose3A_792 {offsets = [8, 0], sizes = [8, 128], strides = [1, 1]} : vector<128x128xf32> to vector<8x128xf32>
    %swap3A_798 = arith.constant 1408 : index
    %swap3A_799 = arith.constant 0 : index
    %swap3A_800 = vector.load %arg2[%swap3A_798, %swap3A_799] : memref<4096x128xf32, #tpu.memory_space<vmem>>, vector<8x128xf32>
    tpu.vector_store %arg2[%swap3A_798, %swap3A_799], %slice3A_797 {strides = array<i32>} : memref<4096x128xf32, #tpu.memory_space<vmem>>, vector<8x128xf32>,
    %slice3A_801 = vector.extract_strided_slice %transpose3A_792 {offsets = [16, 0], sizes = [8, 128], strides = [1, 1]} : vector<128x128xf32> to vector<8x128xf32>
    %swap3A_802 = arith.constant 2432 : index
    %swap3A_803 = arith.constant 0 : index
    %swap3A_804 = vector.load %arg2[%swap3A_802, %swap3A_803] : memref<4096x128xf32, #tpu.memory_space<vmem>>, vector<8x128xf32>
    tpu.vector_store %arg2[%swap3A_802, %swap3A_803], %slice3A_801 {strides = array<i32>} : memref<4096x128xf32, #tpu.memory_space<vmem>>, vector<8x128xf32>,
    %slice3A_805 = vector.extract_strided_slice %transpose3A_792 {offsets = [24, 0], sizes = [8, 128], strides = [1, 1]} : vector<128x128xf32> to vector<8x128xf32>
    %swap3A_806 = arith.constant 3456 : index
    %swap3A_807 = arith.constant 0 : index
    %swap3A_808 = vector.load %arg2[%swap3A_806, %swap3A_807] : memref<4096x128xf32, #tpu.memory_space<vmem>>, vector<8x128xf32>
    tpu.vector_store %arg2[%swap3A_806, %swap3A_807], %slice3A_805 {strides = array<i32>} : memref<4096x128xf32, #tpu.memory_space<vmem>>, vector<8x128xf32>,
    %slice3A_809 = vector.extract_strided_slice %transpose3A_792 {offsets = [32, 0], sizes = [8, 128], strides = [1, 1]} : vector<128x128xf32> to vector<8x128xf32>
    %swap3A_810 = arith.constant 392 : index
    %swap3A_811 = arith.constant 0 : index
    %swap3A_812 = vector.load %arg2[%swap3A_810, %swap3A_811] : memref<4096x128xf32, #tpu.memory_space<vmem>>, vector<8x128xf32>
    tpu.vector_store %arg2[%swap3A_810, %swap3A_811], %slice3A_809 {strides = array<i32>} : memref<4096x128xf32, #tpu.memory_space<vmem>>, vector<8x128xf32>,
    %slice3A_813 = vector.extract_strided_slice %transpose3A_792 {offsets = [40, 0], sizes = [8, 128], strides = [1, 1]} : vector<128x128xf32> to vector<8x128xf32>
    %swap3A_814 = arith.constant 1416 : index
    %swap3A_815 = arith.constant 0 : index
    %swap3A_816 = vector.load %arg2[%swap3A_814, %swap3A_815] : memref<4096x128xf32, #tpu.memory_space<vmem>>, vector<8x128xf32>
    tpu.vector_store %arg2[%swap3A_814, %swap3A_815], %slice3A_813 {strides = array<i32>} : memref<4096x128xf32, #tpu.memory_space<vmem>>, vector<8x128xf32>,
    %slice3A_817 = vector.extract_strided_slice %transpose3A_792 {offsets = [48, 0], sizes = [8, 128], strides = [1, 1]} : vector<128x128xf32> to vector<8x128xf32>
    %swap3A_818 = arith.constant 2440 : index
    %swap3A_819 = arith.constant 0 : index
    %swap3A_820 = vector.load %arg2[%swap3A_818, %swap3A_819] : memref<4096x128xf32, #tpu.memory_space<vmem>>, vector<8x128xf32>
    tpu.vector_store %arg2[%swap3A_818, %swap3A_819], %slice3A_817 {strides = array<i32>} : memref<4096x128xf32, #tpu.memory_space<vmem>>, vector<8x128xf32>,
    %slice3A_821 = vector.extract_strided_slice %transpose3A_792 {offsets = [56, 0], sizes = [8, 128], strides = [1, 1]} : vector<128x128xf32> to vector<8x128xf32>
    %swap3A_822 = arith.constant 3464 : index
    %swap3A_823 = arith.constant 0 : index
    %swap3A_824 = vector.load %arg2[%swap3A_822, %swap3A_823] : memref<4096x128xf32, #tpu.memory_space<vmem>>, vector<8x128xf32>
    tpu.vector_store %arg2[%swap3A_822, %swap3A_823], %slice3A_821 {strides = array<i32>} : memref<4096x128xf32, #tpu.memory_space<vmem>>, vector<8x128xf32>,
    %slice3A_825 = vector.extract_strided_slice %transpose3A_792 {offsets = [64, 0], sizes = [8, 128], strides = [1, 1]} : vector<128x128xf32> to vector<8x128xf32>
    %swap3A_826 = arith.constant 400 : index
    %swap3A_827 = arith.constant 0 : index
    %swap3A_828 = vector.load %arg2[%swap3A_826, %swap3A_827] : memref<4096x128xf32, #tpu.memory_space<vmem>>, vector<8x128xf32>
    tpu.vector_store %arg2[%swap3A_826, %swap3A_827], %slice3A_825 {strides = array<i32>} : memref<4096x128xf32, #tpu.memory_space<vmem>>, vector<8x128xf32>,
    %slice3A_829 = vector.extract_strided_slice %transpose3A_792 {offsets = [72, 0], sizes = [8, 128], strides = [1, 1]} : vector<128x128xf32> to vector<8x128xf32>
    %swap3A_830 = arith.constant 1424 : index
    %swap3A_831 = arith.constant 0 : index
    %swap3A_832 = vector.load %arg2[%swap3A_830, %swap3A_831] : memref<4096x128xf32, #tpu.memory_space<vmem>>, vector<8x128xf32>
    tpu.vector_store %arg2[%swap3A_830, %swap3A_831], %slice3A_829 {strides = array<i32>} : memref<4096x128xf32, #tpu.memory_space<vmem>>, vector<8x128xf32>,
    %slice3A_833 = vector.extract_strided_slice %transpose3A_792 {offsets = [80, 0], sizes = [8, 128], strides = [1, 1]} : vector<128x128xf32> to vector<8x128xf32>
    %swap3A_834 = arith.constant 2448 : index
    %swap3A_835 = arith.constant 0 : index
    %swap3A_836 = vector.load %arg2[%swap3A_834, %swap3A_835] : memref<4096x128xf32, #tpu.memory_space<vmem>>, vector<8x128xf32>
    tpu.vector_store %arg2[%swap3A_834, %swap3A_835], %slice3A_833 {strides = array<i32>} : memref<4096x128xf32, #tpu.memory_space<vmem>>, vector<8x128xf32>,
    %slice3A_837 = vector.extract_strided_slice %transpose3A_792 {offsets = [88, 0], sizes = [8, 128], strides = [1, 1]} : vector<128x128xf32> to vector<8x128xf32>
    %swap3A_838 = arith.constant 3472 : index
    %swap3A_839 = arith.constant 0 : index
    %swap3A_840 = vector.load %arg2[%swap3A_838, %swap3A_839] : memref<4096x128xf32, #tpu.memory_space<vmem>>, vector<8x128xf32>
    tpu.vector_store %arg2[%swap3A_838, %swap3A_839], %slice3A_837 {strides = array<i32>} : memref<4096x128xf32, #tpu.memory_space<vmem>>, vector<8x128xf32>,
    %slice3A_841 = vector.extract_strided_slice %transpose3A_792 {offsets = [96, 0], sizes = [8, 128], strides = [1, 1]} : vector<128x128xf32> to vector<8x128xf32>
    %swap3A_842 = arith.constant 408 : index
    %swap3A_843 = arith.constant 0 : index
    %swap3A_844 = vector.load %arg2[%swap3A_842, %swap3A_843] : memref<4096x128xf32, #tpu.memory_space<vmem>>, vector<8x128xf32>
    tpu.vector_store %arg2[%swap3A_842, %swap3A_843], %slice3A_841 {strides = array<i32>} : memref<4096x128xf32, #tpu.memory_space<vmem>>, vector<8x128xf32>,
    %slice3A_845 = vector.extract_strided_slice %transpose3A_792 {offsets = [104, 0], sizes = [8, 128], strides = [1, 1]} : vector<128x128xf32> to vector<8x128xf32>
    %swap3A_846 = arith.constant 1432 : index
    %swap3A_847 = arith.constant 0 : index
    %swap3A_848 = vector.load %arg2[%swap3A_846, %swap3A_847] : memref<4096x128xf32, #tpu.memory_space<vmem>>, vector<8x128xf32>
    tpu.vector_store %arg2[%swap3A_846, %swap3A_847], %slice3A_845 {strides = array<i32>} : memref<4096x128xf32, #tpu.memory_space<vmem>>, vector<8x128xf32>,
    %slice3A_849 = vector.extract_strided_slice %transpose3A_792 {offsets = [112, 0], sizes = [8, 128], strides = [1, 1]} : vector<128x128xf32> to vector<8x128xf32>
    %swap3A_850 = arith.constant 2456 : index
    %swap3A_851 = arith.constant 0 : index
    %swap3A_852 = vector.load %arg2[%swap3A_850, %swap3A_851] : memref<4096x128xf32, #tpu.memory_space<vmem>>, vector<8x128xf32>
    tpu.vector_store %arg2[%swap3A_850, %swap3A_851], %slice3A_849 {strides = array<i32>} : memref<4096x128xf32, #tpu.memory_space<vmem>>, vector<8x128xf32>,
    %slice3A_853 = vector.extract_strided_slice %transpose3A_792 {offsets = [120, 0], sizes = [8, 128], strides = [1, 1]} : vector<128x128xf32> to vector<8x128xf32>
    %swap3A_854 = arith.constant 3480 : index
    %swap3A_855 = arith.constant 0 : index
    %swap3A_856 = vector.load %arg2[%swap3A_854, %swap3A_855] : memref<4096x128xf32, #tpu.memory_space<vmem>>, vector<8x128xf32>
    tpu.vector_store %arg2[%swap3A_854, %swap3A_855], %slice3A_853 {strides = array<i32>} : memref<4096x128xf32, #tpu.memory_space<vmem>>, vector<8x128xf32>,
    %slice3A_857 = vector.extract_strided_slice %get3A_1 {offsets = [1664, 0], sizes = [128, 128], strides = [1, 1]} : vector<4096x128xf32> to vector<128x128xf32>
    %transpose3A_858 = tpu.transpose %slice3A_857, [1, 0] : vector<128x128xf32> -> vector<128x128xf32>
    %slice3A_859 = vector.extract_strided_slice %transpose3A_858 {offsets = [0, 0], sizes = [8, 128], strides = [1, 1]} : vector<128x128xf32> to vector<8x128xf32>
    %swap3A_860 = arith.constant 416 : index
    %swap3A_861 = arith.constant 0 : index
    %swap3A_862 = vector.load %arg2[%swap3A_860, %swap3A_861] : memref<4096x128xf32, #tpu.memory_space<vmem>>, vector<8x128xf32>
    tpu.vector_store %arg2[%swap3A_860, %swap3A_861], %slice3A_859 {strides = array<i32>} : memref<4096x128xf32, #tpu.memory_space<vmem>>, vector<8x128xf32>,
    %slice3A_863 = vector.extract_strided_slice %transpose3A_858 {offsets = [8, 0], sizes = [8, 128], strides = [1, 1]} : vector<128x128xf32> to vector<8x128xf32>
    %swap3A_864 = arith.constant 1440 : index
    %swap3A_865 = arith.constant 0 : index
    %swap3A_866 = vector.load %arg2[%swap3A_864, %swap3A_865] : memref<4096x128xf32, #tpu.memory_space<vmem>>, vector<8x128xf32>
    tpu.vector_store %arg2[%swap3A_864, %swap3A_865], %slice3A_863 {strides = array<i32>} : memref<4096x128xf32, #tpu.memory_space<vmem>>, vector<8x128xf32>,
    %slice3A_867 = vector.extract_strided_slice %transpose3A_858 {offsets = [16, 0], sizes = [8, 128], strides = [1, 1]} : vector<128x128xf32> to vector<8x128xf32>
    %swap3A_868 = arith.constant 2464 : index
    %swap3A_869 = arith.constant 0 : index
    %swap3A_870 = vector.load %arg2[%swap3A_868, %swap3A_869] : memref<4096x128xf32, #tpu.memory_space<vmem>>, vector<8x128xf32>
    tpu.vector_store %arg2[%swap3A_868, %swap3A_869], %slice3A_867 {strides = array<i32>} : memref<4096x128xf32, #tpu.memory_space<vmem>>, vector<8x128xf32>,
    %slice3A_871 = vector.extract_strided_slice %transpose3A_858 {offsets = [24, 0], sizes = [8, 128], strides = [1, 1]} : vector<128x128xf32> to vector<8x128xf32>
    %swap3A_872 = arith.constant 3488 : index
    %swap3A_873 = arith.constant 0 : index
    %swap3A_874 = vector.load %arg2[%swap3A_872, %swap3A_873] : memref<4096x128xf32, #tpu.memory_space<vmem>>, vector<8x128xf32>
    tpu.vector_store %arg2[%swap3A_872, %swap3A_873], %slice3A_871 {strides = array<i32>} : memref<4096x128xf32, #tpu.memory_space<vmem>>, vector<8x128xf32>,
    %slice3A_875 = vector.extract_strided_slice %transpose3A_858 {offsets = [32, 0], sizes = [8, 128], strides = [1, 1]} : vector<128x128xf32> to vector<8x128xf32>
    %swap3A_876 = arith.constant 424 : index
    %swap3A_877 = arith.constant 0 : index
    %swap3A_878 = vector.load %arg2[%swap3A_876, %swap3A_877] : memref<4096x128xf32, #tpu.memory_space<vmem>>, vector<8x128xf32>
    tpu.vector_store %arg2[%swap3A_876, %swap3A_877], %slice3A_875 {strides = array<i32>} : memref<4096x128xf32, #tpu.memory_space<vmem>>, vector<8x128xf32>,
    %slice3A_879 = vector.extract_strided_slice %transpose3A_858 {offsets = [40, 0], sizes = [8, 128], strides = [1, 1]} : vector<128x128xf32> to vector<8x128xf32>
    %swap3A_880 = arith.constant 1448 : index
    %swap3A_881 = arith.constant 0 : index
    %swap3A_882 = vector.load %arg2[%swap3A_880, %swap3A_881] : memref<4096x128xf32, #tpu.memory_space<vmem>>, vector<8x128xf32>
    tpu.vector_store %arg2[%swap3A_880, %swap3A_881], %slice3A_879 {strides = array<i32>} : memref<4096x128xf32, #tpu.memory_space<vmem>>, vector<8x128xf32>,
    %slice3A_883 = vector.extract_strided_slice %transpose3A_858 {offsets = [48, 0], sizes = [8, 128], strides = [1, 1]} : vector<128x128xf32> to vector<8x128xf32>
    %swap3A_884 = arith.constant 2472 : index
    %swap3A_885 = arith.constant 0 : index
    %swap3A_886 = vector.load %arg2[%swap3A_884, %swap3A_885] : memref<4096x128xf32, #tpu.memory_space<vmem>>, vector<8x128xf32>
    tpu.vector_store %arg2[%swap3A_884, %swap3A_885], %slice3A_883 {strides = array<i32>} : memref<4096x128xf32, #tpu.memory_space<vmem>>, vector<8x128xf32>,
    %slice3A_887 = vector.extract_strided_slice %transpose3A_858 {offsets = [56, 0], sizes = [8, 128], strides = [1, 1]} : vector<128x128xf32> to vector<8x128xf32>
    %swap3A_888 = arith.constant 3496 : index
    %swap3A_889 = arith.constant 0 : index
    %swap3A_890 = vector.load %arg2[%swap3A_888, %swap3A_889] : memref<4096x128xf32, #tpu.memory_space<vmem>>, vector<8x128xf32>
    tpu.vector_store %arg2[%swap3A_888, %swap3A_889], %slice3A_887 {strides = array<i32>} : memref<4096x128xf32, #tpu.memory_space<vmem>>, vector<8x128xf32>,
    %slice3A_891 = vector.extract_strided_slice %transpose3A_858 {offsets = [64, 0], sizes = [8, 128], strides = [1, 1]} : vector<128x128xf32> to vector<8x128xf32>
    %swap3A_892 = arith.constant 432 : index
    %swap3A_893 = arith.constant 0 : index
    %swap3A_894 = vector.load %arg2[%swap3A_892, %swap3A_893] : memref<4096x128xf32, #tpu.memory_space<vmem>>, vector<8x128xf32>
    tpu.vector_store %arg2[%swap3A_892, %swap3A_893], %slice3A_891 {strides = array<i32>} : memref<4096x128xf32, #tpu.memory_space<vmem>>, vector<8x128xf32>,
    %slice3A_895 = vector.extract_strided_slice %transpose3A_858 {offsets = [72, 0], sizes = [8, 128], strides = [1, 1]} : vector<128x128xf32> to vector<8x128xf32>
    %swap3A_896 = arith.constant 1456 : index
    %swap3A_897 = arith.constant 0 : index
    %swap3A_898 = vector.load %arg2[%swap3A_896, %swap3A_897] : memref<4096x128xf32, #tpu.memory_space<vmem>>, vector<8x128xf32>
    tpu.vector_store %arg2[%swap3A_896, %swap3A_897], %slice3A_895 {strides = array<i32>} : memref<4096x128xf32, #tpu.memory_space<vmem>>, vector<8x128xf32>,
    %slice3A_899 = vector.extract_strided_slice %transpose3A_858 {offsets = [80, 0], sizes = [8, 128], strides = [1, 1]} : vector<128x128xf32> to vector<8x128xf32>
    %swap3A_900 = arith.constant 2480 : index
    %swap3A_901 = arith.constant 0 : index
    %swap3A_902 = vector.load %arg2[%swap3A_900, %swap3A_901] : memref<4096x128xf32, #tpu.memory_space<vmem>>, vector<8x128xf32>
    tpu.vector_store %arg2[%swap3A_900, %swap3A_901], %slice3A_899 {strides = array<i32>} : memref<4096x128xf32, #tpu.memory_space<vmem>>, vector<8x128xf32>,
    %slice3A_903 = vector.extract_strided_slice %transpose3A_858 {offsets = [88, 0], sizes = [8, 128], strides = [1, 1]} : vector<128x128xf32> to vector<8x128xf32>
    %swap3A_904 = arith.constant 3504 : index
    %swap3A_905 = arith.constant 0 : index
    %swap3A_906 = vector.load %arg2[%swap3A_904, %swap3A_905] : memref<4096x128xf32, #tpu.memory_space<vmem>>, vector<8x128xf32>
    tpu.vector_store %arg2[%swap3A_904, %swap3A_905], %slice3A_903 {strides = array<i32>} : memref<4096x128xf32, #tpu.memory_space<vmem>>, vector<8x128xf32>,
    %slice3A_907 = vector.extract_strided_slice %transpose3A_858 {offsets = [96, 0], sizes = [8, 128], strides = [1, 1]} : vector<128x128xf32> to vector<8x128xf32>
    %swap3A_908 = arith.constant 440 : index
    %swap3A_909 = arith.constant 0 : index
    %swap3A_910 = vector.load %arg2[%swap3A_908, %swap3A_909] : memref<4096x128xf32, #tpu.memory_space<vmem>>, vector<8x128xf32>
    tpu.vector_store %arg2[%swap3A_908, %swap3A_909], %slice3A_907 {strides = array<i32>} : memref<4096x128xf32, #tpu.memory_space<vmem>>, vector<8x128xf32>,
    %slice3A_911 = vector.extract_strided_slice %transpose3A_858 {offsets = [104, 0], sizes = [8, 128], strides = [1, 1]} : vector<128x128xf32> to vector<8x128xf32>
    %swap3A_912 = arith.constant 1464 : index
    %swap3A_913 = arith.constant 0 : index
    %swap3A_914 = vector.load %arg2[%swap3A_912, %swap3A_913] : memref<4096x128xf32, #tpu.memory_space<vmem>>, vector<8x128xf32>
    tpu.vector_store %arg2[%swap3A_912, %swap3A_913], %slice3A_911 {strides = array<i32>} : memref<4096x128xf32, #tpu.memory_space<vmem>>, vector<8x128xf32>,
    %slice3A_915 = vector.extract_strided_slice %transpose3A_858 {offsets = [112, 0], sizes = [8, 128], strides = [1, 1]} : vector<128x128xf32> to vector<8x128xf32>
    %swap3A_916 = arith.constant 2488 : index
    %swap3A_917 = arith.constant 0 : index
    %swap3A_918 = vector.load %arg2[%swap3A_916, %swap3A_917] : memref<4096x128xf32, #tpu.memory_space<vmem>>, vector<8x128xf32>
    tpu.vector_store %arg2[%swap3A_916, %swap3A_917], %slice3A_915 {strides = array<i32>} : memref<4096x128xf32, #tpu.memory_space<vmem>>, vector<8x128xf32>,
    %slice3A_919 = vector.extract_strided_slice %transpose3A_858 {offsets = [120, 0], sizes = [8, 128], strides = [1, 1]} : vector<128x128xf32> to vector<8x128xf32>
    %swap3A_920 = arith.constant 3512 : index
    %swap3A_921 = arith.constant 0 : index
    %swap3A_922 = vector.load %arg2[%swap3A_920, %swap3A_921] : memref<4096x128xf32, #tpu.memory_space<vmem>>, vector<8x128xf32>
    tpu.vector_store %arg2[%swap3A_920, %swap3A_921], %slice3A_919 {strides = array<i32>} : memref<4096x128xf32, #tpu.memory_space<vmem>>, vector<8x128xf32>,
    %slice3A_923 = vector.extract_strided_slice %get3A_1 {offsets = [1792, 0], sizes = [128, 128], strides = [1, 1]} : vector<4096x128xf32> to vector<128x128xf32>
    %transpose3A_924 = tpu.transpose %slice3A_923, [1, 0] : vector<128x128xf32> -> vector<128x128xf32>
    %slice3A_925 = vector.extract_strided_slice %transpose3A_924 {offsets = [0, 0], sizes = [8, 128], strides = [1, 1]} : vector<128x128xf32> to vector<8x128xf32>
    %swap3A_926 = arith.constant 448 : index
    %swap3A_927 = arith.constant 0 : index
    %swap3A_928 = vector.load %arg2[%swap3A_926, %swap3A_927] : memref<4096x128xf32, #tpu.memory_space<vmem>>, vector<8x128xf32>
    tpu.vector_store %arg2[%swap3A_926, %swap3A_927], %slice3A_925 {strides = array<i32>} : memref<4096x128xf32, #tpu.memory_space<vmem>>, vector<8x128xf32>,
    %slice3A_929 = vector.extract_strided_slice %transpose3A_924 {offsets = [8, 0], sizes = [8, 128], strides = [1, 1]} : vector<128x128xf32> to vector<8x128xf32>
    %swap3A_930 = arith.constant 1472 : index
    %swap3A_931 = arith.constant 0 : index
    %swap3A_932 = vector.load %arg2[%swap3A_930, %swap3A_931] : memref<4096x128xf32, #tpu.memory_space<vmem>>, vector<8x128xf32>
    tpu.vector_store %arg2[%swap3A_930, %swap3A_931], %slice3A_929 {strides = array<i32>} : memref<4096x128xf32, #tpu.memory_space<vmem>>, vector<8x128xf32>,
    %slice3A_933 = vector.extract_strided_slice %transpose3A_924 {offsets = [16, 0], sizes = [8, 128], strides = [1, 1]} : vector<128x128xf32> to vector<8x128xf32>
    %swap3A_934 = arith.constant 2496 : index
    %swap3A_935 = arith.constant 0 : index
    %swap3A_936 = vector.load %arg2[%swap3A_934, %swap3A_935] : memref<4096x128xf32, #tpu.memory_space<vmem>>, vector<8x128xf32>
    tpu.vector_store %arg2[%swap3A_934, %swap3A_935], %slice3A_933 {strides = array<i32>} : memref<4096x128xf32, #tpu.memory_space<vmem>>, vector<8x128xf32>,
    %slice3A_937 = vector.extract_strided_slice %transpose3A_924 {offsets = [24, 0], sizes = [8, 128], strides = [1, 1]} : vector<128x128xf32> to vector<8x128xf32>
    %swap3A_938 = arith.constant 3520 : index
    %swap3A_939 = arith.constant 0 : index
    %swap3A_940 = vector.load %arg2[%swap3A_938, %swap3A_939] : memref<4096x128xf32, #tpu.memory_space<vmem>>, vector<8x128xf32>
    tpu.vector_store %arg2[%swap3A_938, %swap3A_939], %slice3A_937 {strides = array<i32>} : memref<4096x128xf32, #tpu.memory_space<vmem>>, vector<8x128xf32>,
    %slice3A_941 = vector.extract_strided_slice %transpose3A_924 {offsets = [32, 0], sizes = [8, 128], strides = [1, 1]} : vector<128x128xf32> to vector<8x128xf32>
    %swap3A_942 = arith.constant 456 : index
    %swap3A_943 = arith.constant 0 : index
    %swap3A_944 = vector.load %arg2[%swap3A_942, %swap3A_943] : memref<4096x128xf32, #tpu.memory_space<vmem>>, vector<8x128xf32>
    tpu.vector_store %arg2[%swap3A_942, %swap3A_943], %slice3A_941 {strides = array<i32>} : memref<4096x128xf32, #tpu.memory_space<vmem>>, vector<8x128xf32>,
    %slice3A_945 = vector.extract_strided_slice %transpose3A_924 {offsets = [40, 0], sizes = [8, 128], strides = [1, 1]} : vector<128x128xf32> to vector<8x128xf32>
    %swap3A_946 = arith.constant 1480 : index
    %swap3A_947 = arith.constant 0 : index
    %swap3A_948 = vector.load %arg2[%swap3A_946, %swap3A_947] : memref<4096x128xf32, #tpu.memory_space<vmem>>, vector<8x128xf32>
    tpu.vector_store %arg2[%swap3A_946, %swap3A_947], %slice3A_945 {strides = array<i32>} : memref<4096x128xf32, #tpu.memory_space<vmem>>, vector<8x128xf32>,
    %slice3A_949 = vector.extract_strided_slice %transpose3A_924 {offsets = [48, 0], sizes = [8, 128], strides = [1, 1]} : vector<128x128xf32> to vector<8x128xf32>
    %swap3A_950 = arith.constant 2504 : index
    %swap3A_951 = arith.constant 0 : index
    %swap3A_952 = vector.load %arg2[%swap3A_950, %swap3A_951] : memref<4096x128xf32, #tpu.memory_space<vmem>>, vector<8x128xf32>
    tpu.vector_store %arg2[%swap3A_950, %swap3A_951], %slice3A_949 {strides = array<i32>} : memref<4096x128xf32, #tpu.memory_space<vmem>>, vector<8x128xf32>,
    %slice3A_953 = vector.extract_strided_slice %transpose3A_924 {offsets = [56, 0], sizes = [8, 128], strides = [1, 1]} : vector<128x128xf32> to vector<8x128xf32>
    %swap3A_954 = arith.constant 3528 : index
    %swap3A_955 = arith.constant 0 : index
    %swap3A_956 = vector.load %arg2[%swap3A_954, %swap3A_955] : memref<4096x128xf32, #tpu.memory_space<vmem>>, vector<8x128xf32>
    tpu.vector_store %arg2[%swap3A_954, %swap3A_955], %slice3A_953 {strides = array<i32>} : memref<4096x128xf32, #tpu.memory_space<vmem>>, vector<8x128xf32>,
    %slice3A_957 = vector.extract_strided_slice %transpose3A_924 {offsets = [64, 0], sizes = [8, 128], strides = [1, 1]} : vector<128x128xf32> to vector<8x128xf32>
    %swap3A_958 = arith.constant 464 : index
    %swap3A_959 = arith.constant 0 : index
    %swap3A_960 = vector.load %arg2[%swap3A_958, %swap3A_959] : memref<4096x128xf32, #tpu.memory_space<vmem>>, vector<8x128xf32>
    tpu.vector_store %arg2[%swap3A_958, %swap3A_959], %slice3A_957 {strides = array<i32>} : memref<4096x128xf32, #tpu.memory_space<vmem>>, vector<8x128xf32>,
    %slice3A_961 = vector.extract_strided_slice %transpose3A_924 {offsets = [72, 0], sizes = [8, 128], strides = [1, 1]} : vector<128x128xf32> to vector<8x128xf32>
    %swap3A_962 = arith.constant 1488 : index
    %swap3A_963 = arith.constant 0 : index
    %swap3A_964 = vector.load %arg2[%swap3A_962, %swap3A_963] : memref<4096x128xf32, #tpu.memory_space<vmem>>, vector<8x128xf32>
    tpu.vector_store %arg2[%swap3A_962, %swap3A_963], %slice3A_961 {strides = array<i32>} : memref<4096x128xf32, #tpu.memory_space<vmem>>, vector<8x128xf32>,
    %slice3A_965 = vector.extract_strided_slice %transpose3A_924 {offsets = [80, 0], sizes = [8, 128], strides = [1, 1]} : vector<128x128xf32> to vector<8x128xf32>
    %swap3A_966 = arith.constant 2512 : index
    %swap3A_967 = arith.constant 0 : index
    %swap3A_968 = vector.load %arg2[%swap3A_966, %swap3A_967] : memref<4096x128xf32, #tpu.memory_space<vmem>>, vector<8x128xf32>
    tpu.vector_store %arg2[%swap3A_966, %swap3A_967], %slice3A_965 {strides = array<i32>} : memref<4096x128xf32, #tpu.memory_space<vmem>>, vector<8x128xf32>,
    %slice3A_969 = vector.extract_strided_slice %transpose3A_924 {offsets = [88, 0], sizes = [8, 128], strides = [1, 1]} : vector<128x128xf32> to vector<8x128xf32>
    %swap3A_970 = arith.constant 3536 : index
    %swap3A_971 = arith.constant 0 : index
    %swap3A_972 = vector.load %arg2[%swap3A_970, %swap3A_971] : memref<4096x128xf32, #tpu.memory_space<vmem>>, vector<8x128xf32>
    tpu.vector_store %arg2[%swap3A_970, %swap3A_971], %slice3A_969 {strides = array<i32>} : memref<4096x128xf32, #tpu.memory_space<vmem>>, vector<8x128xf32>,
    %slice3A_973 = vector.extract_strided_slice %transpose3A_924 {offsets = [96, 0], sizes = [8, 128], strides = [1, 1]} : vector<128x128xf32> to vector<8x128xf32>
    %swap3A_974 = arith.constant 472 : index
    %swap3A_975 = arith.constant 0 : index
    %swap3A_976 = vector.load %arg2[%swap3A_974, %swap3A_975] : memref<4096x128xf32, #tpu.memory_space<vmem>>, vector<8x128xf32>
    tpu.vector_store %arg2[%swap3A_974, %swap3A_975], %slice3A_973 {strides = array<i32>} : memref<4096x128xf32, #tpu.memory_space<vmem>>, vector<8x128xf32>,
    %slice3A_977 = vector.extract_strided_slice %transpose3A_924 {offsets = [104, 0], sizes = [8, 128], strides = [1, 1]} : vector<128x128xf32> to vector<8x128xf32>
    %swap3A_978 = arith.constant 1496 : index
    %swap3A_979 = arith.constant 0 : index
    %swap3A_980 = vector.load %arg2[%swap3A_978, %swap3A_979] : memref<4096x128xf32, #tpu.memory_space<vmem>>, vector<8x128xf32>
    tpu.vector_store %arg2[%swap3A_978, %swap3A_979], %slice3A_977 {strides = array<i32>} : memref<4096x128xf32, #tpu.memory_space<vmem>>, vector<8x128xf32>,
    %slice3A_981 = vector.extract_strided_slice %transpose3A_924 {offsets = [112, 0], sizes = [8, 128], strides = [1, 1]} : vector<128x128xf32> to vector<8x128xf32>
    %swap3A_982 = arith.constant 2520 : index
    %swap3A_983 = arith.constant 0 : index
    %swap3A_984 = vector.load %arg2[%swap3A_982, %swap3A_983] : memref<4096x128xf32, #tpu.memory_space<vmem>>, vector<8x128xf32>
    tpu.vector_store %arg2[%swap3A_982, %swap3A_983], %slice3A_981 {strides = array<i32>} : memref<4096x128xf32, #tpu.memory_space<vmem>>, vector<8x128xf32>,
    %slice3A_985 = vector.extract_strided_slice %transpose3A_924 {offsets = [120, 0], sizes = [8, 128], strides = [1, 1]} : vector<128x128xf32> to vector<8x128xf32>
    %swap3A_986 = arith.constant 3544 : index
    %swap3A_987 = arith.constant 0 : index
    %swap3A_988 = vector.load %arg2[%swap3A_986, %swap3A_987] : memref<4096x128xf32, #tpu.memory_space<vmem>>, vector<8x128xf32>
    tpu.vector_store %arg2[%swap3A_986, %swap3A_987], %slice3A_985 {strides = array<i32>} : memref<4096x128xf32, #tpu.memory_space<vmem>>, vector<8x128xf32>,
    %slice3A_989 = vector.extract_strided_slice %get3A_1 {offsets = [1920, 0], sizes = [128, 128], strides = [1, 1]} : vector<4096x128xf32> to vector<128x128xf32>
    %transpose3A_990 = tpu.transpose %slice3A_989, [1, 0] : vector<128x128xf32> -> vector<128x128xf32>
    %slice3A_991 = vector.extract_strided_slice %transpose3A_990 {offsets = [0, 0], sizes = [8, 128], strides = [1, 1]} : vector<128x128xf32> to vector<8x128xf32>
    %swap3A_992 = arith.constant 480 : index
    %swap3A_993 = arith.constant 0 : index
    %swap3A_994 = vector.load %arg2[%swap3A_992, %swap3A_993] : memref<4096x128xf32, #tpu.memory_space<vmem>>, vector<8x128xf32>
    tpu.vector_store %arg2[%swap3A_992, %swap3A_993], %slice3A_991 {strides = array<i32>} : memref<4096x128xf32, #tpu.memory_space<vmem>>, vector<8x128xf32>,
    %slice3A_995 = vector.extract_strided_slice %transpose3A_990 {offsets = [8, 0], sizes = [8, 128], strides = [1, 1]} : vector<128x128xf32> to vector<8x128xf32>
    %swap3A_996 = arith.constant 1504 : index
    %swap3A_997 = arith.constant 0 : index
    %swap3A_998 = vector.load %arg2[%swap3A_996, %swap3A_997] : memref<4096x128xf32, #tpu.memory_space<vmem>>, vector<8x128xf32>
    tpu.vector_store %arg2[%swap3A_996, %swap3A_997], %slice3A_995 {strides = array<i32>} : memref<4096x128xf32, #tpu.memory_space<vmem>>, vector<8x128xf32>,
    %slice3A_999 = vector.extract_strided_slice %transpose3A_990 {offsets = [16, 0], sizes = [8, 128], strides = [1, 1]} : vector<128x128xf32> to vector<8x128xf32>
    %swap3A_1000 = arith.constant 2528 : index
    %swap3A_1001 = arith.constant 0 : index
    %swap3A_1002 = vector.load %arg2[%swap3A_1000, %swap3A_1001] : memref<4096x128xf32, #tpu.memory_space<vmem>>, vector<8x128xf32>
    tpu.vector_store %arg2[%swap3A_1000, %swap3A_1001], %slice3A_999 {strides = array<i32>} : memref<4096x128xf32, #tpu.memory_space<vmem>>, vector<8x128xf32>,
    %slice3A_1003 = vector.extract_strided_slice %transpose3A_990 {offsets = [24, 0], sizes = [8, 128], strides = [1, 1]} : vector<128x128xf32> to vector<8x128xf32>
    %swap3A_1004 = arith.constant 3552 : index
    %swap3A_1005 = arith.constant 0 : index
    %swap3A_1006 = vector.load %arg2[%swap3A_1004, %swap3A_1005] : memref<4096x128xf32, #tpu.memory_space<vmem>>, vector<8x128xf32>
    tpu.vector_store %arg2[%swap3A_1004, %swap3A_1005], %slice3A_1003 {strides = array<i32>} : memref<4096x128xf32, #tpu.memory_space<vmem>>, vector<8x128xf32>,
    %slice3A_1007 = vector.extract_strided_slice %transpose3A_990 {offsets = [32, 0], sizes = [8, 128], strides = [1, 1]} : vector<128x128xf32> to vector<8x128xf32>
    %swap3A_1008 = arith.constant 488 : index
    %swap3A_1009 = arith.constant 0 : index
    %swap3A_1010 = vector.load %arg2[%swap3A_1008, %swap3A_1009] : memref<4096x128xf32, #tpu.memory_space<vmem>>, vector<8x128xf32>
    tpu.vector_store %arg2[%swap3A_1008, %swap3A_1009], %slice3A_1007 {strides = array<i32>} : memref<4096x128xf32, #tpu.memory_space<vmem>>, vector<8x128xf32>,
    %slice3A_1011 = vector.extract_strided_slice %transpose3A_990 {offsets = [40, 0], sizes = [8, 128], strides = [1, 1]} : vector<128x128xf32> to vector<8x128xf32>
    %swap3A_1012 = arith.constant 1512 : index
    %swap3A_1013 = arith.constant 0 : index
    %swap3A_1014 = vector.load %arg2[%swap3A_1012, %swap3A_1013] : memref<4096x128xf32, #tpu.memory_space<vmem>>, vector<8x128xf32>
    tpu.vector_store %arg2[%swap3A_1012, %swap3A_1013], %slice3A_1011 {strides = array<i32>} : memref<4096x128xf32, #tpu.memory_space<vmem>>, vector<8x128xf32>,
    %slice3A_1015 = vector.extract_strided_slice %transpose3A_990 {offsets = [48, 0], sizes = [8, 128], strides = [1, 1]} : vector<128x128xf32> to vector<8x128xf32>
    %swap3A_1016 = arith.constant 2536 : index
    %swap3A_1017 = arith.constant 0 : index
    %swap3A_1018 = vector.load %arg2[%swap3A_1016, %swap3A_1017] : memref<4096x128xf32, #tpu.memory_space<vmem>>, vector<8x128xf32>
    tpu.vector_store %arg2[%swap3A_1016, %swap3A_1017], %slice3A_1015 {strides = array<i32>} : memref<4096x128xf32, #tpu.memory_space<vmem>>, vector<8x128xf32>,
    %slice3A_1019 = vector.extract_strided_slice %transpose3A_990 {offsets = [56, 0], sizes = [8, 128], strides = [1, 1]} : vector<128x128xf32> to vector<8x128xf32>
    %swap3A_1020 = arith.constant 3560 : index
    %swap3A_1021 = arith.constant 0 : index
    %swap3A_1022 = vector.load %arg2[%swap3A_1020, %swap3A_1021] : memref<4096x128xf32, #tpu.memory_space<vmem>>, vector<8x128xf32>
    tpu.vector_store %arg2[%swap3A_1020, %swap3A_1021], %slice3A_1019 {strides = array<i32>} : memref<4096x128xf32, #tpu.memory_space<vmem>>, vector<8x128xf32>,
    %slice3A_1023 = vector.extract_strided_slice %transpose3A_990 {offsets = [64, 0], sizes = [8, 128], strides = [1, 1]} : vector<128x128xf32> to vector<8x128xf32>
    %swap3A_1024 = arith.constant 496 : index
    %swap3A_1025 = arith.constant 0 : index
    %swap3A_1026 = vector.load %arg2[%swap3A_1024, %swap3A_1025] : memref<4096x128xf32, #tpu.memory_space<vmem>>, vector<8x128xf32>
    tpu.vector_store %arg2[%swap3A_1024, %swap3A_1025], %slice3A_1023 {strides = array<i32>} : memref<4096x128xf32, #tpu.memory_space<vmem>>, vector<8x128xf32>,
    %slice3A_1027 = vector.extract_strided_slice %transpose3A_990 {offsets = [72, 0], sizes = [8, 128], strides = [1, 1]} : vector<128x128xf32> to vector<8x128xf32>
    %swap3A_1028 = arith.constant 1520 : index
    %swap3A_1029 = arith.constant 0 : index
    %swap3A_1030 = vector.load %arg2[%swap3A_1028, %swap3A_1029] : memref<4096x128xf32, #tpu.memory_space<vmem>>, vector<8x128xf32>
    tpu.vector_store %arg2[%swap3A_1028, %swap3A_1029], %slice3A_1027 {strides = array<i32>} : memref<4096x128xf32, #tpu.memory_space<vmem>>, vector<8x128xf32>,
    %slice3A_1031 = vector.extract_strided_slice %transpose3A_990 {offsets = [80, 0], sizes = [8, 128], strides = [1, 1]} : vector<128x128xf32> to vector<8x128xf32>
    %swap3A_1032 = arith.constant 2544 : index
    %swap3A_1033 = arith.constant 0 : index
    %swap3A_1034 = vector.load %arg2[%swap3A_1032, %swap3A_1033] : memref<4096x128xf32, #tpu.memory_space<vmem>>, vector<8x128xf32>
    tpu.vector_store %arg2[%swap3A_1032, %swap3A_1033], %slice3A_1031 {strides = array<i32>} : memref<4096x128xf32, #tpu.memory_space<vmem>>, vector<8x128xf32>,
    %slice3A_1035 = vector.extract_strided_slice %transpose3A_990 {offsets = [88, 0], sizes = [8, 128], strides = [1, 1]} : vector<128x128xf32> to vector<8x128xf32>
    %swap3A_1036 = arith.constant 3568 : index
    %swap3A_1037 = arith.constant 0 : index
    %swap3A_1038 = vector.load %arg2[%swap3A_1036, %swap3A_1037] : memref<4096x128xf32, #tpu.memory_space<vmem>>, vector<8x128xf32>
    tpu.vector_store %arg2[%swap3A_1036, %swap3A_1037], %slice3A_1035 {strides = array<i32>} : memref<4096x128xf32, #tpu.memory_space<vmem>>, vector<8x128xf32>,
    %slice3A_1039 = vector.extract_strided_slice %transpose3A_990 {offsets = [96, 0], sizes = [8, 128], strides = [1, 1]} : vector<128x128xf32> to vector<8x128xf32>
    %swap3A_1040 = arith.constant 504 : index
    %swap3A_1041 = arith.constant 0 : index
    %swap3A_1042 = vector.load %arg2[%swap3A_1040, %swap3A_1041] : memref<4096x128xf32, #tpu.memory_space<vmem>>, vector<8x128xf32>
    tpu.vector_store %arg2[%swap3A_1040, %swap3A_1041], %slice3A_1039 {strides = array<i32>} : memref<4096x128xf32, #tpu.memory_space<vmem>>, vector<8x128xf32>,
    %slice3A_1043 = vector.extract_strided_slice %transpose3A_990 {offsets = [104, 0], sizes = [8, 128], strides = [1, 1]} : vector<128x128xf32> to vector<8x128xf32>
    %swap3A_1044 = arith.constant 1528 : index
    %swap3A_1045 = arith.constant 0 : index
    %swap3A_1046 = vector.load %arg2[%swap3A_1044, %swap3A_1045] : memref<4096x128xf32, #tpu.memory_space<vmem>>, vector<8x128xf32>
    tpu.vector_store %arg2[%swap3A_1044, %swap3A_1045], %slice3A_1043 {strides = array<i32>} : memref<4096x128xf32, #tpu.memory_space<vmem>>, vector<8x128xf32>,
    %slice3A_1047 = vector.extract_strided_slice %transpose3A_990 {offsets = [112, 0], sizes = [8, 128], strides = [1, 1]} : vector<128x128xf32> to vector<8x128xf32>
    %swap3A_1048 = arith.constant 2552 : index
    %swap3A_1049 = arith.constant 0 : index
    %swap3A_1050 = vector.load %arg2[%swap3A_1048, %swap3A_1049] : memref<4096x128xf32, #tpu.memory_space<vmem>>, vector<8x128xf32>
    tpu.vector_store %arg2[%swap3A_1048, %swap3A_1049], %slice3A_1047 {strides = array<i32>} : memref<4096x128xf32, #tpu.memory_space<vmem>>, vector<8x128xf32>,
    %slice3A_1051 = vector.extract_strided_slice %transpose3A_990 {offsets = [120, 0], sizes = [8, 128], strides = [1, 1]} : vector<128x128xf32> to vector<8x128xf32>
    %swap3A_1052 = arith.constant 3576 : index
    %swap3A_1053 = arith.constant 0 : index
    %swap3A_1054 = vector.load %arg2[%swap3A_1052, %swap3A_1053] : memref<4096x128xf32, #tpu.memory_space<vmem>>, vector<8x128xf32>
    tpu.vector_store %arg2[%swap3A_1052, %swap3A_1053], %slice3A_1051 {strides = array<i32>} : memref<4096x128xf32, #tpu.memory_space<vmem>>, vector<8x128xf32>,
    %slice3A_1055 = vector.extract_strided_slice %get3A_1 {offsets = [2048, 0], sizes = [128, 128], strides = [1, 1]} : vector<4096x128xf32> to vector<128x128xf32>
    %transpose3A_1056 = tpu.transpose %slice3A_1055, [1, 0] : vector<128x128xf32> -> vector<128x128xf32>
    %slice3A_1057 = vector.extract_strided_slice %transpose3A_1056 {offsets = [0, 0], sizes = [8, 128], strides = [1, 1]} : vector<128x128xf32> to vector<8x128xf32>
    %swap3A_1058 = arith.constant 512 : index
    %swap3A_1059 = arith.constant 0 : index
    %swap3A_1060 = vector.load %arg2[%swap3A_1058, %swap3A_1059] : memref<4096x128xf32, #tpu.memory_space<vmem>>, vector<8x128xf32>
    tpu.vector_store %arg2[%swap3A_1058, %swap3A_1059], %slice3A_1057 {strides = array<i32>} : memref<4096x128xf32, #tpu.memory_space<vmem>>, vector<8x128xf32>,
    %slice3A_1061 = vector.extract_strided_slice %transpose3A_1056 {offsets = [8, 0], sizes = [8, 128], strides = [1, 1]} : vector<128x128xf32> to vector<8x128xf32>
    %swap3A_1062 = arith.constant 1536 : index
    %swap3A_1063 = arith.constant 0 : index
    %swap3A_1064 = vector.load %arg2[%swap3A_1062, %swap3A_1063] : memref<4096x128xf32, #tpu.memory_space<vmem>>, vector<8x128xf32>
    tpu.vector_store %arg2[%swap3A_1062, %swap3A_1063], %slice3A_1061 {strides = array<i32>} : memref<4096x128xf32, #tpu.memory_space<vmem>>, vector<8x128xf32>,
    %slice3A_1065 = vector.extract_strided_slice %transpose3A_1056 {offsets = [16, 0], sizes = [8, 128], strides = [1, 1]} : vector<128x128xf32> to vector<8x128xf32>
    %swap3A_1066 = arith.constant 2560 : index
    %swap3A_1067 = arith.constant 0 : index
    %swap3A_1068 = vector.load %arg2[%swap3A_1066, %swap3A_1067] : memref<4096x128xf32, #tpu.memory_space<vmem>>, vector<8x128xf32>
    tpu.vector_store %arg2[%swap3A_1066, %swap3A_1067], %slice3A_1065 {strides = array<i32>} : memref<4096x128xf32, #tpu.memory_space<vmem>>, vector<8x128xf32>,
    %slice3A_1069 = vector.extract_strided_slice %transpose3A_1056 {offsets = [24, 0], sizes = [8, 128], strides = [1, 1]} : vector<128x128xf32> to vector<8x128xf32>
    %swap3A_1070 = arith.constant 3584 : index
    %swap3A_1071 = arith.constant 0 : index
    %swap3A_1072 = vector.load %arg2[%swap3A_1070, %swap3A_1071] : memref<4096x128xf32, #tpu.memory_space<vmem>>, vector<8x128xf32>
    tpu.vector_store %arg2[%swap3A_1070, %swap3A_1071], %slice3A_1069 {strides = array<i32>} : memref<4096x128xf32, #tpu.memory_space<vmem>>, vector<8x128xf32>,
    %slice3A_1073 = vector.extract_strided_slice %transpose3A_1056 {offsets = [32, 0], sizes = [8, 128], strides = [1, 1]} : vector<128x128xf32> to vector<8x128xf32>
    %swap3A_1074 = arith.constant 520 : index
    %swap3A_1075 = arith.constant 0 : index
    %swap3A_1076 = vector.load %arg2[%swap3A_1074, %swap3A_1075] : memref<4096x128xf32, #tpu.memory_space<vmem>>, vector<8x128xf32>
    tpu.vector_store %arg2[%swap3A_1074, %swap3A_1075], %slice3A_1073 {strides = array<i32>} : memref<4096x128xf32, #tpu.memory_space<vmem>>, vector<8x128xf32>,
    %slice3A_1077 = vector.extract_strided_slice %transpose3A_1056 {offsets = [40, 0], sizes = [8, 128], strides = [1, 1]} : vector<128x128xf32> to vector<8x128xf32>
    %swap3A_1078 = arith.constant 1544 : index
    %swap3A_1079 = arith.constant 0 : index
    %swap3A_1080 = vector.load %arg2[%swap3A_1078, %swap3A_1079] : memref<4096x128xf32, #tpu.memory_space<vmem>>, vector<8x128xf32>
    tpu.vector_store %arg2[%swap3A_1078, %swap3A_1079], %slice3A_1077 {strides = array<i32>} : memref<4096x128xf32, #tpu.memory_space<vmem>>, vector<8x128xf32>,
    %slice3A_1081 = vector.extract_strided_slice %transpose3A_1056 {offsets = [48, 0], sizes = [8, 128], strides = [1, 1]} : vector<128x128xf32> to vector<8x128xf32>
    %swap3A_1082 = arith.constant 2568 : index
    %swap3A_1083 = arith.constant 0 : index
    %swap3A_1084 = vector.load %arg2[%swap3A_1082, %swap3A_1083] : memref<4096x128xf32, #tpu.memory_space<vmem>>, vector<8x128xf32>
    tpu.vector_store %arg2[%swap3A_1082, %swap3A_1083], %slice3A_1081 {strides = array<i32>} : memref<4096x128xf32, #tpu.memory_space<vmem>>, vector<8x128xf32>,
    %slice3A_1085 = vector.extract_strided_slice %transpose3A_1056 {offsets = [56, 0], sizes = [8, 128], strides = [1, 1]} : vector<128x128xf32> to vector<8x128xf32>
    %swap3A_1086 = arith.constant 3592 : index
    %swap3A_1087 = arith.constant 0 : index
    %swap3A_1088 = vector.load %arg2[%swap3A_1086, %swap3A_1087] : memref<4096x128xf32, #tpu.memory_space<vmem>>, vector<8x128xf32>
    tpu.vector_store %arg2[%swap3A_1086, %swap3A_1087], %slice3A_1085 {strides = array<i32>} : memref<4096x128xf32, #tpu.memory_space<vmem>>, vector<8x128xf32>,
    %slice3A_1089 = vector.extract_strided_slice %transpose3A_1056 {offsets = [64, 0], sizes = [8, 128], strides = [1, 1]} : vector<128x128xf32> to vector<8x128xf32>
    %swap3A_1090 = arith.constant 528 : index
    %swap3A_1091 = arith.constant 0 : index
    %swap3A_1092 = vector.load %arg2[%swap3A_1090, %swap3A_1091] : memref<4096x128xf32, #tpu.memory_space<vmem>>, vector<8x128xf32>
    tpu.vector_store %arg2[%swap3A_1090, %swap3A_1091], %slice3A_1089 {strides = array<i32>} : memref<4096x128xf32, #tpu.memory_space<vmem>>, vector<8x128xf32>,
    %slice3A_1093 = vector.extract_strided_slice %transpose3A_1056 {offsets = [72, 0], sizes = [8, 128], strides = [1, 1]} : vector<128x128xf32> to vector<8x128xf32>
    %swap3A_1094 = arith.constant 1552 : index
    %swap3A_1095 = arith.constant 0 : index
    %swap3A_1096 = vector.load %arg2[%swap3A_1094, %swap3A_1095] : memref<4096x128xf32, #tpu.memory_space<vmem>>, vector<8x128xf32>
    tpu.vector_store %arg2[%swap3A_1094, %swap3A_1095], %slice3A_1093 {strides = array<i32>} : memref<4096x128xf32, #tpu.memory_space<vmem>>, vector<8x128xf32>,
    %slice3A_1097 = vector.extract_strided_slice %transpose3A_1056 {offsets = [80, 0], sizes = [8, 128], strides = [1, 1]} : vector<128x128xf32> to vector<8x128xf32>
    %swap3A_1098 = arith.constant 2576 : index
    %swap3A_1099 = arith.constant 0 : index
    %swap3A_1100 = vector.load %arg2[%swap3A_1098, %swap3A_1099] : memref<4096x128xf32, #tpu.memory_space<vmem>>, vector<8x128xf32>
    tpu.vector_store %arg2[%swap3A_1098, %swap3A_1099], %slice3A_1097 {strides = array<i32>} : memref<4096x128xf32, #tpu.memory_space<vmem>>, vector<8x128xf32>,
    %slice3A_1101 = vector.extract_strided_slice %transpose3A_1056 {offsets = [88, 0], sizes = [8, 128], strides = [1, 1]} : vector<128x128xf32> to vector<8x128xf32>
    %swap3A_1102 = arith.constant 3600 : index
    %swap3A_1103 = arith.constant 0 : index
    %swap3A_1104 = vector.load %arg2[%swap3A_1102, %swap3A_1103] : memref<4096x128xf32, #tpu.memory_space<vmem>>, vector<8x128xf32>
    tpu.vector_store %arg2[%swap3A_1102, %swap3A_1103], %slice3A_1101 {strides = array<i32>} : memref<4096x128xf32, #tpu.memory_space<vmem>>, vector<8x128xf32>,
    %slice3A_1105 = vector.extract_strided_slice %transpose3A_1056 {offsets = [96, 0], sizes = [8, 128], strides = [1, 1]} : vector<128x128xf32> to vector<8x128xf32>
    %swap3A_1106 = arith.constant 536 : index
    %swap3A_1107 = arith.constant 0 : index
    %swap3A_1108 = vector.load %arg2[%swap3A_1106, %swap3A_1107] : memref<4096x128xf32, #tpu.memory_space<vmem>>, vector<8x128xf32>
    tpu.vector_store %arg2[%swap3A_1106, %swap3A_1107], %slice3A_1105 {strides = array<i32>} : memref<4096x128xf32, #tpu.memory_space<vmem>>, vector<8x128xf32>,
    %slice3A_1109 = vector.extract_strided_slice %transpose3A_1056 {offsets = [104, 0], sizes = [8, 128], strides = [1, 1]} : vector<128x128xf32> to vector<8x128xf32>
    %swap3A_1110 = arith.constant 1560 : index
    %swap3A_1111 = arith.constant 0 : index
    %swap3A_1112 = vector.load %arg2[%swap3A_1110, %swap3A_1111] : memref<4096x128xf32, #tpu.memory_space<vmem>>, vector<8x128xf32>
    tpu.vector_store %arg2[%swap3A_1110, %swap3A_1111], %slice3A_1109 {strides = array<i32>} : memref<4096x128xf32, #tpu.memory_space<vmem>>, vector<8x128xf32>,
    %slice3A_1113 = vector.extract_strided_slice %transpose3A_1056 {offsets = [112, 0], sizes = [8, 128], strides = [1, 1]} : vector<128x128xf32> to vector<8x128xf32>
    %swap3A_1114 = arith.constant 2584 : index
    %swap3A_1115 = arith.constant 0 : index
    %swap3A_1116 = vector.load %arg2[%swap3A_1114, %swap3A_1115] : memref<4096x128xf32, #tpu.memory_space<vmem>>, vector<8x128xf32>
    tpu.vector_store %arg2[%swap3A_1114, %swap3A_1115], %slice3A_1113 {strides = array<i32>} : memref<4096x128xf32, #tpu.memory_space<vmem>>, vector<8x128xf32>,
    %slice3A_1117 = vector.extract_strided_slice %transpose3A_1056 {offsets = [120, 0], sizes = [8, 128], strides = [1, 1]} : vector<128x128xf32> to vector<8x128xf32>
    %swap3A_1118 = arith.constant 3608 : index
    %swap3A_1119 = arith.constant 0 : index
    %swap3A_1120 = vector.load %arg2[%swap3A_1118, %swap3A_1119] : memref<4096x128xf32, #tpu.memory_space<vmem>>, vector<8x128xf32>
    tpu.vector_store %arg2[%swap3A_1118, %swap3A_1119], %slice3A_1117 {strides = array<i32>} : memref<4096x128xf32, #tpu.memory_space<vmem>>, vector<8x128xf32>,
    %slice3A_1121 = vector.extract_strided_slice %get3A_1 {offsets = [2176, 0], sizes = [128, 128], strides = [1, 1]} : vector<4096x128xf32> to vector<128x128xf32>
    %transpose3A_1122 = tpu.transpose %slice3A_1121, [1, 0] : vector<128x128xf32> -> vector<128x128xf32>
    %slice3A_1123 = vector.extract_strided_slice %transpose3A_1122 {offsets = [0, 0], sizes = [8, 128], strides = [1, 1]} : vector<128x128xf32> to vector<8x128xf32>
    %swap3A_1124 = arith.constant 544 : index
    %swap3A_1125 = arith.constant 0 : index
    %swap3A_1126 = vector.load %arg2[%swap3A_1124, %swap3A_1125] : memref<4096x128xf32, #tpu.memory_space<vmem>>, vector<8x128xf32>
    tpu.vector_store %arg2[%swap3A_1124, %swap3A_1125], %slice3A_1123 {strides = array<i32>} : memref<4096x128xf32, #tpu.memory_space<vmem>>, vector<8x128xf32>,
    %slice3A_1127 = vector.extract_strided_slice %transpose3A_1122 {offsets = [8, 0], sizes = [8, 128], strides = [1, 1]} : vector<128x128xf32> to vector<8x128xf32>
    %swap3A_1128 = arith.constant 1568 : index
    %swap3A_1129 = arith.constant 0 : index
    %swap3A_1130 = vector.load %arg2[%swap3A_1128, %swap3A_1129] : memref<4096x128xf32, #tpu.memory_space<vmem>>, vector<8x128xf32>
    tpu.vector_store %arg2[%swap3A_1128, %swap3A_1129], %slice3A_1127 {strides = array<i32>} : memref<4096x128xf32, #tpu.memory_space<vmem>>, vector<8x128xf32>,
    %slice3A_1131 = vector.extract_strided_slice %transpose3A_1122 {offsets = [16, 0], sizes = [8, 128], strides = [1, 1]} : vector<128x128xf32> to vector<8x128xf32>
    %swap3A_1132 = arith.constant 2592 : index
    %swap3A_1133 = arith.constant 0 : index
    %swap3A_1134 = vector.load %arg2[%swap3A_1132, %swap3A_1133] : memref<4096x128xf32, #tpu.memory_space<vmem>>, vector<8x128xf32>
    tpu.vector_store %arg2[%swap3A_1132, %swap3A_1133], %slice3A_1131 {strides = array<i32>} : memref<4096x128xf32, #tpu.memory_space<vmem>>, vector<8x128xf32>,
    %slice3A_1135 = vector.extract_strided_slice %transpose3A_1122 {offsets = [24, 0], sizes = [8, 128], strides = [1, 1]} : vector<128x128xf32> to vector<8x128xf32>
    %swap3A_1136 = arith.constant 3616 : index
    %swap3A_1137 = arith.constant 0 : index
    %swap3A_1138 = vector.load %arg2[%swap3A_1136, %swap3A_1137] : memref<4096x128xf32, #tpu.memory_space<vmem>>, vector<8x128xf32>
    tpu.vector_store %arg2[%swap3A_1136, %swap3A_1137], %slice3A_1135 {strides = array<i32>} : memref<4096x128xf32, #tpu.memory_space<vmem>>, vector<8x128xf32>,
    %slice3A_1139 = vector.extract_strided_slice %transpose3A_1122 {offsets = [32, 0], sizes = [8, 128], strides = [1, 1]} : vector<128x128xf32> to vector<8x128xf32>
    %swap3A_1140 = arith.constant 552 : index
    %swap3A_1141 = arith.constant 0 : index
    %swap3A_1142 = vector.load %arg2[%swap3A_1140, %swap3A_1141] : memref<4096x128xf32, #tpu.memory_space<vmem>>, vector<8x128xf32>
    tpu.vector_store %arg2[%swap3A_1140, %swap3A_1141], %slice3A_1139 {strides = array<i32>} : memref<4096x128xf32, #tpu.memory_space<vmem>>, vector<8x128xf32>,
    %slice3A_1143 = vector.extract_strided_slice %transpose3A_1122 {offsets = [40, 0], sizes = [8, 128], strides = [1, 1]} : vector<128x128xf32> to vector<8x128xf32>
    %swap3A_1144 = arith.constant 1576 : index
    %swap3A_1145 = arith.constant 0 : index
    %swap3A_1146 = vector.load %arg2[%swap3A_1144, %swap3A_1145] : memref<4096x128xf32, #tpu.memory_space<vmem>>, vector<8x128xf32>
    tpu.vector_store %arg2[%swap3A_1144, %swap3A_1145], %slice3A_1143 {strides = array<i32>} : memref<4096x128xf32, #tpu.memory_space<vmem>>, vector<8x128xf32>,
    %slice3A_1147 = vector.extract_strided_slice %transpose3A_1122 {offsets = [48, 0], sizes = [8, 128], strides = [1, 1]} : vector<128x128xf32> to vector<8x128xf32>
    %swap3A_1148 = arith.constant 2600 : index
    %swap3A_1149 = arith.constant 0 : index
    %swap3A_1150 = vector.load %arg2[%swap3A_1148, %swap3A_1149] : memref<4096x128xf32, #tpu.memory_space<vmem>>, vector<8x128xf32>
    tpu.vector_store %arg2[%swap3A_1148, %swap3A_1149], %slice3A_1147 {strides = array<i32>} : memref<4096x128xf32, #tpu.memory_space<vmem>>, vector<8x128xf32>,
    %slice3A_1151 = vector.extract_strided_slice %transpose3A_1122 {offsets = [56, 0], sizes = [8, 128], strides = [1, 1]} : vector<128x128xf32> to vector<8x128xf32>
    %swap3A_1152 = arith.constant 3624 : index
    %swap3A_1153 = arith.constant 0 : index
    %swap3A_1154 = vector.load %arg2[%swap3A_1152, %swap3A_1153] : memref<4096x128xf32, #tpu.memory_space<vmem>>, vector<8x128xf32>
    tpu.vector_store %arg2[%swap3A_1152, %swap3A_1153], %slice3A_1151 {strides = array<i32>} : memref<4096x128xf32, #tpu.memory_space<vmem>>, vector<8x128xf32>,
    %slice3A_1155 = vector.extract_strided_slice %transpose3A_1122 {offsets = [64, 0], sizes = [8, 128], strides = [1, 1]} : vector<128x128xf32> to vector<8x128xf32>
    %swap3A_1156 = arith.constant 560 : index
    %swap3A_1157 = arith.constant 0 : index
    %swap3A_1158 = vector.load %arg2[%swap3A_1156, %swap3A_1157] : memref<4096x128xf32, #tpu.memory_space<vmem>>, vector<8x128xf32>
    tpu.vector_store %arg2[%swap3A_1156, %swap3A_1157], %slice3A_1155 {strides = array<i32>} : memref<4096x128xf32, #tpu.memory_space<vmem>>, vector<8x128xf32>,
    %slice3A_1159 = vector.extract_strided_slice %transpose3A_1122 {offsets = [72, 0], sizes = [8, 128], strides = [1, 1]} : vector<128x128xf32> to vector<8x128xf32>
    %swap3A_1160 = arith.constant 1584 : index
    %swap3A_1161 = arith.constant 0 : index
    %swap3A_1162 = vector.load %arg2[%swap3A_1160, %swap3A_1161] : memref<4096x128xf32, #tpu.memory_space<vmem>>, vector<8x128xf32>
    tpu.vector_store %arg2[%swap3A_1160, %swap3A_1161], %slice3A_1159 {strides = array<i32>} : memref<4096x128xf32, #tpu.memory_space<vmem>>, vector<8x128xf32>,
    %slice3A_1163 = vector.extract_strided_slice %transpose3A_1122 {offsets = [80, 0], sizes = [8, 128], strides = [1, 1]} : vector<128x128xf32> to vector<8x128xf32>
    %swap3A_1164 = arith.constant 2608 : index
    %swap3A_1165 = arith.constant 0 : index
    %swap3A_1166 = vector.load %arg2[%swap3A_1164, %swap3A_1165] : memref<4096x128xf32, #tpu.memory_space<vmem>>, vector<8x128xf32>
    tpu.vector_store %arg2[%swap3A_1164, %swap3A_1165], %slice3A_1163 {strides = array<i32>} : memref<4096x128xf32, #tpu.memory_space<vmem>>, vector<8x128xf32>,
    %slice3A_1167 = vector.extract_strided_slice %transpose3A_1122 {offsets = [88, 0], sizes = [8, 128], strides = [1, 1]} : vector<128x128xf32> to vector<8x128xf32>
    %swap3A_1168 = arith.constant 3632 : index
    %swap3A_1169 = arith.constant 0 : index
    %swap3A_1170 = vector.load %arg2[%swap3A_1168, %swap3A_1169] : memref<4096x128xf32, #tpu.memory_space<vmem>>, vector<8x128xf32>
    tpu.vector_store %arg2[%swap3A_1168, %swap3A_1169], %slice3A_1167 {strides = array<i32>} : memref<4096x128xf32, #tpu.memory_space<vmem>>, vector<8x128xf32>,
    %slice3A_1171 = vector.extract_strided_slice %transpose3A_1122 {offsets = [96, 0], sizes = [8, 128], strides = [1, 1]} : vector<128x128xf32> to vector<8x128xf32>
    %swap3A_1172 = arith.constant 568 : index
    %swap3A_1173 = arith.constant 0 : index
    %swap3A_1174 = vector.load %arg2[%swap3A_1172, %swap3A_1173] : memref<4096x128xf32, #tpu.memory_space<vmem>>, vector<8x128xf32>
    tpu.vector_store %arg2[%swap3A_1172, %swap3A_1173], %slice3A_1171 {strides = array<i32>} : memref<4096x128xf32, #tpu.memory_space<vmem>>, vector<8x128xf32>,
    %slice3A_1175 = vector.extract_strided_slice %transpose3A_1122 {offsets = [104, 0], sizes = [8, 128], strides = [1, 1]} : vector<128x128xf32> to vector<8x128xf32>
    %swap3A_1176 = arith.constant 1592 : index
    %swap3A_1177 = arith.constant 0 : index
    %swap3A_1178 = vector.load %arg2[%swap3A_1176, %swap3A_1177] : memref<4096x128xf32, #tpu.memory_space<vmem>>, vector<8x128xf32>
    tpu.vector_store %arg2[%swap3A_1176, %swap3A_1177], %slice3A_1175 {strides = array<i32>} : memref<4096x128xf32, #tpu.memory_space<vmem>>, vector<8x128xf32>,
    %slice3A_1179 = vector.extract_strided_slice %transpose3A_1122 {offsets = [112, 0], sizes = [8, 128], strides = [1, 1]} : vector<128x128xf32> to vector<8x128xf32>
    %swap3A_1180 = arith.constant 2616 : index
    %swap3A_1181 = arith.constant 0 : index
    %swap3A_1182 = vector.load %arg2[%swap3A_1180, %swap3A_1181] : memref<4096x128xf32, #tpu.memory_space<vmem>>, vector<8x128xf32>
    tpu.vector_store %arg2[%swap3A_1180, %swap3A_1181], %slice3A_1179 {strides = array<i32>} : memref<4096x128xf32, #tpu.memory_space<vmem>>, vector<8x128xf32>,
    %slice3A_1183 = vector.extract_strided_slice %transpose3A_1122 {offsets = [120, 0], sizes = [8, 128], strides = [1, 1]} : vector<128x128xf32> to vector<8x128xf32>
    %swap3A_1184 = arith.constant 3640 : index
    %swap3A_1185 = arith.constant 0 : index
    %swap3A_1186 = vector.load %arg2[%swap3A_1184, %swap3A_1185] : memref<4096x128xf32, #tpu.memory_space<vmem>>, vector<8x128xf32>
    tpu.vector_store %arg2[%swap3A_1184, %swap3A_1185], %slice3A_1183 {strides = array<i32>} : memref<4096x128xf32, #tpu.memory_space<vmem>>, vector<8x128xf32>,
    %slice3A_1187 = vector.extract_strided_slice %get3A_1 {offsets = [2304, 0], sizes = [128, 128], strides = [1, 1]} : vector<4096x128xf32> to vector<128x128xf32>
    %transpose3A_1188 = tpu.transpose %slice3A_1187, [1, 0] : vector<128x128xf32> -> vector<128x128xf32>
    %slice3A_1189 = vector.extract_strided_slice %transpose3A_1188 {offsets = [0, 0], sizes = [8, 128], strides = [1, 1]} : vector<128x128xf32> to vector<8x128xf32>
    %swap3A_1190 = arith.constant 576 : index
    %swap3A_1191 = arith.constant 0 : index
    %swap3A_1192 = vector.load %arg2[%swap3A_1190, %swap3A_1191] : memref<4096x128xf32, #tpu.memory_space<vmem>>, vector<8x128xf32>
    tpu.vector_store %arg2[%swap3A_1190, %swap3A_1191], %slice3A_1189 {strides = array<i32>} : memref<4096x128xf32, #tpu.memory_space<vmem>>, vector<8x128xf32>,
    %slice3A_1193 = vector.extract_strided_slice %transpose3A_1188 {offsets = [8, 0], sizes = [8, 128], strides = [1, 1]} : vector<128x128xf32> to vector<8x128xf32>
    %swap3A_1194 = arith.constant 1600 : index
    %swap3A_1195 = arith.constant 0 : index
    %swap3A_1196 = vector.load %arg2[%swap3A_1194, %swap3A_1195] : memref<4096x128xf32, #tpu.memory_space<vmem>>, vector<8x128xf32>
    tpu.vector_store %arg2[%swap3A_1194, %swap3A_1195], %slice3A_1193 {strides = array<i32>} : memref<4096x128xf32, #tpu.memory_space<vmem>>, vector<8x128xf32>,
    %slice3A_1197 = vector.extract_strided_slice %transpose3A_1188 {offsets = [16, 0], sizes = [8, 128], strides = [1, 1]} : vector<128x128xf32> to vector<8x128xf32>
    %swap3A_1198 = arith.constant 2624 : index
    %swap3A_1199 = arith.constant 0 : index
    %swap3A_1200 = vector.load %arg2[%swap3A_1198, %swap3A_1199] : memref<4096x128xf32, #tpu.memory_space<vmem>>, vector<8x128xf32>
    tpu.vector_store %arg2[%swap3A_1198, %swap3A_1199], %slice3A_1197 {strides = array<i32>} : memref<4096x128xf32, #tpu.memory_space<vmem>>, vector<8x128xf32>,
    %slice3A_1201 = vector.extract_strided_slice %transpose3A_1188 {offsets = [24, 0], sizes = [8, 128], strides = [1, 1]} : vector<128x128xf32> to vector<8x128xf32>
    %swap3A_1202 = arith.constant 3648 : index
    %swap3A_1203 = arith.constant 0 : index
    %swap3A_1204 = vector.load %arg2[%swap3A_1202, %swap3A_1203] : memref<4096x128xf32, #tpu.memory_space<vmem>>, vector<8x128xf32>
    tpu.vector_store %arg2[%swap3A_1202, %swap3A_1203], %slice3A_1201 {strides = array<i32>} : memref<4096x128xf32, #tpu.memory_space<vmem>>, vector<8x128xf32>,
    %slice3A_1205 = vector.extract_strided_slice %transpose3A_1188 {offsets = [32, 0], sizes = [8, 128], strides = [1, 1]} : vector<128x128xf32> to vector<8x128xf32>
    %swap3A_1206 = arith.constant 584 : index
    %swap3A_1207 = arith.constant 0 : index
    %swap3A_1208 = vector.load %arg2[%swap3A_1206, %swap3A_1207] : memref<4096x128xf32, #tpu.memory_space<vmem>>, vector<8x128xf32>
    tpu.vector_store %arg2[%swap3A_1206, %swap3A_1207], %slice3A_1205 {strides = array<i32>} : memref<4096x128xf32, #tpu.memory_space<vmem>>, vector<8x128xf32>,
    %slice3A_1209 = vector.extract_strided_slice %transpose3A_1188 {offsets = [40, 0], sizes = [8, 128], strides = [1, 1]} : vector<128x128xf32> to vector<8x128xf32>
    %swap3A_1210 = arith.constant 1608 : index
    %swap3A_1211 = arith.constant 0 : index
    %swap3A_1212 = vector.load %arg2[%swap3A_1210, %swap3A_1211] : memref<4096x128xf32, #tpu.memory_space<vmem>>, vector<8x128xf32>
    tpu.vector_store %arg2[%swap3A_1210, %swap3A_1211], %slice3A_1209 {strides = array<i32>} : memref<4096x128xf32, #tpu.memory_space<vmem>>, vector<8x128xf32>,
    %slice3A_1213 = vector.extract_strided_slice %transpose3A_1188 {offsets = [48, 0], sizes = [8, 128], strides = [1, 1]} : vector<128x128xf32> to vector<8x128xf32>
    %swap3A_1214 = arith.constant 2632 : index
    %swap3A_1215 = arith.constant 0 : index
    %swap3A_1216 = vector.load %arg2[%swap3A_1214, %swap3A_1215] : memref<4096x128xf32, #tpu.memory_space<vmem>>, vector<8x128xf32>
    tpu.vector_store %arg2[%swap3A_1214, %swap3A_1215], %slice3A_1213 {strides = array<i32>} : memref<4096x128xf32, #tpu.memory_space<vmem>>, vector<8x128xf32>,
    %slice3A_1217 = vector.extract_strided_slice %transpose3A_1188 {offsets = [56, 0], sizes = [8, 128], strides = [1, 1]} : vector<128x128xf32> to vector<8x128xf32>
    %swap3A_1218 = arith.constant 3656 : index
    %swap3A_1219 = arith.constant 0 : index
    %swap3A_1220 = vector.load %arg2[%swap3A_1218, %swap3A_1219] : memref<4096x128xf32, #tpu.memory_space<vmem>>, vector<8x128xf32>
    tpu.vector_store %arg2[%swap3A_1218, %swap3A_1219], %slice3A_1217 {strides = array<i32>} : memref<4096x128xf32, #tpu.memory_space<vmem>>, vector<8x128xf32>,
    %slice3A_1221 = vector.extract_strided_slice %transpose3A_1188 {offsets = [64, 0], sizes = [8, 128], strides = [1, 1]} : vector<128x128xf32> to vector<8x128xf32>
    %swap3A_1222 = arith.constant 592 : index
    %swap3A_1223 = arith.constant 0 : index
    %swap3A_1224 = vector.load %arg2[%swap3A_1222, %swap3A_1223] : memref<4096x128xf32, #tpu.memory_space<vmem>>, vector<8x128xf32>
    tpu.vector_store %arg2[%swap3A_1222, %swap3A_1223], %slice3A_1221 {strides = array<i32>} : memref<4096x128xf32, #tpu.memory_space<vmem>>, vector<8x128xf32>,
    %slice3A_1225 = vector.extract_strided_slice %transpose3A_1188 {offsets = [72, 0], sizes = [8, 128], strides = [1, 1]} : vector<128x128xf32> to vector<8x128xf32>
    %swap3A_1226 = arith.constant 1616 : index
    %swap3A_1227 = arith.constant 0 : index
    %swap3A_1228 = vector.load %arg2[%swap3A_1226, %swap3A_1227] : memref<4096x128xf32, #tpu.memory_space<vmem>>, vector<8x128xf32>
    tpu.vector_store %arg2[%swap3A_1226, %swap3A_1227], %slice3A_1225 {strides = array<i32>} : memref<4096x128xf32, #tpu.memory_space<vmem>>, vector<8x128xf32>,
    %slice3A_1229 = vector.extract_strided_slice %transpose3A_1188 {offsets = [80, 0], sizes = [8, 128], strides = [1, 1]} : vector<128x128xf32> to vector<8x128xf32>
    %swap3A_1230 = arith.constant 2640 : index
    %swap3A_1231 = arith.constant 0 : index
    %swap3A_1232 = vector.load %arg2[%swap3A_1230, %swap3A_1231] : memref<4096x128xf32, #tpu.memory_space<vmem>>, vector<8x128xf32>
    tpu.vector_store %arg2[%swap3A_1230, %swap3A_1231], %slice3A_1229 {strides = array<i32>} : memref<4096x128xf32, #tpu.memory_space<vmem>>, vector<8x128xf32>,
    %slice3A_1233 = vector.extract_strided_slice %transpose3A_1188 {offsets = [88, 0], sizes = [8, 128], strides = [1, 1]} : vector<128x128xf32> to vector<8x128xf32>
    %swap3A_1234 = arith.constant 3664 : index
    %swap3A_1235 = arith.constant 0 : index
    %swap3A_1236 = vector.load %arg2[%swap3A_1234, %swap3A_1235] : memref<4096x128xf32, #tpu.memory_space<vmem>>, vector<8x128xf32>
    tpu.vector_store %arg2[%swap3A_1234, %swap3A_1235], %slice3A_1233 {strides = array<i32>} : memref<4096x128xf32, #tpu.memory_space<vmem>>, vector<8x128xf32>,
    %slice3A_1237 = vector.extract_strided_slice %transpose3A_1188 {offsets = [96, 0], sizes = [8, 128], strides = [1, 1]} : vector<128x128xf32> to vector<8x128xf32>
    %swap3A_1238 = arith.constant 600 : index
    %swap3A_1239 = arith.constant 0 : index
    %swap3A_1240 = vector.load %arg2[%swap3A_1238, %swap3A_1239] : memref<4096x128xf32, #tpu.memory_space<vmem>>, vector<8x128xf32>
    tpu.vector_store %arg2[%swap3A_1238, %swap3A_1239], %slice3A_1237 {strides = array<i32>} : memref<4096x128xf32, #tpu.memory_space<vmem>>, vector<8x128xf32>,
    %slice3A_1241 = vector.extract_strided_slice %transpose3A_1188 {offsets = [104, 0], sizes = [8, 128], strides = [1, 1]} : vector<128x128xf32> to vector<8x128xf32>
    %swap3A_1242 = arith.constant 1624 : index
    %swap3A_1243 = arith.constant 0 : index
    %swap3A_1244 = vector.load %arg2[%swap3A_1242, %swap3A_1243] : memref<4096x128xf32, #tpu.memory_space<vmem>>, vector<8x128xf32>
    tpu.vector_store %arg2[%swap3A_1242, %swap3A_1243], %slice3A_1241 {strides = array<i32>} : memref<4096x128xf32, #tpu.memory_space<vmem>>, vector<8x128xf32>,
    %slice3A_1245 = vector.extract_strided_slice %transpose3A_1188 {offsets = [112, 0], sizes = [8, 128], strides = [1, 1]} : vector<128x128xf32> to vector<8x128xf32>
    %swap3A_1246 = arith.constant 2648 : index
    %swap3A_1247 = arith.constant 0 : index
    %swap3A_1248 = vector.load %arg2[%swap3A_1246, %swap3A_1247] : memref<4096x128xf32, #tpu.memory_space<vmem>>, vector<8x128xf32>
    tpu.vector_store %arg2[%swap3A_1246, %swap3A_1247], %slice3A_1245 {strides = array<i32>} : memref<4096x128xf32, #tpu.memory_space<vmem>>, vector<8x128xf32>,
    %slice3A_1249 = vector.extract_strided_slice %transpose3A_1188 {offsets = [120, 0], sizes = [8, 128], strides = [1, 1]} : vector<128x128xf32> to vector<8x128xf32>
    %swap3A_1250 = arith.constant 3672 : index
    %swap3A_1251 = arith.constant 0 : index
    %swap3A_1252 = vector.load %arg2[%swap3A_1250, %swap3A_1251] : memref<4096x128xf32, #tpu.memory_space<vmem>>, vector<8x128xf32>
    tpu.vector_store %arg2[%swap3A_1250, %swap3A_1251], %slice3A_1249 {strides = array<i32>} : memref<4096x128xf32, #tpu.memory_space<vmem>>, vector<8x128xf32>,
    %slice3A_1253 = vector.extract_strided_slice %get3A_1 {offsets = [2432, 0], sizes = [128, 128], strides = [1, 1]} : vector<4096x128xf32> to vector<128x128xf32>
    %transpose3A_1254 = tpu.transpose %slice3A_1253, [1, 0] : vector<128x128xf32> -> vector<128x128xf32>
    %slice3A_1255 = vector.extract_strided_slice %transpose3A_1254 {offsets = [0, 0], sizes = [8, 128], strides = [1, 1]} : vector<128x128xf32> to vector<8x128xf32>
    %swap3A_1256 = arith.constant 608 : index
    %swap3A_1257 = arith.constant 0 : index
    %swap3A_1258 = vector.load %arg2[%swap3A_1256, %swap3A_1257] : memref<4096x128xf32, #tpu.memory_space<vmem>>, vector<8x128xf32>
    tpu.vector_store %arg2[%swap3A_1256, %swap3A_1257], %slice3A_1255 {strides = array<i32>} : memref<4096x128xf32, #tpu.memory_space<vmem>>, vector<8x128xf32>,
    %slice3A_1259 = vector.extract_strided_slice %transpose3A_1254 {offsets = [8, 0], sizes = [8, 128], strides = [1, 1]} : vector<128x128xf32> to vector<8x128xf32>
    %swap3A_1260 = arith.constant 1632 : index
    %swap3A_1261 = arith.constant 0 : index
    %swap3A_1262 = vector.load %arg2[%swap3A_1260, %swap3A_1261] : memref<4096x128xf32, #tpu.memory_space<vmem>>, vector<8x128xf32>
    tpu.vector_store %arg2[%swap3A_1260, %swap3A_1261], %slice3A_1259 {strides = array<i32>} : memref<4096x128xf32, #tpu.memory_space<vmem>>, vector<8x128xf32>,
    %slice3A_1263 = vector.extract_strided_slice %transpose3A_1254 {offsets = [16, 0], sizes = [8, 128], strides = [1, 1]} : vector<128x128xf32> to vector<8x128xf32>
    %swap3A_1264 = arith.constant 2656 : index
    %swap3A_1265 = arith.constant 0 : index
    %swap3A_1266 = vector.load %arg2[%swap3A_1264, %swap3A_1265] : memref<4096x128xf32, #tpu.memory_space<vmem>>, vector<8x128xf32>
    tpu.vector_store %arg2[%swap3A_1264, %swap3A_1265], %slice3A_1263 {strides = array<i32>} : memref<4096x128xf32, #tpu.memory_space<vmem>>, vector<8x128xf32>,
    %slice3A_1267 = vector.extract_strided_slice %transpose3A_1254 {offsets = [24, 0], sizes = [8, 128], strides = [1, 1]} : vector<128x128xf32> to vector<8x128xf32>
    %swap3A_1268 = arith.constant 3680 : index
    %swap3A_1269 = arith.constant 0 : index
    %swap3A_1270 = vector.load %arg2[%swap3A_1268, %swap3A_1269] : memref<4096x128xf32, #tpu.memory_space<vmem>>, vector<8x128xf32>
    tpu.vector_store %arg2[%swap3A_1268, %swap3A_1269], %slice3A_1267 {strides = array<i32>} : memref<4096x128xf32, #tpu.memory_space<vmem>>, vector<8x128xf32>,
    %slice3A_1271 = vector.extract_strided_slice %transpose3A_1254 {offsets = [32, 0], sizes = [8, 128], strides = [1, 1]} : vector<128x128xf32> to vector<8x128xf32>
    %swap3A_1272 = arith.constant 616 : index
    %swap3A_1273 = arith.constant 0 : index
    %swap3A_1274 = vector.load %arg2[%swap3A_1272, %swap3A_1273] : memref<4096x128xf32, #tpu.memory_space<vmem>>, vector<8x128xf32>
    tpu.vector_store %arg2[%swap3A_1272, %swap3A_1273], %slice3A_1271 {strides = array<i32>} : memref<4096x128xf32, #tpu.memory_space<vmem>>, vector<8x128xf32>,
    %slice3A_1275 = vector.extract_strided_slice %transpose3A_1254 {offsets = [40, 0], sizes = [8, 128], strides = [1, 1]} : vector<128x128xf32> to vector<8x128xf32>
    %swap3A_1276 = arith.constant 1640 : index
    %swap3A_1277 = arith.constant 0 : index
    %swap3A_1278 = vector.load %arg2[%swap3A_1276, %swap3A_1277] : memref<4096x128xf32, #tpu.memory_space<vmem>>, vector<8x128xf32>
    tpu.vector_store %arg2[%swap3A_1276, %swap3A_1277], %slice3A_1275 {strides = array<i32>} : memref<4096x128xf32, #tpu.memory_space<vmem>>, vector<8x128xf32>,
    %slice3A_1279 = vector.extract_strided_slice %transpose3A_1254 {offsets = [48, 0], sizes = [8, 128], strides = [1, 1]} : vector<128x128xf32> to vector<8x128xf32>
    %swap3A_1280 = arith.constant 2664 : index
    %swap3A_1281 = arith.constant 0 : index
    %swap3A_1282 = vector.load %arg2[%swap3A_1280, %swap3A_1281] : memref<4096x128xf32, #tpu.memory_space<vmem>>, vector<8x128xf32>
    tpu.vector_store %arg2[%swap3A_1280, %swap3A_1281], %slice3A_1279 {strides = array<i32>} : memref<4096x128xf32, #tpu.memory_space<vmem>>, vector<8x128xf32>,
    %slice3A_1283 = vector.extract_strided_slice %transpose3A_1254 {offsets = [56, 0], sizes = [8, 128], strides = [1, 1]} : vector<128x128xf32> to vector<8x128xf32>
    %swap3A_1284 = arith.constant 3688 : index
    %swap3A_1285 = arith.constant 0 : index
    %swap3A_1286 = vector.load %arg2[%swap3A_1284, %swap3A_1285] : memref<4096x128xf32, #tpu.memory_space<vmem>>, vector<8x128xf32>
    tpu.vector_store %arg2[%swap3A_1284, %swap3A_1285], %slice3A_1283 {strides = array<i32>} : memref<4096x128xf32, #tpu.memory_space<vmem>>, vector<8x128xf32>,
    %slice3A_1287 = vector.extract_strided_slice %transpose3A_1254 {offsets = [64, 0], sizes = [8, 128], strides = [1, 1]} : vector<128x128xf32> to vector<8x128xf32>
    %swap3A_1288 = arith.constant 624 : index
    %swap3A_1289 = arith.constant 0 : index
    %swap3A_1290 = vector.load %arg2[%swap3A_1288, %swap3A_1289] : memref<4096x128xf32, #tpu.memory_space<vmem>>, vector<8x128xf32>
    tpu.vector_store %arg2[%swap3A_1288, %swap3A_1289], %slice3A_1287 {strides = array<i32>} : memref<4096x128xf32, #tpu.memory_space<vmem>>, vector<8x128xf32>,
    %slice3A_1291 = vector.extract_strided_slice %transpose3A_1254 {offsets = [72, 0], sizes = [8, 128], strides = [1, 1]} : vector<128x128xf32> to vector<8x128xf32>
    %swap3A_1292 = arith.constant 1648 : index
    %swap3A_1293 = arith.constant 0 : index
    %swap3A_1294 = vector.load %arg2[%swap3A_1292, %swap3A_1293] : memref<4096x128xf32, #tpu.memory_space<vmem>>, vector<8x128xf32>
    tpu.vector_store %arg2[%swap3A_1292, %swap3A_1293], %slice3A_1291 {strides = array<i32>} : memref<4096x128xf32, #tpu.memory_space<vmem>>, vector<8x128xf32>,
    %slice3A_1295 = vector.extract_strided_slice %transpose3A_1254 {offsets = [80, 0], sizes = [8, 128], strides = [1, 1]} : vector<128x128xf32> to vector<8x128xf32>
    %swap3A_1296 = arith.constant 2672 : index
    %swap3A_1297 = arith.constant 0 : index
    %swap3A_1298 = vector.load %arg2[%swap3A_1296, %swap3A_1297] : memref<4096x128xf32, #tpu.memory_space<vmem>>, vector<8x128xf32>
    tpu.vector_store %arg2[%swap3A_1296, %swap3A_1297], %slice3A_1295 {strides = array<i32>} : memref<4096x128xf32, #tpu.memory_space<vmem>>, vector<8x128xf32>,
    %slice3A_1299 = vector.extract_strided_slice %transpose3A_1254 {offsets = [88, 0], sizes = [8, 128], strides = [1, 1]} : vector<128x128xf32> to vector<8x128xf32>
    %swap3A_1300 = arith.constant 3696 : index
    %swap3A_1301 = arith.constant 0 : index
    %swap3A_1302 = vector.load %arg2[%swap3A_1300, %swap3A_1301] : memref<4096x128xf32, #tpu.memory_space<vmem>>, vector<8x128xf32>
    tpu.vector_store %arg2[%swap3A_1300, %swap3A_1301], %slice3A_1299 {strides = array<i32>} : memref<4096x128xf32, #tpu.memory_space<vmem>>, vector<8x128xf32>,
    %slice3A_1303 = vector.extract_strided_slice %transpose3A_1254 {offsets = [96, 0], sizes = [8, 128], strides = [1, 1]} : vector<128x128xf32> to vector<8x128xf32>
    %swap3A_1304 = arith.constant 632 : index
    %swap3A_1305 = arith.constant 0 : index
    %swap3A_1306 = vector.load %arg2[%swap3A_1304, %swap3A_1305] : memref<4096x128xf32, #tpu.memory_space<vmem>>, vector<8x128xf32>
    tpu.vector_store %arg2[%swap3A_1304, %swap3A_1305], %slice3A_1303 {strides = array<i32>} : memref<4096x128xf32, #tpu.memory_space<vmem>>, vector<8x128xf32>,
    %slice3A_1307 = vector.extract_strided_slice %transpose3A_1254 {offsets = [104, 0], sizes = [8, 128], strides = [1, 1]} : vector<128x128xf32> to vector<8x128xf32>
    %swap3A_1308 = arith.constant 1656 : index
    %swap3A_1309 = arith.constant 0 : index
    %swap3A_1310 = vector.load %arg2[%swap3A_1308, %swap3A_1309] : memref<4096x128xf32, #tpu.memory_space<vmem>>, vector<8x128xf32>
    tpu.vector_store %arg2[%swap3A_1308, %swap3A_1309], %slice3A_1307 {strides = array<i32>} : memref<4096x128xf32, #tpu.memory_space<vmem>>, vector<8x128xf32>,
    %slice3A_1311 = vector.extract_strided_slice %transpose3A_1254 {offsets = [112, 0], sizes = [8, 128], strides = [1, 1]} : vector<128x128xf32> to vector<8x128xf32>
    %swap3A_1312 = arith.constant 2680 : index
    %swap3A_1313 = arith.constant 0 : index
    %swap3A_1314 = vector.load %arg2[%swap3A_1312, %swap3A_1313] : memref<4096x128xf32, #tpu.memory_space<vmem>>, vector<8x128xf32>
    tpu.vector_store %arg2[%swap3A_1312, %swap3A_1313], %slice3A_1311 {strides = array<i32>} : memref<4096x128xf32, #tpu.memory_space<vmem>>, vector<8x128xf32>,
    %slice3A_1315 = vector.extract_strided_slice %transpose3A_1254 {offsets = [120, 0], sizes = [8, 128], strides = [1, 1]} : vector<128x128xf32> to vector<8x128xf32>
    %swap3A_1316 = arith.constant 3704 : index
    %swap3A_1317 = arith.constant 0 : index
    %swap3A_1318 = vector.load %arg2[%swap3A_1316, %swap3A_1317] : memref<4096x128xf32, #tpu.memory_space<vmem>>, vector<8x128xf32>
    tpu.vector_store %arg2[%swap3A_1316, %swap3A_1317], %slice3A_1315 {strides = array<i32>} : memref<4096x128xf32, #tpu.memory_space<vmem>>, vector<8x128xf32>,
    %slice3A_1319 = vector.extract_strided_slice %get3A_1 {offsets = [2560, 0], sizes = [128, 128], strides = [1, 1]} : vector<4096x128xf32> to vector<128x128xf32>
    %transpose3A_1320 = tpu.transpose %slice3A_1319, [1, 0] : vector<128x128xf32> -> vector<128x128xf32>
    %slice3A_1321 = vector.extract_strided_slice %transpose3A_1320 {offsets = [0, 0], sizes = [8, 128], strides = [1, 1]} : vector<128x128xf32> to vector<8x128xf32>
    %swap3A_1322 = arith.constant 640 : index
    %swap3A_1323 = arith.constant 0 : index
    %swap3A_1324 = vector.load %arg2[%swap3A_1322, %swap3A_1323] : memref<4096x128xf32, #tpu.memory_space<vmem>>, vector<8x128xf32>
    tpu.vector_store %arg2[%swap3A_1322, %swap3A_1323], %slice3A_1321 {strides = array<i32>} : memref<4096x128xf32, #tpu.memory_space<vmem>>, vector<8x128xf32>,
    %slice3A_1325 = vector.extract_strided_slice %transpose3A_1320 {offsets = [8, 0], sizes = [8, 128], strides = [1, 1]} : vector<128x128xf32> to vector<8x128xf32>
    %swap3A_1326 = arith.constant 1664 : index
    %swap3A_1327 = arith.constant 0 : index
    %swap3A_1328 = vector.load %arg2[%swap3A_1326, %swap3A_1327] : memref<4096x128xf32, #tpu.memory_space<vmem>>, vector<8x128xf32>
    tpu.vector_store %arg2[%swap3A_1326, %swap3A_1327], %slice3A_1325 {strides = array<i32>} : memref<4096x128xf32, #tpu.memory_space<vmem>>, vector<8x128xf32>,
    %slice3A_1329 = vector.extract_strided_slice %transpose3A_1320 {offsets = [16, 0], sizes = [8, 128], strides = [1, 1]} : vector<128x128xf32> to vector<8x128xf32>
    %swap3A_1330 = arith.constant 2688 : index
    %swap3A_1331 = arith.constant 0 : index
    %swap3A_1332 = vector.load %arg2[%swap3A_1330, %swap3A_1331] : memref<4096x128xf32, #tpu.memory_space<vmem>>, vector<8x128xf32>
    tpu.vector_store %arg2[%swap3A_1330, %swap3A_1331], %slice3A_1329 {strides = array<i32>} : memref<4096x128xf32, #tpu.memory_space<vmem>>, vector<8x128xf32>,
    %slice3A_1333 = vector.extract_strided_slice %transpose3A_1320 {offsets = [24, 0], sizes = [8, 128], strides = [1, 1]} : vector<128x128xf32> to vector<8x128xf32>
    %swap3A_1334 = arith.constant 3712 : index
    %swap3A_1335 = arith.constant 0 : index
    %swap3A_1336 = vector.load %arg2[%swap3A_1334, %swap3A_1335] : memref<4096x128xf32, #tpu.memory_space<vmem>>, vector<8x128xf32>
    tpu.vector_store %arg2[%swap3A_1334, %swap3A_1335], %slice3A_1333 {strides = array<i32>} : memref<4096x128xf32, #tpu.memory_space<vmem>>, vector<8x128xf32>,
    %slice3A_1337 = vector.extract_strided_slice %transpose3A_1320 {offsets = [32, 0], sizes = [8, 128], strides = [1, 1]} : vector<128x128xf32> to vector<8x128xf32>
    %swap3A_1338 = arith.constant 648 : index
    %swap3A_1339 = arith.constant 0 : index
    %swap3A_1340 = vector.load %arg2[%swap3A_1338, %swap3A_1339] : memref<4096x128xf32, #tpu.memory_space<vmem>>, vector<8x128xf32>
    tpu.vector_store %arg2[%swap3A_1338, %swap3A_1339], %slice3A_1337 {strides = array<i32>} : memref<4096x128xf32, #tpu.memory_space<vmem>>, vector<8x128xf32>,
    %slice3A_1341 = vector.extract_strided_slice %transpose3A_1320 {offsets = [40, 0], sizes = [8, 128], strides = [1, 1]} : vector<128x128xf32> to vector<8x128xf32>
    %swap3A_1342 = arith.constant 1672 : index
    %swap3A_1343 = arith.constant 0 : index
    %swap3A_1344 = vector.load %arg2[%swap3A_1342, %swap3A_1343] : memref<4096x128xf32, #tpu.memory_space<vmem>>, vector<8x128xf32>
    tpu.vector_store %arg2[%swap3A_1342, %swap3A_1343], %slice3A_1341 {strides = array<i32>} : memref<4096x128xf32, #tpu.memory_space<vmem>>, vector<8x128xf32>,
    %slice3A_1345 = vector.extract_strided_slice %transpose3A_1320 {offsets = [48, 0], sizes = [8, 128], strides = [1, 1]} : vector<128x128xf32> to vector<8x128xf32>
    %swap3A_1346 = arith.constant 2696 : index
    %swap3A_1347 = arith.constant 0 : index
    %swap3A_1348 = vector.load %arg2[%swap3A_1346, %swap3A_1347] : memref<4096x128xf32, #tpu.memory_space<vmem>>, vector<8x128xf32>
    tpu.vector_store %arg2[%swap3A_1346, %swap3A_1347], %slice3A_1345 {strides = array<i32>} : memref<4096x128xf32, #tpu.memory_space<vmem>>, vector<8x128xf32>,
    %slice3A_1349 = vector.extract_strided_slice %transpose3A_1320 {offsets = [56, 0], sizes = [8, 128], strides = [1, 1]} : vector<128x128xf32> to vector<8x128xf32>
    %swap3A_1350 = arith.constant 3720 : index
    %swap3A_1351 = arith.constant 0 : index
    %swap3A_1352 = vector.load %arg2[%swap3A_1350, %swap3A_1351] : memref<4096x128xf32, #tpu.memory_space<vmem>>, vector<8x128xf32>
    tpu.vector_store %arg2[%swap3A_1350, %swap3A_1351], %slice3A_1349 {strides = array<i32>} : memref<4096x128xf32, #tpu.memory_space<vmem>>, vector<8x128xf32>,
    %slice3A_1353 = vector.extract_strided_slice %transpose3A_1320 {offsets = [64, 0], sizes = [8, 128], strides = [1, 1]} : vector<128x128xf32> to vector<8x128xf32>
    %swap3A_1354 = arith.constant 656 : index
    %swap3A_1355 = arith.constant 0 : index
    %swap3A_1356 = vector.load %arg2[%swap3A_1354, %swap3A_1355] : memref<4096x128xf32, #tpu.memory_space<vmem>>, vector<8x128xf32>
    tpu.vector_store %arg2[%swap3A_1354, %swap3A_1355], %slice3A_1353 {strides = array<i32>} : memref<4096x128xf32, #tpu.memory_space<vmem>>, vector<8x128xf32>,
    %slice3A_1357 = vector.extract_strided_slice %transpose3A_1320 {offsets = [72, 0], sizes = [8, 128], strides = [1, 1]} : vector<128x128xf32> to vector<8x128xf32>
    %swap3A_1358 = arith.constant 1680 : index
    %swap3A_1359 = arith.constant 0 : index
    %swap3A_1360 = vector.load %arg2[%swap3A_1358, %swap3A_1359] : memref<4096x128xf32, #tpu.memory_space<vmem>>, vector<8x128xf32>
    tpu.vector_store %arg2[%swap3A_1358, %swap3A_1359], %slice3A_1357 {strides = array<i32>} : memref<4096x128xf32, #tpu.memory_space<vmem>>, vector<8x128xf32>,
    %slice3A_1361 = vector.extract_strided_slice %transpose3A_1320 {offsets = [80, 0], sizes = [8, 128], strides = [1, 1]} : vector<128x128xf32> to vector<8x128xf32>
    %swap3A_1362 = arith.constant 2704 : index
    %swap3A_1363 = arith.constant 0 : index
    %swap3A_1364 = vector.load %arg2[%swap3A_1362, %swap3A_1363] : memref<4096x128xf32, #tpu.memory_space<vmem>>, vector<8x128xf32>
    tpu.vector_store %arg2[%swap3A_1362, %swap3A_1363], %slice3A_1361 {strides = array<i32>} : memref<4096x128xf32, #tpu.memory_space<vmem>>, vector<8x128xf32>,
    %slice3A_1365 = vector.extract_strided_slice %transpose3A_1320 {offsets = [88, 0], sizes = [8, 128], strides = [1, 1]} : vector<128x128xf32> to vector<8x128xf32>
    %swap3A_1366 = arith.constant 3728 : index
    %swap3A_1367 = arith.constant 0 : index
    %swap3A_1368 = vector.load %arg2[%swap3A_1366, %swap3A_1367] : memref<4096x128xf32, #tpu.memory_space<vmem>>, vector<8x128xf32>
    tpu.vector_store %arg2[%swap3A_1366, %swap3A_1367], %slice3A_1365 {strides = array<i32>} : memref<4096x128xf32, #tpu.memory_space<vmem>>, vector<8x128xf32>,
    %slice3A_1369 = vector.extract_strided_slice %transpose3A_1320 {offsets = [96, 0], sizes = [8, 128], strides = [1, 1]} : vector<128x128xf32> to vector<8x128xf32>
    %swap3A_1370 = arith.constant 664 : index
    %swap3A_1371 = arith.constant 0 : index
    %swap3A_1372 = vector.load %arg2[%swap3A_1370, %swap3A_1371] : memref<4096x128xf32, #tpu.memory_space<vmem>>, vector<8x128xf32>
    tpu.vector_store %arg2[%swap3A_1370, %swap3A_1371], %slice3A_1369 {strides = array<i32>} : memref<4096x128xf32, #tpu.memory_space<vmem>>, vector<8x128xf32>,
    %slice3A_1373 = vector.extract_strided_slice %transpose3A_1320 {offsets = [104, 0], sizes = [8, 128], strides = [1, 1]} : vector<128x128xf32> to vector<8x128xf32>
    %swap3A_1374 = arith.constant 1688 : index
    %swap3A_1375 = arith.constant 0 : index
    %swap3A_1376 = vector.load %arg2[%swap3A_1374, %swap3A_1375] : memref<4096x128xf32, #tpu.memory_space<vmem>>, vector<8x128xf32>
    tpu.vector_store %arg2[%swap3A_1374, %swap3A_1375], %slice3A_1373 {strides = array<i32>} : memref<4096x128xf32, #tpu.memory_space<vmem>>, vector<8x128xf32>,
    %slice3A_1377 = vector.extract_strided_slice %transpose3A_1320 {offsets = [112, 0], sizes = [8, 128], strides = [1, 1]} : vector<128x128xf32> to vector<8x128xf32>
    %swap3A_1378 = arith.constant 2712 : index
    %swap3A_1379 = arith.constant 0 : index
    %swap3A_1380 = vector.load %arg2[%swap3A_1378, %swap3A_1379] : memref<4096x128xf32, #tpu.memory_space<vmem>>, vector<8x128xf32>
    tpu.vector_store %arg2[%swap3A_1378, %swap3A_1379], %slice3A_1377 {strides = array<i32>} : memref<4096x128xf32, #tpu.memory_space<vmem>>, vector<8x128xf32>,
    %slice3A_1381 = vector.extract_strided_slice %transpose3A_1320 {offsets = [120, 0], sizes = [8, 128], strides = [1, 1]} : vector<128x128xf32> to vector<8x128xf32>
    %swap3A_1382 = arith.constant 3736 : index
    %swap3A_1383 = arith.constant 0 : index
    %swap3A_1384 = vector.load %arg2[%swap3A_1382, %swap3A_1383] : memref<4096x128xf32, #tpu.memory_space<vmem>>, vector<8x128xf32>
    tpu.vector_store %arg2[%swap3A_1382, %swap3A_1383], %slice3A_1381 {strides = array<i32>} : memref<4096x128xf32, #tpu.memory_space<vmem>>, vector<8x128xf32>,
    %slice3A_1385 = vector.extract_strided_slice %get3A_1 {offsets = [2688, 0], sizes = [128, 128], strides = [1, 1]} : vector<4096x128xf32> to vector<128x128xf32>
    %transpose3A_1386 = tpu.transpose %slice3A_1385, [1, 0] : vector<128x128xf32> -> vector<128x128xf32>
    %slice3A_1387 = vector.extract_strided_slice %transpose3A_1386 {offsets = [0, 0], sizes = [8, 128], strides = [1, 1]} : vector<128x128xf32> to vector<8x128xf32>
    %swap3A_1388 = arith.constant 672 : index
    %swap3A_1389 = arith.constant 0 : index
    %swap3A_1390 = vector.load %arg2[%swap3A_1388, %swap3A_1389] : memref<4096x128xf32, #tpu.memory_space<vmem>>, vector<8x128xf32>
    tpu.vector_store %arg2[%swap3A_1388, %swap3A_1389], %slice3A_1387 {strides = array<i32>} : memref<4096x128xf32, #tpu.memory_space<vmem>>, vector<8x128xf32>,
    %slice3A_1391 = vector.extract_strided_slice %transpose3A_1386 {offsets = [8, 0], sizes = [8, 128], strides = [1, 1]} : vector<128x128xf32> to vector<8x128xf32>
    %swap3A_1392 = arith.constant 1696 : index
    %swap3A_1393 = arith.constant 0 : index
    %swap3A_1394 = vector.load %arg2[%swap3A_1392, %swap3A_1393] : memref<4096x128xf32, #tpu.memory_space<vmem>>, vector<8x128xf32>
    tpu.vector_store %arg2[%swap3A_1392, %swap3A_1393], %slice3A_1391 {strides = array<i32>} : memref<4096x128xf32, #tpu.memory_space<vmem>>, vector<8x128xf32>,
    %slice3A_1395 = vector.extract_strided_slice %transpose3A_1386 {offsets = [16, 0], sizes = [8, 128], strides = [1, 1]} : vector<128x128xf32> to vector<8x128xf32>
    %swap3A_1396 = arith.constant 2720 : index
    %swap3A_1397 = arith.constant 0 : index
    %swap3A_1398 = vector.load %arg2[%swap3A_1396, %swap3A_1397] : memref<4096x128xf32, #tpu.memory_space<vmem>>, vector<8x128xf32>
    tpu.vector_store %arg2[%swap3A_1396, %swap3A_1397], %slice3A_1395 {strides = array<i32>} : memref<4096x128xf32, #tpu.memory_space<vmem>>, vector<8x128xf32>,
    %slice3A_1399 = vector.extract_strided_slice %transpose3A_1386 {offsets = [24, 0], sizes = [8, 128], strides = [1, 1]} : vector<128x128xf32> to vector<8x128xf32>
    %swap3A_1400 = arith.constant 3744 : index
    %swap3A_1401 = arith.constant 0 : index
    %swap3A_1402 = vector.load %arg2[%swap3A_1400, %swap3A_1401] : memref<4096x128xf32, #tpu.memory_space<vmem>>, vector<8x128xf32>
    tpu.vector_store %arg2[%swap3A_1400, %swap3A_1401], %slice3A_1399 {strides = array<i32>} : memref<4096x128xf32, #tpu.memory_space<vmem>>, vector<8x128xf32>,
    %slice3A_1403 = vector.extract_strided_slice %transpose3A_1386 {offsets = [32, 0], sizes = [8, 128], strides = [1, 1]} : vector<128x128xf32> to vector<8x128xf32>
    %swap3A_1404 = arith.constant 680 : index
    %swap3A_1405 = arith.constant 0 : index
    %swap3A_1406 = vector.load %arg2[%swap3A_1404, %swap3A_1405] : memref<4096x128xf32, #tpu.memory_space<vmem>>, vector<8x128xf32>
    tpu.vector_store %arg2[%swap3A_1404, %swap3A_1405], %slice3A_1403 {strides = array<i32>} : memref<4096x128xf32, #tpu.memory_space<vmem>>, vector<8x128xf32>,
    %slice3A_1407 = vector.extract_strided_slice %transpose3A_1386 {offsets = [40, 0], sizes = [8, 128], strides = [1, 1]} : vector<128x128xf32> to vector<8x128xf32>
    %swap3A_1408 = arith.constant 1704 : index
    %swap3A_1409 = arith.constant 0 : index
    %swap3A_1410 = vector.load %arg2[%swap3A_1408, %swap3A_1409] : memref<4096x128xf32, #tpu.memory_space<vmem>>, vector<8x128xf32>
    tpu.vector_store %arg2[%swap3A_1408, %swap3A_1409], %slice3A_1407 {strides = array<i32>} : memref<4096x128xf32, #tpu.memory_space<vmem>>, vector<8x128xf32>,
    %slice3A_1411 = vector.extract_strided_slice %transpose3A_1386 {offsets = [48, 0], sizes = [8, 128], strides = [1, 1]} : vector<128x128xf32> to vector<8x128xf32>
    %swap3A_1412 = arith.constant 2728 : index
    %swap3A_1413 = arith.constant 0 : index
    %swap3A_1414 = vector.load %arg2[%swap3A_1412, %swap3A_1413] : memref<4096x128xf32, #tpu.memory_space<vmem>>, vector<8x128xf32>
    tpu.vector_store %arg2[%swap3A_1412, %swap3A_1413], %slice3A_1411 {strides = array<i32>} : memref<4096x128xf32, #tpu.memory_space<vmem>>, vector<8x128xf32>,
    %slice3A_1415 = vector.extract_strided_slice %transpose3A_1386 {offsets = [56, 0], sizes = [8, 128], strides = [1, 1]} : vector<128x128xf32> to vector<8x128xf32>
    %swap3A_1416 = arith.constant 3752 : index
    %swap3A_1417 = arith.constant 0 : index
    %swap3A_1418 = vector.load %arg2[%swap3A_1416, %swap3A_1417] : memref<4096x128xf32, #tpu.memory_space<vmem>>, vector<8x128xf32>
    tpu.vector_store %arg2[%swap3A_1416, %swap3A_1417], %slice3A_1415 {strides = array<i32>} : memref<4096x128xf32, #tpu.memory_space<vmem>>, vector<8x128xf32>,
    %slice3A_1419 = vector.extract_strided_slice %transpose3A_1386 {offsets = [64, 0], sizes = [8, 128], strides = [1, 1]} : vector<128x128xf32> to vector<8x128xf32>
    %swap3A_1420 = arith.constant 688 : index
    %swap3A_1421 = arith.constant 0 : index
    %swap3A_1422 = vector.load %arg2[%swap3A_1420, %swap3A_1421] : memref<4096x128xf32, #tpu.memory_space<vmem>>, vector<8x128xf32>
    tpu.vector_store %arg2[%swap3A_1420, %swap3A_1421], %slice3A_1419 {strides = array<i32>} : memref<4096x128xf32, #tpu.memory_space<vmem>>, vector<8x128xf32>,
    %slice3A_1423 = vector.extract_strided_slice %transpose3A_1386 {offsets = [72, 0], sizes = [8, 128], strides = [1, 1]} : vector<128x128xf32> to vector<8x128xf32>
    %swap3A_1424 = arith.constant 1712 : index
    %swap3A_1425 = arith.constant 0 : index
    %swap3A_1426 = vector.load %arg2[%swap3A_1424, %swap3A_1425] : memref<4096x128xf32, #tpu.memory_space<vmem>>, vector<8x128xf32>
    tpu.vector_store %arg2[%swap3A_1424, %swap3A_1425], %slice3A_1423 {strides = array<i32>} : memref<4096x128xf32, #tpu.memory_space<vmem>>, vector<8x128xf32>,
    %slice3A_1427 = vector.extract_strided_slice %transpose3A_1386 {offsets = [80, 0], sizes = [8, 128], strides = [1, 1]} : vector<128x128xf32> to vector<8x128xf32>
    %swap3A_1428 = arith.constant 2736 : index
    %swap3A_1429 = arith.constant 0 : index
    %swap3A_1430 = vector.load %arg2[%swap3A_1428, %swap3A_1429] : memref<4096x128xf32, #tpu.memory_space<vmem>>, vector<8x128xf32>
    tpu.vector_store %arg2[%swap3A_1428, %swap3A_1429], %slice3A_1427 {strides = array<i32>} : memref<4096x128xf32, #tpu.memory_space<vmem>>, vector<8x128xf32>,
    %slice3A_1431 = vector.extract_strided_slice %transpose3A_1386 {offsets = [88, 0], sizes = [8, 128], strides = [1, 1]} : vector<128x128xf32> to vector<8x128xf32>
    %swap3A_1432 = arith.constant 3760 : index
    %swap3A_1433 = arith.constant 0 : index
    %swap3A_1434 = vector.load %arg2[%swap3A_1432, %swap3A_1433] : memref<4096x128xf32, #tpu.memory_space<vmem>>, vector<8x128xf32>
    tpu.vector_store %arg2[%swap3A_1432, %swap3A_1433], %slice3A_1431 {strides = array<i32>} : memref<4096x128xf32, #tpu.memory_space<vmem>>, vector<8x128xf32>,
    %slice3A_1435 = vector.extract_strided_slice %transpose3A_1386 {offsets = [96, 0], sizes = [8, 128], strides = [1, 1]} : vector<128x128xf32> to vector<8x128xf32>
    %swap3A_1436 = arith.constant 696 : index
    %swap3A_1437 = arith.constant 0 : index
    %swap3A_1438 = vector.load %arg2[%swap3A_1436, %swap3A_1437] : memref<4096x128xf32, #tpu.memory_space<vmem>>, vector<8x128xf32>
    tpu.vector_store %arg2[%swap3A_1436, %swap3A_1437], %slice3A_1435 {strides = array<i32>} : memref<4096x128xf32, #tpu.memory_space<vmem>>, vector<8x128xf32>,
    %slice3A_1439 = vector.extract_strided_slice %transpose3A_1386 {offsets = [104, 0], sizes = [8, 128], strides = [1, 1]} : vector<128x128xf32> to vector<8x128xf32>
    %swap3A_1440 = arith.constant 1720 : index
    %swap3A_1441 = arith.constant 0 : index
    %swap3A_1442 = vector.load %arg2[%swap3A_1440, %swap3A_1441] : memref<4096x128xf32, #tpu.memory_space<vmem>>, vector<8x128xf32>
    tpu.vector_store %arg2[%swap3A_1440, %swap3A_1441], %slice3A_1439 {strides = array<i32>} : memref<4096x128xf32, #tpu.memory_space<vmem>>, vector<8x128xf32>,
    %slice3A_1443 = vector.extract_strided_slice %transpose3A_1386 {offsets = [112, 0], sizes = [8, 128], strides = [1, 1]} : vector<128x128xf32> to vector<8x128xf32>
    %swap3A_1444 = arith.constant 2744 : index
    %swap3A_1445 = arith.constant 0 : index
    %swap3A_1446 = vector.load %arg2[%swap3A_1444, %swap3A_1445] : memref<4096x128xf32, #tpu.memory_space<vmem>>, vector<8x128xf32>
    tpu.vector_store %arg2[%swap3A_1444, %swap3A_1445], %slice3A_1443 {strides = array<i32>} : memref<4096x128xf32, #tpu.memory_space<vmem>>, vector<8x128xf32>,
    %slice3A_1447 = vector.extract_strided_slice %transpose3A_1386 {offsets = [120, 0], sizes = [8, 128], strides = [1, 1]} : vector<128x128xf32> to vector<8x128xf32>
    %swap3A_1448 = arith.constant 3768 : index
    %swap3A_1449 = arith.constant 0 : index
    %swap3A_1450 = vector.load %arg2[%swap3A_1448, %swap3A_1449] : memref<4096x128xf32, #tpu.memory_space<vmem>>, vector<8x128xf32>
    tpu.vector_store %arg2[%swap3A_1448, %swap3A_1449], %slice3A_1447 {strides = array<i32>} : memref<4096x128xf32, #tpu.memory_space<vmem>>, vector<8x128xf32>,
    %slice3A_1451 = vector.extract_strided_slice %get3A_1 {offsets = [2816, 0], sizes = [128, 128], strides = [1, 1]} : vector<4096x128xf32> to vector<128x128xf32>
    %transpose3A_1452 = tpu.transpose %slice3A_1451, [1, 0] : vector<128x128xf32> -> vector<128x128xf32>
    %slice3A_1453 = vector.extract_strided_slice %transpose3A_1452 {offsets = [0, 0], sizes = [8, 128], strides = [1, 1]} : vector<128x128xf32> to vector<8x128xf32>
    %swap3A_1454 = arith.constant 704 : index
    %swap3A_1455 = arith.constant 0 : index
    %swap3A_1456 = vector.load %arg2[%swap3A_1454, %swap3A_1455] : memref<4096x128xf32, #tpu.memory_space<vmem>>, vector<8x128xf32>
    tpu.vector_store %arg2[%swap3A_1454, %swap3A_1455], %slice3A_1453 {strides = array<i32>} : memref<4096x128xf32, #tpu.memory_space<vmem>>, vector<8x128xf32>,
    %slice3A_1457 = vector.extract_strided_slice %transpose3A_1452 {offsets = [8, 0], sizes = [8, 128], strides = [1, 1]} : vector<128x128xf32> to vector<8x128xf32>
    %swap3A_1458 = arith.constant 1728 : index
    %swap3A_1459 = arith.constant 0 : index
    %swap3A_1460 = vector.load %arg2[%swap3A_1458, %swap3A_1459] : memref<4096x128xf32, #tpu.memory_space<vmem>>, vector<8x128xf32>
    tpu.vector_store %arg2[%swap3A_1458, %swap3A_1459], %slice3A_1457 {strides = array<i32>} : memref<4096x128xf32, #tpu.memory_space<vmem>>, vector<8x128xf32>,
    %slice3A_1461 = vector.extract_strided_slice %transpose3A_1452 {offsets = [16, 0], sizes = [8, 128], strides = [1, 1]} : vector<128x128xf32> to vector<8x128xf32>
    %swap3A_1462 = arith.constant 2752 : index
    %swap3A_1463 = arith.constant 0 : index
    %swap3A_1464 = vector.load %arg2[%swap3A_1462, %swap3A_1463] : memref<4096x128xf32, #tpu.memory_space<vmem>>, vector<8x128xf32>
    tpu.vector_store %arg2[%swap3A_1462, %swap3A_1463], %slice3A_1461 {strides = array<i32>} : memref<4096x128xf32, #tpu.memory_space<vmem>>, vector<8x128xf32>,
    %slice3A_1465 = vector.extract_strided_slice %transpose3A_1452 {offsets = [24, 0], sizes = [8, 128], strides = [1, 1]} : vector<128x128xf32> to vector<8x128xf32>
    %swap3A_1466 = arith.constant 3776 : index
    %swap3A_1467 = arith.constant 0 : index
    %swap3A_1468 = vector.load %arg2[%swap3A_1466, %swap3A_1467] : memref<4096x128xf32, #tpu.memory_space<vmem>>, vector<8x128xf32>
    tpu.vector_store %arg2[%swap3A_1466, %swap3A_1467], %slice3A_1465 {strides = array<i32>} : memref<4096x128xf32, #tpu.memory_space<vmem>>, vector<8x128xf32>,
    %slice3A_1469 = vector.extract_strided_slice %transpose3A_1452 {offsets = [32, 0], sizes = [8, 128], strides = [1, 1]} : vector<128x128xf32> to vector<8x128xf32>
    %swap3A_1470 = arith.constant 712 : index
    %swap3A_1471 = arith.constant 0 : index
    %swap3A_1472 = vector.load %arg2[%swap3A_1470, %swap3A_1471] : memref<4096x128xf32, #tpu.memory_space<vmem>>, vector<8x128xf32>
    tpu.vector_store %arg2[%swap3A_1470, %swap3A_1471], %slice3A_1469 {strides = array<i32>} : memref<4096x128xf32, #tpu.memory_space<vmem>>, vector<8x128xf32>,
    %slice3A_1473 = vector.extract_strided_slice %transpose3A_1452 {offsets = [40, 0], sizes = [8, 128], strides = [1, 1]} : vector<128x128xf32> to vector<8x128xf32>
    %swap3A_1474 = arith.constant 1736 : index
    %swap3A_1475 = arith.constant 0 : index
    %swap3A_1476 = vector.load %arg2[%swap3A_1474, %swap3A_1475] : memref<4096x128xf32, #tpu.memory_space<vmem>>, vector<8x128xf32>
    tpu.vector_store %arg2[%swap3A_1474, %swap3A_1475], %slice3A_1473 {strides = array<i32>} : memref<4096x128xf32, #tpu.memory_space<vmem>>, vector<8x128xf32>,
    %slice3A_1477 = vector.extract_strided_slice %transpose3A_1452 {offsets = [48, 0], sizes = [8, 128], strides = [1, 1]} : vector<128x128xf32> to vector<8x128xf32>
    %swap3A_1478 = arith.constant 2760 : index
    %swap3A_1479 = arith.constant 0 : index
    %swap3A_1480 = vector.load %arg2[%swap3A_1478, %swap3A_1479] : memref<4096x128xf32, #tpu.memory_space<vmem>>, vector<8x128xf32>
    tpu.vector_store %arg2[%swap3A_1478, %swap3A_1479], %slice3A_1477 {strides = array<i32>} : memref<4096x128xf32, #tpu.memory_space<vmem>>, vector<8x128xf32>,
    %slice3A_1481 = vector.extract_strided_slice %transpose3A_1452 {offsets = [56, 0], sizes = [8, 128], strides = [1, 1]} : vector<128x128xf32> to vector<8x128xf32>
    %swap3A_1482 = arith.constant 3784 : index
    %swap3A_1483 = arith.constant 0 : index
    %swap3A_1484 = vector.load %arg2[%swap3A_1482, %swap3A_1483] : memref<4096x128xf32, #tpu.memory_space<vmem>>, vector<8x128xf32>
    tpu.vector_store %arg2[%swap3A_1482, %swap3A_1483], %slice3A_1481 {strides = array<i32>} : memref<4096x128xf32, #tpu.memory_space<vmem>>, vector<8x128xf32>,
    %slice3A_1485 = vector.extract_strided_slice %transpose3A_1452 {offsets = [64, 0], sizes = [8, 128], strides = [1, 1]} : vector<128x128xf32> to vector<8x128xf32>
    %swap3A_1486 = arith.constant 720 : index
    %swap3A_1487 = arith.constant 0 : index
    %swap3A_1488 = vector.load %arg2[%swap3A_1486, %swap3A_1487] : memref<4096x128xf32, #tpu.memory_space<vmem>>, vector<8x128xf32>
    tpu.vector_store %arg2[%swap3A_1486, %swap3A_1487], %slice3A_1485 {strides = array<i32>} : memref<4096x128xf32, #tpu.memory_space<vmem>>, vector<8x128xf32>,
    %slice3A_1489 = vector.extract_strided_slice %transpose3A_1452 {offsets = [72, 0], sizes = [8, 128], strides = [1, 1]} : vector<128x128xf32> to vector<8x128xf32>
    %swap3A_1490 = arith.constant 1744 : index
    %swap3A_1491 = arith.constant 0 : index
    %swap3A_1492 = vector.load %arg2[%swap3A_1490, %swap3A_1491] : memref<4096x128xf32, #tpu.memory_space<vmem>>, vector<8x128xf32>
    tpu.vector_store %arg2[%swap3A_1490, %swap3A_1491], %slice3A_1489 {strides = array<i32>} : memref<4096x128xf32, #tpu.memory_space<vmem>>, vector<8x128xf32>,
    %slice3A_1493 = vector.extract_strided_slice %transpose3A_1452 {offsets = [80, 0], sizes = [8, 128], strides = [1, 1]} : vector<128x128xf32> to vector<8x128xf32>
    %swap3A_1494 = arith.constant 2768 : index
    %swap3A_1495 = arith.constant 0 : index
    %swap3A_1496 = vector.load %arg2[%swap3A_1494, %swap3A_1495] : memref<4096x128xf32, #tpu.memory_space<vmem>>, vector<8x128xf32>
    tpu.vector_store %arg2[%swap3A_1494, %swap3A_1495], %slice3A_1493 {strides = array<i32>} : memref<4096x128xf32, #tpu.memory_space<vmem>>, vector<8x128xf32>,
    %slice3A_1497 = vector.extract_strided_slice %transpose3A_1452 {offsets = [88, 0], sizes = [8, 128], strides = [1, 1]} : vector<128x128xf32> to vector<8x128xf32>
    %swap3A_1498 = arith.constant 3792 : index
    %swap3A_1499 = arith.constant 0 : index
    %swap3A_1500 = vector.load %arg2[%swap3A_1498, %swap3A_1499] : memref<4096x128xf32, #tpu.memory_space<vmem>>, vector<8x128xf32>
    tpu.vector_store %arg2[%swap3A_1498, %swap3A_1499], %slice3A_1497 {strides = array<i32>} : memref<4096x128xf32, #tpu.memory_space<vmem>>, vector<8x128xf32>,
    %slice3A_1501 = vector.extract_strided_slice %transpose3A_1452 {offsets = [96, 0], sizes = [8, 128], strides = [1, 1]} : vector<128x128xf32> to vector<8x128xf32>
    %swap3A_1502 = arith.constant 728 : index
    %swap3A_1503 = arith.constant 0 : index
    %swap3A_1504 = vector.load %arg2[%swap3A_1502, %swap3A_1503] : memref<4096x128xf32, #tpu.memory_space<vmem>>, vector<8x128xf32>
    tpu.vector_store %arg2[%swap3A_1502, %swap3A_1503], %slice3A_1501 {strides = array<i32>} : memref<4096x128xf32, #tpu.memory_space<vmem>>, vector<8x128xf32>,
    %slice3A_1505 = vector.extract_strided_slice %transpose3A_1452 {offsets = [104, 0], sizes = [8, 128], strides = [1, 1]} : vector<128x128xf32> to vector<8x128xf32>
    %swap3A_1506 = arith.constant 1752 : index
    %swap3A_1507 = arith.constant 0 : index
    %swap3A_1508 = vector.load %arg2[%swap3A_1506, %swap3A_1507] : memref<4096x128xf32, #tpu.memory_space<vmem>>, vector<8x128xf32>
    tpu.vector_store %arg2[%swap3A_1506, %swap3A_1507], %slice3A_1505 {strides = array<i32>} : memref<4096x128xf32, #tpu.memory_space<vmem>>, vector<8x128xf32>,
    %slice3A_1509 = vector.extract_strided_slice %transpose3A_1452 {offsets = [112, 0], sizes = [8, 128], strides = [1, 1]} : vector<128x128xf32> to vector<8x128xf32>
    %swap3A_1510 = arith.constant 2776 : index
    %swap3A_1511 = arith.constant 0 : index
    %swap3A_1512 = vector.load %arg2[%swap3A_1510, %swap3A_1511] : memref<4096x128xf32, #tpu.memory_space<vmem>>, vector<8x128xf32>
    tpu.vector_store %arg2[%swap3A_1510, %swap3A_1511], %slice3A_1509 {strides = array<i32>} : memref<4096x128xf32, #tpu.memory_space<vmem>>, vector<8x128xf32>,
    %slice3A_1513 = vector.extract_strided_slice %transpose3A_1452 {offsets = [120, 0], sizes = [8, 128], strides = [1, 1]} : vector<128x128xf32> to vector<8x128xf32>
    %swap3A_1514 = arith.constant 3800 : index
    %swap3A_1515 = arith.constant 0 : index
    %swap3A_1516 = vector.load %arg2[%swap3A_1514, %swap3A_1515] : memref<4096x128xf32, #tpu.memory_space<vmem>>, vector<8x128xf32>
    tpu.vector_store %arg2[%swap3A_1514, %swap3A_1515], %slice3A_1513 {strides = array<i32>} : memref<4096x128xf32, #tpu.memory_space<vmem>>, vector<8x128xf32>,
    %slice3A_1517 = vector.extract_strided_slice %get3A_1 {offsets = [2944, 0], sizes = [128, 128], strides = [1, 1]} : vector<4096x128xf32> to vector<128x128xf32>
    %transpose3A_1518 = tpu.transpose %slice3A_1517, [1, 0] : vector<128x128xf32> -> vector<128x128xf32>
    %slice3A_1519 = vector.extract_strided_slice %transpose3A_1518 {offsets = [0, 0], sizes = [8, 128], strides = [1, 1]} : vector<128x128xf32> to vector<8x128xf32>
    %swap3A_1520 = arith.constant 736 : index
    %swap3A_1521 = arith.constant 0 : index
    %swap3A_1522 = vector.load %arg2[%swap3A_1520, %swap3A_1521] : memref<4096x128xf32, #tpu.memory_space<vmem>>, vector<8x128xf32>
    tpu.vector_store %arg2[%swap3A_1520, %swap3A_1521], %slice3A_1519 {strides = array<i32>} : memref<4096x128xf32, #tpu.memory_space<vmem>>, vector<8x128xf32>,
    %slice3A_1523 = vector.extract_strided_slice %transpose3A_1518 {offsets = [8, 0], sizes = [8, 128], strides = [1, 1]} : vector<128x128xf32> to vector<8x128xf32>
    %swap3A_1524 = arith.constant 1760 : index
    %swap3A_1525 = arith.constant 0 : index
    %swap3A_1526 = vector.load %arg2[%swap3A_1524, %swap3A_1525] : memref<4096x128xf32, #tpu.memory_space<vmem>>, vector<8x128xf32>
    tpu.vector_store %arg2[%swap3A_1524, %swap3A_1525], %slice3A_1523 {strides = array<i32>} : memref<4096x128xf32, #tpu.memory_space<vmem>>, vector<8x128xf32>,
    %slice3A_1527 = vector.extract_strided_slice %transpose3A_1518 {offsets = [16, 0], sizes = [8, 128], strides = [1, 1]} : vector<128x128xf32> to vector<8x128xf32>
    %swap3A_1528 = arith.constant 2784 : index
    %swap3A_1529 = arith.constant 0 : index
    %swap3A_1530 = vector.load %arg2[%swap3A_1528, %swap3A_1529] : memref<4096x128xf32, #tpu.memory_space<vmem>>, vector<8x128xf32>
    tpu.vector_store %arg2[%swap3A_1528, %swap3A_1529], %slice3A_1527 {strides = array<i32>} : memref<4096x128xf32, #tpu.memory_space<vmem>>, vector<8x128xf32>,
    %slice3A_1531 = vector.extract_strided_slice %transpose3A_1518 {offsets = [24, 0], sizes = [8, 128], strides = [1, 1]} : vector<128x128xf32> to vector<8x128xf32>
    %swap3A_1532 = arith.constant 3808 : index
    %swap3A_1533 = arith.constant 0 : index
    %swap3A_1534 = vector.load %arg2[%swap3A_1532, %swap3A_1533] : memref<4096x128xf32, #tpu.memory_space<vmem>>, vector<8x128xf32>
    tpu.vector_store %arg2[%swap3A_1532, %swap3A_1533], %slice3A_1531 {strides = array<i32>} : memref<4096x128xf32, #tpu.memory_space<vmem>>, vector<8x128xf32>,
    %slice3A_1535 = vector.extract_strided_slice %transpose3A_1518 {offsets = [32, 0], sizes = [8, 128], strides = [1, 1]} : vector<128x128xf32> to vector<8x128xf32>
    %swap3A_1536 = arith.constant 744 : index
    %swap3A_1537 = arith.constant 0 : index
    %swap3A_1538 = vector.load %arg2[%swap3A_1536, %swap3A_1537] : memref<4096x128xf32, #tpu.memory_space<vmem>>, vector<8x128xf32>
    tpu.vector_store %arg2[%swap3A_1536, %swap3A_1537], %slice3A_1535 {strides = array<i32>} : memref<4096x128xf32, #tpu.memory_space<vmem>>, vector<8x128xf32>,
    %slice3A_1539 = vector.extract_strided_slice %transpose3A_1518 {offsets = [40, 0], sizes = [8, 128], strides = [1, 1]} : vector<128x128xf32> to vector<8x128xf32>
    %swap3A_1540 = arith.constant 1768 : index
    %swap3A_1541 = arith.constant 0 : index
    %swap3A_1542 = vector.load %arg2[%swap3A_1540, %swap3A_1541] : memref<4096x128xf32, #tpu.memory_space<vmem>>, vector<8x128xf32>
    tpu.vector_store %arg2[%swap3A_1540, %swap3A_1541], %slice3A_1539 {strides = array<i32>} : memref<4096x128xf32, #tpu.memory_space<vmem>>, vector<8x128xf32>,
    %slice3A_1543 = vector.extract_strided_slice %transpose3A_1518 {offsets = [48, 0], sizes = [8, 128], strides = [1, 1]} : vector<128x128xf32> to vector<8x128xf32>
    %swap3A_1544 = arith.constant 2792 : index
    %swap3A_1545 = arith.constant 0 : index
    %swap3A_1546 = vector.load %arg2[%swap3A_1544, %swap3A_1545] : memref<4096x128xf32, #tpu.memory_space<vmem>>, vector<8x128xf32>
    tpu.vector_store %arg2[%swap3A_1544, %swap3A_1545], %slice3A_1543 {strides = array<i32>} : memref<4096x128xf32, #tpu.memory_space<vmem>>, vector<8x128xf32>,
    %slice3A_1547 = vector.extract_strided_slice %transpose3A_1518 {offsets = [56, 0], sizes = [8, 128], strides = [1, 1]} : vector<128x128xf32> to vector<8x128xf32>
    %swap3A_1548 = arith.constant 3816 : index
    %swap3A_1549 = arith.constant 0 : index
    %swap3A_1550 = vector.load %arg2[%swap3A_1548, %swap3A_1549] : memref<4096x128xf32, #tpu.memory_space<vmem>>, vector<8x128xf32>
    tpu.vector_store %arg2[%swap3A_1548, %swap3A_1549], %slice3A_1547 {strides = array<i32>} : memref<4096x128xf32, #tpu.memory_space<vmem>>, vector<8x128xf32>,
    %slice3A_1551 = vector.extract_strided_slice %transpose3A_1518 {offsets = [64, 0], sizes = [8, 128], strides = [1, 1]} : vector<128x128xf32> to vector<8x128xf32>
    %swap3A_1552 = arith.constant 752 : index
    %swap3A_1553 = arith.constant 0 : index
    %swap3A_1554 = vector.load %arg2[%swap3A_1552, %swap3A_1553] : memref<4096x128xf32, #tpu.memory_space<vmem>>, vector<8x128xf32>
    tpu.vector_store %arg2[%swap3A_1552, %swap3A_1553], %slice3A_1551 {strides = array<i32>} : memref<4096x128xf32, #tpu.memory_space<vmem>>, vector<8x128xf32>,
    %slice3A_1555 = vector.extract_strided_slice %transpose3A_1518 {offsets = [72, 0], sizes = [8, 128], strides = [1, 1]} : vector<128x128xf32> to vector<8x128xf32>
    %swap3A_1556 = arith.constant 1776 : index
    %swap3A_1557 = arith.constant 0 : index
    %swap3A_1558 = vector.load %arg2[%swap3A_1556, %swap3A_1557] : memref<4096x128xf32, #tpu.memory_space<vmem>>, vector<8x128xf32>
    tpu.vector_store %arg2[%swap3A_1556, %swap3A_1557], %slice3A_1555 {strides = array<i32>} : memref<4096x128xf32, #tpu.memory_space<vmem>>, vector<8x128xf32>,
    %slice3A_1559 = vector.extract_strided_slice %transpose3A_1518 {offsets = [80, 0], sizes = [8, 128], strides = [1, 1]} : vector<128x128xf32> to vector<8x128xf32>
    %swap3A_1560 = arith.constant 2800 : index
    %swap3A_1561 = arith.constant 0 : index
    %swap3A_1562 = vector.load %arg2[%swap3A_1560, %swap3A_1561] : memref<4096x128xf32, #tpu.memory_space<vmem>>, vector<8x128xf32>
    tpu.vector_store %arg2[%swap3A_1560, %swap3A_1561], %slice3A_1559 {strides = array<i32>} : memref<4096x128xf32, #tpu.memory_space<vmem>>, vector<8x128xf32>,
    %slice3A_1563 = vector.extract_strided_slice %transpose3A_1518 {offsets = [88, 0], sizes = [8, 128], strides = [1, 1]} : vector<128x128xf32> to vector<8x128xf32>
    %swap3A_1564 = arith.constant 3824 : index
    %swap3A_1565 = arith.constant 0 : index
    %swap3A_1566 = vector.load %arg2[%swap3A_1564, %swap3A_1565] : memref<4096x128xf32, #tpu.memory_space<vmem>>, vector<8x128xf32>
    tpu.vector_store %arg2[%swap3A_1564, %swap3A_1565], %slice3A_1563 {strides = array<i32>} : memref<4096x128xf32, #tpu.memory_space<vmem>>, vector<8x128xf32>,
    %slice3A_1567 = vector.extract_strided_slice %transpose3A_1518 {offsets = [96, 0], sizes = [8, 128], strides = [1, 1]} : vector<128x128xf32> to vector<8x128xf32>
    %swap3A_1568 = arith.constant 760 : index
    %swap3A_1569 = arith.constant 0 : index
    %swap3A_1570 = vector.load %arg2[%swap3A_1568, %swap3A_1569] : memref<4096x128xf32, #tpu.memory_space<vmem>>, vector<8x128xf32>
    tpu.vector_store %arg2[%swap3A_1568, %swap3A_1569], %slice3A_1567 {strides = array<i32>} : memref<4096x128xf32, #tpu.memory_space<vmem>>, vector<8x128xf32>,
    %slice3A_1571 = vector.extract_strided_slice %transpose3A_1518 {offsets = [104, 0], sizes = [8, 128], strides = [1, 1]} : vector<128x128xf32> to vector<8x128xf32>
    %swap3A_1572 = arith.constant 1784 : index
    %swap3A_1573 = arith.constant 0 : index
    %swap3A_1574 = vector.load %arg2[%swap3A_1572, %swap3A_1573] : memref<4096x128xf32, #tpu.memory_space<vmem>>, vector<8x128xf32>
    tpu.vector_store %arg2[%swap3A_1572, %swap3A_1573], %slice3A_1571 {strides = array<i32>} : memref<4096x128xf32, #tpu.memory_space<vmem>>, vector<8x128xf32>,
    %slice3A_1575 = vector.extract_strided_slice %transpose3A_1518 {offsets = [112, 0], sizes = [8, 128], strides = [1, 1]} : vector<128x128xf32> to vector<8x128xf32>
    %swap3A_1576 = arith.constant 2808 : index
    %swap3A_1577 = arith.constant 0 : index
    %swap3A_1578 = vector.load %arg2[%swap3A_1576, %swap3A_1577] : memref<4096x128xf32, #tpu.memory_space<vmem>>, vector<8x128xf32>
    tpu.vector_store %arg2[%swap3A_1576, %swap3A_1577], %slice3A_1575 {strides = array<i32>} : memref<4096x128xf32, #tpu.memory_space<vmem>>, vector<8x128xf32>,
    %slice3A_1579 = vector.extract_strided_slice %transpose3A_1518 {offsets = [120, 0], sizes = [8, 128], strides = [1, 1]} : vector<128x128xf32> to vector<8x128xf32>
    %swap3A_1580 = arith.constant 3832 : index
    %swap3A_1581 = arith.constant 0 : index
    %swap3A_1582 = vector.load %arg2[%swap3A_1580, %swap3A_1581] : memref<4096x128xf32, #tpu.memory_space<vmem>>, vector<8x128xf32>
    tpu.vector_store %arg2[%swap3A_1580, %swap3A_1581], %slice3A_1579 {strides = array<i32>} : memref<4096x128xf32, #tpu.memory_space<vmem>>, vector<8x128xf32>,
    %slice3A_1583 = vector.extract_strided_slice %get3A_1 {offsets = [3072, 0], sizes = [128, 128], strides = [1, 1]} : vector<4096x128xf32> to vector<128x128xf32>
    %transpose3A_1584 = tpu.transpose %slice3A_1583, [1, 0] : vector<128x128xf32> -> vector<128x128xf32>
    %slice3A_1585 = vector.extract_strided_slice %transpose3A_1584 {offsets = [0, 0], sizes = [8, 128], strides = [1, 1]} : vector<128x128xf32> to vector<8x128xf32>
    %swap3A_1586 = arith.constant 768 : index
    %swap3A_1587 = arith.constant 0 : index
    %swap3A_1588 = vector.load %arg2[%swap3A_1586, %swap3A_1587] : memref<4096x128xf32, #tpu.memory_space<vmem>>, vector<8x128xf32>
    tpu.vector_store %arg2[%swap3A_1586, %swap3A_1587], %slice3A_1585 {strides = array<i32>} : memref<4096x128xf32, #tpu.memory_space<vmem>>, vector<8x128xf32>,
    %slice3A_1589 = vector.extract_strided_slice %transpose3A_1584 {offsets = [8, 0], sizes = [8, 128], strides = [1, 1]} : vector<128x128xf32> to vector<8x128xf32>
    %swap3A_1590 = arith.constant 1792 : index
    %swap3A_1591 = arith.constant 0 : index
    %swap3A_1592 = vector.load %arg2[%swap3A_1590, %swap3A_1591] : memref<4096x128xf32, #tpu.memory_space<vmem>>, vector<8x128xf32>
    tpu.vector_store %arg2[%swap3A_1590, %swap3A_1591], %slice3A_1589 {strides = array<i32>} : memref<4096x128xf32, #tpu.memory_space<vmem>>, vector<8x128xf32>,
    %slice3A_1593 = vector.extract_strided_slice %transpose3A_1584 {offsets = [16, 0], sizes = [8, 128], strides = [1, 1]} : vector<128x128xf32> to vector<8x128xf32>
    %swap3A_1594 = arith.constant 2816 : index
    %swap3A_1595 = arith.constant 0 : index
    %swap3A_1596 = vector.load %arg2[%swap3A_1594, %swap3A_1595] : memref<4096x128xf32, #tpu.memory_space<vmem>>, vector<8x128xf32>
    tpu.vector_store %arg2[%swap3A_1594, %swap3A_1595], %slice3A_1593 {strides = array<i32>} : memref<4096x128xf32, #tpu.memory_space<vmem>>, vector<8x128xf32>,
    %slice3A_1597 = vector.extract_strided_slice %transpose3A_1584 {offsets = [24, 0], sizes = [8, 128], strides = [1, 1]} : vector<128x128xf32> to vector<8x128xf32>
    %swap3A_1598 = arith.constant 3840 : index
    %swap3A_1599 = arith.constant 0 : index
    %swap3A_1600 = vector.load %arg2[%swap3A_1598, %swap3A_1599] : memref<4096x128xf32, #tpu.memory_space<vmem>>, vector<8x128xf32>
    tpu.vector_store %arg2[%swap3A_1598, %swap3A_1599], %slice3A_1597 {strides = array<i32>} : memref<4096x128xf32, #tpu.memory_space<vmem>>, vector<8x128xf32>,
    %slice3A_1601 = vector.extract_strided_slice %transpose3A_1584 {offsets = [32, 0], sizes = [8, 128], strides = [1, 1]} : vector<128x128xf32> to vector<8x128xf32>
    %swap3A_1602 = arith.constant 776 : index
    %swap3A_1603 = arith.constant 0 : index
    %swap3A_1604 = vector.load %arg2[%swap3A_1602, %swap3A_1603] : memref<4096x128xf32, #tpu.memory_space<vmem>>, vector<8x128xf32>
    tpu.vector_store %arg2[%swap3A_1602, %swap3A_1603], %slice3A_1601 {strides = array<i32>} : memref<4096x128xf32, #tpu.memory_space<vmem>>, vector<8x128xf32>,
    %slice3A_1605 = vector.extract_strided_slice %transpose3A_1584 {offsets = [40, 0], sizes = [8, 128], strides = [1, 1]} : vector<128x128xf32> to vector<8x128xf32>
    %swap3A_1606 = arith.constant 1800 : index
    %swap3A_1607 = arith.constant 0 : index
    %swap3A_1608 = vector.load %arg2[%swap3A_1606, %swap3A_1607] : memref<4096x128xf32, #tpu.memory_space<vmem>>, vector<8x128xf32>
    tpu.vector_store %arg2[%swap3A_1606, %swap3A_1607], %slice3A_1605 {strides = array<i32>} : memref<4096x128xf32, #tpu.memory_space<vmem>>, vector<8x128xf32>,
    %slice3A_1609 = vector.extract_strided_slice %transpose3A_1584 {offsets = [48, 0], sizes = [8, 128], strides = [1, 1]} : vector<128x128xf32> to vector<8x128xf32>
    %swap3A_1610 = arith.constant 2824 : index
    %swap3A_1611 = arith.constant 0 : index
    %swap3A_1612 = vector.load %arg2[%swap3A_1610, %swap3A_1611] : memref<4096x128xf32, #tpu.memory_space<vmem>>, vector<8x128xf32>
    tpu.vector_store %arg2[%swap3A_1610, %swap3A_1611], %slice3A_1609 {strides = array<i32>} : memref<4096x128xf32, #tpu.memory_space<vmem>>, vector<8x128xf32>,
    %slice3A_1613 = vector.extract_strided_slice %transpose3A_1584 {offsets = [56, 0], sizes = [8, 128], strides = [1, 1]} : vector<128x128xf32> to vector<8x128xf32>
    %swap3A_1614 = arith.constant 3848 : index
    %swap3A_1615 = arith.constant 0 : index
    %swap3A_1616 = vector.load %arg2[%swap3A_1614, %swap3A_1615] : memref<4096x128xf32, #tpu.memory_space<vmem>>, vector<8x128xf32>
    tpu.vector_store %arg2[%swap3A_1614, %swap3A_1615], %slice3A_1613 {strides = array<i32>} : memref<4096x128xf32, #tpu.memory_space<vmem>>, vector<8x128xf32>,
    %slice3A_1617 = vector.extract_strided_slice %transpose3A_1584 {offsets = [64, 0], sizes = [8, 128], strides = [1, 1]} : vector<128x128xf32> to vector<8x128xf32>
    %swap3A_1618 = arith.constant 784 : index
    %swap3A_1619 = arith.constant 0 : index
    %swap3A_1620 = vector.load %arg2[%swap3A_1618, %swap3A_1619] : memref<4096x128xf32, #tpu.memory_space<vmem>>, vector<8x128xf32>
    tpu.vector_store %arg2[%swap3A_1618, %swap3A_1619], %slice3A_1617 {strides = array<i32>} : memref<4096x128xf32, #tpu.memory_space<vmem>>, vector<8x128xf32>,
    %slice3A_1621 = vector.extract_strided_slice %transpose3A_1584 {offsets = [72, 0], sizes = [8, 128], strides = [1, 1]} : vector<128x128xf32> to vector<8x128xf32>
    %swap3A_1622 = arith.constant 1808 : index
    %swap3A_1623 = arith.constant 0 : index
    %swap3A_1624 = vector.load %arg2[%swap3A_1622, %swap3A_1623] : memref<4096x128xf32, #tpu.memory_space<vmem>>, vector<8x128xf32>
    tpu.vector_store %arg2[%swap3A_1622, %swap3A_1623], %slice3A_1621 {strides = array<i32>} : memref<4096x128xf32, #tpu.memory_space<vmem>>, vector<8x128xf32>,
    %slice3A_1625 = vector.extract_strided_slice %transpose3A_1584 {offsets = [80, 0], sizes = [8, 128], strides = [1, 1]} : vector<128x128xf32> to vector<8x128xf32>
    %swap3A_1626 = arith.constant 2832 : index
    %swap3A_1627 = arith.constant 0 : index
    %swap3A_1628 = vector.load %arg2[%swap3A_1626, %swap3A_1627] : memref<4096x128xf32, #tpu.memory_space<vmem>>, vector<8x128xf32>
    tpu.vector_store %arg2[%swap3A_1626, %swap3A_1627], %slice3A_1625 {strides = array<i32>} : memref<4096x128xf32, #tpu.memory_space<vmem>>, vector<8x128xf32>,
    %slice3A_1629 = vector.extract_strided_slice %transpose3A_1584 {offsets = [88, 0], sizes = [8, 128], strides = [1, 1]} : vector<128x128xf32> to vector<8x128xf32>
    %swap3A_1630 = arith.constant 3856 : index
    %swap3A_1631 = arith.constant 0 : index
    %swap3A_1632 = vector.load %arg2[%swap3A_1630, %swap3A_1631] : memref<4096x128xf32, #tpu.memory_space<vmem>>, vector<8x128xf32>
    tpu.vector_store %arg2[%swap3A_1630, %swap3A_1631], %slice3A_1629 {strides = array<i32>} : memref<4096x128xf32, #tpu.memory_space<vmem>>, vector<8x128xf32>,
    %slice3A_1633 = vector.extract_strided_slice %transpose3A_1584 {offsets = [96, 0], sizes = [8, 128], strides = [1, 1]} : vector<128x128xf32> to vector<8x128xf32>
    %swap3A_1634 = arith.constant 792 : index
    %swap3A_1635 = arith.constant 0 : index
    %swap3A_1636 = vector.load %arg2[%swap3A_1634, %swap3A_1635] : memref<4096x128xf32, #tpu.memory_space<vmem>>, vector<8x128xf32>
    tpu.vector_store %arg2[%swap3A_1634, %swap3A_1635], %slice3A_1633 {strides = array<i32>} : memref<4096x128xf32, #tpu.memory_space<vmem>>, vector<8x128xf32>,
    %slice3A_1637 = vector.extract_strided_slice %transpose3A_1584 {offsets = [104, 0], sizes = [8, 128], strides = [1, 1]} : vector<128x128xf32> to vector<8x128xf32>
    %swap3A_1638 = arith.constant 1816 : index
    %swap3A_1639 = arith.constant 0 : index
    %swap3A_1640 = vector.load %arg2[%swap3A_1638, %swap3A_1639] : memref<4096x128xf32, #tpu.memory_space<vmem>>, vector<8x128xf32>
    tpu.vector_store %arg2[%swap3A_1638, %swap3A_1639], %slice3A_1637 {strides = array<i32>} : memref<4096x128xf32, #tpu.memory_space<vmem>>, vector<8x128xf32>,
    %slice3A_1641 = vector.extract_strided_slice %transpose3A_1584 {offsets = [112, 0], sizes = [8, 128], strides = [1, 1]} : vector<128x128xf32> to vector<8x128xf32>
    %swap3A_1642 = arith.constant 2840 : index
    %swap3A_1643 = arith.constant 0 : index
    %swap3A_1644 = vector.load %arg2[%swap3A_1642, %swap3A_1643] : memref<4096x128xf32, #tpu.memory_space<vmem>>, vector<8x128xf32>
    tpu.vector_store %arg2[%swap3A_1642, %swap3A_1643], %slice3A_1641 {strides = array<i32>} : memref<4096x128xf32, #tpu.memory_space<vmem>>, vector<8x128xf32>,
    %slice3A_1645 = vector.extract_strided_slice %transpose3A_1584 {offsets = [120, 0], sizes = [8, 128], strides = [1, 1]} : vector<128x128xf32> to vector<8x128xf32>
    %swap3A_1646 = arith.constant 3864 : index
    %swap3A_1647 = arith.constant 0 : index
    %swap3A_1648 = vector.load %arg2[%swap3A_1646, %swap3A_1647] : memref<4096x128xf32, #tpu.memory_space<vmem>>, vector<8x128xf32>
    tpu.vector_store %arg2[%swap3A_1646, %swap3A_1647], %slice3A_1645 {strides = array<i32>} : memref<4096x128xf32, #tpu.memory_space<vmem>>, vector<8x128xf32>,
    %slice3A_1649 = vector.extract_strided_slice %get3A_1 {offsets = [3200, 0], sizes = [128, 128], strides = [1, 1]} : vector<4096x128xf32> to vector<128x128xf32>
    %transpose3A_1650 = tpu.transpose %slice3A_1649, [1, 0] : vector<128x128xf32> -> vector<128x128xf32>
    %slice3A_1651 = vector.extract_strided_slice %transpose3A_1650 {offsets = [0, 0], sizes = [8, 128], strides = [1, 1]} : vector<128x128xf32> to vector<8x128xf32>
    %swap3A_1652 = arith.constant 800 : index
    %swap3A_1653 = arith.constant 0 : index
    %swap3A_1654 = vector.load %arg2[%swap3A_1652, %swap3A_1653] : memref<4096x128xf32, #tpu.memory_space<vmem>>, vector<8x128xf32>
    tpu.vector_store %arg2[%swap3A_1652, %swap3A_1653], %slice3A_1651 {strides = array<i32>} : memref<4096x128xf32, #tpu.memory_space<vmem>>, vector<8x128xf32>,
    %slice3A_1655 = vector.extract_strided_slice %transpose3A_1650 {offsets = [8, 0], sizes = [8, 128], strides = [1, 1]} : vector<128x128xf32> to vector<8x128xf32>
    %swap3A_1656 = arith.constant 1824 : index
    %swap3A_1657 = arith.constant 0 : index
    %swap3A_1658 = vector.load %arg2[%swap3A_1656, %swap3A_1657] : memref<4096x128xf32, #tpu.memory_space<vmem>>, vector<8x128xf32>
    tpu.vector_store %arg2[%swap3A_1656, %swap3A_1657], %slice3A_1655 {strides = array<i32>} : memref<4096x128xf32, #tpu.memory_space<vmem>>, vector<8x128xf32>,
    %slice3A_1659 = vector.extract_strided_slice %transpose3A_1650 {offsets = [16, 0], sizes = [8, 128], strides = [1, 1]} : vector<128x128xf32> to vector<8x128xf32>
    %swap3A_1660 = arith.constant 2848 : index
    %swap3A_1661 = arith.constant 0 : index
    %swap3A_1662 = vector.load %arg2[%swap3A_1660, %swap3A_1661] : memref<4096x128xf32, #tpu.memory_space<vmem>>, vector<8x128xf32>
    tpu.vector_store %arg2[%swap3A_1660, %swap3A_1661], %slice3A_1659 {strides = array<i32>} : memref<4096x128xf32, #tpu.memory_space<vmem>>, vector<8x128xf32>,
    %slice3A_1663 = vector.extract_strided_slice %transpose3A_1650 {offsets = [24, 0], sizes = [8, 128], strides = [1, 1]} : vector<128x128xf32> to vector<8x128xf32>
    %swap3A_1664 = arith.constant 3872 : index
    %swap3A_1665 = arith.constant 0 : index
    %swap3A_1666 = vector.load %arg2[%swap3A_1664, %swap3A_1665] : memref<4096x128xf32, #tpu.memory_space<vmem>>, vector<8x128xf32>
    tpu.vector_store %arg2[%swap3A_1664, %swap3A_1665], %slice3A_1663 {strides = array<i32>} : memref<4096x128xf32, #tpu.memory_space<vmem>>, vector<8x128xf32>,
    %slice3A_1667 = vector.extract_strided_slice %transpose3A_1650 {offsets = [32, 0], sizes = [8, 128], strides = [1, 1]} : vector<128x128xf32> to vector<8x128xf32>
    %swap3A_1668 = arith.constant 808 : index
    %swap3A_1669 = arith.constant 0 : index
    %swap3A_1670 = vector.load %arg2[%swap3A_1668, %swap3A_1669] : memref<4096x128xf32, #tpu.memory_space<vmem>>, vector<8x128xf32>
    tpu.vector_store %arg2[%swap3A_1668, %swap3A_1669], %slice3A_1667 {strides = array<i32>} : memref<4096x128xf32, #tpu.memory_space<vmem>>, vector<8x128xf32>,
    %slice3A_1671 = vector.extract_strided_slice %transpose3A_1650 {offsets = [40, 0], sizes = [8, 128], strides = [1, 1]} : vector<128x128xf32> to vector<8x128xf32>
    %swap3A_1672 = arith.constant 1832 : index
    %swap3A_1673 = arith.constant 0 : index
    %swap3A_1674 = vector.load %arg2[%swap3A_1672, %swap3A_1673] : memref<4096x128xf32, #tpu.memory_space<vmem>>, vector<8x128xf32>
    tpu.vector_store %arg2[%swap3A_1672, %swap3A_1673], %slice3A_1671 {strides = array<i32>} : memref<4096x128xf32, #tpu.memory_space<vmem>>, vector<8x128xf32>,
    %slice3A_1675 = vector.extract_strided_slice %transpose3A_1650 {offsets = [48, 0], sizes = [8, 128], strides = [1, 1]} : vector<128x128xf32> to vector<8x128xf32>
    %swap3A_1676 = arith.constant 2856 : index
    %swap3A_1677 = arith.constant 0 : index
    %swap3A_1678 = vector.load %arg2[%swap3A_1676, %swap3A_1677] : memref<4096x128xf32, #tpu.memory_space<vmem>>, vector<8x128xf32>
    tpu.vector_store %arg2[%swap3A_1676, %swap3A_1677], %slice3A_1675 {strides = array<i32>} : memref<4096x128xf32, #tpu.memory_space<vmem>>, vector<8x128xf32>,
    %slice3A_1679 = vector.extract_strided_slice %transpose3A_1650 {offsets = [56, 0], sizes = [8, 128], strides = [1, 1]} : vector<128x128xf32> to vector<8x128xf32>
    %swap3A_1680 = arith.constant 3880 : index
    %swap3A_1681 = arith.constant 0 : index
    %swap3A_1682 = vector.load %arg2[%swap3A_1680, %swap3A_1681] : memref<4096x128xf32, #tpu.memory_space<vmem>>, vector<8x128xf32>
    tpu.vector_store %arg2[%swap3A_1680, %swap3A_1681], %slice3A_1679 {strides = array<i32>} : memref<4096x128xf32, #tpu.memory_space<vmem>>, vector<8x128xf32>,
    %slice3A_1683 = vector.extract_strided_slice %transpose3A_1650 {offsets = [64, 0], sizes = [8, 128], strides = [1, 1]} : vector<128x128xf32> to vector<8x128xf32>
    %swap3A_1684 = arith.constant 816 : index
    %swap3A_1685 = arith.constant 0 : index
    %swap3A_1686 = vector.load %arg2[%swap3A_1684, %swap3A_1685] : memref<4096x128xf32, #tpu.memory_space<vmem>>, vector<8x128xf32>
    tpu.vector_store %arg2[%swap3A_1684, %swap3A_1685], %slice3A_1683 {strides = array<i32>} : memref<4096x128xf32, #tpu.memory_space<vmem>>, vector<8x128xf32>,
    %slice3A_1687 = vector.extract_strided_slice %transpose3A_1650 {offsets = [72, 0], sizes = [8, 128], strides = [1, 1]} : vector<128x128xf32> to vector<8x128xf32>
    %swap3A_1688 = arith.constant 1840 : index
    %swap3A_1689 = arith.constant 0 : index
    %swap3A_1690 = vector.load %arg2[%swap3A_1688, %swap3A_1689] : memref<4096x128xf32, #tpu.memory_space<vmem>>, vector<8x128xf32>
    tpu.vector_store %arg2[%swap3A_1688, %swap3A_1689], %slice3A_1687 {strides = array<i32>} : memref<4096x128xf32, #tpu.memory_space<vmem>>, vector<8x128xf32>,
    %slice3A_1691 = vector.extract_strided_slice %transpose3A_1650 {offsets = [80, 0], sizes = [8, 128], strides = [1, 1]} : vector<128x128xf32> to vector<8x128xf32>
    %swap3A_1692 = arith.constant 2864 : index
    %swap3A_1693 = arith.constant 0 : index
    %swap3A_1694 = vector.load %arg2[%swap3A_1692, %swap3A_1693] : memref<4096x128xf32, #tpu.memory_space<vmem>>, vector<8x128xf32>
    tpu.vector_store %arg2[%swap3A_1692, %swap3A_1693], %slice3A_1691 {strides = array<i32>} : memref<4096x128xf32, #tpu.memory_space<vmem>>, vector<8x128xf32>,
    %slice3A_1695 = vector.extract_strided_slice %transpose3A_1650 {offsets = [88, 0], sizes = [8, 128], strides = [1, 1]} : vector<128x128xf32> to vector<8x128xf32>
    %swap3A_1696 = arith.constant 3888 : index
    %swap3A_1697 = arith.constant 0 : index
    %swap3A_1698 = vector.load %arg2[%swap3A_1696, %swap3A_1697] : memref<4096x128xf32, #tpu.memory_space<vmem>>, vector<8x128xf32>
    tpu.vector_store %arg2[%swap3A_1696, %swap3A_1697], %slice3A_1695 {strides = array<i32>} : memref<4096x128xf32, #tpu.memory_space<vmem>>, vector<8x128xf32>,
    %slice3A_1699 = vector.extract_strided_slice %transpose3A_1650 {offsets = [96, 0], sizes = [8, 128], strides = [1, 1]} : vector<128x128xf32> to vector<8x128xf32>
    %swap3A_1700 = arith.constant 824 : index
    %swap3A_1701 = arith.constant 0 : index
    %swap3A_1702 = vector.load %arg2[%swap3A_1700, %swap3A_1701] : memref<4096x128xf32, #tpu.memory_space<vmem>>, vector<8x128xf32>
    tpu.vector_store %arg2[%swap3A_1700, %swap3A_1701], %slice3A_1699 {strides = array<i32>} : memref<4096x128xf32, #tpu.memory_space<vmem>>, vector<8x128xf32>,
    %slice3A_1703 = vector.extract_strided_slice %transpose3A_1650 {offsets = [104, 0], sizes = [8, 128], strides = [1, 1]} : vector<128x128xf32> to vector<8x128xf32>
    %swap3A_1704 = arith.constant 1848 : index
    %swap3A_1705 = arith.constant 0 : index
    %swap3A_1706 = vector.load %arg2[%swap3A_1704, %swap3A_1705] : memref<4096x128xf32, #tpu.memory_space<vmem>>, vector<8x128xf32>
    tpu.vector_store %arg2[%swap3A_1704, %swap3A_1705], %slice3A_1703 {strides = array<i32>} : memref<4096x128xf32, #tpu.memory_space<vmem>>, vector<8x128xf32>,
    %slice3A_1707 = vector.extract_strided_slice %transpose3A_1650 {offsets = [112, 0], sizes = [8, 128], strides = [1, 1]} : vector<128x128xf32> to vector<8x128xf32>
    %swap3A_1708 = arith.constant 2872 : index
    %swap3A_1709 = arith.constant 0 : index
    %swap3A_1710 = vector.load %arg2[%swap3A_1708, %swap3A_1709] : memref<4096x128xf32, #tpu.memory_space<vmem>>, vector<8x128xf32>
    tpu.vector_store %arg2[%swap3A_1708, %swap3A_1709], %slice3A_1707 {strides = array<i32>} : memref<4096x128xf32, #tpu.memory_space<vmem>>, vector<8x128xf32>,
    %slice3A_1711 = vector.extract_strided_slice %transpose3A_1650 {offsets = [120, 0], sizes = [8, 128], strides = [1, 1]} : vector<128x128xf32> to vector<8x128xf32>
    %swap3A_1712 = arith.constant 3896 : index
    %swap3A_1713 = arith.constant 0 : index
    %swap3A_1714 = vector.load %arg2[%swap3A_1712, %swap3A_1713] : memref<4096x128xf32, #tpu.memory_space<vmem>>, vector<8x128xf32>
    tpu.vector_store %arg2[%swap3A_1712, %swap3A_1713], %slice3A_1711 {strides = array<i32>} : memref<4096x128xf32, #tpu.memory_space<vmem>>, vector<8x128xf32>,
    %slice3A_1715 = vector.extract_strided_slice %get3A_1 {offsets = [3328, 0], sizes = [128, 128], strides = [1, 1]} : vector<4096x128xf32> to vector<128x128xf32>
    %transpose3A_1716 = tpu.transpose %slice3A_1715, [1, 0] : vector<128x128xf32> -> vector<128x128xf32>
    %slice3A_1717 = vector.extract_strided_slice %transpose3A_1716 {offsets = [0, 0], sizes = [8, 128], strides = [1, 1]} : vector<128x128xf32> to vector<8x128xf32>
    %swap3A_1718 = arith.constant 832 : index
    %swap3A_1719 = arith.constant 0 : index
    %swap3A_1720 = vector.load %arg2[%swap3A_1718, %swap3A_1719] : memref<4096x128xf32, #tpu.memory_space<vmem>>, vector<8x128xf32>
    tpu.vector_store %arg2[%swap3A_1718, %swap3A_1719], %slice3A_1717 {strides = array<i32>} : memref<4096x128xf32, #tpu.memory_space<vmem>>, vector<8x128xf32>,
    %slice3A_1721 = vector.extract_strided_slice %transpose3A_1716 {offsets = [8, 0], sizes = [8, 128], strides = [1, 1]} : vector<128x128xf32> to vector<8x128xf32>
    %swap3A_1722 = arith.constant 1856 : index
    %swap3A_1723 = arith.constant 0 : index
    %swap3A_1724 = vector.load %arg2[%swap3A_1722, %swap3A_1723] : memref<4096x128xf32, #tpu.memory_space<vmem>>, vector<8x128xf32>
    tpu.vector_store %arg2[%swap3A_1722, %swap3A_1723], %slice3A_1721 {strides = array<i32>} : memref<4096x128xf32, #tpu.memory_space<vmem>>, vector<8x128xf32>,
    %slice3A_1725 = vector.extract_strided_slice %transpose3A_1716 {offsets = [16, 0], sizes = [8, 128], strides = [1, 1]} : vector<128x128xf32> to vector<8x128xf32>
    %swap3A_1726 = arith.constant 2880 : index
    %swap3A_1727 = arith.constant 0 : index
    %swap3A_1728 = vector.load %arg2[%swap3A_1726, %swap3A_1727] : memref<4096x128xf32, #tpu.memory_space<vmem>>, vector<8x128xf32>
    tpu.vector_store %arg2[%swap3A_1726, %swap3A_1727], %slice3A_1725 {strides = array<i32>} : memref<4096x128xf32, #tpu.memory_space<vmem>>, vector<8x128xf32>,
    %slice3A_1729 = vector.extract_strided_slice %transpose3A_1716 {offsets = [24, 0], sizes = [8, 128], strides = [1, 1]} : vector<128x128xf32> to vector<8x128xf32>
    %swap3A_1730 = arith.constant 3904 : index
    %swap3A_1731 = arith.constant 0 : index
    %swap3A_1732 = vector.load %arg2[%swap3A_1730, %swap3A_1731] : memref<4096x128xf32, #tpu.memory_space<vmem>>, vector<8x128xf32>
    tpu.vector_store %arg2[%swap3A_1730, %swap3A_1731], %slice3A_1729 {strides = array<i32>} : memref<4096x128xf32, #tpu.memory_space<vmem>>, vector<8x128xf32>,
    %slice3A_1733 = vector.extract_strided_slice %transpose3A_1716 {offsets = [32, 0], sizes = [8, 128], strides = [1, 1]} : vector<128x128xf32> to vector<8x128xf32>
    %swap3A_1734 = arith.constant 840 : index
    %swap3A_1735 = arith.constant 0 : index
    %swap3A_1736 = vector.load %arg2[%swap3A_1734, %swap3A_1735] : memref<4096x128xf32, #tpu.memory_space<vmem>>, vector<8x128xf32>
    tpu.vector_store %arg2[%swap3A_1734, %swap3A_1735], %slice3A_1733 {strides = array<i32>} : memref<4096x128xf32, #tpu.memory_space<vmem>>, vector<8x128xf32>,
    %slice3A_1737 = vector.extract_strided_slice %transpose3A_1716 {offsets = [40, 0], sizes = [8, 128], strides = [1, 1]} : vector<128x128xf32> to vector<8x128xf32>
    %swap3A_1738 = arith.constant 1864 : index
    %swap3A_1739 = arith.constant 0 : index
    %swap3A_1740 = vector.load %arg2[%swap3A_1738, %swap3A_1739] : memref<4096x128xf32, #tpu.memory_space<vmem>>, vector<8x128xf32>
    tpu.vector_store %arg2[%swap3A_1738, %swap3A_1739], %slice3A_1737 {strides = array<i32>} : memref<4096x128xf32, #tpu.memory_space<vmem>>, vector<8x128xf32>,
    %slice3A_1741 = vector.extract_strided_slice %transpose3A_1716 {offsets = [48, 0], sizes = [8, 128], strides = [1, 1]} : vector<128x128xf32> to vector<8x128xf32>
    %swap3A_1742 = arith.constant 2888 : index
    %swap3A_1743 = arith.constant 0 : index
    %swap3A_1744 = vector.load %arg2[%swap3A_1742, %swap3A_1743] : memref<4096x128xf32, #tpu.memory_space<vmem>>, vector<8x128xf32>
    tpu.vector_store %arg2[%swap3A_1742, %swap3A_1743], %slice3A_1741 {strides = array<i32>} : memref<4096x128xf32, #tpu.memory_space<vmem>>, vector<8x128xf32>,
    %slice3A_1745 = vector.extract_strided_slice %transpose3A_1716 {offsets = [56, 0], sizes = [8, 128], strides = [1, 1]} : vector<128x128xf32> to vector<8x128xf32>
    %swap3A_1746 = arith.constant 3912 : index
    %swap3A_1747 = arith.constant 0 : index
    %swap3A_1748 = vector.load %arg2[%swap3A_1746, %swap3A_1747] : memref<4096x128xf32, #tpu.memory_space<vmem>>, vector<8x128xf32>
    tpu.vector_store %arg2[%swap3A_1746, %swap3A_1747], %slice3A_1745 {strides = array<i32>} : memref<4096x128xf32, #tpu.memory_space<vmem>>, vector<8x128xf32>,
    %slice3A_1749 = vector.extract_strided_slice %transpose3A_1716 {offsets = [64, 0], sizes = [8, 128], strides = [1, 1]} : vector<128x128xf32> to vector<8x128xf32>
    %swap3A_1750 = arith.constant 848 : index
    %swap3A_1751 = arith.constant 0 : index
    %swap3A_1752 = vector.load %arg2[%swap3A_1750, %swap3A_1751] : memref<4096x128xf32, #tpu.memory_space<vmem>>, vector<8x128xf32>
    tpu.vector_store %arg2[%swap3A_1750, %swap3A_1751], %slice3A_1749 {strides = array<i32>} : memref<4096x128xf32, #tpu.memory_space<vmem>>, vector<8x128xf32>,
    %slice3A_1753 = vector.extract_strided_slice %transpose3A_1716 {offsets = [72, 0], sizes = [8, 128], strides = [1, 1]} : vector<128x128xf32> to vector<8x128xf32>
    %swap3A_1754 = arith.constant 1872 : index
    %swap3A_1755 = arith.constant 0 : index
    %swap3A_1756 = vector.load %arg2[%swap3A_1754, %swap3A_1755] : memref<4096x128xf32, #tpu.memory_space<vmem>>, vector<8x128xf32>
    tpu.vector_store %arg2[%swap3A_1754, %swap3A_1755], %slice3A_1753 {strides = array<i32>} : memref<4096x128xf32, #tpu.memory_space<vmem>>, vector<8x128xf32>,
    %slice3A_1757 = vector.extract_strided_slice %transpose3A_1716 {offsets = [80, 0], sizes = [8, 128], strides = [1, 1]} : vector<128x128xf32> to vector<8x128xf32>
    %swap3A_1758 = arith.constant 2896 : index
    %swap3A_1759 = arith.constant 0 : index
    %swap3A_1760 = vector.load %arg2[%swap3A_1758, %swap3A_1759] : memref<4096x128xf32, #tpu.memory_space<vmem>>, vector<8x128xf32>
    tpu.vector_store %arg2[%swap3A_1758, %swap3A_1759], %slice3A_1757 {strides = array<i32>} : memref<4096x128xf32, #tpu.memory_space<vmem>>, vector<8x128xf32>,
    %slice3A_1761 = vector.extract_strided_slice %transpose3A_1716 {offsets = [88, 0], sizes = [8, 128], strides = [1, 1]} : vector<128x128xf32> to vector<8x128xf32>
    %swap3A_1762 = arith.constant 3920 : index
    %swap3A_1763 = arith.constant 0 : index
    %swap3A_1764 = vector.load %arg2[%swap3A_1762, %swap3A_1763] : memref<4096x128xf32, #tpu.memory_space<vmem>>, vector<8x128xf32>
    tpu.vector_store %arg2[%swap3A_1762, %swap3A_1763], %slice3A_1761 {strides = array<i32>} : memref<4096x128xf32, #tpu.memory_space<vmem>>, vector<8x128xf32>,
    %slice3A_1765 = vector.extract_strided_slice %transpose3A_1716 {offsets = [96, 0], sizes = [8, 128], strides = [1, 1]} : vector<128x128xf32> to vector<8x128xf32>
    %swap3A_1766 = arith.constant 856 : index
    %swap3A_1767 = arith.constant 0 : index
    %swap3A_1768 = vector.load %arg2[%swap3A_1766, %swap3A_1767] : memref<4096x128xf32, #tpu.memory_space<vmem>>, vector<8x128xf32>
    tpu.vector_store %arg2[%swap3A_1766, %swap3A_1767], %slice3A_1765 {strides = array<i32>} : memref<4096x128xf32, #tpu.memory_space<vmem>>, vector<8x128xf32>,
    %slice3A_1769 = vector.extract_strided_slice %transpose3A_1716 {offsets = [104, 0], sizes = [8, 128], strides = [1, 1]} : vector<128x128xf32> to vector<8x128xf32>
    %swap3A_1770 = arith.constant 1880 : index
    %swap3A_1771 = arith.constant 0 : index
    %swap3A_1772 = vector.load %arg2[%swap3A_1770, %swap3A_1771] : memref<4096x128xf32, #tpu.memory_space<vmem>>, vector<8x128xf32>
    tpu.vector_store %arg2[%swap3A_1770, %swap3A_1771], %slice3A_1769 {strides = array<i32>} : memref<4096x128xf32, #tpu.memory_space<vmem>>, vector<8x128xf32>,
    %slice3A_1773 = vector.extract_strided_slice %transpose3A_1716 {offsets = [112, 0], sizes = [8, 128], strides = [1, 1]} : vector<128x128xf32> to vector<8x128xf32>
    %swap3A_1774 = arith.constant 2904 : index
    %swap3A_1775 = arith.constant 0 : index
    %swap3A_1776 = vector.load %arg2[%swap3A_1774, %swap3A_1775] : memref<4096x128xf32, #tpu.memory_space<vmem>>, vector<8x128xf32>
    tpu.vector_store %arg2[%swap3A_1774, %swap3A_1775], %slice3A_1773 {strides = array<i32>} : memref<4096x128xf32, #tpu.memory_space<vmem>>, vector<8x128xf32>,
    %slice3A_1777 = vector.extract_strided_slice %transpose3A_1716 {offsets = [120, 0], sizes = [8, 128], strides = [1, 1]} : vector<128x128xf32> to vector<8x128xf32>
    %swap3A_1778 = arith.constant 3928 : index
    %swap3A_1779 = arith.constant 0 : index
    %swap3A_1780 = vector.load %arg2[%swap3A_1778, %swap3A_1779] : memref<4096x128xf32, #tpu.memory_space<vmem>>, vector<8x128xf32>
    tpu.vector_store %arg2[%swap3A_1778, %swap3A_1779], %slice3A_1777 {strides = array<i32>} : memref<4096x128xf32, #tpu.memory_space<vmem>>, vector<8x128xf32>,
    %slice3A_1781 = vector.extract_strided_slice %get3A_1 {offsets = [3456, 0], sizes = [128, 128], strides = [1, 1]} : vector<4096x128xf32> to vector<128x128xf32>
    %transpose3A_1782 = tpu.transpose %slice3A_1781, [1, 0] : vector<128x128xf32> -> vector<128x128xf32>
    %slice3A_1783 = vector.extract_strided_slice %transpose3A_1782 {offsets = [0, 0], sizes = [8, 128], strides = [1, 1]} : vector<128x128xf32> to vector<8x128xf32>
    %swap3A_1784 = arith.constant 864 : index
    %swap3A_1785 = arith.constant 0 : index
    %swap3A_1786 = vector.load %arg2[%swap3A_1784, %swap3A_1785] : memref<4096x128xf32, #tpu.memory_space<vmem>>, vector<8x128xf32>
    tpu.vector_store %arg2[%swap3A_1784, %swap3A_1785], %slice3A_1783 {strides = array<i32>} : memref<4096x128xf32, #tpu.memory_space<vmem>>, vector<8x128xf32>,
    %slice3A_1787 = vector.extract_strided_slice %transpose3A_1782 {offsets = [8, 0], sizes = [8, 128], strides = [1, 1]} : vector<128x128xf32> to vector<8x128xf32>
    %swap3A_1788 = arith.constant 1888 : index
    %swap3A_1789 = arith.constant 0 : index
    %swap3A_1790 = vector.load %arg2[%swap3A_1788, %swap3A_1789] : memref<4096x128xf32, #tpu.memory_space<vmem>>, vector<8x128xf32>
    tpu.vector_store %arg2[%swap3A_1788, %swap3A_1789], %slice3A_1787 {strides = array<i32>} : memref<4096x128xf32, #tpu.memory_space<vmem>>, vector<8x128xf32>,
    %slice3A_1791 = vector.extract_strided_slice %transpose3A_1782 {offsets = [16, 0], sizes = [8, 128], strides = [1, 1]} : vector<128x128xf32> to vector<8x128xf32>
    %swap3A_1792 = arith.constant 2912 : index
    %swap3A_1793 = arith.constant 0 : index
    %swap3A_1794 = vector.load %arg2[%swap3A_1792, %swap3A_1793] : memref<4096x128xf32, #tpu.memory_space<vmem>>, vector<8x128xf32>
    tpu.vector_store %arg2[%swap3A_1792, %swap3A_1793], %slice3A_1791 {strides = array<i32>} : memref<4096x128xf32, #tpu.memory_space<vmem>>, vector<8x128xf32>,
    %slice3A_1795 = vector.extract_strided_slice %transpose3A_1782 {offsets = [24, 0], sizes = [8, 128], strides = [1, 1]} : vector<128x128xf32> to vector<8x128xf32>
    %swap3A_1796 = arith.constant 3936 : index
    %swap3A_1797 = arith.constant 0 : index
    %swap3A_1798 = vector.load %arg2[%swap3A_1796, %swap3A_1797] : memref<4096x128xf32, #tpu.memory_space<vmem>>, vector<8x128xf32>
    tpu.vector_store %arg2[%swap3A_1796, %swap3A_1797], %slice3A_1795 {strides = array<i32>} : memref<4096x128xf32, #tpu.memory_space<vmem>>, vector<8x128xf32>,
    %slice3A_1799 = vector.extract_strided_slice %transpose3A_1782 {offsets = [32, 0], sizes = [8, 128], strides = [1, 1]} : vector<128x128xf32> to vector<8x128xf32>
    %swap3A_1800 = arith.constant 872 : index
    %swap3A_1801 = arith.constant 0 : index
    %swap3A_1802 = vector.load %arg2[%swap3A_1800, %swap3A_1801] : memref<4096x128xf32, #tpu.memory_space<vmem>>, vector<8x128xf32>
    tpu.vector_store %arg2[%swap3A_1800, %swap3A_1801], %slice3A_1799 {strides = array<i32>} : memref<4096x128xf32, #tpu.memory_space<vmem>>, vector<8x128xf32>,
    %slice3A_1803 = vector.extract_strided_slice %transpose3A_1782 {offsets = [40, 0], sizes = [8, 128], strides = [1, 1]} : vector<128x128xf32> to vector<8x128xf32>
    %swap3A_1804 = arith.constant 1896 : index
    %swap3A_1805 = arith.constant 0 : index
    %swap3A_1806 = vector.load %arg2[%swap3A_1804, %swap3A_1805] : memref<4096x128xf32, #tpu.memory_space<vmem>>, vector<8x128xf32>
    tpu.vector_store %arg2[%swap3A_1804, %swap3A_1805], %slice3A_1803 {strides = array<i32>} : memref<4096x128xf32, #tpu.memory_space<vmem>>, vector<8x128xf32>,
    %slice3A_1807 = vector.extract_strided_slice %transpose3A_1782 {offsets = [48, 0], sizes = [8, 128], strides = [1, 1]} : vector<128x128xf32> to vector<8x128xf32>
    %swap3A_1808 = arith.constant 2920 : index
    %swap3A_1809 = arith.constant 0 : index
    %swap3A_1810 = vector.load %arg2[%swap3A_1808, %swap3A_1809] : memref<4096x128xf32, #tpu.memory_space<vmem>>, vector<8x128xf32>
    tpu.vector_store %arg2[%swap3A_1808, %swap3A_1809], %slice3A_1807 {strides = array<i32>} : memref<4096x128xf32, #tpu.memory_space<vmem>>, vector<8x128xf32>,
    %slice3A_1811 = vector.extract_strided_slice %transpose3A_1782 {offsets = [56, 0], sizes = [8, 128], strides = [1, 1]} : vector<128x128xf32> to vector<8x128xf32>
    %swap3A_1812 = arith.constant 3944 : index
    %swap3A_1813 = arith.constant 0 : index
    %swap3A_1814 = vector.load %arg2[%swap3A_1812, %swap3A_1813] : memref<4096x128xf32, #tpu.memory_space<vmem>>, vector<8x128xf32>
    tpu.vector_store %arg2[%swap3A_1812, %swap3A_1813], %slice3A_1811 {strides = array<i32>} : memref<4096x128xf32, #tpu.memory_space<vmem>>, vector<8x128xf32>,
    %slice3A_1815 = vector.extract_strided_slice %transpose3A_1782 {offsets = [64, 0], sizes = [8, 128], strides = [1, 1]} : vector<128x128xf32> to vector<8x128xf32>
    %swap3A_1816 = arith.constant 880 : index
    %swap3A_1817 = arith.constant 0 : index
    %swap3A_1818 = vector.load %arg2[%swap3A_1816, %swap3A_1817] : memref<4096x128xf32, #tpu.memory_space<vmem>>, vector<8x128xf32>
    tpu.vector_store %arg2[%swap3A_1816, %swap3A_1817], %slice3A_1815 {strides = array<i32>} : memref<4096x128xf32, #tpu.memory_space<vmem>>, vector<8x128xf32>,
    %slice3A_1819 = vector.extract_strided_slice %transpose3A_1782 {offsets = [72, 0], sizes = [8, 128], strides = [1, 1]} : vector<128x128xf32> to vector<8x128xf32>
    %swap3A_1820 = arith.constant 1904 : index
    %swap3A_1821 = arith.constant 0 : index
    %swap3A_1822 = vector.load %arg2[%swap3A_1820, %swap3A_1821] : memref<4096x128xf32, #tpu.memory_space<vmem>>, vector<8x128xf32>
    tpu.vector_store %arg2[%swap3A_1820, %swap3A_1821], %slice3A_1819 {strides = array<i32>} : memref<4096x128xf32, #tpu.memory_space<vmem>>, vector<8x128xf32>,
    %slice3A_1823 = vector.extract_strided_slice %transpose3A_1782 {offsets = [80, 0], sizes = [8, 128], strides = [1, 1]} : vector<128x128xf32> to vector<8x128xf32>
    %swap3A_1824 = arith.constant 2928 : index
    %swap3A_1825 = arith.constant 0 : index
    %swap3A_1826 = vector.load %arg2[%swap3A_1824, %swap3A_1825] : memref<4096x128xf32, #tpu.memory_space<vmem>>, vector<8x128xf32>
    tpu.vector_store %arg2[%swap3A_1824, %swap3A_1825], %slice3A_1823 {strides = array<i32>} : memref<4096x128xf32, #tpu.memory_space<vmem>>, vector<8x128xf32>,
    %slice3A_1827 = vector.extract_strided_slice %transpose3A_1782 {offsets = [88, 0], sizes = [8, 128], strides = [1, 1]} : vector<128x128xf32> to vector<8x128xf32>
    %swap3A_1828 = arith.constant 3952 : index
    %swap3A_1829 = arith.constant 0 : index
    %swap3A_1830 = vector.load %arg2[%swap3A_1828, %swap3A_1829] : memref<4096x128xf32, #tpu.memory_space<vmem>>, vector<8x128xf32>
    tpu.vector_store %arg2[%swap3A_1828, %swap3A_1829], %slice3A_1827 {strides = array<i32>} : memref<4096x128xf32, #tpu.memory_space<vmem>>, vector<8x128xf32>,
    %slice3A_1831 = vector.extract_strided_slice %transpose3A_1782 {offsets = [96, 0], sizes = [8, 128], strides = [1, 1]} : vector<128x128xf32> to vector<8x128xf32>
    %swap3A_1832 = arith.constant 888 : index
    %swap3A_1833 = arith.constant 0 : index
    %swap3A_1834 = vector.load %arg2[%swap3A_1832, %swap3A_1833] : memref<4096x128xf32, #tpu.memory_space<vmem>>, vector<8x128xf32>
    tpu.vector_store %arg2[%swap3A_1832, %swap3A_1833], %slice3A_1831 {strides = array<i32>} : memref<4096x128xf32, #tpu.memory_space<vmem>>, vector<8x128xf32>,
    %slice3A_1835 = vector.extract_strided_slice %transpose3A_1782 {offsets = [104, 0], sizes = [8, 128], strides = [1, 1]} : vector<128x128xf32> to vector<8x128xf32>
    %swap3A_1836 = arith.constant 1912 : index
    %swap3A_1837 = arith.constant 0 : index
    %swap3A_1838 = vector.load %arg2[%swap3A_1836, %swap3A_1837] : memref<4096x128xf32, #tpu.memory_space<vmem>>, vector<8x128xf32>
    tpu.vector_store %arg2[%swap3A_1836, %swap3A_1837], %slice3A_1835 {strides = array<i32>} : memref<4096x128xf32, #tpu.memory_space<vmem>>, vector<8x128xf32>,
    %slice3A_1839 = vector.extract_strided_slice %transpose3A_1782 {offsets = [112, 0], sizes = [8, 128], strides = [1, 1]} : vector<128x128xf32> to vector<8x128xf32>
    %swap3A_1840 = arith.constant 2936 : index
    %swap3A_1841 = arith.constant 0 : index
    %swap3A_1842 = vector.load %arg2[%swap3A_1840, %swap3A_1841] : memref<4096x128xf32, #tpu.memory_space<vmem>>, vector<8x128xf32>
    tpu.vector_store %arg2[%swap3A_1840, %swap3A_1841], %slice3A_1839 {strides = array<i32>} : memref<4096x128xf32, #tpu.memory_space<vmem>>, vector<8x128xf32>,
    %slice3A_1843 = vector.extract_strided_slice %transpose3A_1782 {offsets = [120, 0], sizes = [8, 128], strides = [1, 1]} : vector<128x128xf32> to vector<8x128xf32>
    %swap3A_1844 = arith.constant 3960 : index
    %swap3A_1845 = arith.constant 0 : index
    %swap3A_1846 = vector.load %arg2[%swap3A_1844, %swap3A_1845] : memref<4096x128xf32, #tpu.memory_space<vmem>>, vector<8x128xf32>
    tpu.vector_store %arg2[%swap3A_1844, %swap3A_1845], %slice3A_1843 {strides = array<i32>} : memref<4096x128xf32, #tpu.memory_space<vmem>>, vector<8x128xf32>,
    %slice3A_1847 = vector.extract_strided_slice %get3A_1 {offsets = [3584, 0], sizes = [128, 128], strides = [1, 1]} : vector<4096x128xf32> to vector<128x128xf32>
    %transpose3A_1848 = tpu.transpose %slice3A_1847, [1, 0] : vector<128x128xf32> -> vector<128x128xf32>
    %slice3A_1849 = vector.extract_strided_slice %transpose3A_1848 {offsets = [0, 0], sizes = [8, 128], strides = [1, 1]} : vector<128x128xf32> to vector<8x128xf32>
    %swap3A_1850 = arith.constant 896 : index
    %swap3A_1851 = arith.constant 0 : index
    %swap3A_1852 = vector.load %arg2[%swap3A_1850, %swap3A_1851] : memref<4096x128xf32, #tpu.memory_space<vmem>>, vector<8x128xf32>
    tpu.vector_store %arg2[%swap3A_1850, %swap3A_1851], %slice3A_1849 {strides = array<i32>} : memref<4096x128xf32, #tpu.memory_space<vmem>>, vector<8x128xf32>,
    %slice3A_1853 = vector.extract_strided_slice %transpose3A_1848 {offsets = [8, 0], sizes = [8, 128], strides = [1, 1]} : vector<128x128xf32> to vector<8x128xf32>
    %swap3A_1854 = arith.constant 1920 : index
    %swap3A_1855 = arith.constant 0 : index
    %swap3A_1856 = vector.load %arg2[%swap3A_1854, %swap3A_1855] : memref<4096x128xf32, #tpu.memory_space<vmem>>, vector<8x128xf32>
    tpu.vector_store %arg2[%swap3A_1854, %swap3A_1855], %slice3A_1853 {strides = array<i32>} : memref<4096x128xf32, #tpu.memory_space<vmem>>, vector<8x128xf32>,
    %slice3A_1857 = vector.extract_strided_slice %transpose3A_1848 {offsets = [16, 0], sizes = [8, 128], strides = [1, 1]} : vector<128x128xf32> to vector<8x128xf32>
    %swap3A_1858 = arith.constant 2944 : index
    %swap3A_1859 = arith.constant 0 : index
    %swap3A_1860 = vector.load %arg2[%swap3A_1858, %swap3A_1859] : memref<4096x128xf32, #tpu.memory_space<vmem>>, vector<8x128xf32>
    tpu.vector_store %arg2[%swap3A_1858, %swap3A_1859], %slice3A_1857 {strides = array<i32>} : memref<4096x128xf32, #tpu.memory_space<vmem>>, vector<8x128xf32>,
    %slice3A_1861 = vector.extract_strided_slice %transpose3A_1848 {offsets = [24, 0], sizes = [8, 128], strides = [1, 1]} : vector<128x128xf32> to vector<8x128xf32>
    %swap3A_1862 = arith.constant 3968 : index
    %swap3A_1863 = arith.constant 0 : index
    %swap3A_1864 = vector.load %arg2[%swap3A_1862, %swap3A_1863] : memref<4096x128xf32, #tpu.memory_space<vmem>>, vector<8x128xf32>
    tpu.vector_store %arg2[%swap3A_1862, %swap3A_1863], %slice3A_1861 {strides = array<i32>} : memref<4096x128xf32, #tpu.memory_space<vmem>>, vector<8x128xf32>,
    %slice3A_1865 = vector.extract_strided_slice %transpose3A_1848 {offsets = [32, 0], sizes = [8, 128], strides = [1, 1]} : vector<128x128xf32> to vector<8x128xf32>
    %swap3A_1866 = arith.constant 904 : index
    %swap3A_1867 = arith.constant 0 : index
    %swap3A_1868 = vector.load %arg2[%swap3A_1866, %swap3A_1867] : memref<4096x128xf32, #tpu.memory_space<vmem>>, vector<8x128xf32>
    tpu.vector_store %arg2[%swap3A_1866, %swap3A_1867], %slice3A_1865 {strides = array<i32>} : memref<4096x128xf32, #tpu.memory_space<vmem>>, vector<8x128xf32>,
    %slice3A_1869 = vector.extract_strided_slice %transpose3A_1848 {offsets = [40, 0], sizes = [8, 128], strides = [1, 1]} : vector<128x128xf32> to vector<8x128xf32>
    %swap3A_1870 = arith.constant 1928 : index
    %swap3A_1871 = arith.constant 0 : index
    %swap3A_1872 = vector.load %arg2[%swap3A_1870, %swap3A_1871] : memref<4096x128xf32, #tpu.memory_space<vmem>>, vector<8x128xf32>
    tpu.vector_store %arg2[%swap3A_1870, %swap3A_1871], %slice3A_1869 {strides = array<i32>} : memref<4096x128xf32, #tpu.memory_space<vmem>>, vector<8x128xf32>,
    %slice3A_1873 = vector.extract_strided_slice %transpose3A_1848 {offsets = [48, 0], sizes = [8, 128], strides = [1, 1]} : vector<128x128xf32> to vector<8x128xf32>
    %swap3A_1874 = arith.constant 2952 : index
    %swap3A_1875 = arith.constant 0 : index
    %swap3A_1876 = vector.load %arg2[%swap3A_1874, %swap3A_1875] : memref<4096x128xf32, #tpu.memory_space<vmem>>, vector<8x128xf32>
    tpu.vector_store %arg2[%swap3A_1874, %swap3A_1875], %slice3A_1873 {strides = array<i32>} : memref<4096x128xf32, #tpu.memory_space<vmem>>, vector<8x128xf32>,
    %slice3A_1877 = vector.extract_strided_slice %transpose3A_1848 {offsets = [56, 0], sizes = [8, 128], strides = [1, 1]} : vector<128x128xf32> to vector<8x128xf32>
    %swap3A_1878 = arith.constant 3976 : index
    %swap3A_1879 = arith.constant 0 : index
    %swap3A_1880 = vector.load %arg2[%swap3A_1878, %swap3A_1879] : memref<4096x128xf32, #tpu.memory_space<vmem>>, vector<8x128xf32>
    tpu.vector_store %arg2[%swap3A_1878, %swap3A_1879], %slice3A_1877 {strides = array<i32>} : memref<4096x128xf32, #tpu.memory_space<vmem>>, vector<8x128xf32>,
    %slice3A_1881 = vector.extract_strided_slice %transpose3A_1848 {offsets = [64, 0], sizes = [8, 128], strides = [1, 1]} : vector<128x128xf32> to vector<8x128xf32>
    %swap3A_1882 = arith.constant 912 : index
    %swap3A_1883 = arith.constant 0 : index
    %swap3A_1884 = vector.load %arg2[%swap3A_1882, %swap3A_1883] : memref<4096x128xf32, #tpu.memory_space<vmem>>, vector<8x128xf32>
    tpu.vector_store %arg2[%swap3A_1882, %swap3A_1883], %slice3A_1881 {strides = array<i32>} : memref<4096x128xf32, #tpu.memory_space<vmem>>, vector<8x128xf32>,
    %slice3A_1885 = vector.extract_strided_slice %transpose3A_1848 {offsets = [72, 0], sizes = [8, 128], strides = [1, 1]} : vector<128x128xf32> to vector<8x128xf32>
    %swap3A_1886 = arith.constant 1936 : index
    %swap3A_1887 = arith.constant 0 : index
    %swap3A_1888 = vector.load %arg2[%swap3A_1886, %swap3A_1887] : memref<4096x128xf32, #tpu.memory_space<vmem>>, vector<8x128xf32>
    tpu.vector_store %arg2[%swap3A_1886, %swap3A_1887], %slice3A_1885 {strides = array<i32>} : memref<4096x128xf32, #tpu.memory_space<vmem>>, vector<8x128xf32>,
    %slice3A_1889 = vector.extract_strided_slice %transpose3A_1848 {offsets = [80, 0], sizes = [8, 128], strides = [1, 1]} : vector<128x128xf32> to vector<8x128xf32>
    %swap3A_1890 = arith.constant 2960 : index
    %swap3A_1891 = arith.constant 0 : index
    %swap3A_1892 = vector.load %arg2[%swap3A_1890, %swap3A_1891] : memref<4096x128xf32, #tpu.memory_space<vmem>>, vector<8x128xf32>
    tpu.vector_store %arg2[%swap3A_1890, %swap3A_1891], %slice3A_1889 {strides = array<i32>} : memref<4096x128xf32, #tpu.memory_space<vmem>>, vector<8x128xf32>,
    %slice3A_1893 = vector.extract_strided_slice %transpose3A_1848 {offsets = [88, 0], sizes = [8, 128], strides = [1, 1]} : vector<128x128xf32> to vector<8x128xf32>
    %swap3A_1894 = arith.constant 3984 : index
    %swap3A_1895 = arith.constant 0 : index
    %swap3A_1896 = vector.load %arg2[%swap3A_1894, %swap3A_1895] : memref<4096x128xf32, #tpu.memory_space<vmem>>, vector<8x128xf32>
    tpu.vector_store %arg2[%swap3A_1894, %swap3A_1895], %slice3A_1893 {strides = array<i32>} : memref<4096x128xf32, #tpu.memory_space<vmem>>, vector<8x128xf32>,
    %slice3A_1897 = vector.extract_strided_slice %transpose3A_1848 {offsets = [96, 0], sizes = [8, 128], strides = [1, 1]} : vector<128x128xf32> to vector<8x128xf32>
    %swap3A_1898 = arith.constant 920 : index
    %swap3A_1899 = arith.constant 0 : index
    %swap3A_1900 = vector.load %arg2[%swap3A_1898, %swap3A_1899] : memref<4096x128xf32, #tpu.memory_space<vmem>>, vector<8x128xf32>
    tpu.vector_store %arg2[%swap3A_1898, %swap3A_1899], %slice3A_1897 {strides = array<i32>} : memref<4096x128xf32, #tpu.memory_space<vmem>>, vector<8x128xf32>,
    %slice3A_1901 = vector.extract_strided_slice %transpose3A_1848 {offsets = [104, 0], sizes = [8, 128], strides = [1, 1]} : vector<128x128xf32> to vector<8x128xf32>
    %swap3A_1902 = arith.constant 1944 : index
    %swap3A_1903 = arith.constant 0 : index
    %swap3A_1904 = vector.load %arg2[%swap3A_1902, %swap3A_1903] : memref<4096x128xf32, #tpu.memory_space<vmem>>, vector<8x128xf32>
    tpu.vector_store %arg2[%swap3A_1902, %swap3A_1903], %slice3A_1901 {strides = array<i32>} : memref<4096x128xf32, #tpu.memory_space<vmem>>, vector<8x128xf32>,
    %slice3A_1905 = vector.extract_strided_slice %transpose3A_1848 {offsets = [112, 0], sizes = [8, 128], strides = [1, 1]} : vector<128x128xf32> to vector<8x128xf32>
    %swap3A_1906 = arith.constant 2968 : index
    %swap3A_1907 = arith.constant 0 : index
    %swap3A_1908 = vector.load %arg2[%swap3A_1906, %swap3A_1907] : memref<4096x128xf32, #tpu.memory_space<vmem>>, vector<8x128xf32>
    tpu.vector_store %arg2[%swap3A_1906, %swap3A_1907], %slice3A_1905 {strides = array<i32>} : memref<4096x128xf32, #tpu.memory_space<vmem>>, vector<8x128xf32>,
    %slice3A_1909 = vector.extract_strided_slice %transpose3A_1848 {offsets = [120, 0], sizes = [8, 128], strides = [1, 1]} : vector<128x128xf32> to vector<8x128xf32>
    %swap3A_1910 = arith.constant 3992 : index
    %swap3A_1911 = arith.constant 0 : index
    %swap3A_1912 = vector.load %arg2[%swap3A_1910, %swap3A_1911] : memref<4096x128xf32, #tpu.memory_space<vmem>>, vector<8x128xf32>
    tpu.vector_store %arg2[%swap3A_1910, %swap3A_1911], %slice3A_1909 {strides = array<i32>} : memref<4096x128xf32, #tpu.memory_space<vmem>>, vector<8x128xf32>,
    %slice3A_1913 = vector.extract_strided_slice %get3A_1 {offsets = [3712, 0], sizes = [128, 128], strides = [1, 1]} : vector<4096x128xf32> to vector<128x128xf32>
    %transpose3A_1914 = tpu.transpose %slice3A_1913, [1, 0] : vector<128x128xf32> -> vector<128x128xf32>
    %slice3A_1915 = vector.extract_strided_slice %transpose3A_1914 {offsets = [0, 0], sizes = [8, 128], strides = [1, 1]} : vector<128x128xf32> to vector<8x128xf32>
    %swap3A_1916 = arith.constant 928 : index
    %swap3A_1917 = arith.constant 0 : index
    %swap3A_1918 = vector.load %arg2[%swap3A_1916, %swap3A_1917] : memref<4096x128xf32, #tpu.memory_space<vmem>>, vector<8x128xf32>
    tpu.vector_store %arg2[%swap3A_1916, %swap3A_1917], %slice3A_1915 {strides = array<i32>} : memref<4096x128xf32, #tpu.memory_space<vmem>>, vector<8x128xf32>,
    %slice3A_1919 = vector.extract_strided_slice %transpose3A_1914 {offsets = [8, 0], sizes = [8, 128], strides = [1, 1]} : vector<128x128xf32> to vector<8x128xf32>
    %swap3A_1920 = arith.constant 1952 : index
    %swap3A_1921 = arith.constant 0 : index
    %swap3A_1922 = vector.load %arg2[%swap3A_1920, %swap3A_1921] : memref<4096x128xf32, #tpu.memory_space<vmem>>, vector<8x128xf32>
    tpu.vector_store %arg2[%swap3A_1920, %swap3A_1921], %slice3A_1919 {strides = array<i32>} : memref<4096x128xf32, #tpu.memory_space<vmem>>, vector<8x128xf32>,
    %slice3A_1923 = vector.extract_strided_slice %transpose3A_1914 {offsets = [16, 0], sizes = [8, 128], strides = [1, 1]} : vector<128x128xf32> to vector<8x128xf32>
    %swap3A_1924 = arith.constant 2976 : index
    %swap3A_1925 = arith.constant 0 : index
    %swap3A_1926 = vector.load %arg2[%swap3A_1924, %swap3A_1925] : memref<4096x128xf32, #tpu.memory_space<vmem>>, vector<8x128xf32>
    tpu.vector_store %arg2[%swap3A_1924, %swap3A_1925], %slice3A_1923 {strides = array<i32>} : memref<4096x128xf32, #tpu.memory_space<vmem>>, vector<8x128xf32>,
    %slice3A_1927 = vector.extract_strided_slice %transpose3A_1914 {offsets = [24, 0], sizes = [8, 128], strides = [1, 1]} : vector<128x128xf32> to vector<8x128xf32>
    %swap3A_1928 = arith.constant 4000 : index
    %swap3A_1929 = arith.constant 0 : index
    %swap3A_1930 = vector.load %arg2[%swap3A_1928, %swap3A_1929] : memref<4096x128xf32, #tpu.memory_space<vmem>>, vector<8x128xf32>
    tpu.vector_store %arg2[%swap3A_1928, %swap3A_1929], %slice3A_1927 {strides = array<i32>} : memref<4096x128xf32, #tpu.memory_space<vmem>>, vector<8x128xf32>,
    %slice3A_1931 = vector.extract_strided_slice %transpose3A_1914 {offsets = [32, 0], sizes = [8, 128], strides = [1, 1]} : vector<128x128xf32> to vector<8x128xf32>
    %swap3A_1932 = arith.constant 936 : index
    %swap3A_1933 = arith.constant 0 : index
    %swap3A_1934 = vector.load %arg2[%swap3A_1932, %swap3A_1933] : memref<4096x128xf32, #tpu.memory_space<vmem>>, vector<8x128xf32>
    tpu.vector_store %arg2[%swap3A_1932, %swap3A_1933], %slice3A_1931 {strides = array<i32>} : memref<4096x128xf32, #tpu.memory_space<vmem>>, vector<8x128xf32>,
    %slice3A_1935 = vector.extract_strided_slice %transpose3A_1914 {offsets = [40, 0], sizes = [8, 128], strides = [1, 1]} : vector<128x128xf32> to vector<8x128xf32>
    %swap3A_1936 = arith.constant 1960 : index
    %swap3A_1937 = arith.constant 0 : index
    %swap3A_1938 = vector.load %arg2[%swap3A_1936, %swap3A_1937] : memref<4096x128xf32, #tpu.memory_space<vmem>>, vector<8x128xf32>
    tpu.vector_store %arg2[%swap3A_1936, %swap3A_1937], %slice3A_1935 {strides = array<i32>} : memref<4096x128xf32, #tpu.memory_space<vmem>>, vector<8x128xf32>,
    %slice3A_1939 = vector.extract_strided_slice %transpose3A_1914 {offsets = [48, 0], sizes = [8, 128], strides = [1, 1]} : vector<128x128xf32> to vector<8x128xf32>
    %swap3A_1940 = arith.constant 2984 : index
    %swap3A_1941 = arith.constant 0 : index
    %swap3A_1942 = vector.load %arg2[%swap3A_1940, %swap3A_1941] : memref<4096x128xf32, #tpu.memory_space<vmem>>, vector<8x128xf32>
    tpu.vector_store %arg2[%swap3A_1940, %swap3A_1941], %slice3A_1939 {strides = array<i32>} : memref<4096x128xf32, #tpu.memory_space<vmem>>, vector<8x128xf32>,
    %slice3A_1943 = vector.extract_strided_slice %transpose3A_1914 {offsets = [56, 0], sizes = [8, 128], strides = [1, 1]} : vector<128x128xf32> to vector<8x128xf32>
    %swap3A_1944 = arith.constant 4008 : index
    %swap3A_1945 = arith.constant 0 : index
    %swap3A_1946 = vector.load %arg2[%swap3A_1944, %swap3A_1945] : memref<4096x128xf32, #tpu.memory_space<vmem>>, vector<8x128xf32>
    tpu.vector_store %arg2[%swap3A_1944, %swap3A_1945], %slice3A_1943 {strides = array<i32>} : memref<4096x128xf32, #tpu.memory_space<vmem>>, vector<8x128xf32>,
    %slice3A_1947 = vector.extract_strided_slice %transpose3A_1914 {offsets = [64, 0], sizes = [8, 128], strides = [1, 1]} : vector<128x128xf32> to vector<8x128xf32>
    %swap3A_1948 = arith.constant 944 : index
    %swap3A_1949 = arith.constant 0 : index
    %swap3A_1950 = vector.load %arg2[%swap3A_1948, %swap3A_1949] : memref<4096x128xf32, #tpu.memory_space<vmem>>, vector<8x128xf32>
    tpu.vector_store %arg2[%swap3A_1948, %swap3A_1949], %slice3A_1947 {strides = array<i32>} : memref<4096x128xf32, #tpu.memory_space<vmem>>, vector<8x128xf32>,
    %slice3A_1951 = vector.extract_strided_slice %transpose3A_1914 {offsets = [72, 0], sizes = [8, 128], strides = [1, 1]} : vector<128x128xf32> to vector<8x128xf32>
    %swap3A_1952 = arith.constant 1968 : index
    %swap3A_1953 = arith.constant 0 : index
    %swap3A_1954 = vector.load %arg2[%swap3A_1952, %swap3A_1953] : memref<4096x128xf32, #tpu.memory_space<vmem>>, vector<8x128xf32>
    tpu.vector_store %arg2[%swap3A_1952, %swap3A_1953], %slice3A_1951 {strides = array<i32>} : memref<4096x128xf32, #tpu.memory_space<vmem>>, vector<8x128xf32>,
    %slice3A_1955 = vector.extract_strided_slice %transpose3A_1914 {offsets = [80, 0], sizes = [8, 128], strides = [1, 1]} : vector<128x128xf32> to vector<8x128xf32>
    %swap3A_1956 = arith.constant 2992 : index
    %swap3A_1957 = arith.constant 0 : index
    %swap3A_1958 = vector.load %arg2[%swap3A_1956, %swap3A_1957] : memref<4096x128xf32, #tpu.memory_space<vmem>>, vector<8x128xf32>
    tpu.vector_store %arg2[%swap3A_1956, %swap3A_1957], %slice3A_1955 {strides = array<i32>} : memref<4096x128xf32, #tpu.memory_space<vmem>>, vector<8x128xf32>,
    %slice3A_1959 = vector.extract_strided_slice %transpose3A_1914 {offsets = [88, 0], sizes = [8, 128], strides = [1, 1]} : vector<128x128xf32> to vector<8x128xf32>
    %swap3A_1960 = arith.constant 4016 : index
    %swap3A_1961 = arith.constant 0 : index
    %swap3A_1962 = vector.load %arg2[%swap3A_1960, %swap3A_1961] : memref<4096x128xf32, #tpu.memory_space<vmem>>, vector<8x128xf32>
    tpu.vector_store %arg2[%swap3A_1960, %swap3A_1961], %slice3A_1959 {strides = array<i32>} : memref<4096x128xf32, #tpu.memory_space<vmem>>, vector<8x128xf32>,
    %slice3A_1963 = vector.extract_strided_slice %transpose3A_1914 {offsets = [96, 0], sizes = [8, 128], strides = [1, 1]} : vector<128x128xf32> to vector<8x128xf32>
    %swap3A_1964 = arith.constant 952 : index
    %swap3A_1965 = arith.constant 0 : index
    %swap3A_1966 = vector.load %arg2[%swap3A_1964, %swap3A_1965] : memref<4096x128xf32, #tpu.memory_space<vmem>>, vector<8x128xf32>
    tpu.vector_store %arg2[%swap3A_1964, %swap3A_1965], %slice3A_1963 {strides = array<i32>} : memref<4096x128xf32, #tpu.memory_space<vmem>>, vector<8x128xf32>,
    %slice3A_1967 = vector.extract_strided_slice %transpose3A_1914 {offsets = [104, 0], sizes = [8, 128], strides = [1, 1]} : vector<128x128xf32> to vector<8x128xf32>
    %swap3A_1968 = arith.constant 1976 : index
    %swap3A_1969 = arith.constant 0 : index
    %swap3A_1970 = vector.load %arg2[%swap3A_1968, %swap3A_1969] : memref<4096x128xf32, #tpu.memory_space<vmem>>, vector<8x128xf32>
    tpu.vector_store %arg2[%swap3A_1968, %swap3A_1969], %slice3A_1967 {strides = array<i32>} : memref<4096x128xf32, #tpu.memory_space<vmem>>, vector<8x128xf32>,
    %slice3A_1971 = vector.extract_strided_slice %transpose3A_1914 {offsets = [112, 0], sizes = [8, 128], strides = [1, 1]} : vector<128x128xf32> to vector<8x128xf32>
    %swap3A_1972 = arith.constant 3000 : index
    %swap3A_1973 = arith.constant 0 : index
    %swap3A_1974 = vector.load %arg2[%swap3A_1972, %swap3A_1973] : memref<4096x128xf32, #tpu.memory_space<vmem>>, vector<8x128xf32>
    tpu.vector_store %arg2[%swap3A_1972, %swap3A_1973], %slice3A_1971 {strides = array<i32>} : memref<4096x128xf32, #tpu.memory_space<vmem>>, vector<8x128xf32>,
    %slice3A_1975 = vector.extract_strided_slice %transpose3A_1914 {offsets = [120, 0], sizes = [8, 128], strides = [1, 1]} : vector<128x128xf32> to vector<8x128xf32>
    %swap3A_1976 = arith.constant 4024 : index
    %swap3A_1977 = arith.constant 0 : index
    %swap3A_1978 = vector.load %arg2[%swap3A_1976, %swap3A_1977] : memref<4096x128xf32, #tpu.memory_space<vmem>>, vector<8x128xf32>
    tpu.vector_store %arg2[%swap3A_1976, %swap3A_1977], %slice3A_1975 {strides = array<i32>} : memref<4096x128xf32, #tpu.memory_space<vmem>>, vector<8x128xf32>,
    %slice3A_1979 = vector.extract_strided_slice %get3A_1 {offsets = [3840, 0], sizes = [128, 128], strides = [1, 1]} : vector<4096x128xf32> to vector<128x128xf32>
    %transpose3A_1980 = tpu.transpose %slice3A_1979, [1, 0] : vector<128x128xf32> -> vector<128x128xf32>
    %slice3A_1981 = vector.extract_strided_slice %transpose3A_1980 {offsets = [0, 0], sizes = [8, 128], strides = [1, 1]} : vector<128x128xf32> to vector<8x128xf32>
    %swap3A_1982 = arith.constant 960 : index
    %swap3A_1983 = arith.constant 0 : index
    %swap3A_1984 = vector.load %arg2[%swap3A_1982, %swap3A_1983] : memref<4096x128xf32, #tpu.memory_space<vmem>>, vector<8x128xf32>
    tpu.vector_store %arg2[%swap3A_1982, %swap3A_1983], %slice3A_1981 {strides = array<i32>} : memref<4096x128xf32, #tpu.memory_space<vmem>>, vector<8x128xf32>,
    %slice3A_1985 = vector.extract_strided_slice %transpose3A_1980 {offsets = [8, 0], sizes = [8, 128], strides = [1, 1]} : vector<128x128xf32> to vector<8x128xf32>
    %swap3A_1986 = arith.constant 1984 : index
    %swap3A_1987 = arith.constant 0 : index
    %swap3A_1988 = vector.load %arg2[%swap3A_1986, %swap3A_1987] : memref<4096x128xf32, #tpu.memory_space<vmem>>, vector<8x128xf32>
    tpu.vector_store %arg2[%swap3A_1986, %swap3A_1987], %slice3A_1985 {strides = array<i32>} : memref<4096x128xf32, #tpu.memory_space<vmem>>, vector<8x128xf32>,
    %slice3A_1989 = vector.extract_strided_slice %transpose3A_1980 {offsets = [16, 0], sizes = [8, 128], strides = [1, 1]} : vector<128x128xf32> to vector<8x128xf32>
    %swap3A_1990 = arith.constant 3008 : index
    %swap3A_1991 = arith.constant 0 : index
    %swap3A_1992 = vector.load %arg2[%swap3A_1990, %swap3A_1991] : memref<4096x128xf32, #tpu.memory_space<vmem>>, vector<8x128xf32>
    tpu.vector_store %arg2[%swap3A_1990, %swap3A_1991], %slice3A_1989 {strides = array<i32>} : memref<4096x128xf32, #tpu.memory_space<vmem>>, vector<8x128xf32>,
    %slice3A_1993 = vector.extract_strided_slice %transpose3A_1980 {offsets = [24, 0], sizes = [8, 128], strides = [1, 1]} : vector<128x128xf32> to vector<8x128xf32>
    %swap3A_1994 = arith.constant 4032 : index
    %swap3A_1995 = arith.constant 0 : index
    %swap3A_1996 = vector.load %arg2[%swap3A_1994, %swap3A_1995] : memref<4096x128xf32, #tpu.memory_space<vmem>>, vector<8x128xf32>
    tpu.vector_store %arg2[%swap3A_1994, %swap3A_1995], %slice3A_1993 {strides = array<i32>} : memref<4096x128xf32, #tpu.memory_space<vmem>>, vector<8x128xf32>,
    %slice3A_1997 = vector.extract_strided_slice %transpose3A_1980 {offsets = [32, 0], sizes = [8, 128], strides = [1, 1]} : vector<128x128xf32> to vector<8x128xf32>
    %swap3A_1998 = arith.constant 968 : index
    %swap3A_1999 = arith.constant 0 : index
    %swap3A_2000 = vector.load %arg2[%swap3A_1998, %swap3A_1999] : memref<4096x128xf32, #tpu.memory_space<vmem>>, vector<8x128xf32>
    tpu.vector_store %arg2[%swap3A_1998, %swap3A_1999], %slice3A_1997 {strides = array<i32>} : memref<4096x128xf32, #tpu.memory_space<vmem>>, vector<8x128xf32>,
    %slice3A_2001 = vector.extract_strided_slice %transpose3A_1980 {offsets = [40, 0], sizes = [8, 128], strides = [1, 1]} : vector<128x128xf32> to vector<8x128xf32>
    %swap3A_2002 = arith.constant 1992 : index
    %swap3A_2003 = arith.constant 0 : index
    %swap3A_2004 = vector.load %arg2[%swap3A_2002, %swap3A_2003] : memref<4096x128xf32, #tpu.memory_space<vmem>>, vector<8x128xf32>
    tpu.vector_store %arg2[%swap3A_2002, %swap3A_2003], %slice3A_2001 {strides = array<i32>} : memref<4096x128xf32, #tpu.memory_space<vmem>>, vector<8x128xf32>,
    %slice3A_2005 = vector.extract_strided_slice %transpose3A_1980 {offsets = [48, 0], sizes = [8, 128], strides = [1, 1]} : vector<128x128xf32> to vector<8x128xf32>
    %swap3A_2006 = arith.constant 3016 : index
    %swap3A_2007 = arith.constant 0 : index
    %swap3A_2008 = vector.load %arg2[%swap3A_2006, %swap3A_2007] : memref<4096x128xf32, #tpu.memory_space<vmem>>, vector<8x128xf32>
    tpu.vector_store %arg2[%swap3A_2006, %swap3A_2007], %slice3A_2005 {strides = array<i32>} : memref<4096x128xf32, #tpu.memory_space<vmem>>, vector<8x128xf32>,
    %slice3A_2009 = vector.extract_strided_slice %transpose3A_1980 {offsets = [56, 0], sizes = [8, 128], strides = [1, 1]} : vector<128x128xf32> to vector<8x128xf32>
    %swap3A_2010 = arith.constant 4040 : index
    %swap3A_2011 = arith.constant 0 : index
    %swap3A_2012 = vector.load %arg2[%swap3A_2010, %swap3A_2011] : memref<4096x128xf32, #tpu.memory_space<vmem>>, vector<8x128xf32>
    tpu.vector_store %arg2[%swap3A_2010, %swap3A_2011], %slice3A_2009 {strides = array<i32>} : memref<4096x128xf32, #tpu.memory_space<vmem>>, vector<8x128xf32>,
    %slice3A_2013 = vector.extract_strided_slice %transpose3A_1980 {offsets = [64, 0], sizes = [8, 128], strides = [1, 1]} : vector<128x128xf32> to vector<8x128xf32>
    %swap3A_2014 = arith.constant 976 : index
    %swap3A_2015 = arith.constant 0 : index
    %swap3A_2016 = vector.load %arg2[%swap3A_2014, %swap3A_2015] : memref<4096x128xf32, #tpu.memory_space<vmem>>, vector<8x128xf32>
    tpu.vector_store %arg2[%swap3A_2014, %swap3A_2015], %slice3A_2013 {strides = array<i32>} : memref<4096x128xf32, #tpu.memory_space<vmem>>, vector<8x128xf32>,
    %slice3A_2017 = vector.extract_strided_slice %transpose3A_1980 {offsets = [72, 0], sizes = [8, 128], strides = [1, 1]} : vector<128x128xf32> to vector<8x128xf32>
    %swap3A_2018 = arith.constant 2000 : index
    %swap3A_2019 = arith.constant 0 : index
    %swap3A_2020 = vector.load %arg2[%swap3A_2018, %swap3A_2019] : memref<4096x128xf32, #tpu.memory_space<vmem>>, vector<8x128xf32>
    tpu.vector_store %arg2[%swap3A_2018, %swap3A_2019], %slice3A_2017 {strides = array<i32>} : memref<4096x128xf32, #tpu.memory_space<vmem>>, vector<8x128xf32>,
    %slice3A_2021 = vector.extract_strided_slice %transpose3A_1980 {offsets = [80, 0], sizes = [8, 128], strides = [1, 1]} : vector<128x128xf32> to vector<8x128xf32>
    %swap3A_2022 = arith.constant 3024 : index
    %swap3A_2023 = arith.constant 0 : index
    %swap3A_2024 = vector.load %arg2[%swap3A_2022, %swap3A_2023] : memref<4096x128xf32, #tpu.memory_space<vmem>>, vector<8x128xf32>
    tpu.vector_store %arg2[%swap3A_2022, %swap3A_2023], %slice3A_2021 {strides = array<i32>} : memref<4096x128xf32, #tpu.memory_space<vmem>>, vector<8x128xf32>,
    %slice3A_2025 = vector.extract_strided_slice %transpose3A_1980 {offsets = [88, 0], sizes = [8, 128], strides = [1, 1]} : vector<128x128xf32> to vector<8x128xf32>
    %swap3A_2026 = arith.constant 4048 : index
    %swap3A_2027 = arith.constant 0 : index
    %swap3A_2028 = vector.load %arg2[%swap3A_2026, %swap3A_2027] : memref<4096x128xf32, #tpu.memory_space<vmem>>, vector<8x128xf32>
    tpu.vector_store %arg2[%swap3A_2026, %swap3A_2027], %slice3A_2025 {strides = array<i32>} : memref<4096x128xf32, #tpu.memory_space<vmem>>, vector<8x128xf32>,
    %slice3A_2029 = vector.extract_strided_slice %transpose3A_1980 {offsets = [96, 0], sizes = [8, 128], strides = [1, 1]} : vector<128x128xf32> to vector<8x128xf32>
    %swap3A_2030 = arith.constant 984 : index
    %swap3A_2031 = arith.constant 0 : index
    %swap3A_2032 = vector.load %arg2[%swap3A_2030, %swap3A_2031] : memref<4096x128xf32, #tpu.memory_space<vmem>>, vector<8x128xf32>
    tpu.vector_store %arg2[%swap3A_2030, %swap3A_2031], %slice3A_2029 {strides = array<i32>} : memref<4096x128xf32, #tpu.memory_space<vmem>>, vector<8x128xf32>,
    %slice3A_2033 = vector.extract_strided_slice %transpose3A_1980 {offsets = [104, 0], sizes = [8, 128], strides = [1, 1]} : vector<128x128xf32> to vector<8x128xf32>
    %swap3A_2034 = arith.constant 2008 : index
    %swap3A_2035 = arith.constant 0 : index
    %swap3A_2036 = vector.load %arg2[%swap3A_2034, %swap3A_2035] : memref<4096x128xf32, #tpu.memory_space<vmem>>, vector<8x128xf32>
    tpu.vector_store %arg2[%swap3A_2034, %swap3A_2035], %slice3A_2033 {strides = array<i32>} : memref<4096x128xf32, #tpu.memory_space<vmem>>, vector<8x128xf32>,
    %slice3A_2037 = vector.extract_strided_slice %transpose3A_1980 {offsets = [112, 0], sizes = [8, 128], strides = [1, 1]} : vector<128x128xf32> to vector<8x128xf32>
    %swap3A_2038 = arith.constant 3032 : index
    %swap3A_2039 = arith.constant 0 : index
    %swap3A_2040 = vector.load %arg2[%swap3A_2038, %swap3A_2039] : memref<4096x128xf32, #tpu.memory_space<vmem>>, vector<8x128xf32>
    tpu.vector_store %arg2[%swap3A_2038, %swap3A_2039], %slice3A_2037 {strides = array<i32>} : memref<4096x128xf32, #tpu.memory_space<vmem>>, vector<8x128xf32>,
    %slice3A_2041 = vector.extract_strided_slice %transpose3A_1980 {offsets = [120, 0], sizes = [8, 128], strides = [1, 1]} : vector<128x128xf32> to vector<8x128xf32>
    %swap3A_2042 = arith.constant 4056 : index
    %swap3A_2043 = arith.constant 0 : index
    %swap3A_2044 = vector.load %arg2[%swap3A_2042, %swap3A_2043] : memref<4096x128xf32, #tpu.memory_space<vmem>>, vector<8x128xf32>
    tpu.vector_store %arg2[%swap3A_2042, %swap3A_2043], %slice3A_2041 {strides = array<i32>} : memref<4096x128xf32, #tpu.memory_space<vmem>>, vector<8x128xf32>,
    %slice3A_2045 = vector.extract_strided_slice %get3A_1 {offsets = [3968, 0], sizes = [128, 128], strides = [1, 1]} : vector<4096x128xf32> to vector<128x128xf32>
    %transpose3A_2046 = tpu.transpose %slice3A_2045, [1, 0] : vector<128x128xf32> -> vector<128x128xf32>
    %slice3A_2047 = vector.extract_strided_slice %transpose3A_2046 {offsets = [0, 0], sizes = [8, 128], strides = [1, 1]} : vector<128x128xf32> to vector<8x128xf32>
    %swap3A_2048 = arith.constant 992 : index
    %swap3A_2049 = arith.constant 0 : index
    %swap3A_2050 = vector.load %arg2[%swap3A_2048, %swap3A_2049] : memref<4096x128xf32, #tpu.memory_space<vmem>>, vector<8x128xf32>
    tpu.vector_store %arg2[%swap3A_2048, %swap3A_2049], %slice3A_2047 {strides = array<i32>} : memref<4096x128xf32, #tpu.memory_space<vmem>>, vector<8x128xf32>,
    %slice3A_2051 = vector.extract_strided_slice %transpose3A_2046 {offsets = [8, 0], sizes = [8, 128], strides = [1, 1]} : vector<128x128xf32> to vector<8x128xf32>
    %swap3A_2052 = arith.constant 2016 : index
    %swap3A_2053 = arith.constant 0 : index
    %swap3A_2054 = vector.load %arg2[%swap3A_2052, %swap3A_2053] : memref<4096x128xf32, #tpu.memory_space<vmem>>, vector<8x128xf32>
    tpu.vector_store %arg2[%swap3A_2052, %swap3A_2053], %slice3A_2051 {strides = array<i32>} : memref<4096x128xf32, #tpu.memory_space<vmem>>, vector<8x128xf32>,
    %slice3A_2055 = vector.extract_strided_slice %transpose3A_2046 {offsets = [16, 0], sizes = [8, 128], strides = [1, 1]} : vector<128x128xf32> to vector<8x128xf32>
    %swap3A_2056 = arith.constant 3040 : index
    %swap3A_2057 = arith.constant 0 : index
    %swap3A_2058 = vector.load %arg2[%swap3A_2056, %swap3A_2057] : memref<4096x128xf32, #tpu.memory_space<vmem>>, vector<8x128xf32>
    tpu.vector_store %arg2[%swap3A_2056, %swap3A_2057], %slice3A_2055 {strides = array<i32>} : memref<4096x128xf32, #tpu.memory_space<vmem>>, vector<8x128xf32>,
    %slice3A_2059 = vector.extract_strided_slice %transpose3A_2046 {offsets = [24, 0], sizes = [8, 128], strides = [1, 1]} : vector<128x128xf32> to vector<8x128xf32>
    %swap3A_2060 = arith.constant 4064 : index
    %swap3A_2061 = arith.constant 0 : index
    %swap3A_2062 = vector.load %arg2[%swap3A_2060, %swap3A_2061] : memref<4096x128xf32, #tpu.memory_space<vmem>>, vector<8x128xf32>
    tpu.vector_store %arg2[%swap3A_2060, %swap3A_2061], %slice3A_2059 {strides = array<i32>} : memref<4096x128xf32, #tpu.memory_space<vmem>>, vector<8x128xf32>,
    %slice3A_2063 = vector.extract_strided_slice %transpose3A_2046 {offsets = [32, 0], sizes = [8, 128], strides = [1, 1]} : vector<128x128xf32> to vector<8x128xf32>
    %swap3A_2064 = arith.constant 1000 : index
    %swap3A_2065 = arith.constant 0 : index
    %swap3A_2066 = vector.load %arg2[%swap3A_2064, %swap3A_2065] : memref<4096x128xf32, #tpu.memory_space<vmem>>, vector<8x128xf32>
    tpu.vector_store %arg2[%swap3A_2064, %swap3A_2065], %slice3A_2063 {strides = array<i32>} : memref<4096x128xf32, #tpu.memory_space<vmem>>, vector<8x128xf32>,
    %slice3A_2067 = vector.extract_strided_slice %transpose3A_2046 {offsets = [40, 0], sizes = [8, 128], strides = [1, 1]} : vector<128x128xf32> to vector<8x128xf32>
    %swap3A_2068 = arith.constant 2024 : index
    %swap3A_2069 = arith.constant 0 : index
    %swap3A_2070 = vector.load %arg2[%swap3A_2068, %swap3A_2069] : memref<4096x128xf32, #tpu.memory_space<vmem>>, vector<8x128xf32>
    tpu.vector_store %arg2[%swap3A_2068, %swap3A_2069], %slice3A_2067 {strides = array<i32>} : memref<4096x128xf32, #tpu.memory_space<vmem>>, vector<8x128xf32>,
    %slice3A_2071 = vector.extract_strided_slice %transpose3A_2046 {offsets = [48, 0], sizes = [8, 128], strides = [1, 1]} : vector<128x128xf32> to vector<8x128xf32>
    %swap3A_2072 = arith.constant 3048 : index
    %swap3A_2073 = arith.constant 0 : index
    %swap3A_2074 = vector.load %arg2[%swap3A_2072, %swap3A_2073] : memref<4096x128xf32, #tpu.memory_space<vmem>>, vector<8x128xf32>
    tpu.vector_store %arg2[%swap3A_2072, %swap3A_2073], %slice3A_2071 {strides = array<i32>} : memref<4096x128xf32, #tpu.memory_space<vmem>>, vector<8x128xf32>,
    %slice3A_2075 = vector.extract_strided_slice %transpose3A_2046 {offsets = [56, 0], sizes = [8, 128], strides = [1, 1]} : vector<128x128xf32> to vector<8x128xf32>
    %swap3A_2076 = arith.constant 4072 : index
    %swap3A_2077 = arith.constant 0 : index
    %swap3A_2078 = vector.load %arg2[%swap3A_2076, %swap3A_2077] : memref<4096x128xf32, #tpu.memory_space<vmem>>, vector<8x128xf32>
    tpu.vector_store %arg2[%swap3A_2076, %swap3A_2077], %slice3A_2075 {strides = array<i32>} : memref<4096x128xf32, #tpu.memory_space<vmem>>, vector<8x128xf32>,
    %slice3A_2079 = vector.extract_strided_slice %transpose3A_2046 {offsets = [64, 0], sizes = [8, 128], strides = [1, 1]} : vector<128x128xf32> to vector<8x128xf32>
    %swap3A_2080 = arith.constant 1008 : index
    %swap3A_2081 = arith.constant 0 : index
    %swap3A_2082 = vector.load %arg2[%swap3A_2080, %swap3A_2081] : memref<4096x128xf32, #tpu.memory_space<vmem>>, vector<8x128xf32>
    tpu.vector_store %arg2[%swap3A_2080, %swap3A_2081], %slice3A_2079 {strides = array<i32>} : memref<4096x128xf32, #tpu.memory_space<vmem>>, vector<8x128xf32>,
    %slice3A_2083 = vector.extract_strided_slice %transpose3A_2046 {offsets = [72, 0], sizes = [8, 128], strides = [1, 1]} : vector<128x128xf32> to vector<8x128xf32>
    %swap3A_2084 = arith.constant 2032 : index
    %swap3A_2085 = arith.constant 0 : index
    %swap3A_2086 = vector.load %arg2[%swap3A_2084, %swap3A_2085] : memref<4096x128xf32, #tpu.memory_space<vmem>>, vector<8x128xf32>
    tpu.vector_store %arg2[%swap3A_2084, %swap3A_2085], %slice3A_2083 {strides = array<i32>} : memref<4096x128xf32, #tpu.memory_space<vmem>>, vector<8x128xf32>,
    %slice3A_2087 = vector.extract_strided_slice %transpose3A_2046 {offsets = [80, 0], sizes = [8, 128], strides = [1, 1]} : vector<128x128xf32> to vector<8x128xf32>
    %swap3A_2088 = arith.constant 3056 : index
    %swap3A_2089 = arith.constant 0 : index
    %swap3A_2090 = vector.load %arg2[%swap3A_2088, %swap3A_2089] : memref<4096x128xf32, #tpu.memory_space<vmem>>, vector<8x128xf32>
    tpu.vector_store %arg2[%swap3A_2088, %swap3A_2089], %slice3A_2087 {strides = array<i32>} : memref<4096x128xf32, #tpu.memory_space<vmem>>, vector<8x128xf32>,
    %slice3A_2091 = vector.extract_strided_slice %transpose3A_2046 {offsets = [88, 0], sizes = [8, 128], strides = [1, 1]} : vector<128x128xf32> to vector<8x128xf32>
    %swap3A_2092 = arith.constant 4080 : index
    %swap3A_2093 = arith.constant 0 : index
    %swap3A_2094 = vector.load %arg2[%swap3A_2092, %swap3A_2093] : memref<4096x128xf32, #tpu.memory_space<vmem>>, vector<8x128xf32>
    tpu.vector_store %arg2[%swap3A_2092, %swap3A_2093], %slice3A_2091 {strides = array<i32>} : memref<4096x128xf32, #tpu.memory_space<vmem>>, vector<8x128xf32>,
    %slice3A_2095 = vector.extract_strided_slice %transpose3A_2046 {offsets = [96, 0], sizes = [8, 128], strides = [1, 1]} : vector<128x128xf32> to vector<8x128xf32>
    %swap3A_2096 = arith.constant 1016 : index
    %swap3A_2097 = arith.constant 0 : index
    %swap3A_2098 = vector.load %arg2[%swap3A_2096, %swap3A_2097] : memref<4096x128xf32, #tpu.memory_space<vmem>>, vector<8x128xf32>
    tpu.vector_store %arg2[%swap3A_2096, %swap3A_2097], %slice3A_2095 {strides = array<i32>} : memref<4096x128xf32, #tpu.memory_space<vmem>>, vector<8x128xf32>,
    %slice3A_2099 = vector.extract_strided_slice %transpose3A_2046 {offsets = [104, 0], sizes = [8, 128], strides = [1, 1]} : vector<128x128xf32> to vector<8x128xf32>
    %swap3A_2100 = arith.constant 2040 : index
    %swap3A_2101 = arith.constant 0 : index
    %swap3A_2102 = vector.load %arg2[%swap3A_2100, %swap3A_2101] : memref<4096x128xf32, #tpu.memory_space<vmem>>, vector<8x128xf32>
    tpu.vector_store %arg2[%swap3A_2100, %swap3A_2101], %slice3A_2099 {strides = array<i32>} : memref<4096x128xf32, #tpu.memory_space<vmem>>, vector<8x128xf32>,
    %slice3A_2103 = vector.extract_strided_slice %transpose3A_2046 {offsets = [112, 0], sizes = [8, 128], strides = [1, 1]} : vector<128x128xf32> to vector<8x128xf32>
    %swap3A_2104 = arith.constant 3064 : index
    %swap3A_2105 = arith.constant 0 : index
    %swap3A_2106 = vector.load %arg2[%swap3A_2104, %swap3A_2105] : memref<4096x128xf32, #tpu.memory_space<vmem>>, vector<8x128xf32>
    tpu.vector_store %arg2[%swap3A_2104, %swap3A_2105], %slice3A_2103 {strides = array<i32>} : memref<4096x128xf32, #tpu.memory_space<vmem>>, vector<8x128xf32>,
    %slice3A_2107 = vector.extract_strided_slice %transpose3A_2046 {offsets = [120, 0], sizes = [8, 128], strides = [1, 1]} : vector<128x128xf32> to vector<8x128xf32>
    %swap3A_2108 = arith.constant 4088 : index
    %swap3A_2109 = arith.constant 0 : index
    %swap3A_2110 = vector.load %arg2[%swap3A_2108, %swap3A_2109] : memref<4096x128xf32, #tpu.memory_space<vmem>>, vector<8x128xf32>
    tpu.vector_store %arg2[%swap3A_2108, %swap3A_2109], %slice3A_2107 {strides = array<i32>} : memref<4096x128xf32, #tpu.memory_space<vmem>>, vector<8x128xf32>,
    return
  }
  func.func @transform_0(%arg0: i32) -> (i32, i32) {
    %c0_i32 = arith.constant 0 : i32
    %c0_i32_0 = arith.constant 0 : i32
    return %arg0, %c0_i32 : i32, i32
  }
  func.func @transform_1(%arg0: i32) -> (i32, i32) {
    %c0_i32 = arith.constant 0 : i32
    %c0_i32_0 = arith.constant 0 : i32
    return %arg0, %c0_i32 : i32, i32
  }
}

</mosaic_0001>

<sc_bundles>
// kernel: kernel.5.cloned.1.call-start
scs
__scs_entry_jumppad:
0x0: {  	(pc) =	sbr.rel $0x88, $3  }
0x1: {  	(tag) =	ssettag $0x0;
	lr =	simm.s32 $0x1  }
0x2: {  	[smem:$0x3F9E] =	sst lr;
	_ =	strace $0xD0000000  }
0x3: {  	_ = 	snop  }
0x4: {  	_ = 	snop  }
0x5: {  	_ = 	snop  }
0x6: {  	_ = 	snop  }
0x7: {  	_ = 	snop  }
__scs_overlays_trampoline_lowered:
0x8: {  	[smem:$0x3FAD] =	sst s0  }
0x9: {  	[smem:$0x3FAE] =	sst s1  }
0xa: {  	[smem:$0x3FAF] =	sst s2  }
0xb: {  	[smem:$0x3FB0] =	sst s3  }
0xc: {  	[smem:$0x3FB1] =	sst s4  }
0xd: {  	[smem:$0x3FB2] =	sst s5  }
0xe: {  	[smem:$0x3FB3] =	sst s6  }
0xf: {  	[smem:$0x3FB4] =	sst s7  }
0x10: {  	[smem:$0x3FB5] =	sst s8  }
0x11: {  	[smem:$0x3FB6] =	sst s9;
	s0 =	simm.s32 @!p0 $0x0  }
0x12: {  	s1 =	sld [smem:$0x3F9C];
	s0 =	simm.s32 @p0 $0x1  }
0x13: {  	[smem:$0x3FB7] =	sst s0;
	s0 =	simm.s32 @!p1 $0x0  }
0x14: {  	s2 =	sld [smem:$0x3F9B];
	s0 =	simm.s32 @p1 $0x1  }
0x15: {  	[smem:$0x3FB8] =	sst s0;
	s0 =	simm.s32 @!p2 $0x0  }
0x16: {  	s3 =	sld [smem:$0x3FDB];
	s0 =	simm.s32 @p2 $0x1  }
0x17: {  	s4 =	simm.s32 $0x1BF5;
	[smem:$0x3FBA] =	sst s0  }
0x18: {  	s0 =	sld [smem:$0x3F9D];
	_ =	swait.ge [sflag:s4], $0x0  }
0x19: {  	s7 =	sld [smem:$0x3F9E]  }
0x1a: {  	s8 =	sadd.s32 $0xFFFFE003, lr  }
0x1b: {  	s9 =	sadd.s32 $0xFFFFFEF7, lr;
	s5 =	simm.s32 $0xFFFFFFFF;
	p2 =	slt.u32 s8, $0xFFFFF086  }
0x1c: {  	p1 =	slt.u32 s9, $0xF7A;
	s5 =	simm.s32 @!p2 $0x0  }
0x1d: {  	s5 =	simm.s32 @p1 $0x1;
	p0 =	seq.s32 s7, s2  }
0x1e: {  	s7 =	smul.u32 @!p0 $0xF7A, s2;
	p2 =	seq.s32 @!p0 s5, $0x0  }
0x1f: {  	s9 =	smul.u32 $0xF7A, s1;
	s8 =	simm.s32 @!p0 $0x1BF5;
	p2 =	por !p2, p0  }
0x20: {  	[sflag:s8] =	ssyncset.s32 @!p0 $0xFFFFF086;
	s6 =	sadd.s32 @!p0 s3, s7;
	s7 =	simm.s32 @!p0 $0x108  }
0x21: {  	s3 =	sadd.s32 s3, s9;
	s6 =	sadd.s32 @!p0 $0x88, s6;
	s7 =	simm.s32 @p2 $0x1082  }
0x22: {  	[simem:s7], [sflag:s8] =	dma.local @!p0 [hbm:s6], $0xF7A  }
0x23: {  	s9 =	sor.u32 $0xD0000000, s2;
	s6 =	simm.s32 $0x108;
	_ =	swait.ge @!p0 [sflag:s8], $0x0  }
0x24: {  	s3 =	sadd.s32 $0x88, s3;
	s6 =	simm.s32 @!p1 $0x1082;
	[sflag:s4] =	ssyncset.s32 $0xFFFFF086  }
0x25: {  	[simem:s6], [sflag:s4] =	dma.local [hbm:s3], $0xF7A  }
0x26: {  	[smem:$0x3F9E] =	sst s1;
	(tag) =	ssettag s2;
	_ =	strace s9  }
0x27: {  	s1 =	sld [smem:$0x3FAE]  }
0x28: {  	s2 =	sld [smem:$0x3FAF]  }
0x29: {  	s4 =	sld [smem:$0x3FB1]  }
0x2a: {  	p0 =	seq.s32 s5, $0x0;
	s5 =	sld [smem:$0x3FB2]  }
0x2b: {  	s6 =	sld [smem:$0x3FB3]  }
0x2c: {  	s7 =	sld [smem:$0x3FB4]  }
0x2d: {  	s3 =	simm.s32 $0x108;
	s8 =	sld [smem:$0x3FB5]  }
0x2e: {  	s3 =	simm.s32 @!p0 $0x1082;
	s9 =	sld [smem:$0x3FB6]  }
0x2f: {  	lr =	sadd.s32 s0, s3;
	s0 =	sld [smem:$0x3FAD]  }
0x30: {  	s3 =	sld [smem:$0x3FB0]  }
0x31: {  	[smem:$0x3FB9] =	sst s10  }
0x32: {  	s10 =	sld [smem:$0x3FB7];
	_ =	sdelay $0x3  }
0x33: {  	p0 =	seq.s32 s10, $0x1;
	s10 =	sld [smem:$0x3FB9];
	_ =	sdelay $0x3  }
0x34: {  	[smem:$0x3FB9] =	sst s10  }
0x35: {  	s10 =	sld [smem:$0x3FB8];
	_ =	sdelay $0x3  }
0x36: {  	p1 =	seq.s32 s10, $0x1;
	s10 =	sld [smem:$0x3FB9];
	_ =	sdelay $0x3  }
0x37: {  	[smem:$0x3FB9] =	sst s10  }
0x38: {  	s10 =	sld [smem:$0x3FBA]  }
0x39: {  	_ = 	snop;
	(pc) =	sbr.ind lr, $3  }
0x3a: {  	_ = 	snop  }
0x3b: {  	_ = 	snop  }
0x3c: {  	p2 =	seq.s32 s10, $0x1;
	s10 =	sld [smem:$0x3FB9]  }
0x3d: {  	_ =	shalt  }
0x3e: {  	_ =	shalt  }
0x3f: {  	_ =	shalt  }
0x40: {  	_ =	shalt  }
0x41: {  	_ =	shalt  }
0x42: {  	_ =	shalt  }
0x43: {  	_ =	shalt  }
0x44: {  	_ =	shalt  }
0x45: {  	_ =	shalt  }
0x46: {  	_ =	shalt  }
0x47: {  	_ =	shalt  }
0x48: {  	_ =	shalt  }
0x49: {  	_ =	shalt  }
0x4a: {  	_ =	shalt  }
0x4b: {  	_ =	shalt  }
0x4c: {  	_ =	shalt  }
0x4d: {  	_ =	shalt  }
0x4e: {  	_ =	shalt  }
0x4f: {  	_ =	shalt  }
0x50: {  	_ =	shalt  }
0x51: {  	_ =	shalt  }
0x52: {  	_ =	shalt  }
0x53: {  	_ =	shalt  }
0x54: {  	_ =	shalt  }
0x55: {  	_ =	shalt  }
0x56: {  	_ =	shalt  }
0x57: {  	_ =	shalt  }
0x58: {  	_ =	shalt  }
0x59: {  	_ =	shalt  }
0x5a: {  	_ =	shalt  }
0x5b: {  	_ =	shalt  }
0x5c: {  	_ =	shalt  }
0x5d: {  	_ =	shalt  }
0x5e: {  	_ =	shalt  }
0x5f: {  	_ =	shalt  }
0x60: {  	_ =	shalt  }
0x61: {  	_ =	shalt  }
0x62: {  	_ =	shalt  }
0x63: {  	_ =	shalt  }
0x64: {  	_ =	shalt  }
0x65: {  	_ =	shalt  }
0x66: {  	_ =	shalt  }
0x67: {  	_ =	shalt  }
0x68: {  	_ =	shalt  }
0x69: {  	_ =	shalt  }
0x6a: {  	_ =	shalt  }
0x6b: {  	_ =	shalt  }
0x6c: {  	_ =	shalt  }
0x6d: {  	_ =	shalt  }
0x6e: {  	_ =	shalt  }
0x6f: {  	_ =	shalt  }
0x70: {  	_ =	shalt  }
0x71: {  	_ =	shalt  }
0x72: {  	_ =	shalt  }
0x73: {  	_ =	shalt  }
0x74: {  	_ =	shalt  }
0x75: {  	_ =	shalt  }
0x76: {  	_ =	shalt  }
0x77: {  	_ =	shalt  }
0x78: {  	_ =	shalt  }
0x79: {  	_ =	shalt  }
0x7a: {  	_ =	shalt  }
0x7b: {  	_ =	shalt  }
0x7c: {  	_ =	shalt  }
0x7d: {  	_ =	shalt  }
0x7e: {  	_ =	shalt  }
0x7f: {  	_ =	shalt  }
0x80: {  	_ =	shalt  }
0x81: {  	_ =	shalt  }
0x82: {  	_ =	shalt  }
0x83: {  	_ =	shalt  }
0x84: {  	_ =	shalt  }
0x85: {  	_ =	shalt  }
0x86: {  	_ =	shalt  }
0x87: {  	_ =	shalt  }
.Lfunc_end0:
.L_simem_size_0:
called_computation_lowered:
.L_overlay_start_0:
0x88: {  	s2 =	sld [smem:$0x3FD9]  }
0x89: {  	s3 =	sld [smem:$0x3FFE];
	_ =	sdelay $0x1  }
0x8a: {  	s1 =	srdreg.scid  }
0x8b: {  	s0 =	sand.u32 $0x1, s1  }
0x8c: {  	s17 =	sshll.u32 s0, $0xA;
	s2 =	sadd.s32 s3, s2  }
0x8d: {  	s2 =	sadd.s32 s2, s17  }
0x8e: {  	[smem:$0x3FC5] =	sst s2  }
0x8f: {  	_ = 	snop  }
0x90: {  	s2 =	sld [smem:$0x3FD0];
	(tm) =	ssettm $0x1  }
0x91: {  	s18 =	sld [smem:$0x3FFB];
	_ =	sdelay $0x3  }
0x92: {  	_ =	strace s18  }
0x93: {  	s3 =	sld [smem:$0x3FFC];
	_ =	sdelay $0x3  }
0x94: {  	_ =	strace s3  }
0x95: {  	s3 =	sld [smem:$0x3FFD];
	_ =	sdelay $0x3  }
0x96: {  	_ =	strace s3  }
0x97: {  	_ =	strace $0x8FFFFFFF  }
0x98: {  	s19 =	sld [smem:$0x3FDB];
	_ =	sdelay $0x1  }
0x99: {  	s4 =	simm.s32 $_scs_section_size  }
0x9a: {  	s5 =	simm.s32 $_size__tile_overlayer_lowered;
	s6 =	simm.s32 $_tile_overlayer_lowered  }
0x9b: {  	s22 =	simm.s32 $0x1BFF;
	s21 =	sshll.u32 s6, $0x1;
	s3 =	sadd.s32 s4, s19  }
0x9c: {  	s7 =	simm.s32 $0x0;
	s20 =	sshll.u32 s5, $0x1;
	s5 =	sadd.s32 s21, s3  }
0x9d: {  	[timem:s7], [sflag:s22] =	dma.local [hbm:s5], s20  }
0x9e: {  	_ =	swait.ge [sflag:s22], s20  }
0x9f: {  	s4 =	ssub.s32 $0x0, s20;
	[sflag:s22] =	ssyncset.done $0x0  }
0xa0: {  	[sflag:s22] =	ssyncadd.s32 s4;
	_ =	sdelay $0x1  }
0xa1: {  	s23 =	simm.s32 $0x1B8B  }
0xa2: {  	_ =	swait.ge [sflag:s23], $0x1  }
0xa3: {  	[sflag:s23] =	ssyncset.done $0x0  }
0xa4: {  	s25 =	simm.s32 $0x1B8E;
	s24 =	sld [smem:$0x3FFE];
	[sflag:s23] =	ssyncadd.s32 $0xFFFFFFFF  }
0xa5: {  	s26 =	simm.s32 $execute0_lowered;
	[smem:$0x3FD2] =	sst s25  }
0xa6: {  	s5 =	sshll.u32 s26, $0x1;
	_ =	strace $0x80000046;
	[dreg:$0x1] =	wrdreg $0xFFFFFFFF  }
0xa7: {  	s28 =	simm.s32 $_size_execute0_lowered;
	s3 =	sadd.s32 s3, s5;
	[dreg:$0x0] =	wrdreg $0x0  }
0xa8: {  	s5 =	sshll.u32 s28, $0x1;
	[dreg:$0x2] =	wrdreg s3  }
0xa9: {  	[dreg:$0x3] =	wrdreg s5  }
0xaa: {  	[dreg:$0x4] =	wrdreg $0xC0  }
0xab: {  	_ =	task [dreg:s7], $0x5FFFF  }
0xac: {  	[dreg:$0x1] =	wrdreg $0xFFFFFFFF  }
0xad: {  	[dreg:$0x0] =	wrdreg $0x60  }
0xae: {  	[dreg:$0x2] =	wrdreg s2  }
0xaf: {  	[dreg:$0x3] =	wrdreg s24  }
0xb0: {  	[dreg:$0x4] =	wrdreg $0x9  }
0xb1: {  	_ =	task.clear_ibuf [dreg:s7], $0x5FFFF;
	_ =	strace $0x90000046  }
0xb2: {  	s29 =	simm.s32 $0x9;
	_ =	strace $0x80000048  }
0xb3: {  	_ =	swait.ge [sflag:s29], $0x1  }
0xb4: {  	[sflag:s29] =	ssyncadd.s32 $0xFFFFFFFF  }
0xb5: {  	_ =	strace $0x90000048  }
0xb6: {  	_ =	sfence  }
0xb7: {  	s30 =	sld [smem:$0x0];
	_ =	sdelay $0x2  }
0xb8: {  	s31 =	sshll.u32 s1, $0xD;
	s1 =	sshrl.u32 s1, $0x2  }
0xb9: {  	s3 =	sand.u32 $0x4000, s31;
	s1 =	sadd.s32 s1, s30  }
0xba: {  	s0 =	sor.u32 s3, s0;
	s1 =	sshll.u32 s1, $0x11  }
0xbb: {  	s0 =	sor.u32 s1, s0  }
0xbc: {  	s0 =	sadd.s32 $0x8F2B, s0  }
0xbd: {  	[sflag:s0] =	ssyncadd.remote.s32 $0x1  }
0xbe: {  	_ =	sfence.sel $0xFFFF  }
0xbf: {  	[dreg:$0x0] =	wrdreg $0xFFFFFFFF;
	(pc) =	sbr.abs _section_cstart, $3  }
0xc0: {  	[dreg:$0x1] =	wrdreg $0xFFFFFFFF  }
0xc1: {  	_ =	task.clear_ibuf [dreg:s7], $0x2FFFF;
	_ =	strace $0x9FFFFFFF  }
0xc2: {  	(tm) =	ssettm $0x7FFFFFFF  }
0xc3: {  	_ =	shalt  }
tec
execute0_lowered:
.L_overlay_start_1:
0x0: {  	(tag) =	ssettag $0x1  }
0x1: {  	s0 =	rddreg [dreg:$0x0]  }
0x2: {  	s1 =	rddreg [dreg:$0x1]  }
0x3: {  	s3 =	srdreg.scid;
	s5 =	stileid.u32  }
0x4: {  	s2 =	simm.s32 $0x0;
	s11 =	simm.s32 $0x3;
	s12 =	simm.s32 $0x20  }
0x5: {  	s13 =	simm.s32 $0x80;
	s14 =	simm.s32 $0x3420;
	s15 =	simm.s32 $0x6820  }
0x6: {  	s17 =	simm.s32 $0x7820;
	s28 =	simm.s32 $0xC820;
	s30 =	simm.s32 $0xD820  }
0x7: {  	s31 =	simm.s32 $0x1;
	s18 =	simm.s32 $0xF820;
	s29 =	simm.s32 $0x14820  }
0x8: {  	v0 =	vimm.s32 $0x183;
	vm0 =	vcmask $0x300;
	s16 =	simm.s32 $0x2;
	s4 =	sand.u32 $0x1, s3;
	s19 =	sshll.u32 s5, $0x1  }
0x9: {  	vm14 =	vcmask $0x704;
	[smem:$0x7FF] =	sst s2;
	s7 =	sadd.s32 $0x9F0600, s1;
	s20 =	smul.u32 $0x6800, s5;
	v0 =	vsel vm0, $0x0, v0  }
0xa: {  	vm15 =	vcmask $0xB08;
	s6 =	sor.u32 s4, s19;
	s8 =	ssub.s32 $0x2, s4;
	s4 =	smul.u32 $0x3400, s4;
	v0 =	vsel vm14, $0x80, v0  }
0xb: {  	vm4 =	vcmask $0xF0C;
	s5 =	sadd.s32 $0x600, s1;
	s1 =	sadd.s32 $0x9F0800, s1;
	s3 =	smul.u32 $0x3400, s6;
	v0 =	vsel vm15, $0x100, v0  }
0xc: {  	vm5 =	vcmask $0x1310;
	_ =	strace $0x80000047;
	[dreg:$0x5] =	wrdreg s7;
	s10 =	smul.u32 $0x68000, s6;
	v0 =	vsel vm4, $0x180, v0  }
0xd: {  	vm6 =	vcmask $0x1714;
	s19 =	simm.s32 $0x8820;
	s9 =	sshrl.u32 s8, $0x1;
	s6 =	smul.u32 $0xD000, s6;
	v0 =	vsel vm5, $0x1, v0  }
0xe: {  	vm7 =	vcmask $0x1B18;
	s8 =	ssub.s32 s8, s9;
	s4 =	sadd.s32 s4, s20;
	s20 =	simm.s32 $0x13820;
	v0 =	vsel vm6, $0x81, v0  }
0xf: {  	vm8 =	vcmask $0x1F1C;
	s21 =	sshrl.u32 s3, $0x3;
	s22 =	sshrl.u32 s10, $0x3;
	s4 =	sshll.u32 s4, $0x2;
	v0 =	vsel vm7, $0x101, v0  }
0x10: {  	vm9 =	vcmask $0x2320;
	s10 =	smax.u32 s8, $0x1;
	s0 =	sadd.s32 s0, s21;
	s23 =	sadd.s32 s1, s22;
	v0 =	vsel vm8, $0x181, v0  }
0x11: {  	vm10 =	vcmask $0x2724;
	s4 =	sadd.s32 s1, s4;
	s1 =	sadd.s32 s1, s6;
	[dreg:$0x6] =	wrdreg s0;
	v0 =	vsel vm9, $0x2, v0  }
0x12: {  	vm11 =	vcmask $0x2B28;
	s21 =	simm.s32 $0x9820;
	[dreg:$0x7] =	wrdreg s1;
	s24 =	sadd.s32 $0x1000, s23;
	v0 =	vsel vm10, $0x82, v0  }
0x13: {  	vm12 =	vcmask $0x2F2C;
	s22 =	simm.s32 $0x10820;
	s0 =	sadd.s32 $0xC000, s23;
	[dreg:$0x8] =	wrdreg s24;
	v0 =	vsel vm11, $0x102, v0  }
0x14: {  	vm13 =	vcmask $0x3330;
	s25 =	sadd.s32 $0x3000, s4;
	s26 =	sadd.s32 $0x2000, s4;
	[dreg:$0x9] =	wrdreg s0;
	v0 =	vsel vm12, $0x182, v0  }
0x15: {  	vm14 =	vcmask $0x3734;
	s23 =	simm.s32 $0xA820;
	s1 =	simm.s32 $0xE820;
	[dreg:$0x3] =	wrdreg s25;
	v0 =	vsel vm13, $0x3, v0  }
0x16: {  	vm15 =	vcmask $0x3B38;
	s4 =	simm.s32 $0x0;
	[dreg:$0x4] =	wrdreg s26;
	s25 =	simm.s32 $0xB820;
	v0 =	vsel vm14, $0x83, v0  }
0x17: {  	s26 =	simm.s32 $0x11820;
	s0 =	simm.s32 $0x12820;
	s24 =	simm.s32 $0x15820;
	v0 =	vsel vm15, $0x103, v0  }
.LBB2_1:
0x18: {  	s6 =	sand.u32 $0x3E00, s2;
	s7 =	sand.u32 $0x7C, s2  }
0x19: {  	s8 =	rddreg [dreg:$0x5];
	s6 =	sor.u32 s7, s6  }
0x1a: {  	[tilespmem:s2], [sflag:$0x3] =	stream.linear.gather [hbm4b:s8+s2], $0x20, $0x38;
	[tilespmem:$0x16820] =	vst v63  }
0x1b: {  	s7 =	sadd.s32 s3, s6  }
0x1c: {  	_ =	swait.ge [sflag:s11], $0x20;
	v1 =	vmov s7  }
0x1d: {  	[sflag:s11] =	ssyncset.done $0x0;
	v1 =	vshrl.u32 v1, $0xE  }
0x1e: {  	v2 =	vor.u32 s6, v0;
	s8 =	rddreg [dreg:$0x6];
	[sflag:s11] =	ssyncadd.s32 $0xFFFFFFE0;
	v1 =	vbroadcast v1, $0x0  }
0x1f: {  	[tilespmem:s12], [sflag:$0x3] =	stream.linear.gather [hbm4b:s8+s2], $0x3400, $0x38;
	[tilespmem:$0x16820] =	vst v63  }
0x20: {  	_ =	swait.ge [sflag:s11], $0x3400  }
0x21: {  	[sflag:s11] =	ssyncset.done $0x0  }
0x22: {  	[sflag:s11] =	ssyncadd.s32 $0xFFFFCC00  }
0x23: {  	s9 =	simm.s32 $0x4;
	s8 =	simm.s32 $0x10;
	v2 =	vld.idx.msk [tilespmem:v2+s12+$0x0], $0xffff  }
0x24: {  	s6 =	sand.u32 $0x7C, s9;
	s7 =	sand.u32 $0x3E00, s8;
	v1 =	vld.idx.msk [tilespmem:v1+s2+$0x0], $0xffff  }
0x25: {  	s6 =	sor.u32 s6, s7  }
0x26: {  	s7 =	sadd.s32 s3, s6  }
0x27: {  	v3 =	vmov s7  }
0x28: {  	v3 =	vshrl.u32 v3, $0xE  }
0x29: {  	v3 =	vbroadcast v3, $0x0;
	v1 =	vadd.s32 v2, v1  }
0x2a: {  	v2 =	vor.u32 s6, v0;
	v4 =	vshll.u32 v1, $0x2  }
0x2b: {  	v5 =	vand.u32 $0xFFFFFE00, v1;
	v1 =	vshrl.u32 v1, $0x7;
	v4 =	vand.u32 $0x1FC, v4  }
0x2c: {  	v1 =	vand.u32 $0x3, v1;
	v4 =	vor.u32 v5, v4  }
0x2d: {  	v1 =	vor.u32 v1, v4  }
0x2e: {  	[tilespmem:s14+$0x0] =	vst v1  }
0x2f: {  	s9 =	simm.s32 $0x8;
	s7 =	simm.s32 $0x20;
	v1 =	vld.idx.msk [tilespmem:v3+s2+$0x0], $0xffff  }
0x30: {  	s6 =	sand.u32 $0x7C, s9;
	s14 =	sand.u32 $0x3E00, s7;
	v2 =	vld.idx.msk [tilespmem:v2+s12+$0x0], $0xffff  }
0x31: {  	s8 =	simm.s32 $0xC;
	s9 =	sor.u32 s6, s14;
	s6 =	simm.s32 $0x3420  }
.LBB2_2:
0x32: {  	p0 =	sne.s32 s8, $0xCFC;
	s14 =	sadd.s32 s3, s9  }
0x33: {  	v3 =	vmov s14  }
0x34: {  	v3 =	vshrl.u32 v3, $0xE  }
0x35: {  	v1 =	vadd.s32 v2, v1;
	v3 =	vbroadcast v3, $0x0  }
0x36: {  	v2 =	vor.u32 s9, v0;
	v4 =	vshll.u32 v1, $0x2  }
0x37: {  	v5 =	vand.u32 $0xFFFFFE00, v1;
	v1 =	vshrl.u32 v1, $0x7;
	v4 =	vand.u32 $0x1FC, v4  }
0x38: {  	v1 =	vand.u32 $0x3, v1;
	v4 =	vor.u32 v5, v4  }
0x39: {  	s6 =	sadd.s32 $0x10, s6;
	v1 =	vor.u32 v1, v4  }
.Ltmp0:
0x3a: {  	[tilespmem:s6+$0x0] =	vst v1;
	(pc) =	sbr.rel @p0 .LBB2_2-.Ltmp0, $4  }
0x3b: {  	v1 =	vld.idx.msk [tilespmem:v3+s2+$0x0], $0xffff  }
0x3c: {  	s7 =	sadd.s32 $0x10, s7;
	v2 =	vld.idx.msk [tilespmem:v2+s12+$0x0], $0xffff  }
0x3d: {  	s14 =	sand.u32 $0x7C, s8;
	s9 =	sand.u32 $0x3E00, s7  }
0x3e: {  	s8 =	sadd.s32 $0x4, s8;
	s9 =	sor.u32 s14, s9  }
0x3f: {  	s7 =	sadd.s32 s3, s9  }
0x40: {  	v3 =	vmov s7  }
0x41: {  	v3 =	vshrl.u32 v3, $0xE;
	v1 =	vadd.s32 v2, v1  }
0x42: {  	v2 =	vor.u32 s9, v0;
	v3 =	vbroadcast v3, $0x0;
	v4 =	vshll.u32 v1, $0x2  }
0x43: {  	v5 =	vand.u32 $0xFFFFFE00, v1;
	v1 =	vshrl.u32 v1, $0x7;
	v4 =	vand.u32 $0x1FC, v4  }
0x44: {  	v1 =	vand.u32 $0x3, v1;
	v4 =	vor.u32 v5, v4  }
0x45: {  	s6 =	sadd.s32 $0x10, s6;
	v1 =	vor.u32 v1, v4  }
0x46: {  	[tilespmem:s6+$0x0] =	vst v1  }
0x47: {  	v2 =	vld.idx.msk [tilespmem:v2+s12+$0x0], $0xffff  }
0x48: {  	v1 =	vld.idx.msk [tilespmem:v3+s2+$0x0], $0xffff;
	_ =	sdelay $0x4  }
0x49: {  	v1 =	vadd.s32 v2, v1  }
0x4a: {  	v2 =	vshll.u32 v1, $0x2  }
0x4b: {  	v3 =	vand.u32 $0xFFFFFE00, v1;
	v1 =	vshrl.u32 v1, $0x7;
	v2 =	vand.u32 $0x1FC, v2  }
0x4c: {  	v1 =	vand.u32 $0x3, v1;
	v2 =	vor.u32 v3, v2  }
0x4d: {  	s6 =	sadd.s32 $0x10, s6;
	v1 =	vor.u32 v1, v2  }
0x4e: {  	s14 =	simm.s32 $0x3420;
	[tilespmem:s6+$0x0] =	vst v1  }
0x4f: {  	[tilespmem:s15], [sflag:$0x1] =	stream.indirect.gather [hbm4b:s5+s13], $0x20, s14, s13, $0xb8;
	[tilespmem:$0x16820] =	vst v63  }
0x50: {  	s7 =	simm.s32 $0x34A0  }
0x51: {  	[tilespmem:s17], [sflag:$0x1] =	stream.indirect.gather [hbm4b:s5+s13], $0x20, s7, s13, $0xb8;
	[tilespmem:$0x16820] =	vst v63  }
0x52: {  	s8 =	simm.s32 $0x3520  }
0x53: {  	[tilespmem:s19], [sflag:$0x1] =	stream.indirect.gather [hbm4b:s5+s13], $0x20, s8, s13, $0xb8;
	[tilespmem:$0x16820] =	vst v63  }
0x54: {  	s9 =	simm.s32 $0x35A0  }
0x55: {  	[tilespmem:s21], [sflag:$0x1] =	stream.indirect.gather [hbm4b:s5+s13], $0x20, s9, s13, $0xb8;
	[tilespmem:$0x16820] =	vst v63  }
0x56: {  	s7 =	simm.s32 $0x3620  }
0x57: {  	[tilespmem:s23], [sflag:$0x1] =	stream.indirect.gather [hbm4b:s5+s13], $0x20, s7, s13, $0xb8;
	[tilespmem:$0x16820] =	vst v63  }
0x58: {  	s8 =	simm.s32 $0x36A0  }
0x59: {  	[tilespmem:s25], [sflag:$0x1] =	stream.indirect.gather [hbm4b:s5+s13], $0x20, s8, s13, $0xb8;
	[tilespmem:$0x16820] =	vst v63  }
0x5a: {  	s9 =	simm.s32 $0x3720  }
0x5b: {  	[tilespmem:s28], [sflag:$0x1] =	stream.indirect.gather [hbm4b:s5+s13], $0x20, s9, s13, $0xb8;
	[tilespmem:$0x16820] =	vst v63  }
0x5c: {  	s7 =	simm.s32 $0x37A0  }
0x5d: {  	[tilespmem:s30], [sflag:$0x1] =	stream.indirect.gather [hbm4b:s5+s13], $0x20, s7, s13, $0xb8;
	[tilespmem:$0x16820] =	vst v63  }
0x5e: {  	_ =	swait.ge [sflag:s31], $0x1000  }
0x5f: {  	[sflag:s31] =	ssyncset.done $0x0  }
0x60: {  	[sflag:s31] =	ssyncadd.s32 $0xFFFFF000  }
0x61: {  	_ =	swait.ge [sflag:s31], $0x1000  }
0x62: {  	[sflag:s31] =	ssyncset.done $0x0  }
0x63: {  	[sflag:s31] =	ssyncadd.s32 $0xFFFFF000  }
0x64: {  	_ =	swait.ge [sflag:s31], $0x1000  }
0x65: {  	[sflag:s31] =	ssyncset.done $0x0  }
0x66: {  	[sflag:s31] =	ssyncadd.s32 $0xFFFFF000  }
0x67: {  	_ =	swait.ge [sflag:s31], $0x1000  }
0x68: {  	[sflag:s31] =	ssyncset.done $0x0  }
0x69: {  	[sflag:s31] =	ssyncadd.s32 $0xFFFFF000  }
0x6a: {  	_ =	swait.ge [sflag:s31], $0x1000  }
0x6b: {  	[sflag:s31] =	ssyncset.done $0x0  }
0x6c: {  	[sflag:s31] =	ssyncadd.s32 $0xFFFFF000  }
0x6d: {  	_ =	swait.ge [sflag:s31], $0x1000  }
0x6e: {  	[sflag:s31] =	ssyncset.done $0x0  }
0x6f: {  	[sflag:s31] =	ssyncadd.s32 $0xFFFFF000  }
0x70: {  	_ =	swait.ge [sflag:s31], $0x1000  }
0x71: {  	[sflag:s31] =	ssyncset.done $0x0  }
0x72: {  	[sflag:s31] =	ssyncadd.s32 $0xFFFFF000  }
0x73: {  	_ =	swait.ge [sflag:s31], $0x1000  }
0x74: {  	[sflag:s31] =	ssyncset.done $0x0  }
0x75: {  	s6 =	simm.s32 $0x0;
	s8 =	rddreg [dreg:$0x7];
	[sflag:s31] =	ssyncadd.s32 $0xFFFFF000  }
0x76: {  	[hbm4b:s8+s6] =	stream.linear.scatter [tilespmem:s15], [sflag:$0x2], $0x8000, $0x38;
	[tilespmem:$0x16820] =	vst v63  }
0x77: {  	s9 =	simm.s32 $0x3820  }
0x78: {  	[tilespmem:s1], [sflag:$0x1] =	stream.indirect.gather [hbm4b:s5+s13], $0x20, s9, s13, $0xb8;
	[tilespmem:$0x16820] =	vst v63  }
0x79: {  	s8 =	simm.s32 $0x38A0  }
0x7a: {  	[tilespmem:s18], [sflag:$0x1] =	stream.indirect.gather [hbm4b:s5+s13], $0x20, s8, s13, $0xb8;
	[tilespmem:$0x16820] =	vst v63  }
0x7b: {  	s9 =	simm.s32 $0x3920  }
0x7c: {  	[tilespmem:s22], [sflag:$0x1] =	stream.indirect.gather [hbm4b:s5+s13], $0x20, s9, s13, $0xb8;
	[tilespmem:$0x16820] =	vst v63  }
0x7d: {  	s8 =	simm.s32 $0x39A0  }
0x7e: {  	[tilespmem:s26], [sflag:$0x1] =	stream.indirect.gather [hbm4b:s5+s13], $0x20, s8, s13, $0xb8;
	[tilespmem:$0x16820] =	vst v63  }
0x7f: {  	s9 =	simm.s32 $0x3A20  }
0x80: {  	[tilespmem:s0], [sflag:$0x1] =	stream.indirect.gather [hbm4b:s5+s13], $0x20, s9, s13, $0xb8;
	[tilespmem:$0x16820] =	vst v63  }
0x81: {  	s8 =	simm.s32 $0x3AA0  }
0x82: {  	[tilespmem:s20], [sflag:$0x1] =	stream.indirect.gather [hbm4b:s5+s13], $0x20, s8, s13, $0xb8;
	[tilespmem:$0x16820] =	vst v63  }
0x83: {  	s9 =	simm.s32 $0x3B20  }
0x84: {  	[tilespmem:s29], [sflag:$0x1] =	stream.indirect.gather [hbm4b:s5+s13], $0x20, s9, s13, $0xb8;
	[tilespmem:$0x16820] =	vst v63  }
0x85: {  	s8 =	simm.s32 $0x3BA0  }
0x86: {  	[tilespmem:s24], [sflag:$0x1] =	stream.indirect.gather [hbm4b:s5+s13], $0x20, s8, s13, $0xb8;
	[tilespmem:$0x16820] =	vst v63  }
0x87: {  	_ =	swait.ge [sflag:s31], $0x1000  }
0x88: {  	[sflag:s31] =	ssyncset.done $0x0  }
0x89: {  	[sflag:s31] =	ssyncadd.s32 $0xFFFFF000  }
0x8a: {  	_ =	swait.ge [sflag:s31], $0x1000  }
0x8b: {  	[sflag:s31] =	ssyncset.done $0x0  }
0x8c: {  	[sflag:s31] =	ssyncadd.s32 $0xFFFFF000  }
0x8d: {  	_ =	swait.ge [sflag:s31], $0x1000  }
0x8e: {  	[sflag:s31] =	ssyncset.done $0x0  }
0x8f: {  	[sflag:s31] =	ssyncadd.s32 $0xFFFFF000  }
0x90: {  	_ =	swait.ge [sflag:s31], $0x1000  }
0x91: {  	[sflag:s31] =	ssyncset.done $0x0  }
0x92: {  	[sflag:s31] =	ssyncadd.s32 $0xFFFFF000  }
0x93: {  	_ =	swait.ge [sflag:s31], $0x1000  }
0x94: {  	[sflag:s31] =	ssyncset.done $0x0  }
0x95: {  	[sflag:s31] =	ssyncadd.s32 $0xFFFFF000  }
0x96: {  	_ =	swait.ge [sflag:s31], $0x1000  }
0x97: {  	[sflag:s31] =	ssyncset.done $0x0  }
0x98: {  	[sflag:s31] =	ssyncadd.s32 $0xFFFFF000  }
0x99: {  	_ =	swait.ge [sflag:s31], $0x1000  }
0x9a: {  	[sflag:s31] =	ssyncset.done $0x0  }
0x9b: {  	[sflag:s31] =	ssyncadd.s32 $0xFFFFF000  }
0x9c: {  	_ =	swait.ge [sflag:s31], $0x1000  }
0x9d: {  	[sflag:s31] =	ssyncset.done $0x0  }
0x9e: {  	s9 =	rddreg [dreg:$0x8];
	[sflag:s31] =	ssyncadd.s32 $0xFFFFF000  }
0x9f: {  	[hbm4b:s9+s6] =	stream.linear.scatter [tilespmem:s1], [sflag:$0x2], $0x8000, $0x38;
	[tilespmem:$0x16820] =	vst v63  }
0xa0: {  	_ =	swait.ge [sflag:s16], $0x8000  }
0xa1: {  	[sflag:s16] =	ssyncset.done $0x0  }
0xa2: {  	s7 =	simm.s32 $0x3C20;
	[sflag:s16] =	ssyncadd.s32 $0xFFFF8000  }
0xa3: {  	[tilespmem:s15], [sflag:$0x1] =	stream.indirect.gather [hbm4b:s5+s13], $0x20, s7, s13, $0xb8;
	[tilespmem:$0x16820] =	vst v63  }
0xa4: {  	s8 =	simm.s32 $0x3CA0  }
0xa5: {  	[tilespmem:s17], [sflag:$0x1] =	stream.indirect.gather [hbm4b:s5+s13], $0x20, s8, s13, $0xb8;
	[tilespmem:$0x16820] =	vst v63  }
0xa6: {  	s9 =	simm.s32 $0x3D20  }
0xa7: {  	[tilespmem:s19], [sflag:$0x1] =	stream.indirect.gather [hbm4b:s5+s13], $0x20, s9, s13, $0xb8;
	[tilespmem:$0x16820] =	vst v63  }
0xa8: {  	s7 =	simm.s32 $0x3DA0  }
0xa9: {  	[tilespmem:s21], [sflag:$0x1] =	stream.indirect.gather [hbm4b:s5+s13], $0x20, s7, s13, $0xb8;
	[tilespmem:$0x16820] =	vst v63  }
0xaa: {  	s8 =	simm.s32 $0x3E20  }
0xab: {  	[tilespmem:s23], [sflag:$0x1] =	stream.indirect.gather [hbm4b:s5+s13], $0x20, s8, s13, $0xb8;
	[tilespmem:$0x16820] =	vst v63  }
0xac: {  	s9 =	simm.s32 $0x3EA0  }
0xad: {  	[tilespmem:s25], [sflag:$0x1] =	stream.indirect.gather [hbm4b:s5+s13], $0x20, s9, s13, $0xb8;
	[tilespmem:$0x16820] =	vst v63  }
0xae: {  	s7 =	simm.s32 $0x3F20  }
0xaf: {  	[tilespmem:s28], [sflag:$0x1] =	stream.indirect.gather [hbm4b:s5+s13], $0x20, s7, s13, $0xb8;
	[tilespmem:$0x16820] =	vst v63  }
0xb0: {  	s8 =	simm.s32 $0x3FA0  }
0xb1: {  	[tilespmem:s30], [sflag:$0x1] =	stream.indirect.gather [hbm4b:s5+s13], $0x20, s8, s13, $0xb8;
	[tilespmem:$0x16820] =	vst v63  }
0xb2: {  	_ =	swait.ge [sflag:s31], $0x1000  }
0xb3: {  	[sflag:s31] =	ssyncset.done $0x0  }
0xb4: {  	[sflag:s31] =	ssyncadd.s32 $0xFFFFF000  }
0xb5: {  	_ =	swait.ge [sflag:s31], $0x1000  }
0xb6: {  	[sflag:s31] =	ssyncset.done $0x0  }
0xb7: {  	[sflag:s31] =	ssyncadd.s32 $0xFFFFF000  }
0xb8: {  	_ =	swait.ge [sflag:s31], $0x1000  }
0xb9: {  	[sflag:s31] =	ssyncset.done $0x0  }
0xba: {  	[sflag:s31] =	ssyncadd.s32 $0xFFFFF000  }
0xbb: {  	_ =	swait.ge [sflag:s31], $0x1000  }
0xbc: {  	[sflag:s31] =	ssyncset.done $0x0  }
0xbd: {  	[sflag:s31] =	ssyncadd.s32 $0xFFFFF000  }
0xbe: {  	_ =	swait.ge [sflag:s31], $0x1000  }
0xbf: {  	[sflag:s31] =	ssyncset.done $0x0  }
0xc0: {  	[sflag:s31] =	ssyncadd.s32 $0xFFFFF000  }
0xc1: {  	_ =	swait.ge [sflag:s31], $0x1000  }
0xc2: {  	[sflag:s31] =	ssyncset.done $0x0  }
0xc3: {  	[sflag:s31] =	ssyncadd.s32 $0xFFFFF000  }
0xc4: {  	_ =	swait.ge [sflag:s31], $0x1000  }
0xc5: {  	[sflag:s31] =	ssyncset.done $0x0  }
0xc6: {  	[sflag:s31] =	ssyncadd.s32 $0xFFFFF000  }
0xc7: {  	_ =	swait.ge [sflag:s31], $0x1000  }
0xc8: {  	s9 =	rddreg [dreg:$0x4];
	[sflag:s31] =	ssyncset.done $0x0  }
0xc9: {  	[sflag:s31] =	ssyncadd.s32 $0xFFFFF000;
	s6 =	sadd.s32 $0x0, s9  }
0xca: {  	[hbm4b:s6+s2] =	stream.linear.scatter [tilespmem:s15], [sflag:$0x2], $0x8000, $0x38;
	[tilespmem:$0x16820] =	vst v63  }
0xcb: {  	_ =	swait.ge [sflag:s16], $0x8000  }
0xcc: {  	[sflag:s16] =	ssyncset.done $0x0  }
0xcd: {  	s7 =	simm.s32 $0x4020;
	[sflag:s16] =	ssyncadd.s32 $0xFFFF8000  }
0xce: {  	[tilespmem:s1], [sflag:$0x1] =	stream.indirect.gather [hbm4b:s5+s13], $0x20, s7, s13, $0xb8;
	[tilespmem:$0x16820] =	vst v63  }
0xcf: {  	s8 =	simm.s32 $0x40A0  }
0xd0: {  	[tilespmem:s18], [sflag:$0x1] =	stream.indirect.gather [hbm4b:s5+s13], $0x20, s8, s13, $0xb8;
	[tilespmem:$0x16820] =	vst v63  }
0xd1: {  	s9 =	simm.s32 $0x4120  }
0xd2: {  	[tilespmem:s22], [sflag:$0x1] =	stream.indirect.gather [hbm4b:s5+s13], $0x20, s9, s13, $0xb8;
	[tilespmem:$0x16820] =	vst v63  }
0xd3: {  	s7 =	simm.s32 $0x41A0  }
0xd4: {  	[tilespmem:s26], [sflag:$0x1] =	stream.indirect.gather [hbm4b:s5+s13], $0x20, s7, s13, $0xb8;
	[tilespmem:$0x16820] =	vst v63  }
0xd5: {  	s8 =	simm.s32 $0x4220  }
0xd6: {  	[tilespmem:s0], [sflag:$0x1] =	stream.indirect.gather [hbm4b:s5+s13], $0x20, s8, s13, $0xb8;
	[tilespmem:$0x16820] =	vst v63  }
0xd7: {  	s9 =	simm.s32 $0x42A0  }
0xd8: {  	[tilespmem:s20], [sflag:$0x1] =	stream.indirect.gather [hbm4b:s5+s13], $0x20, s9, s13, $0xb8;
	[tilespmem:$0x16820] =	vst v63  }
0xd9: {  	s7 =	simm.s32 $0x4320  }
0xda: {  	[tilespmem:s29], [sflag:$0x1] =	stream.indirect.gather [hbm4b:s5+s13], $0x20, s7, s13, $0xb8;
	[tilespmem:$0x16820] =	vst v63  }
0xdb: {  	s8 =	simm.s32 $0x43A0  }
0xdc: {  	[tilespmem:s24], [sflag:$0x1] =	stream.indirect.gather [hbm4b:s5+s13], $0x20, s8, s13, $0xb8;
	[tilespmem:$0x16820] =	vst v63  }
0xdd: {  	_ =	swait.ge [sflag:s31], $0x1000  }
0xde: {  	[sflag:s31] =	ssyncset.done $0x0  }
0xdf: {  	[sflag:s31] =	ssyncadd.s32 $0xFFFFF000  }
0xe0: {  	_ =	swait.ge [sflag:s31], $0x1000  }
0xe1: {  	[sflag:s31] =	ssyncset.done $0x0  }
0xe2: {  	[sflag:s31] =	ssyncadd.s32 $0xFFFFF000  }
0xe3: {  	_ =	swait.ge [sflag:s31], $0x1000  }
0xe4: {  	[sflag:s31] =	ssyncset.done $0x0  }
0xe5: {  	[sflag:s31] =	ssyncadd.s32 $0xFFFFF000  }
0xe6: {  	_ =	swait.ge [sflag:s31], $0x1000  }
0xe7: {  	[sflag:s31] =	ssyncset.done $0x0  }
0xe8: {  	[sflag:s31] =	ssyncadd.s32 $0xFFFFF000  }
0xe9: {  	_ =	swait.ge [sflag:s31], $0x1000  }
0xea: {  	[sflag:s31] =	ssyncset.done $0x0  }
0xeb: {  	[sflag:s31] =	ssyncadd.s32 $0xFFFFF000  }
0xec: {  	_ =	swait.ge [sflag:s31], $0x1000  }
0xed: {  	[sflag:s31] =	ssyncset.done $0x0  }
0xee: {  	[sflag:s31] =	ssyncadd.s32 $0xFFFFF000  }
0xef: {  	_ =	swait.ge [sflag:s31], $0x1000  }
0xf0: {  	[sflag:s31] =	ssyncset.done $0x0  }
0xf1: {  	[sflag:s31] =	ssyncadd.s32 $0xFFFFF000  }
0xf2: {  	_ =	swait.ge [sflag:s31], $0x1000  }
0xf3: {  	s9 =	rddreg [dreg:$0x3];
	[sflag:s31] =	ssyncset.done $0x0  }
0xf4: {  	s6 =	simm.s32 $0x2000;
	[sflag:s31] =	ssyncadd.s32 $0xFFFFF000;
	s7 =	sadd.s32 $0x0, s9  }
.LBB2_4:
0xf5: {  	[hbm4b:s7+s2] =	stream.linear.scatter [tilespmem:s1], [sflag:$0x2], $0x8000, $0x38;
	[tilespmem:$0x16820] =	vst v63  }
0xf6: {  	s7 =	smov.u32 s6;
	_ =	swait.ge [sflag:s16], $0x8000  }
0xf7: {  	s8 =	sshra.s32 s7, $0x2;
	[sflag:s16] =	ssyncset.done $0x0  }
0xf8: {  	s9 =	sadd.s32 $0x3C20, s8;
	[sflag:s16] =	ssyncadd.s32 $0xFFFF8000  }
0xf9: {  	[tilespmem:s15], [sflag:$0x1] =	stream.indirect.gather [hbm4b:s5+s13], $0x20, s9, s13, $0xb8;
	[tilespmem:$0x16820] =	vst v63  }
0xfa: {  	s9 =	sadd.s32 $0x3CA0, s8  }
0xfb: {  	[tilespmem:s17], [sflag:$0x1] =	stream.indirect.gather [hbm4b:s5+s13], $0x20, s9, s13, $0xb8;
	[tilespmem:$0x16820] =	vst v63  }
0xfc: {  	s9 =	sadd.s32 $0x3D20, s8  }
0xfd: {  	[tilespmem:s19], [sflag:$0x1] =	stream.indirect.gather [hbm4b:s5+s13], $0x20, s9, s13, $0xb8;
	[tilespmem:$0x16820] =	vst v63  }
0xfe: {  	s9 =	sadd.s32 $0x3DA0, s8  }
0xff: {  	[tilespmem:s21], [sflag:$0x1] =	stream.indirect.gather [hbm4b:s5+s13], $0x20, s9, s13, $0xb8;
	[tilespmem:$0x16820] =	vst v63  }
0x100: {  	s9 =	sadd.s32 $0x3E20, s8  }
0x101: {  	[tilespmem:s23], [sflag:$0x1] =	stream.indirect.gather [hbm4b:s5+s13], $0x20, s9, s13, $0xb8;
	[tilespmem:$0x16820] =	vst v63  }
0x102: {  	s9 =	sadd.s32 $0x3EA0, s8  }
0x103: {  	[tilespmem:s25], [sflag:$0x1] =	stream.indirect.gather [hbm4b:s5+s13], $0x20, s9, s13, $0xb8;
	[tilespmem:$0x16820] =	vst v63  }
0x104: {  	s9 =	sadd.s32 $0x3F20, s8  }
0x105: {  	[tilespmem:s28], [sflag:$0x1] =	stream.indirect.gather [hbm4b:s5+s13], $0x20, s9, s13, $0xb8;
	[tilespmem:$0x16820] =	vst v63  }
0x106: {  	s9 =	sadd.s32 $0x3FA0, s8  }
0x107: {  	[tilespmem:s30], [sflag:$0x1] =	stream.indirect.gather [hbm4b:s5+s13], $0x20, s9, s13, $0xb8;
	[tilespmem:$0x16820] =	vst v63  }
0x108: {  	_ =	swait.ge [sflag:s31], $0x1000  }
0x109: {  	[sflag:s31] =	ssyncset.done $0x0  }
0x10a: {  	[sflag:s31] =	ssyncadd.s32 $0xFFFFF000  }
0x10b: {  	_ =	swait.ge [sflag:s31], $0x1000  }
0x10c: {  	[sflag:s31] =	ssyncset.done $0x0  }
0x10d: {  	[sflag:s31] =	ssyncadd.s32 $0xFFFFF000  }
0x10e: {  	_ =	swait.ge [sflag:s31], $0x1000  }
0x10f: {  	[sflag:s31] =	ssyncset.done $0x0  }
0x110: {  	[sflag:s31] =	ssyncadd.s32 $0xFFFFF000  }
0x111: {  	_ =	swait.ge [sflag:s31], $0x1000  }
0x112: {  	[sflag:s31] =	ssyncset.done $0x0  }
0x113: {  	[sflag:s31] =	ssyncadd.s32 $0xFFFFF000  }
0x114: {  	_ =	swait.ge [sflag:s31], $0x1000  }
0x115: {  	[sflag:s31] =	ssyncset.done $0x0  }
0x116: {  	[sflag:s31] =	ssyncadd.s32 $0xFFFFF000  }
0x117: {  	_ =	swait.ge [sflag:s31], $0x1000  }
0x118: {  	[sflag:s31] =	ssyncset.done $0x0  }
0x119: {  	[sflag:s31] =	ssyncadd.s32 $0xFFFFF000  }
0x11a: {  	_ =	swait.ge [sflag:s31], $0x1000  }
0x11b: {  	[sflag:s31] =	ssyncset.done $0x0  }
0x11c: {  	[sflag:s31] =	ssyncadd.s32 $0xFFFFF000  }
0x11d: {  	_ =	swait.ge [sflag:s31], $0x1000  }
0x11e: {  	s9 =	rddreg [dreg:$0x4];
	[sflag:s31] =	ssyncset.done $0x0  }
0x11f: {  	[sflag:s31] =	ssyncadd.s32 $0xFFFFF000;
	s9 =	sadd.s32 s7, s9  }
0x120: {  	[hbm4b:s9+s2] =	stream.linear.scatter [tilespmem:s15], [sflag:$0x2], $0x8000, $0x38;
	[tilespmem:$0x16820] =	vst v63  }
0x121: {  	_ =	swait.ge [sflag:s16], $0x8000  }
0x122: {  	[sflag:s16] =	ssyncset.done $0x0  }
0x123: {  	s9 =	sadd.s32 $0x4020, s8;
	[sflag:s16] =	ssyncadd.s32 $0xFFFF8000  }
0x124: {  	[tilespmem:s1], [sflag:$0x1] =	stream.indirect.gather [hbm4b:s5+s13], $0x20, s9, s13, $0xb8;
	[tilespmem:$0x16820] =	vst v63  }
0x125: {  	s9 =	sadd.s32 $0x40A0, s8  }
0x126: {  	[tilespmem:s18], [sflag:$0x1] =	stream.indirect.gather [hbm4b:s5+s13], $0x20, s9, s13, $0xb8;
	[tilespmem:$0x16820] =	vst v63  }
0x127: {  	s9 =	sadd.s32 $0x4120, s8  }
0x128: {  	[tilespmem:s22], [sflag:$0x1] =	stream.indirect.gather [hbm4b:s5+s13], $0x20, s9, s13, $0xb8;
	[tilespmem:$0x16820] =	vst v63  }
0x129: {  	s9 =	sadd.s32 $0x41A0, s8  }
0x12a: {  	[tilespmem:s26], [sflag:$0x1] =	stream.indirect.gather [hbm4b:s5+s13], $0x20, s9, s13, $0xb8;
	[tilespmem:$0x16820] =	vst v63  }
0x12b: {  	s9 =	sadd.s32 $0x4220, s8  }
0x12c: {  	[tilespmem:s0], [sflag:$0x1] =	stream.indirect.gather [hbm4b:s5+s13], $0x20, s9, s13, $0xb8;
	[tilespmem:$0x16820] =	vst v63  }
0x12d: {  	s9 =	sadd.s32 $0x42A0, s8  }
0x12e: {  	[tilespmem:s20], [sflag:$0x1] =	stream.indirect.gather [hbm4b:s5+s13], $0x20, s9, s13, $0xb8;
	[tilespmem:$0x16820] =	vst v63  }
0x12f: {  	s9 =	sadd.s32 $0x4320, s8  }
0x130: {  	[tilespmem:s29], [sflag:$0x1] =	stream.indirect.gather [hbm4b:s5+s13], $0x20, s9, s13, $0xb8;
	[tilespmem:$0x16820] =	vst v63  }
0x131: {  	s8 =	sadd.s32 $0x43A0, s8  }
0x132: {  	[tilespmem:s24], [sflag:$0x1] =	stream.indirect.gather [hbm4b:s5+s13], $0x20, s8, s13, $0xb8;
	[tilespmem:$0x16820] =	vst v63  }
0x133: {  	_ =	swait.ge [sflag:s31], $0x1000  }
0x134: {  	[sflag:s31] =	ssyncset.done $0x0  }
0x135: {  	[sflag:s31] =	ssyncadd.s32 $0xFFFFF000  }
0x136: {  	_ =	swait.ge [sflag:s31], $0x1000  }
0x137: {  	[sflag:s31] =	ssyncset.done $0x0  }
0x138: {  	[sflag:s31] =	ssyncadd.s32 $0xFFFFF000  }
0x139: {  	_ =	swait.ge [sflag:s31], $0x1000  }
0x13a: {  	[sflag:s31] =	ssyncset.done $0x0  }
0x13b: {  	[sflag:s31] =	ssyncadd.s32 $0xFFFFF000  }
0x13c: {  	_ =	swait.ge [sflag:s31], $0x1000  }
0x13d: {  	[sflag:s31] =	ssyncset.done $0x0  }
0x13e: {  	[sflag:s31] =	ssyncadd.s32 $0xFFFFF000  }
0x13f: {  	_ =	swait.ge [sflag:s31], $0x1000  }
0x140: {  	[sflag:s31] =	ssyncset.done $0x0  }
0x141: {  	[sflag:s31] =	ssyncadd.s32 $0xFFFFF000  }
0x142: {  	_ =	swait.ge [sflag:s31], $0x1000  }
0x143: {  	[sflag:s31] =	ssyncset.done $0x0  }
0x144: {  	[sflag:s31] =	ssyncadd.s32 $0xFFFFF000  }
0x145: {  	p0 =	sne.s32 s6, $0x8000;
	_ =	swait.ge [sflag:s31], $0x1000  }
.Ltmp1:
0x146: {  	[sflag:s31] =	ssyncset.done $0x0;
	(pc) =	sbr.rel @p0 .LBB2_4-.Ltmp1, $4  }
0x147: {  	[sflag:s31] =	ssyncadd.s32 $0xFFFFF000  }
0x148: {  	_ =	swait.ge [sflag:s31], $0x1000  }
0x149: {  	[sflag:s31] =	ssyncset.done $0x0;
	s9 =	rddreg [dreg:$0x3]  }
0x14a: {  	s6 =	sadd.s32 $0x2000, s6;
	[sflag:s31] =	ssyncadd.s32 $0xFFFFF000;
	s7 =	sadd.s32 s7, s9  }
0x14b: {  	[hbm4b:s7+s2] =	stream.linear.scatter [tilespmem:s1], [sflag:$0x2], $0x8000, $0x38;
	[tilespmem:$0x16820] =	vst v63  }
0x14c: {  	_ =	swait.ge [sflag:s16], $0x8000  }
0x14d: {  	[sflag:s16] =	ssyncset.done $0x0  }
0x14e: {  	s6 =	simm.s32 $0x6420;
	[sflag:s16] =	ssyncadd.s32 $0xFFFF8000  }
0x14f: {  	[tilespmem:s15], [sflag:$0x1] =	stream.indirect.gather [hbm4b:s5+s13], $0x20, s6, s13, $0xb8;
	[tilespmem:$0x16820] =	vst v63  }
0x150: {  	s8 =	simm.s32 $0x64A0  }
0x151: {  	[tilespmem:s17], [sflag:$0x1] =	stream.indirect.gather [hbm4b:s5+s13], $0x20, s8, s13, $0xb8;
	[tilespmem:$0x16820] =	vst v63  }
0x152: {  	s9 =	simm.s32 $0x6520  }
0x153: {  	[tilespmem:s19], [sflag:$0x1] =	stream.indirect.gather [hbm4b:s5+s13], $0x20, s9, s13, $0xb8;
	[tilespmem:$0x16820] =	vst v63  }
0x154: {  	s7 =	simm.s32 $0x65A0  }
0x155: {  	[tilespmem:s21], [sflag:$0x1] =	stream.indirect.gather [hbm4b:s5+s13], $0x20, s7, s13, $0xb8;
	[tilespmem:$0x16820] =	vst v63  }
0x156: {  	s8 =	simm.s32 $0x6620  }
0x157: {  	[tilespmem:s23], [sflag:$0x1] =	stream.indirect.gather [hbm4b:s5+s13], $0x20, s8, s13, $0xb8;
	[tilespmem:$0x16820] =	vst v63  }
0x158: {  	s9 =	simm.s32 $0x66A0  }
0x159: {  	[tilespmem:s25], [sflag:$0x1] =	stream.indirect.gather [hbm4b:s5+s13], $0x20, s9, s13, $0xb8;
	[tilespmem:$0x16820] =	vst v63  }
0x15a: {  	s7 =	simm.s32 $0x6720  }
0x15b: {  	[tilespmem:s28], [sflag:$0x1] =	stream.indirect.gather [hbm4b:s5+s13], $0x20, s7, s13, $0xb8;
	[tilespmem:$0x16820] =	vst v63  }
0x15c: {  	s8 =	simm.s32 $0x67A0  }
0x15d: {  	[tilespmem:s30], [sflag:$0x1] =	stream.indirect.gather [hbm4b:s5+s13], $0x20, s8, s13, $0xb8;
	[tilespmem:$0x16820] =	vst v63  }
0x15e: {  	_ =	swait.ge [sflag:s31], $0x1000  }
0x15f: {  	[sflag:s31] =	ssyncset.done $0x0  }
0x160: {  	[sflag:s31] =	ssyncadd.s32 $0xFFFFF000  }
0x161: {  	_ =	swait.ge [sflag:s31], $0x1000  }
0x162: {  	[sflag:s31] =	ssyncset.done $0x0  }
0x163: {  	[sflag:s31] =	ssyncadd.s32 $0xFFFFF000  }
0x164: {  	_ =	swait.ge [sflag:s31], $0x1000  }
0x165: {  	[sflag:s31] =	ssyncset.done $0x0  }
0x166: {  	[sflag:s31] =	ssyncadd.s32 $0xFFFFF000  }
0x167: {  	_ =	swait.ge [sflag:s31], $0x1000  }
0x168: {  	[sflag:s31] =	ssyncset.done $0x0  }
0x169: {  	[sflag:s31] =	ssyncadd.s32 $0xFFFFF000  }
0x16a: {  	_ =	swait.ge [sflag:s31], $0x1000  }
0x16b: {  	[sflag:s31] =	ssyncset.done $0x0  }
0x16c: {  	[sflag:s31] =	ssyncadd.s32 $0xFFFFF000  }
0x16d: {  	_ =	swait.ge [sflag:s31], $0x1000  }
0x16e: {  	[sflag:s31] =	ssyncset.done $0x0  }
0x16f: {  	[sflag:s31] =	ssyncadd.s32 $0xFFFFF000  }
0x170: {  	_ =	swait.ge [sflag:s31], $0x1000  }
0x171: {  	[sflag:s31] =	ssyncset.done $0x0  }
0x172: {  	[sflag:s31] =	ssyncadd.s32 $0xFFFFF000  }
0x173: {  	_ =	swait.ge [sflag:s31], $0x1000  }
0x174: {  	[sflag:s31] =	ssyncset.done $0x0  }
0x175: {  	s4 =	sadd.s32 $0x1, s4;
	s9 =	rddreg [dreg:$0x9];
	[sflag:s31] =	ssyncadd.s32 $0xFFFFF000  }
0x176: {  	[hbm4b:s9+s2] =	stream.linear.scatter [tilespmem:s15], [sflag:$0x2], $0x8000, $0x38;
	[tilespmem:$0x16820] =	vst v63  }
0x177: {  	p0 =	sne.s32 s4, s10;
	_ =	swait.ge [sflag:s16], $0x8000  }
.Ltmp2:
0x178: {  	[sflag:s16] =	ssyncset.done $0x0;
	(pc) =	sbr.rel @p0 .LBB2_1-.Ltmp2, $4  }
0x179: {  	[sflag:s16] =	ssyncadd.s32 $0xFFFF8000  }
0x17a: {  	_ =	swait.ge [sflag:s16], $0x8000  }
0x17b: {  	[sflag:s16] =	ssyncset.done $0x0  }
0x17c: {  	[sflag:s16] =	ssyncadd.s32 $0xFFFF8000  }
0x17d: {  	_ =	sfence.sel $0x180000  }
0x17e: {  	[bflag:$0x0] =	sbarrier.arrive $0xFFFF  }
0x17f: {  	_ =	strace $0x90000047  }
0x180: {  	s0 =	stileid.u32;
	[bflag:$0x2] =	sbarrier.arrive $0xFFFF  }
0x181: {  	p0 =	sne.s32 s0, $0x0;
	s0 =	rddreg [dreg:$0x2]  }
0x182: {  	s0 =	sadd.s32 @!p0 $0x100000, s0  }
0x183: {  	[sflag:s0] =	ssyncadd.tile.s32 @!p0 $0x1;
	_ =	shalt  }
.Lfunc_end2:
_tile_overlayer_lowered:
.L_overlay_start_2:
0x184: {  	(tag) =	ssettag $0x2  }
0x185: {  	s0 =	rddreg [dreg:$0x0];
	s2 =	stileid.u32  }
0x186: {  	s1 =	rddreg [dreg:$0x1];
	p0 =	sne.s32 s2, $0x0  }
0x187: {  	s3 =	rddreg [dreg:$0x2];
	[bflag:$0x3] =	sbarrier.arrive $0xFFFF;
	s2 =	simm.s32 @!p0 $0x1C03  }
0x188: {  	[timem:s3], [sflag:s2] =	dma.local @!p0 [hbm:s0], s1  }
0x189: {  	s0 =	simm.s32 @!p0 $0x3  }
0x18a: {  	_ =	swait.ge @!p0 [sflag:s0], s1  }
0x18b: {  	s1 =	ssub.s32 @!p0 $0x0, s1;
	[sflag:s0] =	ssyncset.done @!p0 $0x0  }
0x18c: {  	[sflag:s0] =	ssyncadd.s32 @!p0 s1  }
0x18d: {  	[bflag:$0x3] =	sbarrier.arrive $0xFFFF  }
0x18e: {  	_ =	shalt  }

</sc_bundles>
